<compile_context>
chip_gen: v7x
topology: tpu7x:2x2x1
jax: 0.10.2.dev20260603
libtpu: 0.0.44.dev20260713+nightly
codegen_flags: <defaults>
</compile_context>

<pallas_src>
import jax
import jax.numpy as jnp
from jax import lax
from jax.experimental import pallas as pl
from jax.experimental.pallas import tpu as pltpu
from jax.experimental.pallas import tpu_sc as plsc

E = 1600000
D = 32
V = 1024
TBL = 3 * V * D
C = 80
UNROLL = 1

_info = plsc.get_sparse_core_info()
NC, NS = _info.num_cores, _info.num_subcores
NW = NC * NS
PER_W = E // NW
NCHUNK = PER_W // C


def _body(i0_hbm, i1_hbm, i2_hbm, w_hbm, out_hbm,
          wv, ova, ovb, ia0, ia1, ia2, ib0, ib1, ib2, isem, osem):
    w = lax.axis_index("s") * NC + lax.axis_index("c")
    w_base = w * PER_W
    idx_srcs = (i0_hbm, i1_hbm, i2_hbm)
    ivs = ((ia0, ia1, ia2), (ib0, ib1, ib2))
    ovs = (ova, ovb)

    pltpu.sync_copy(w_hbm, wv)

    def chunk_base(k):
        return w_base + jnp.minimum(k, NCHUNK - 1) * C

    def load_idx(b, k):
        base = chunk_base(k)
        for t in range(3):
            pltpu.async_copy(idx_srcs[t].at[pl.ds(base, C)], ivs[b][t],
                             isem.at[b])

    def wait_idx(b):
        for t in range(3):
            pltpu.make_async_copy(idx_srcs[t].at[pl.ds(w_base, C)],
                                  ivs[b][t], isem.at[b]).wait()

    def compute_store(b, k, first):
        ov = ovs[b]
        @pl.when(jnp.logical_not(first))
        def _():
            pltpu.make_async_copy(ov, out_hbm.at[pl.ds(w_base, C)],
                                  osem.at[b]).wait()

        @plsc.parallel_loop(0, C, 16, unroll=UNROLL)
        def _(g):
            v0 = ivs[b][0][pl.ds(g, 16)] * D
            v1 = ivs[b][1][pl.ds(g, 16)] * D + V * D
            v2 = ivs[b][2][pl.ds(g, 16)] * D + 2 * V * D
            for lane in range(16):
                a0, a1, a2 = v0[lane], v1[lane], v2[lane]
                for h in range(D // 16):
                    ov[g + lane, pl.ds(h * 16, 16)] = (
                        wv[pl.ds(a0 + h * 16, 16)]
                        + wv[pl.ds(a1 + h * 16, 16)]
                        + wv[pl.ds(a2 + h * 16, 16)])

        pltpu.async_copy(ov, out_hbm.at[pl.ds(chunk_base(k), C)],
                         osem.at[b])

    load_idx(0, 0)
    load_idx(1, 1)

    def pair_body(p, carry):
        k = p * 2
        wait_idx(0)
        compute_store(0, k, p == 0)
        load_idx(0, k + 2)
        wait_idx(1)
        compute_store(1, k + 1, p == 0)
        load_idx(1, k + 3)
        return carry

    lax.fori_loop(0, NCHUNK // 2, pair_body, 0)

    wait_idx(0)
    compute_store(0, NCHUNK - 1, False)
    wait_idx(1)
    for b in range(2):
        pltpu.make_async_copy(ovs[b], out_hbm.at[pl.ds(w_base, C)],
                              osem.at[b]).wait()


def kernel(edge_attr, W0, W1, W2):
    idx0 = edge_attr[:, 0]
    idx1 = edge_attr[:, 1]
    idx2 = edge_attr[:, 2]
    w_flat = jnp.concatenate([W0, W1, W2], axis=0).reshape(-1)
    run = pl.kernel(
        _body,
        out_type=jax.ShapeDtypeStruct((E, D), jnp.float32),
        mesh=plsc.VectorSubcoreMesh(core_axis_name="c", subcore_axis_name="s"),
        compiler_params=pltpu.CompilerParams(use_tc_tiling_on_sc=True),
        scratch_types=[
            pltpu.VMEM((TBL,), jnp.float32),
            pltpu.VMEM((C, D), jnp.float32),
            pltpu.VMEM((C, D), jnp.float32),
            pltpu.VMEM((C,), jnp.int32),
            pltpu.VMEM((C,), jnp.int32),
            pltpu.VMEM((C,), jnp.int32),
            pltpu.VMEM((C,), jnp.int32),
            pltpu.VMEM((C,), jnp.int32),
            pltpu.VMEM((C,), jnp.int32),
            pltpu.SemaphoreType.DMA((2,)),
            pltpu.SemaphoreType.DMA((2,)),
        ],
    )
    return run(idx0, idx1, idx2, w_flat)

# --- scband reference (transcript-rebuilt; emitter-appended) ---
"""Pipeline reference for scband-edge-encoder-14130442404253 (READ-ONLY COPY).

The authoritative reference and input builder live on the scoring server;
editing this copy changes nothing except your own understanding.
"""

import jax, jax.numpy as jnp
import numpy as np

E = 1600000
NUM_FEATS = 3
VOCAB = 1024
EMB_DIM = 32

def setup_inputs(seed: int = 0) -> dict:
    key = jax.random.key(seed)
    k_idx, k0, k1, k2 = jax.random.split(key, 4)
    edge_attr = jax.random.randint(k_idx, (E, NUM_FEATS), 0, VOCAB, dtype=jnp.int64 if jax.config.jax_enable_x64 else jnp.int32).astype(jnp.int32)
    # Xavier-uniform initialized embedding tables, one per bond feature
    def xavier(k, fan_in, fan_out):
        limit = jnp.sqrt(6.0 / (fan_in + fan_out))
        return jax.random.uniform(k, (fan_in, fan_out), dtype=jnp.float32, minval=-limit, maxval=limit)
    W0 = xavier(k0, VOCAB, EMB_DIM)
    W1 = xavier(k1, VOCAB, EMB_DIM)
    W2 = xavier(k2, VOCAB, EMB_DIM)
    return {"edge_attr": edge_attr, "W0": W0, "W1": W1, "W2": W2}

def reference(edge_attr, W0, W1, W2):
    # bond_embedding = sum_i Embedding_i(edge_attr[:, i])
    idx = edge_attr.astype(jnp.int32)
    out = jnp.take(W0, idx[:, 0], axis=0)
    out = out + jnp.take(W1, idx[:, 1], axis=0)
    out = out + jnp.take(W2, idx[:, 2], axis=0)
    return out

if __name__ == "__main__":
    import jax
    _d = setup_inputs()
    print(jax.jit(kernel)(*tuple(_d.values())))

</pallas_src>

<mosaic_0001>
#map = affine_map<(d0, d1) -> (0)>
#map1 = affine_map<(d0, d1) -> (0, 0)>
module attributes {stable_mosaic.version = 14 : i64} {
  func.func @_body(%arg0: i32, %arg1: i32, %arg2: memref<1600000xi32, #tpu.memory_space<hbm>>, %arg3: memref<1600000xi32, #tpu.memory_space<hbm>>, %arg4: memref<1600000xi32, #tpu.memory_space<hbm>>, %arg5: memref<98304xf32, #tpu.memory_space<hbm>>, %arg6: memref<1600000x32xf32, #tpu.memory_space<hbm>>, %arg7: memref<98304xf32, #tpu.memory_space<vmem>>, %arg8: memref<80x32xf32, #tpu.memory_space<vmem>>, %arg9: memref<80x32xf32, #tpu.memory_space<vmem>>, %arg10: memref<80xi32, #tpu.memory_space<vmem>>, %arg11: memref<80xi32, #tpu.memory_space<vmem>>, %arg12: memref<80xi32, #tpu.memory_space<vmem>>, %arg13: memref<80xi32, #tpu.memory_space<vmem>>, %arg14: memref<80xi32, #tpu.memory_space<vmem>>, %arg15: memref<80xi32, #tpu.memory_space<vmem>>, %arg16: memref<2x!tpu.dma_semaphore, #tpu.memory_space<semaphore_mem>>, %arg17: memref<2x!tpu.dma_semaphore, #tpu.memory_space<semaphore_mem>>) attributes {dimension_semantics = [#tpu.dimension_semantics<core_parallel>, #tpu.dimension_semantics<subcore_parallel>], iteration_bounds = array<i64: 2, 16>, scalar_prefetch = 0 : i64, scratch_operands = 11 : i64, tpu.core_type = #tpu.core_type<sc_vector_subcore>, window_params = [{transform_indices = #map}, {transform_indices = #map}, {transform_indices = #map}, {transform_indices = #map}, {transform_indices = #map1}]} {
    %mul3A = arith.constant 2 : i32
    %mul3A_0 = arith.muli %arg1, %mul3A : i32
    %add3A = arith.addi %mul3A_0, %arg0 : i32
    %mul3A_1 = arith.constant 50000 : i32
    %mul3A_2 = arith.muli %add3A, %mul3A_1 : i32
    "tpu.region"() ({
      %run_scoped3A = tpu.sem_alloc : memref<!tpu.dma_semaphore, #tpu.memory_space<semaphore_mem>>
      tpu.enqueue_dma source(%arg5 : memref<98304xf32, #tpu.memory_space<hbm>>) target(%arg7 : memref<98304xf32, #tpu.memory_space<vmem>>) target_semaphore(%run_scoped3A : memref<!tpu.dma_semaphore, #tpu.memory_space<semaphore_mem>>)
      tpu.wait_dma2 semaphore(%run_scoped3A : memref<!tpu.dma_semaphore, #tpu.memory_space<semaphore_mem>>) src(%arg5 : memref<98304xf32, #tpu.memory_space<hbm>>) dst(%arg7 : memref<98304xf32, #tpu.memory_space<vmem>>)
      tpu.yield
    }) : () -> ()
    %min3A = arith.constant 0 : i32
    %min3A_3 = arith.constant 624 : i32
    %min3A_4 = arith.minsi %min3A, %min3A_3 : i32
    %mul3A_5 = arith.constant 80 : i32
    %mul3A_6 = arith.muli %min3A_4, %mul3A_5 : i32
    %add3A_7 = arith.addi %mul3A_2, %mul3A_6 : i32
    %dma_start3A = arith.constant 0 : i32
    %dma_start3A_8 = tpu.memref_slice %arg2[%add3A_7] : memref<1600000xi32, #tpu.memory_space<hbm>> -> memref<80xi32, #tpu.memory_space<hbm>>
    %dma_start3A_9 = tpu.memref_slice %arg16[%dma_start3A] : memref<2x!tpu.dma_semaphore, #tpu.memory_space<semaphore_mem>> -> memref<1x!tpu.dma_semaphore, #tpu.memory_space<semaphore_mem>>
    %dma_start3A_10 = tpu.memref_squeeze %dma_start3A_9 : memref<1x!tpu.dma_semaphore, #tpu.memory_space<semaphore_mem>> -> memref<!tpu.dma_semaphore, #tpu.memory_space<semaphore_mem>>
    %dma_start3A_11 = tpu.memref_slice %arg2[%add3A_7] : memref<1600000xi32, #tpu.memory_space<hbm>> -> memref<80xi32, #tpu.memory_space<hbm>>
    tpu.enqueue_dma source(%dma_start3A_11 : memref<80xi32, #tpu.memory_space<hbm>>) target(%arg10 : memref<80xi32, #tpu.memory_space<vmem>>) target_semaphore(%dma_start3A_10 : memref<!tpu.dma_semaphore, #tpu.memory_space<semaphore_mem>>)
    %dma_start3A_12 = arith.constant 0 : i32
    %dma_start3A_13 = tpu.memref_slice %arg3[%add3A_7] : memref<1600000xi32, #tpu.memory_space<hbm>> -> memref<80xi32, #tpu.memory_space<hbm>>
    %dma_start3A_14 = tpu.memref_slice %arg16[%dma_start3A_12] : memref<2x!tpu.dma_semaphore, #tpu.memory_space<semaphore_mem>> -> memref<1x!tpu.dma_semaphore, #tpu.memory_space<semaphore_mem>>
    %dma_start3A_15 = tpu.memref_squeeze %dma_start3A_14 : memref<1x!tpu.dma_semaphore, #tpu.memory_space<semaphore_mem>> -> memref<!tpu.dma_semaphore, #tpu.memory_space<semaphore_mem>>
    %dma_start3A_16 = tpu.memref_slice %arg3[%add3A_7] : memref<1600000xi32, #tpu.memory_space<hbm>> -> memref<80xi32, #tpu.memory_space<hbm>>
    tpu.enqueue_dma source(%dma_start3A_16 : memref<80xi32, #tpu.memory_space<hbm>>) target(%arg11 : memref<80xi32, #tpu.memory_space<vmem>>) target_semaphore(%dma_start3A_15 : memref<!tpu.dma_semaphore, #tpu.memory_space<semaphore_mem>>)
    %dma_start3A_17 = arith.constant 0 : i32
    %dma_start3A_18 = tpu.memref_slice %arg4[%add3A_7] : memref<1600000xi32, #tpu.memory_space<hbm>> -> memref<80xi32, #tpu.memory_space<hbm>>
    %dma_start3A_19 = tpu.memref_slice %arg16[%dma_start3A_17] : memref<2x!tpu.dma_semaphore, #tpu.memory_space<semaphore_mem>> -> memref<1x!tpu.dma_semaphore, #tpu.memory_space<semaphore_mem>>
    %dma_start3A_20 = tpu.memref_squeeze %dma_start3A_19 : memref<1x!tpu.dma_semaphore, #tpu.memory_space<semaphore_mem>> -> memref<!tpu.dma_semaphore, #tpu.memory_space<semaphore_mem>>
    %dma_start3A_21 = tpu.memref_slice %arg4[%add3A_7] : memref<1600000xi32, #tpu.memory_space<hbm>> -> memref<80xi32, #tpu.memory_space<hbm>>
    tpu.enqueue_dma source(%dma_start3A_21 : memref<80xi32, #tpu.memory_space<hbm>>) target(%arg12 : memref<80xi32, #tpu.memory_space<vmem>>) target_semaphore(%dma_start3A_20 : memref<!tpu.dma_semaphore, #tpu.memory_space<semaphore_mem>>)
    %min3A_22 = arith.constant 1 : i32
    %min3A_23 = arith.constant 624 : i32
    %min3A_24 = arith.minsi %min3A_22, %min3A_23 : i32
    %mul3A_25 = arith.constant 80 : i32
    %mul3A_26 = arith.muli %min3A_24, %mul3A_25 : i32
    %add3A_27 = arith.addi %mul3A_2, %mul3A_26 : i32
    %dma_start3A_28 = arith.constant 1 : i32
    %dma_start3A_29 = tpu.memref_slice %arg2[%add3A_27] : memref<1600000xi32, #tpu.memory_space<hbm>> -> memref<80xi32, #tpu.memory_space<hbm>>
    %dma_start3A_30 = tpu.memref_slice %arg16[%dma_start3A_28] : memref<2x!tpu.dma_semaphore, #tpu.memory_space<semaphore_mem>> -> memref<1x!tpu.dma_semaphore, #tpu.memory_space<semaphore_mem>>
    %dma_start3A_31 = tpu.memref_squeeze %dma_start3A_30 : memref<1x!tpu.dma_semaphore, #tpu.memory_space<semaphore_mem>> -> memref<!tpu.dma_semaphore, #tpu.memory_space<semaphore_mem>>
    %dma_start3A_32 = tpu.memref_slice %arg2[%add3A_27] : memref<1600000xi32, #tpu.memory_space<hbm>> -> memref<80xi32, #tpu.memory_space<hbm>>
    tpu.enqueue_dma source(%dma_start3A_32 : memref<80xi32, #tpu.memory_space<hbm>>) target(%arg13 : memref<80xi32, #tpu.memory_space<vmem>>) target_semaphore(%dma_start3A_31 : memref<!tpu.dma_semaphore, #tpu.memory_space<semaphore_mem>>)
    %dma_start3A_33 = arith.constant 1 : i32
    %dma_start3A_34 = tpu.memref_slice %arg3[%add3A_27] : memref<1600000xi32, #tpu.memory_space<hbm>> -> memref<80xi32, #tpu.memory_space<hbm>>
    %dma_start3A_35 = tpu.memref_slice %arg16[%dma_start3A_33] : memref<2x!tpu.dma_semaphore, #tpu.memory_space<semaphore_mem>> -> memref<1x!tpu.dma_semaphore, #tpu.memory_space<semaphore_mem>>
    %dma_start3A_36 = tpu.memref_squeeze %dma_start3A_35 : memref<1x!tpu.dma_semaphore, #tpu.memory_space<semaphore_mem>> -> memref<!tpu.dma_semaphore, #tpu.memory_space<semaphore_mem>>
    %dma_start3A_37 = tpu.memref_slice %arg3[%add3A_27] : memref<1600000xi32, #tpu.memory_space<hbm>> -> memref<80xi32, #tpu.memory_space<hbm>>
    tpu.enqueue_dma source(%dma_start3A_37 : memref<80xi32, #tpu.memory_space<hbm>>) target(%arg14 : memref<80xi32, #tpu.memory_space<vmem>>) target_semaphore(%dma_start3A_36 : memref<!tpu.dma_semaphore, #tpu.memory_space<semaphore_mem>>)
    %dma_start3A_38 = arith.constant 1 : i32
    %dma_start3A_39 = tpu.memref_slice %arg4[%add3A_27] : memref<1600000xi32, #tpu.memory_space<hbm>> -> memref<80xi32, #tpu.memory_space<hbm>>
    %dma_start3A_40 = tpu.memref_slice %arg16[%dma_start3A_38] : memref<2x!tpu.dma_semaphore, #tpu.memory_space<semaphore_mem>> -> memref<1x!tpu.dma_semaphore, #tpu.memory_space<semaphore_mem>>
    %dma_start3A_41 = tpu.memref_squeeze %dma_start3A_40 : memref<1x!tpu.dma_semaphore, #tpu.memory_space<semaphore_mem>> -> memref<!tpu.dma_semaphore, #tpu.memory_space<semaphore_mem>>
    %dma_start3A_42 = tpu.memref_slice %arg4[%add3A_27] : memref<1600000xi32, #tpu.memory_space<hbm>> -> memref<80xi32, #tpu.memory_space<hbm>>
    tpu.enqueue_dma source(%dma_start3A_42 : memref<80xi32, #tpu.memory_space<hbm>>) target(%arg15 : memref<80xi32, #tpu.memory_space<vmem>>) target_semaphore(%dma_start3A_41 : memref<!tpu.dma_semaphore, #tpu.memory_space<semaphore_mem>>)
    %scan3A = arith.constant 0 : i32
    %scan3A_43 = arith.constant 0 : i32
    %scan3A_44 = arith.constant 312 : i32
    %scan3A_45 = arith.addi %scan3A_43, %scan3A_44 : i32
    %scan3A_46 = arith.constant 1 : i32
    scf.for %scan3A_109 = %scan3A_43 to %scan3A_45 step %scan3A_46  : i32 {
      %mul3A_110 = arith.constant 2 : i32
      %mul3A_111 = arith.muli %scan3A_109, %mul3A_110 : i32
      %dma_wait3A_112 = arith.constant 0 : i32
      %dma_wait3A_113 = tpu.memref_slice %arg2[%mul3A_2] : memref<1600000xi32, #tpu.memory_space<hbm>> -> memref<80xi32, #tpu.memory_space<hbm>>
      %dma_wait3A_114 = tpu.memref_slice %arg16[%dma_wait3A_112] : memref<2x!tpu.dma_semaphore, #tpu.memory_space<semaphore_mem>> -> memref<1x!tpu.dma_semaphore, #tpu.memory_space<semaphore_mem>>
      %dma_wait3A_115 = tpu.memref_squeeze %dma_wait3A_114 : memref<1x!tpu.dma_semaphore, #tpu.memory_space<semaphore_mem>> -> memref<!tpu.dma_semaphore, #tpu.memory_space<semaphore_mem>>
      %dma_wait3A_116 = tpu.memref_slice %arg2[%mul3A_2] : memref<1600000xi32, #tpu.memory_space<hbm>> -> memref<80xi32, #tpu.memory_space<hbm>>
      tpu.wait_dma2 semaphore(%dma_wait3A_115 : memref<!tpu.dma_semaphore, #tpu.memory_space<semaphore_mem>>) src(%dma_wait3A_116 : memref<80xi32, #tpu.memory_space<hbm>>) dst(%arg10 : memref<80xi32, #tpu.memory_space<vmem>>)
      %dma_wait3A_117 = arith.constant 0 : i32
      %dma_wait3A_118 = tpu.memref_slice %arg3[%mul3A_2] : memref<1600000xi32, #tpu.memory_space<hbm>> -> memref<80xi32, #tpu.memory_space<hbm>>
      %dma_wait3A_119 = tpu.memref_slice %arg16[%dma_wait3A_117] : memref<2x!tpu.dma_semaphore, #tpu.memory_space<semaphore_mem>> -> memref<1x!tpu.dma_semaphore, #tpu.memory_space<semaphore_mem>>
      %dma_wait3A_120 = tpu.memref_squeeze %dma_wait3A_119 : memref<1x!tpu.dma_semaphore, #tpu.memory_space<semaphore_mem>> -> memref<!tpu.dma_semaphore, #tpu.memory_space<semaphore_mem>>
      %dma_wait3A_121 = tpu.memref_slice %arg3[%mul3A_2] : memref<1600000xi32, #tpu.memory_space<hbm>> -> memref<80xi32, #tpu.memory_space<hbm>>
      tpu.wait_dma2 semaphore(%dma_wait3A_120 : memref<!tpu.dma_semaphore, #tpu.memory_space<semaphore_mem>>) src(%dma_wait3A_121 : memref<80xi32, #tpu.memory_space<hbm>>) dst(%arg11 : memref<80xi32, #tpu.memory_space<vmem>>)
      %dma_wait3A_122 = arith.constant 0 : i32
      %dma_wait3A_123 = tpu.memref_slice %arg4[%mul3A_2] : memref<1600000xi32, #tpu.memory_space<hbm>> -> memref<80xi32, #tpu.memory_space<hbm>>
      %dma_wait3A_124 = tpu.memref_slice %arg16[%dma_wait3A_122] : memref<2x!tpu.dma_semaphore, #tpu.memory_space<semaphore_mem>> -> memref<1x!tpu.dma_semaphore, #tpu.memory_space<semaphore_mem>>
      %dma_wait3A_125 = tpu.memref_squeeze %dma_wait3A_124 : memref<1x!tpu.dma_semaphore, #tpu.memory_space<semaphore_mem>> -> memref<!tpu.dma_semaphore, #tpu.memory_space<semaphore_mem>>
      %dma_wait3A_126 = tpu.memref_slice %arg4[%mul3A_2] : memref<1600000xi32, #tpu.memory_space<hbm>> -> memref<80xi32, #tpu.memory_space<hbm>>
      tpu.wait_dma2 semaphore(%dma_wait3A_125 : memref<!tpu.dma_semaphore, #tpu.memory_space<semaphore_mem>>) src(%dma_wait3A_126 : memref<80xi32, #tpu.memory_space<hbm>>) dst(%arg12 : memref<80xi32, #tpu.memory_space<vmem>>)
      %eq3A = arith.constant 0 : i32
      %eq3A_127 = arith.cmpi eq, %scan3A_109, %eq3A : i32
      %not3A_128 = arith.constant true
      %not3A_129 = arith.xori %eq3A_127, %not3A_128 : i1
      %convert_element_type3A_130 = arith.extui %not3A_129 : i1 to i32
      %cond3A_131 = arith.constant 0 : i32
      %cond3A_132 = arith.cmpi ne, %convert_element_type3A_130, %cond3A_131 : i32
      scf.if %cond3A_132 {
        %dma_wait3A_231 = arith.constant 0 : i32
        %dma_wait3A_232 = arith.constant 0 : i32
        %dma_wait3A_233 = tpu.memref_slice %arg6[%mul3A_2, %dma_wait3A_232] : memref<1600000x32xf32, #tpu.memory_space<hbm>> -> memref<80x32xf32, #tpu.memory_space<hbm>>
        %dma_wait3A_234 = tpu.memref_slice %arg17[%dma_wait3A_231] : memref<2x!tpu.dma_semaphore, #tpu.memory_space<semaphore_mem>> -> memref<1x!tpu.dma_semaphore, #tpu.memory_space<semaphore_mem>>
        %dma_wait3A_235 = tpu.memref_squeeze %dma_wait3A_234 : memref<1x!tpu.dma_semaphore, #tpu.memory_space<semaphore_mem>> -> memref<!tpu.dma_semaphore, #tpu.memory_space<semaphore_mem>>
        %dma_wait3A_236 = arith.constant 0 : i32
        %dma_wait3A_237 = tpu.memref_slice %arg6[%mul3A_2, %dma_wait3A_236] : memref<1600000x32xf32, #tpu.memory_space<hbm>> -> memref<80x32xf32, #tpu.memory_space<hbm>>
        tpu.wait_dma2 semaphore(%dma_wait3A_235 : memref<!tpu.dma_semaphore, #tpu.memory_space<semaphore_mem>>) src(%arg8 : memref<80x32xf32, #tpu.memory_space<vmem>>) dst(%dma_wait3A_237 : memref<80x32xf32, #tpu.memory_space<hbm>>)
      } else {
      }
      %parallel_loop3A_133 = arith.constant 0 : i32
      %parallel_loop3A_134 = arith.constant 80 : i32
      %parallel_loop3A_135 = arith.constant 16 : i32
      scf.for %parallel_loop3A_231 = %parallel_loop3A_133 to %parallel_loop3A_134 step %parallel_loop3A_135  : i32 {
        %parallel_loop3A_232 = arith.index_cast %parallel_loop3A_231 : i32 to index
        %parallel_loop3A_233 = tpu.vector_load %arg10[%parallel_loop3A_232] {strides = array<i32>} : memref<80xi32, #tpu.memory_space<vmem>>, vector<16xi32>,
        %parallel_loop3A_234 = vector.shape_cast %parallel_loop3A_233 : vector<16xi32> to vector<16xi32>
        %parallel_loop3A_235 = arith.constant 32 : i32
        %parallel_loop3A_236 = vector.broadcast %parallel_loop3A_235 : i32 to vector<16xi32>
        %parallel_loop3A_237 = arith.muli %parallel_loop3A_234, %parallel_loop3A_236 : vector<16xi32>
        %parallel_loop3A_238 = arith.index_cast %parallel_loop3A_231 : i32 to index
        %parallel_loop3A_239 = tpu.vector_load %arg11[%parallel_loop3A_238] {strides = array<i32>} : memref<80xi32, #tpu.memory_space<vmem>>, vector<16xi32>,
        %parallel_loop3A_240 = vector.shape_cast %parallel_loop3A_239 : vector<16xi32> to vector<16xi32>
        %parallel_loop3A_241 = arith.constant 32 : i32
        %parallel_loop3A_242 = vector.broadcast %parallel_loop3A_241 : i32 to vector<16xi32>
        %parallel_loop3A_243 = arith.muli %parallel_loop3A_240, %parallel_loop3A_242 : vector<16xi32>
        %parallel_loop3A_244 = arith.constant 32768 : i32
        %parallel_loop3A_245 = vector.broadcast %parallel_loop3A_244 : i32 to vector<16xi32>
        %parallel_loop3A_246 = arith.addi %parallel_loop3A_243, %parallel_loop3A_245 : vector<16xi32>
        %parallel_loop3A_247 = arith.index_cast %parallel_loop3A_231 : i32 to index
        %parallel_loop3A_248 = tpu.vector_load %arg12[%parallel_loop3A_247] {strides = array<i32>} : memref<80xi32, #tpu.memory_space<vmem>>, vector<16xi32>,
        %parallel_loop3A_249 = vector.shape_cast %parallel_loop3A_248 : vector<16xi32> to vector<16xi32>
        %parallel_loop3A_250 = arith.constant 32 : i32
        %parallel_loop3A_251 = vector.broadcast %parallel_loop3A_250 : i32 to vector<16xi32>
        %parallel_loop3A_252 = arith.muli %parallel_loop3A_249, %parallel_loop3A_251 : vector<16xi32>
        %parallel_loop3A_253 = arith.constant 65536 : i32
        %parallel_loop3A_254 = vector.broadcast %parallel_loop3A_253 : i32 to vector<16xi32>
        %parallel_loop3A_255 = arith.addi %parallel_loop3A_252, %parallel_loop3A_254 : vector<16xi32>
        %parallel_loop3A_256 = vector.extract_strided_slice %parallel_loop3A_237 {offsets = [0], sizes = [1], strides = [1]} : vector<16xi32> to vector<1xi32>
        %parallel_loop3A_257 = vector.extract %parallel_loop3A_256[0] : i32 from vector<1xi32>
        %parallel_loop3A_258 = vector.extract_strided_slice %parallel_loop3A_246 {offsets = [0], sizes = [1], strides = [1]} : vector<16xi32> to vector<1xi32>
        %parallel_loop3A_259 = vector.extract %parallel_loop3A_258[0] : i32 from vector<1xi32>
        %parallel_loop3A_260 = vector.extract_strided_slice %parallel_loop3A_255 {offsets = [0], sizes = [1], strides = [1]} : vector<16xi32> to vector<1xi32>
        %parallel_loop3A_261 = vector.extract %parallel_loop3A_260[0] : i32 from vector<1xi32>
        %parallel_loop3A_262 = arith.constant 0 : i32
        %parallel_loop3A_263 = arith.addi %parallel_loop3A_257, %parallel_loop3A_262 : i32
        %parallel_loop3A_264 = arith.index_cast %parallel_loop3A_263 : i32 to index
        %parallel_loop3A_265 = tpu.vector_load %arg7[%parallel_loop3A_264] {strides = array<i32>} : memref<98304xf32, #tpu.memory_space<vmem>>, vector<16xf32>,
        %parallel_loop3A_266 = vector.shape_cast %parallel_loop3A_265 : vector<16xf32> to vector<16xf32>
        %parallel_loop3A_267 = arith.constant 0 : i32
        %parallel_loop3A_268 = arith.addi %parallel_loop3A_259, %parallel_loop3A_267 : i32
        %parallel_loop3A_269 = arith.index_cast %parallel_loop3A_268 : i32 to index
        %parallel_loop3A_270 = tpu.vector_load %arg7[%parallel_loop3A_269] {strides = array<i32>} : memref<98304xf32, #tpu.memory_space<vmem>>, vector<16xf32>,
        %parallel_loop3A_271 = vector.shape_cast %parallel_loop3A_270 : vector<16xf32> to vector<16xf32>
        %parallel_loop3A_272 = arith.addf %parallel_loop3A_266, %parallel_loop3A_271 : vector<16xf32>
        %parallel_loop3A_273 = arith.constant 0 : i32
        %parallel_loop3A_274 = arith.addi %parallel_loop3A_261, %parallel_loop3A_273 : i32
        %parallel_loop3A_275 = arith.index_cast %parallel_loop3A_274 : i32 to index
        %parallel_loop3A_276 = tpu.vector_load %arg7[%parallel_loop3A_275] {strides = array<i32>} : memref<98304xf32, #tpu.memory_space<vmem>>, vector<16xf32>,
        %parallel_loop3A_277 = vector.shape_cast %parallel_loop3A_276 : vector<16xf32> to vector<16xf32>
        %parallel_loop3A_278 = arith.addf %parallel_loop3A_272, %parallel_loop3A_277 : vector<16xf32>
        %parallel_loop3A_279 = arith.constant 0 : i32
        %parallel_loop3A_280 = arith.addi %parallel_loop3A_231, %parallel_loop3A_279 : i32
        %parallel_loop3A_281 = arith.index_cast %parallel_loop3A_280 : i32 to index
        %parallel_loop3A_282 = arith.constant 0 : index
        %parallel_loop3A_283 = tpu.vector_load %arg8[%parallel_loop3A_281, %parallel_loop3A_282] {strides = array<i32>} : memref<80x32xf32, #tpu.memory_space<vmem>>, vector<1x16xf32>,
        %parallel_loop3A_284 = vector.shape_cast %parallel_loop3A_283 : vector<1x16xf32> to vector<16xf32>
        %parallel_loop3A_285 = vector.shape_cast %parallel_loop3A_278 : vector<16xf32> to vector<1x16xf32>
        tpu.vector_store %arg8[%parallel_loop3A_281, %parallel_loop3A_282], %parallel_loop3A_285 {strides = array<i32>} : memref<80x32xf32, #tpu.memory_space<vmem>>, vector<1x16xf32>,
        %parallel_loop3A_286 = arith.constant 16 : i32
        %parallel_loop3A_287 = arith.addi %parallel_loop3A_257, %parallel_loop3A_286 : i32
        %parallel_loop3A_288 = arith.index_cast %parallel_loop3A_287 : i32 to index
        %parallel_loop3A_289 = tpu.vector_load %arg7[%parallel_loop3A_288] {strides = array<i32>} : memref<98304xf32, #tpu.memory_space<vmem>>, vector<16xf32>,
        %parallel_loop3A_290 = vector.shape_cast %parallel_loop3A_289 : vector<16xf32> to vector<16xf32>
        %parallel_loop3A_291 = arith.constant 16 : i32
        %parallel_loop3A_292 = arith.addi %parallel_loop3A_259, %parallel_loop3A_291 : i32
        %parallel_loop3A_293 = arith.index_cast %parallel_loop3A_292 : i32 to index
        %parallel_loop3A_294 = tpu.vector_load %arg7[%parallel_loop3A_293] {strides = array<i32>} : memref<98304xf32, #tpu.memory_space<vmem>>, vector<16xf32>,
        %parallel_loop3A_295 = vector.shape_cast %parallel_loop3A_294 : vector<16xf32> to vector<16xf32>
        %parallel_loop3A_296 = arith.addf %parallel_loop3A_290, %parallel_loop3A_295 : vector<16xf32>
        %parallel_loop3A_297 = arith.constant 16 : i32
        %parallel_loop3A_298 = arith.addi %parallel_loop3A_261, %parallel_loop3A_297 : i32
        %parallel_loop3A_299 = arith.index_cast %parallel_loop3A_298 : i32 to index
        %parallel_loop3A_300 = tpu.vector_load %arg7[%parallel_loop3A_299] {strides = array<i32>} : memref<98304xf32, #tpu.memory_space<vmem>>, vector<16xf32>,
        %parallel_loop3A_301 = vector.shape_cast %parallel_loop3A_300 : vector<16xf32> to vector<16xf32>
        %parallel_loop3A_302 = arith.addf %parallel_loop3A_296, %parallel_loop3A_301 : vector<16xf32>
        %parallel_loop3A_303 = arith.constant 0 : i32
        %parallel_loop3A_304 = arith.addi %parallel_loop3A_231, %parallel_loop3A_303 : i32
        %parallel_loop3A_305 = arith.index_cast %parallel_loop3A_304 : i32 to index
        %parallel_loop3A_306 = arith.constant 16 : index
        %parallel_loop3A_307 = tpu.vector_load %arg8[%parallel_loop3A_305, %parallel_loop3A_306] {strides = array<i32>} : memref<80x32xf32, #tpu.memory_space<vmem>>, vector<1x16xf32>,
        %parallel_loop3A_308 = vector.shape_cast %parallel_loop3A_307 : vector<1x16xf32> to vector<16xf32>
        %parallel_loop3A_309 = vector.shape_cast %parallel_loop3A_302 : vector<16xf32> to vector<1x16xf32>
        tpu.vector_store %arg8[%parallel_loop3A_305, %parallel_loop3A_306], %parallel_loop3A_309 {strides = array<i32>} : memref<80x32xf32, #tpu.memory_space<vmem>>, vector<1x16xf32>,
        %parallel_loop3A_310 = vector.extract_strided_slice %parallel_loop3A_237 {offsets = [1], sizes = [1], strides = [1]} : vector<16xi32> to vector<1xi32>
        %parallel_loop3A_311 = vector.extract %parallel_loop3A_310[0] : i32 from vector<1xi32>
        %parallel_loop3A_312 = vector.extract_strided_slice %parallel_loop3A_246 {offsets = [1], sizes = [1], strides = [1]} : vector<16xi32> to vector<1xi32>
        %parallel_loop3A_313 = vector.extract %parallel_loop3A_312[0] : i32 from vector<1xi32>
        %parallel_loop3A_314 = vector.extract_strided_slice %parallel_loop3A_255 {offsets = [1], sizes = [1], strides = [1]} : vector<16xi32> to vector<1xi32>
        %parallel_loop3A_315 = vector.extract %parallel_loop3A_314[0] : i32 from vector<1xi32>
        %parallel_loop3A_316 = arith.constant 0 : i32
        %parallel_loop3A_317 = arith.addi %parallel_loop3A_311, %parallel_loop3A_316 : i32
        %parallel_loop3A_318 = arith.index_cast %parallel_loop3A_317 : i32 to index
        %parallel_loop3A_319 = tpu.vector_load %arg7[%parallel_loop3A_318] {strides = array<i32>} : memref<98304xf32, #tpu.memory_space<vmem>>, vector<16xf32>,
        %parallel_loop3A_320 = vector.shape_cast %parallel_loop3A_319 : vector<16xf32> to vector<16xf32>
        %parallel_loop3A_321 = arith.constant 0 : i32
        %parallel_loop3A_322 = arith.addi %parallel_loop3A_313, %parallel_loop3A_321 : i32
        %parallel_loop3A_323 = arith.index_cast %parallel_loop3A_322 : i32 to index
        %parallel_loop3A_324 = tpu.vector_load %arg7[%parallel_loop3A_323] {strides = array<i32>} : memref<98304xf32, #tpu.memory_space<vmem>>, vector<16xf32>,
        %parallel_loop3A_325 = vector.shape_cast %parallel_loop3A_324 : vector<16xf32> to vector<16xf32>
        %parallel_loop3A_326 = arith.addf %parallel_loop3A_320, %parallel_loop3A_325 : vector<16xf32>
        %parallel_loop3A_327 = arith.constant 0 : i32
        %parallel_loop3A_328 = arith.addi %parallel_loop3A_315, %parallel_loop3A_327 : i32
        %parallel_loop3A_329 = arith.index_cast %parallel_loop3A_328 : i32 to index
        %parallel_loop3A_330 = tpu.vector_load %arg7[%parallel_loop3A_329] {strides = array<i32>} : memref<98304xf32, #tpu.memory_space<vmem>>, vector<16xf32>,
        %parallel_loop3A_331 = vector.shape_cast %parallel_loop3A_330 : vector<16xf32> to vector<16xf32>
        %parallel_loop3A_332 = arith.addf %parallel_loop3A_326, %parallel_loop3A_331 : vector<16xf32>
        %parallel_loop3A_333 = arith.constant 1 : i32
        %parallel_loop3A_334 = arith.addi %parallel_loop3A_231, %parallel_loop3A_333 : i32
        %parallel_loop3A_335 = arith.index_cast %parallel_loop3A_334 : i32 to index
        %parallel_loop3A_336 = arith.constant 0 : index
        %parallel_loop3A_337 = tpu.vector_load %arg8[%parallel_loop3A_335, %parallel_loop3A_336] {strides = array<i32>} : memref<80x32xf32, #tpu.memory_space<vmem>>, vector<1x16xf32>,
        %parallel_loop3A_338 = vector.shape_cast %parallel_loop3A_337 : vector<1x16xf32> to vector<16xf32>
        %parallel_loop3A_339 = vector.shape_cast %parallel_loop3A_332 : vector<16xf32> to vector<1x16xf32>
        tpu.vector_store %arg8[%parallel_loop3A_335, %parallel_loop3A_336], %parallel_loop3A_339 {strides = array<i32>} : memref<80x32xf32, #tpu.memory_space<vmem>>, vector<1x16xf32>,
        %parallel_loop3A_340 = arith.constant 16 : i32
        %parallel_loop3A_341 = arith.addi %parallel_loop3A_311, %parallel_loop3A_340 : i32
        %parallel_loop3A_342 = arith.index_cast %parallel_loop3A_341 : i32 to index
        %parallel_loop3A_343 = tpu.vector_load %arg7[%parallel_loop3A_342] {strides = array<i32>} : memref<98304xf32, #tpu.memory_space<vmem>>, vector<16xf32>,
        %parallel_loop3A_344 = vector.shape_cast %parallel_loop3A_343 : vector<16xf32> to vector<16xf32>
        %parallel_loop3A_345 = arith.constant 16 : i32
        %parallel_loop3A_346 = arith.addi %parallel_loop3A_313, %parallel_loop3A_345 : i32
        %parallel_loop3A_347 = arith.index_cast %parallel_loop3A_346 : i32 to index
        %parallel_loop3A_348 = tpu.vector_load %arg7[%parallel_loop3A_347] {strides = array<i32>} : memref<98304xf32, #tpu.memory_space<vmem>>, vector<16xf32>,
        %parallel_loop3A_349 = vector.shape_cast %parallel_loop3A_348 : vector<16xf32> to vector<16xf32>
        %parallel_loop3A_350 = arith.addf %parallel_loop3A_344, %parallel_loop3A_349 : vector<16xf32>
        %parallel_loop3A_351 = arith.constant 16 : i32
        %parallel_loop3A_352 = arith.addi %parallel_loop3A_315, %parallel_loop3A_351 : i32
        %parallel_loop3A_353 = arith.index_cast %parallel_loop3A_352 : i32 to index
        %parallel_loop3A_354 = tpu.vector_load %arg7[%parallel_loop3A_353] {strides = array<i32>} : memref<98304xf32, #tpu.memory_space<vmem>>, vector<16xf32>,
        %parallel_loop3A_355 = vector.shape_cast %parallel_loop3A_354 : vector<16xf32> to vector<16xf32>
        %parallel_loop3A_356 = arith.addf %parallel_loop3A_350, %parallel_loop3A_355 : vector<16xf32>
        %parallel_loop3A_357 = arith.constant 1 : i32
        %parallel_loop3A_358 = arith.addi %parallel_loop3A_231, %parallel_loop3A_357 : i32
        %parallel_loop3A_359 = arith.index_cast %parallel_loop3A_358 : i32 to index
        %parallel_loop3A_360 = arith.constant 16 : index
        %parallel_loop3A_361 = tpu.vector_load %arg8[%parallel_loop3A_359, %parallel_loop3A_360] {strides = array<i32>} : memref<80x32xf32, #tpu.memory_space<vmem>>, vector<1x16xf32>,
        %parallel_loop3A_362 = vector.shape_cast %parallel_loop3A_361 : vector<1x16xf32> to vector<16xf32>
        %parallel_loop3A_363 = vector.shape_cast %parallel_loop3A_356 : vector<16xf32> to vector<1x16xf32>
        tpu.vector_store %arg8[%parallel_loop3A_359, %parallel_loop3A_360], %parallel_loop3A_363 {strides = array<i32>} : memref<80x32xf32, #tpu.memory_space<vmem>>, vector<1x16xf32>,
        %parallel_loop3A_364 = vector.extract_strided_slice %parallel_loop3A_237 {offsets = [2], sizes = [1], strides = [1]} : vector<16xi32> to vector<1xi32>
        %parallel_loop3A_365 = vector.extract %parallel_loop3A_364[0] : i32 from vector<1xi32>
        %parallel_loop3A_366 = vector.extract_strided_slice %parallel_loop3A_246 {offsets = [2], sizes = [1], strides = [1]} : vector<16xi32> to vector<1xi32>
        %parallel_loop3A_367 = vector.extract %parallel_loop3A_366[0] : i32 from vector<1xi32>
        %parallel_loop3A_368 = vector.extract_strided_slice %parallel_loop3A_255 {offsets = [2], sizes = [1], strides = [1]} : vector<16xi32> to vector<1xi32>
        %parallel_loop3A_369 = vector.extract %parallel_loop3A_368[0] : i32 from vector<1xi32>
        %parallel_loop3A_370 = arith.constant 0 : i32
        %parallel_loop3A_371 = arith.addi %parallel_loop3A_365, %parallel_loop3A_370 : i32
        %parallel_loop3A_372 = arith.index_cast %parallel_loop3A_371 : i32 to index
        %parallel_loop3A_373 = tpu.vector_load %arg7[%parallel_loop3A_372] {strides = array<i32>} : memref<98304xf32, #tpu.memory_space<vmem>>, vector<16xf32>,
        %parallel_loop3A_374 = vector.shape_cast %parallel_loop3A_373 : vector<16xf32> to vector<16xf32>
        %parallel_loop3A_375 = arith.constant 0 : i32
        %parallel_loop3A_376 = arith.addi %parallel_loop3A_367, %parallel_loop3A_375 : i32
        %parallel_loop3A_377 = arith.index_cast %parallel_loop3A_376 : i32 to index
        %parallel_loop3A_378 = tpu.vector_load %arg7[%parallel_loop3A_377] {strides = array<i32>} : memref<98304xf32, #tpu.memory_space<vmem>>, vector<16xf32>,
        %parallel_loop3A_379 = vector.shape_cast %parallel_loop3A_378 : vector<16xf32> to vector<16xf32>
        %parallel_loop3A_380 = arith.addf %parallel_loop3A_374, %parallel_loop3A_379 : vector<16xf32>
        %parallel_loop3A_381 = arith.constant 0 : i32
        %parallel_loop3A_382 = arith.addi %parallel_loop3A_369, %parallel_loop3A_381 : i32
        %parallel_loop3A_383 = arith.index_cast %parallel_loop3A_382 : i32 to index
        %parallel_loop3A_384 = tpu.vector_load %arg7[%parallel_loop3A_383] {strides = array<i32>} : memref<98304xf32, #tpu.memory_space<vmem>>, vector<16xf32>,
        %parallel_loop3A_385 = vector.shape_cast %parallel_loop3A_384 : vector<16xf32> to vector<16xf32>
        %parallel_loop3A_386 = arith.addf %parallel_loop3A_380, %parallel_loop3A_385 : vector<16xf32>
        %parallel_loop3A_387 = arith.constant 2 : i32
        %parallel_loop3A_388 = arith.addi %parallel_loop3A_231, %parallel_loop3A_387 : i32
        %parallel_loop3A_389 = arith.index_cast %parallel_loop3A_388 : i32 to index
        %parallel_loop3A_390 = arith.constant 0 : index
        %parallel_loop3A_391 = tpu.vector_load %arg8[%parallel_loop3A_389, %parallel_loop3A_390] {strides = array<i32>} : memref<80x32xf32, #tpu.memory_space<vmem>>, vector<1x16xf32>,
        %parallel_loop3A_392 = vector.shape_cast %parallel_loop3A_391 : vector<1x16xf32> to vector<16xf32>
        %parallel_loop3A_393 = vector.shape_cast %parallel_loop3A_386 : vector<16xf32> to vector<1x16xf32>
        tpu.vector_store %arg8[%parallel_loop3A_389, %parallel_loop3A_390], %parallel_loop3A_393 {strides = array<i32>} : memref<80x32xf32, #tpu.memory_space<vmem>>, vector<1x16xf32>,
        %parallel_loop3A_394 = arith.constant 16 : i32
        %parallel_loop3A_395 = arith.addi %parallel_loop3A_365, %parallel_loop3A_394 : i32
        %parallel_loop3A_396 = arith.index_cast %parallel_loop3A_395 : i32 to index
        %parallel_loop3A_397 = tpu.vector_load %arg7[%parallel_loop3A_396] {strides = array<i32>} : memref<98304xf32, #tpu.memory_space<vmem>>, vector<16xf32>,
        %parallel_loop3A_398 = vector.shape_cast %parallel_loop3A_397 : vector<16xf32> to vector<16xf32>
        %parallel_loop3A_399 = arith.constant 16 : i32
        %parallel_loop3A_400 = arith.addi %parallel_loop3A_367, %parallel_loop3A_399 : i32
        %parallel_loop3A_401 = arith.index_cast %parallel_loop3A_400 : i32 to index
        %parallel_loop3A_402 = tpu.vector_load %arg7[%parallel_loop3A_401] {strides = array<i32>} : memref<98304xf32, #tpu.memory_space<vmem>>, vector<16xf32>,
        %parallel_loop3A_403 = vector.shape_cast %parallel_loop3A_402 : vector<16xf32> to vector<16xf32>
        %parallel_loop3A_404 = arith.addf %parallel_loop3A_398, %parallel_loop3A_403 : vector<16xf32>
        %parallel_loop3A_405 = arith.constant 16 : i32
        %parallel_loop3A_406 = arith.addi %parallel_loop3A_369, %parallel_loop3A_405 : i32
        %parallel_loop3A_407 = arith.index_cast %parallel_loop3A_406 : i32 to index
        %parallel_loop3A_408 = tpu.vector_load %arg7[%parallel_loop3A_407] {strides = array<i32>} : memref<98304xf32, #tpu.memory_space<vmem>>, vector<16xf32>,
        %parallel_loop3A_409 = vector.shape_cast %parallel_loop3A_408 : vector<16xf32> to vector<16xf32>
        %parallel_loop3A_410 = arith.addf %parallel_loop3A_404, %parallel_loop3A_409 : vector<16xf32>
        %parallel_loop3A_411 = arith.constant 2 : i32
        %parallel_loop3A_412 = arith.addi %parallel_loop3A_231, %parallel_loop3A_411 : i32
        %parallel_loop3A_413 = arith.index_cast %parallel_loop3A_412 : i32 to index
        %parallel_loop3A_414 = arith.constant 16 : index
        %parallel_loop3A_415 = tpu.vector_load %arg8[%parallel_loop3A_413, %parallel_loop3A_414] {strides = array<i32>} : memref<80x32xf32, #tpu.memory_space<vmem>>, vector<1x16xf32>,
        %parallel_loop3A_416 = vector.shape_cast %parallel_loop3A_415 : vector<1x16xf32> to vector<16xf32>
        %parallel_loop3A_417 = vector.shape_cast %parallel_loop3A_410 : vector<16xf32> to vector<1x16xf32>
        tpu.vector_store %arg8[%parallel_loop3A_413, %parallel_loop3A_414], %parallel_loop3A_417 {strides = array<i32>} : memref<80x32xf32, #tpu.memory_space<vmem>>, vector<1x16xf32>,
        %parallel_loop3A_418 = vector.extract_strided_slice %parallel_loop3A_237 {offsets = [3], sizes = [1], strides = [1]} : vector<16xi32> to vector<1xi32>
        %parallel_loop3A_419 = vector.extract %parallel_loop3A_418[0] : i32 from vector<1xi32>
        %parallel_loop3A_420 = vector.extract_strided_slice %parallel_loop3A_246 {offsets = [3], sizes = [1], strides = [1]} : vector<16xi32> to vector<1xi32>
        %parallel_loop3A_421 = vector.extract %parallel_loop3A_420[0] : i32 from vector<1xi32>
        %parallel_loop3A_422 = vector.extract_strided_slice %parallel_loop3A_255 {offsets = [3], sizes = [1], strides = [1]} : vector<16xi32> to vector<1xi32>
        %parallel_loop3A_423 = vector.extract %parallel_loop3A_422[0] : i32 from vector<1xi32>
        %parallel_loop3A_424 = arith.constant 0 : i32
        %parallel_loop3A_425 = arith.addi %parallel_loop3A_419, %parallel_loop3A_424 : i32
        %parallel_loop3A_426 = arith.index_cast %parallel_loop3A_425 : i32 to index
        %parallel_loop3A_427 = tpu.vector_load %arg7[%parallel_loop3A_426] {strides = array<i32>} : memref<98304xf32, #tpu.memory_space<vmem>>, vector<16xf32>,
        %parallel_loop3A_428 = vector.shape_cast %parallel_loop3A_427 : vector<16xf32> to vector<16xf32>
        %parallel_loop3A_429 = arith.constant 0 : i32
        %parallel_loop3A_430 = arith.addi %parallel_loop3A_421, %parallel_loop3A_429 : i32
        %parallel_loop3A_431 = arith.index_cast %parallel_loop3A_430 : i32 to index
        %parallel_loop3A_432 = tpu.vector_load %arg7[%parallel_loop3A_431] {strides = array<i32>} : memref<98304xf32, #tpu.memory_space<vmem>>, vector<16xf32>,
        %parallel_loop3A_433 = vector.shape_cast %parallel_loop3A_432 : vector<16xf32> to vector<16xf32>
        %parallel_loop3A_434 = arith.addf %parallel_loop3A_428, %parallel_loop3A_433 : vector<16xf32>
        %parallel_loop3A_435 = arith.constant 0 : i32
        %parallel_loop3A_436 = arith.addi %parallel_loop3A_423, %parallel_loop3A_435 : i32
        %parallel_loop3A_437 = arith.index_cast %parallel_loop3A_436 : i32 to index
        %parallel_loop3A_438 = tpu.vector_load %arg7[%parallel_loop3A_437] {strides = array<i32>} : memref<98304xf32, #tpu.memory_space<vmem>>, vector<16xf32>,
        %parallel_loop3A_439 = vector.shape_cast %parallel_loop3A_438 : vector<16xf32> to vector<16xf32>
        %parallel_loop3A_440 = arith.addf %parallel_loop3A_434, %parallel_loop3A_439 : vector<16xf32>
        %parallel_loop3A_441 = arith.constant 3 : i32
        %parallel_loop3A_442 = arith.addi %parallel_loop3A_231, %parallel_loop3A_441 : i32
        %parallel_loop3A_443 = arith.index_cast %parallel_loop3A_442 : i32 to index
        %parallel_loop3A_444 = arith.constant 0 : index
        %parallel_loop3A_445 = tpu.vector_load %arg8[%parallel_loop3A_443, %parallel_loop3A_444] {strides = array<i32>} : memref<80x32xf32, #tpu.memory_space<vmem>>, vector<1x16xf32>,
        %parallel_loop3A_446 = vector.shape_cast %parallel_loop3A_445 : vector<1x16xf32> to vector<16xf32>
        %parallel_loop3A_447 = vector.shape_cast %parallel_loop3A_440 : vector<16xf32> to vector<1x16xf32>
        tpu.vector_store %arg8[%parallel_loop3A_443, %parallel_loop3A_444], %parallel_loop3A_447 {strides = array<i32>} : memref<80x32xf32, #tpu.memory_space<vmem>>, vector<1x16xf32>,
        %parallel_loop3A_448 = arith.constant 16 : i32
        %parallel_loop3A_449 = arith.addi %parallel_loop3A_419, %parallel_loop3A_448 : i32
        %parallel_loop3A_450 = arith.index_cast %parallel_loop3A_449 : i32 to index
        %parallel_loop3A_451 = tpu.vector_load %arg7[%parallel_loop3A_450] {strides = array<i32>} : memref<98304xf32, #tpu.memory_space<vmem>>, vector<16xf32>,
        %parallel_loop3A_452 = vector.shape_cast %parallel_loop3A_451 : vector<16xf32> to vector<16xf32>
        %parallel_loop3A_453 = arith.constant 16 : i32
        %parallel_loop3A_454 = arith.addi %parallel_loop3A_421, %parallel_loop3A_453 : i32
        %parallel_loop3A_455 = arith.index_cast %parallel_loop3A_454 : i32 to index
        %parallel_loop3A_456 = tpu.vector_load %arg7[%parallel_loop3A_455] {strides = array<i32>} : memref<98304xf32, #tpu.memory_space<vmem>>, vector<16xf32>,
        %parallel_loop3A_457 = vector.shape_cast %parallel_loop3A_456 : vector<16xf32> to vector<16xf32>
        %parallel_loop3A_458 = arith.addf %parallel_loop3A_452, %parallel_loop3A_457 : vector<16xf32>
        %parallel_loop3A_459 = arith.constant 16 : i32
        %parallel_loop3A_460 = arith.addi %parallel_loop3A_423, %parallel_loop3A_459 : i32
        %parallel_loop3A_461 = arith.index_cast %parallel_loop3A_460 : i32 to index
        %parallel_loop3A_462 = tpu.vector_load %arg7[%parallel_loop3A_461] {strides = array<i32>} : memref<98304xf32, #tpu.memory_space<vmem>>, vector<16xf32>,
        %parallel_loop3A_463 = vector.shape_cast %parallel_loop3A_462 : vector<16xf32> to vector<16xf32>
        %parallel_loop3A_464 = arith.addf %parallel_loop3A_458, %parallel_loop3A_463 : vector<16xf32>
        %parallel_loop3A_465 = arith.constant 3 : i32
        %parallel_loop3A_466 = arith.addi %parallel_loop3A_231, %parallel_loop3A_465 : i32
        %parallel_loop3A_467 = arith.index_cast %parallel_loop3A_466 : i32 to index
        %parallel_loop3A_468 = arith.constant 16 : index
        %parallel_loop3A_469 = tpu.vector_load %arg8[%parallel_loop3A_467, %parallel_loop3A_468] {strides = array<i32>} : memref<80x32xf32, #tpu.memory_space<vmem>>, vector<1x16xf32>,
        %parallel_loop3A_470 = vector.shape_cast %parallel_loop3A_469 : vector<1x16xf32> to vector<16xf32>
        %parallel_loop3A_471 = vector.shape_cast %parallel_loop3A_464 : vector<16xf32> to vector<1x16xf32>
        tpu.vector_store %arg8[%parallel_loop3A_467, %parallel_loop3A_468], %parallel_loop3A_471 {strides = array<i32>} : memref<80x32xf32, #tpu.memory_space<vmem>>, vector<1x16xf32>,
        %parallel_loop3A_472 = vector.extract_strided_slice %parallel_loop3A_237 {offsets = [4], sizes = [1], strides = [1]} : vector<16xi32> to vector<1xi32>
        %parallel_loop3A_473 = vector.extract %parallel_loop3A_472[0] : i32 from vector<1xi32>
        %parallel_loop3A_474 = vector.extract_strided_slice %parallel_loop3A_246 {offsets = [4], sizes = [1], strides = [1]} : vector<16xi32> to vector<1xi32>
        %parallel_loop3A_475 = vector.extract %parallel_loop3A_474[0] : i32 from vector<1xi32>
        %parallel_loop3A_476 = vector.extract_strided_slice %parallel_loop3A_255 {offsets = [4], sizes = [1], strides = [1]} : vector<16xi32> to vector<1xi32>
        %parallel_loop3A_477 = vector.extract %parallel_loop3A_476[0] : i32 from vector<1xi32>
        %parallel_loop3A_478 = arith.constant 0 : i32
        %parallel_loop3A_479 = arith.addi %parallel_loop3A_473, %parallel_loop3A_478 : i32
        %parallel_loop3A_480 = arith.index_cast %parallel_loop3A_479 : i32 to index
        %parallel_loop3A_481 = tpu.vector_load %arg7[%parallel_loop3A_480] {strides = array<i32>} : memref<98304xf32, #tpu.memory_space<vmem>>, vector<16xf32>,
        %parallel_loop3A_482 = vector.shape_cast %parallel_loop3A_481 : vector<16xf32> to vector<16xf32>
        %parallel_loop3A_483 = arith.constant 0 : i32
        %parallel_loop3A_484 = arith.addi %parallel_loop3A_475, %parallel_loop3A_483 : i32
        %parallel_loop3A_485 = arith.index_cast %parallel_loop3A_484 : i32 to index
        %parallel_loop3A_486 = tpu.vector_load %arg7[%parallel_loop3A_485] {strides = array<i32>} : memref<98304xf32, #tpu.memory_space<vmem>>, vector<16xf32>,
        %parallel_loop3A_487 = vector.shape_cast %parallel_loop3A_486 : vector<16xf32> to vector<16xf32>
        %parallel_loop3A_488 = arith.addf %parallel_loop3A_482, %parallel_loop3A_487 : vector<16xf32>
        %parallel_loop3A_489 = arith.constant 0 : i32
        %parallel_loop3A_490 = arith.addi %parallel_loop3A_477, %parallel_loop3A_489 : i32
        %parallel_loop3A_491 = arith.index_cast %parallel_loop3A_490 : i32 to index
        %parallel_loop3A_492 = tpu.vector_load %arg7[%parallel_loop3A_491] {strides = array<i32>} : memref<98304xf32, #tpu.memory_space<vmem>>, vector<16xf32>,
        %parallel_loop3A_493 = vector.shape_cast %parallel_loop3A_492 : vector<16xf32> to vector<16xf32>
        %parallel_loop3A_494 = arith.addf %parallel_loop3A_488, %parallel_loop3A_493 : vector<16xf32>
        %parallel_loop3A_495 = arith.constant 4 : i32
        %parallel_loop3A_496 = arith.addi %parallel_loop3A_231, %parallel_loop3A_495 : i32
        %parallel_loop3A_497 = arith.index_cast %parallel_loop3A_496 : i32 to index
        %parallel_loop3A_498 = arith.constant 0 : index
        %parallel_loop3A_499 = tpu.vector_load %arg8[%parallel_loop3A_497, %parallel_loop3A_498] {strides = array<i32>} : memref<80x32xf32, #tpu.memory_space<vmem>>, vector<1x16xf32>,
        %parallel_loop3A_500 = vector.shape_cast %parallel_loop3A_499 : vector<1x16xf32> to vector<16xf32>
        %parallel_loop3A_501 = vector.shape_cast %parallel_loop3A_494 : vector<16xf32> to vector<1x16xf32>
        tpu.vector_store %arg8[%parallel_loop3A_497, %parallel_loop3A_498], %parallel_loop3A_501 {strides = array<i32>} : memref<80x32xf32, #tpu.memory_space<vmem>>, vector<1x16xf32>,
        %parallel_loop3A_502 = arith.constant 16 : i32
        %parallel_loop3A_503 = arith.addi %parallel_loop3A_473, %parallel_loop3A_502 : i32
        %parallel_loop3A_504 = arith.index_cast %parallel_loop3A_503 : i32 to index
        %parallel_loop3A_505 = tpu.vector_load %arg7[%parallel_loop3A_504] {strides = array<i32>} : memref<98304xf32, #tpu.memory_space<vmem>>, vector<16xf32>,
        %parallel_loop3A_506 = vector.shape_cast %parallel_loop3A_505 : vector<16xf32> to vector<16xf32>
        %parallel_loop3A_507 = arith.constant 16 : i32
        %parallel_loop3A_508 = arith.addi %parallel_loop3A_475, %parallel_loop3A_507 : i32
        %parallel_loop3A_509 = arith.index_cast %parallel_loop3A_508 : i32 to index
        %parallel_loop3A_510 = tpu.vector_load %arg7[%parallel_loop3A_509] {strides = array<i32>} : memref<98304xf32, #tpu.memory_space<vmem>>, vector<16xf32>,
        %parallel_loop3A_511 = vector.shape_cast %parallel_loop3A_510 : vector<16xf32> to vector<16xf32>
        %parallel_loop3A_512 = arith.addf %parallel_loop3A_506, %parallel_loop3A_511 : vector<16xf32>
        %parallel_loop3A_513 = arith.constant 16 : i32
        %parallel_loop3A_514 = arith.addi %parallel_loop3A_477, %parallel_loop3A_513 : i32
        %parallel_loop3A_515 = arith.index_cast %parallel_loop3A_514 : i32 to index
        %parallel_loop3A_516 = tpu.vector_load %arg7[%parallel_loop3A_515] {strides = array<i32>} : memref<98304xf32, #tpu.memory_space<vmem>>, vector<16xf32>,
        %parallel_loop3A_517 = vector.shape_cast %parallel_loop3A_516 : vector<16xf32> to vector<16xf32>
        %parallel_loop3A_518 = arith.addf %parallel_loop3A_512, %parallel_loop3A_517 : vector<16xf32>
        %parallel_loop3A_519 = arith.constant 4 : i32
        %parallel_loop3A_520 = arith.addi %parallel_loop3A_231, %parallel_loop3A_519 : i32
        %parallel_loop3A_521 = arith.index_cast %parallel_loop3A_520 : i32 to index
        %parallel_loop3A_522 = arith.constant 16 : index
        %parallel_loop3A_523 = tpu.vector_load %arg8[%parallel_loop3A_521, %parallel_loop3A_522] {strides = array<i32>} : memref<80x32xf32, #tpu.memory_space<vmem>>, vector<1x16xf32>,
        %parallel_loop3A_524 = vector.shape_cast %parallel_loop3A_523 : vector<1x16xf32> to vector<16xf32>
        %parallel_loop3A_525 = vector.shape_cast %parallel_loop3A_518 : vector<16xf32> to vector<1x16xf32>
        tpu.vector_store %arg8[%parallel_loop3A_521, %parallel_loop3A_522], %parallel_loop3A_525 {strides = array<i32>} : memref<80x32xf32, #tpu.memory_space<vmem>>, vector<1x16xf32>,
        %parallel_loop3A_526 = vector.extract_strided_slice %parallel_loop3A_237 {offsets = [5], sizes = [1], strides = [1]} : vector<16xi32> to vector<1xi32>
        %parallel_loop3A_527 = vector.extract %parallel_loop3A_526[0] : i32 from vector<1xi32>
        %parallel_loop3A_528 = vector.extract_strided_slice %parallel_loop3A_246 {offsets = [5], sizes = [1], strides = [1]} : vector<16xi32> to vector<1xi32>
        %parallel_loop3A_529 = vector.extract %parallel_loop3A_528[0] : i32 from vector<1xi32>
        %parallel_loop3A_530 = vector.extract_strided_slice %parallel_loop3A_255 {offsets = [5], sizes = [1], strides = [1]} : vector<16xi32> to vector<1xi32>
        %parallel_loop3A_531 = vector.extract %parallel_loop3A_530[0] : i32 from vector<1xi32>
        %parallel_loop3A_532 = arith.constant 0 : i32
        %parallel_loop3A_533 = arith.addi %parallel_loop3A_527, %parallel_loop3A_532 : i32
        %parallel_loop3A_534 = arith.index_cast %parallel_loop3A_533 : i32 to index
        %parallel_loop3A_535 = tpu.vector_load %arg7[%parallel_loop3A_534] {strides = array<i32>} : memref<98304xf32, #tpu.memory_space<vmem>>, vector<16xf32>,
        %parallel_loop3A_536 = vector.shape_cast %parallel_loop3A_535 : vector<16xf32> to vector<16xf32>
        %parallel_loop3A_537 = arith.constant 0 : i32
        %parallel_loop3A_538 = arith.addi %parallel_loop3A_529, %parallel_loop3A_537 : i32
        %parallel_loop3A_539 = arith.index_cast %parallel_loop3A_538 : i32 to index
        %parallel_loop3A_540 = tpu.vector_load %arg7[%parallel_loop3A_539] {strides = array<i32>} : memref<98304xf32, #tpu.memory_space<vmem>>, vector<16xf32>,
        %parallel_loop3A_541 = vector.shape_cast %parallel_loop3A_540 : vector<16xf32> to vector<16xf32>
        %parallel_loop3A_542 = arith.addf %parallel_loop3A_536, %parallel_loop3A_541 : vector<16xf32>
        %parallel_loop3A_543 = arith.constant 0 : i32
        %parallel_loop3A_544 = arith.addi %parallel_loop3A_531, %parallel_loop3A_543 : i32
        %parallel_loop3A_545 = arith.index_cast %parallel_loop3A_544 : i32 to index
        %parallel_loop3A_546 = tpu.vector_load %arg7[%parallel_loop3A_545] {strides = array<i32>} : memref<98304xf32, #tpu.memory_space<vmem>>, vector<16xf32>,
        %parallel_loop3A_547 = vector.shape_cast %parallel_loop3A_546 : vector<16xf32> to vector<16xf32>
        %parallel_loop3A_548 = arith.addf %parallel_loop3A_542, %parallel_loop3A_547 : vector<16xf32>
        %parallel_loop3A_549 = arith.constant 5 : i32
        %parallel_loop3A_550 = arith.addi %parallel_loop3A_231, %parallel_loop3A_549 : i32
        %parallel_loop3A_551 = arith.index_cast %parallel_loop3A_550 : i32 to index
        %parallel_loop3A_552 = arith.constant 0 : index
        %parallel_loop3A_553 = tpu.vector_load %arg8[%parallel_loop3A_551, %parallel_loop3A_552] {strides = array<i32>} : memref<80x32xf32, #tpu.memory_space<vmem>>, vector<1x16xf32>,
        %parallel_loop3A_554 = vector.shape_cast %parallel_loop3A_553 : vector<1x16xf32> to vector<16xf32>
        %parallel_loop3A_555 = vector.shape_cast %parallel_loop3A_548 : vector<16xf32> to vector<1x16xf32>
        tpu.vector_store %arg8[%parallel_loop3A_551, %parallel_loop3A_552], %parallel_loop3A_555 {strides = array<i32>} : memref<80x32xf32, #tpu.memory_space<vmem>>, vector<1x16xf32>,
        %parallel_loop3A_556 = arith.constant 16 : i32
        %parallel_loop3A_557 = arith.addi %parallel_loop3A_527, %parallel_loop3A_556 : i32
        %parallel_loop3A_558 = arith.index_cast %parallel_loop3A_557 : i32 to index
        %parallel_loop3A_559 = tpu.vector_load %arg7[%parallel_loop3A_558] {strides = array<i32>} : memref<98304xf32, #tpu.memory_space<vmem>>, vector<16xf32>,
        %parallel_loop3A_560 = vector.shape_cast %parallel_loop3A_559 : vector<16xf32> to vector<16xf32>
        %parallel_loop3A_561 = arith.constant 16 : i32
        %parallel_loop3A_562 = arith.addi %parallel_loop3A_529, %parallel_loop3A_561 : i32
        %parallel_loop3A_563 = arith.index_cast %parallel_loop3A_562 : i32 to index
        %parallel_loop3A_564 = tpu.vector_load %arg7[%parallel_loop3A_563] {strides = array<i32>} : memref<98304xf32, #tpu.memory_space<vmem>>, vector<16xf32>,
        %parallel_loop3A_565 = vector.shape_cast %parallel_loop3A_564 : vector<16xf32> to vector<16xf32>
        %parallel_loop3A_566 = arith.addf %parallel_loop3A_560, %parallel_loop3A_565 : vector<16xf32>
        %parallel_loop3A_567 = arith.constant 16 : i32
        %parallel_loop3A_568 = arith.addi %parallel_loop3A_531, %parallel_loop3A_567 : i32
        %parallel_loop3A_569 = arith.index_cast %parallel_loop3A_568 : i32 to index
        %parallel_loop3A_570 = tpu.vector_load %arg7[%parallel_loop3A_569] {strides = array<i32>} : memref<98304xf32, #tpu.memory_space<vmem>>, vector<16xf32>,
        %parallel_loop3A_571 = vector.shape_cast %parallel_loop3A_570 : vector<16xf32> to vector<16xf32>
        %parallel_loop3A_572 = arith.addf %parallel_loop3A_566, %parallel_loop3A_571 : vector<16xf32>
        %parallel_loop3A_573 = arith.constant 5 : i32
        %parallel_loop3A_574 = arith.addi %parallel_loop3A_231, %parallel_loop3A_573 : i32
        %parallel_loop3A_575 = arith.index_cast %parallel_loop3A_574 : i32 to index
        %parallel_loop3A_576 = arith.constant 16 : index
        %parallel_loop3A_577 = tpu.vector_load %arg8[%parallel_loop3A_575, %parallel_loop3A_576] {strides = array<i32>} : memref<80x32xf32, #tpu.memory_space<vmem>>, vector<1x16xf32>,
        %parallel_loop3A_578 = vector.shape_cast %parallel_loop3A_577 : vector<1x16xf32> to vector<16xf32>
        %parallel_loop3A_579 = vector.shape_cast %parallel_loop3A_572 : vector<16xf32> to vector<1x16xf32>
        tpu.vector_store %arg8[%parallel_loop3A_575, %parallel_loop3A_576], %parallel_loop3A_579 {strides = array<i32>} : memref<80x32xf32, #tpu.memory_space<vmem>>, vector<1x16xf32>,
        %parallel_loop3A_580 = vector.extract_strided_slice %parallel_loop3A_237 {offsets = [6], sizes = [1], strides = [1]} : vector<16xi32> to vector<1xi32>
        %parallel_loop3A_581 = vector.extract %parallel_loop3A_580[0] : i32 from vector<1xi32>
        %parallel_loop3A_582 = vector.extract_strided_slice %parallel_loop3A_246 {offsets = [6], sizes = [1], strides = [1]} : vector<16xi32> to vector<1xi32>
        %parallel_loop3A_583 = vector.extract %parallel_loop3A_582[0] : i32 from vector<1xi32>
        %parallel_loop3A_584 = vector.extract_strided_slice %parallel_loop3A_255 {offsets = [6], sizes = [1], strides = [1]} : vector<16xi32> to vector<1xi32>
        %parallel_loop3A_585 = vector.extract %parallel_loop3A_584[0] : i32 from vector<1xi32>
        %parallel_loop3A_586 = arith.constant 0 : i32
        %parallel_loop3A_587 = arith.addi %parallel_loop3A_581, %parallel_loop3A_586 : i32
        %parallel_loop3A_588 = arith.index_cast %parallel_loop3A_587 : i32 to index
        %parallel_loop3A_589 = tpu.vector_load %arg7[%parallel_loop3A_588] {strides = array<i32>} : memref<98304xf32, #tpu.memory_space<vmem>>, vector<16xf32>,
        %parallel_loop3A_590 = vector.shape_cast %parallel_loop3A_589 : vector<16xf32> to vector<16xf32>
        %parallel_loop3A_591 = arith.constant 0 : i32
        %parallel_loop3A_592 = arith.addi %parallel_loop3A_583, %parallel_loop3A_591 : i32
        %parallel_loop3A_593 = arith.index_cast %parallel_loop3A_592 : i32 to index
        %parallel_loop3A_594 = tpu.vector_load %arg7[%parallel_loop3A_593] {strides = array<i32>} : memref<98304xf32, #tpu.memory_space<vmem>>, vector<16xf32>,
        %parallel_loop3A_595 = vector.shape_cast %parallel_loop3A_594 : vector<16xf32> to vector<16xf32>
        %parallel_loop3A_596 = arith.addf %parallel_loop3A_590, %parallel_loop3A_595 : vector<16xf32>
        %parallel_loop3A_597 = arith.constant 0 : i32
        %parallel_loop3A_598 = arith.addi %parallel_loop3A_585, %parallel_loop3A_597 : i32
        %parallel_loop3A_599 = arith.index_cast %parallel_loop3A_598 : i32 to index
        %parallel_loop3A_600 = tpu.vector_load %arg7[%parallel_loop3A_599] {strides = array<i32>} : memref<98304xf32, #tpu.memory_space<vmem>>, vector<16xf32>,
        %parallel_loop3A_601 = vector.shape_cast %parallel_loop3A_600 : vector<16xf32> to vector<16xf32>
        %parallel_loop3A_602 = arith.addf %parallel_loop3A_596, %parallel_loop3A_601 : vector<16xf32>
        %parallel_loop3A_603 = arith.constant 6 : i32
        %parallel_loop3A_604 = arith.addi %parallel_loop3A_231, %parallel_loop3A_603 : i32
        %parallel_loop3A_605 = arith.index_cast %parallel_loop3A_604 : i32 to index
        %parallel_loop3A_606 = arith.constant 0 : index
        %parallel_loop3A_607 = tpu.vector_load %arg8[%parallel_loop3A_605, %parallel_loop3A_606] {strides = array<i32>} : memref<80x32xf32, #tpu.memory_space<vmem>>, vector<1x16xf32>,
        %parallel_loop3A_608 = vector.shape_cast %parallel_loop3A_607 : vector<1x16xf32> to vector<16xf32>
        %parallel_loop3A_609 = vector.shape_cast %parallel_loop3A_602 : vector<16xf32> to vector<1x16xf32>
        tpu.vector_store %arg8[%parallel_loop3A_605, %parallel_loop3A_606], %parallel_loop3A_609 {strides = array<i32>} : memref<80x32xf32, #tpu.memory_space<vmem>>, vector<1x16xf32>,
        %parallel_loop3A_610 = arith.constant 16 : i32
        %parallel_loop3A_611 = arith.addi %parallel_loop3A_581, %parallel_loop3A_610 : i32
        %parallel_loop3A_612 = arith.index_cast %parallel_loop3A_611 : i32 to index
        %parallel_loop3A_613 = tpu.vector_load %arg7[%parallel_loop3A_612] {strides = array<i32>} : memref<98304xf32, #tpu.memory_space<vmem>>, vector<16xf32>,
        %parallel_loop3A_614 = vector.shape_cast %parallel_loop3A_613 : vector<16xf32> to vector<16xf32>
        %parallel_loop3A_615 = arith.constant 16 : i32
        %parallel_loop3A_616 = arith.addi %parallel_loop3A_583, %parallel_loop3A_615 : i32
        %parallel_loop3A_617 = arith.index_cast %parallel_loop3A_616 : i32 to index
        %parallel_loop3A_618 = tpu.vector_load %arg7[%parallel_loop3A_617] {strides = array<i32>} : memref<98304xf32, #tpu.memory_space<vmem>>, vector<16xf32>,
        %parallel_loop3A_619 = vector.shape_cast %parallel_loop3A_618 : vector<16xf32> to vector<16xf32>
        %parallel_loop3A_620 = arith.addf %parallel_loop3A_614, %parallel_loop3A_619 : vector<16xf32>
        %parallel_loop3A_621 = arith.constant 16 : i32
        %parallel_loop3A_622 = arith.addi %parallel_loop3A_585, %parallel_loop3A_621 : i32
        %parallel_loop3A_623 = arith.index_cast %parallel_loop3A_622 : i32 to index
        %parallel_loop3A_624 = tpu.vector_load %arg7[%parallel_loop3A_623] {strides = array<i32>} : memref<98304xf32, #tpu.memory_space<vmem>>, vector<16xf32>,
        %parallel_loop3A_625 = vector.shape_cast %parallel_loop3A_624 : vector<16xf32> to vector<16xf32>
        %parallel_loop3A_626 = arith.addf %parallel_loop3A_620, %parallel_loop3A_625 : vector<16xf32>
        %parallel_loop3A_627 = arith.constant 6 : i32
        %parallel_loop3A_628 = arith.addi %parallel_loop3A_231, %parallel_loop3A_627 : i32
        %parallel_loop3A_629 = arith.index_cast %parallel_loop3A_628 : i32 to index
        %parallel_loop3A_630 = arith.constant 16 : index
        %parallel_loop3A_631 = tpu.vector_load %arg8[%parallel_loop3A_629, %parallel_loop3A_630] {strides = array<i32>} : memref<80x32xf32, #tpu.memory_space<vmem>>, vector<1x16xf32>,
        %parallel_loop3A_632 = vector.shape_cast %parallel_loop3A_631 : vector<1x16xf32> to vector<16xf32>
        %parallel_loop3A_633 = vector.shape_cast %parallel_loop3A_626 : vector<16xf32> to vector<1x16xf32>
        tpu.vector_store %arg8[%parallel_loop3A_629, %parallel_loop3A_630], %parallel_loop3A_633 {strides = array<i32>} : memref<80x32xf32, #tpu.memory_space<vmem>>, vector<1x16xf32>,
        %parallel_loop3A_634 = vector.extract_strided_slice %parallel_loop3A_237 {offsets = [7], sizes = [1], strides = [1]} : vector<16xi32> to vector<1xi32>
        %parallel_loop3A_635 = vector.extract %parallel_loop3A_634[0] : i32 from vector<1xi32>
        %parallel_loop3A_636 = vector.extract_strided_slice %parallel_loop3A_246 {offsets = [7], sizes = [1], strides = [1]} : vector<16xi32> to vector<1xi32>
        %parallel_loop3A_637 = vector.extract %parallel_loop3A_636[0] : i32 from vector<1xi32>
        %parallel_loop3A_638 = vector.extract_strided_slice %parallel_loop3A_255 {offsets = [7], sizes = [1], strides = [1]} : vector<16xi32> to vector<1xi32>
        %parallel_loop3A_639 = vector.extract %parallel_loop3A_638[0] : i32 from vector<1xi32>
        %parallel_loop3A_640 = arith.constant 0 : i32
        %parallel_loop3A_641 = arith.addi %parallel_loop3A_635, %parallel_loop3A_640 : i32
        %parallel_loop3A_642 = arith.index_cast %parallel_loop3A_641 : i32 to index
        %parallel_loop3A_643 = tpu.vector_load %arg7[%parallel_loop3A_642] {strides = array<i32>} : memref<98304xf32, #tpu.memory_space<vmem>>, vector<16xf32>,
        %parallel_loop3A_644 = vector.shape_cast %parallel_loop3A_643 : vector<16xf32> to vector<16xf32>
        %parallel_loop3A_645 = arith.constant 0 : i32
        %parallel_loop3A_646 = arith.addi %parallel_loop3A_637, %parallel_loop3A_645 : i32
        %parallel_loop3A_647 = arith.index_cast %parallel_loop3A_646 : i32 to index
        %parallel_loop3A_648 = tpu.vector_load %arg7[%parallel_loop3A_647] {strides = array<i32>} : memref<98304xf32, #tpu.memory_space<vmem>>, vector<16xf32>,
        %parallel_loop3A_649 = vector.shape_cast %parallel_loop3A_648 : vector<16xf32> to vector<16xf32>
        %parallel_loop3A_650 = arith.addf %parallel_loop3A_644, %parallel_loop3A_649 : vector<16xf32>
        %parallel_loop3A_651 = arith.constant 0 : i32
        %parallel_loop3A_652 = arith.addi %parallel_loop3A_639, %parallel_loop3A_651 : i32
        %parallel_loop3A_653 = arith.index_cast %parallel_loop3A_652 : i32 to index
        %parallel_loop3A_654 = tpu.vector_load %arg7[%parallel_loop3A_653] {strides = array<i32>} : memref<98304xf32, #tpu.memory_space<vmem>>, vector<16xf32>,
        %parallel_loop3A_655 = vector.shape_cast %parallel_loop3A_654 : vector<16xf32> to vector<16xf32>
        %parallel_loop3A_656 = arith.addf %parallel_loop3A_650, %parallel_loop3A_655 : vector<16xf32>
        %parallel_loop3A_657 = arith.constant 7 : i32
        %parallel_loop3A_658 = arith.addi %parallel_loop3A_231, %parallel_loop3A_657 : i32
        %parallel_loop3A_659 = arith.index_cast %parallel_loop3A_658 : i32 to index
        %parallel_loop3A_660 = arith.constant 0 : index
        %parallel_loop3A_661 = tpu.vector_load %arg8[%parallel_loop3A_659, %parallel_loop3A_660] {strides = array<i32>} : memref<80x32xf32, #tpu.memory_space<vmem>>, vector<1x16xf32>,
        %parallel_loop3A_662 = vector.shape_cast %parallel_loop3A_661 : vector<1x16xf32> to vector<16xf32>
        %parallel_loop3A_663 = vector.shape_cast %parallel_loop3A_656 : vector<16xf32> to vector<1x16xf32>
        tpu.vector_store %arg8[%parallel_loop3A_659, %parallel_loop3A_660], %parallel_loop3A_663 {strides = array<i32>} : memref<80x32xf32, #tpu.memory_space<vmem>>, vector<1x16xf32>,
        %parallel_loop3A_664 = arith.constant 16 : i32
        %parallel_loop3A_665 = arith.addi %parallel_loop3A_635, %parallel_loop3A_664 : i32
        %parallel_loop3A_666 = arith.index_cast %parallel_loop3A_665 : i32 to index
        %parallel_loop3A_667 = tpu.vector_load %arg7[%parallel_loop3A_666] {strides = array<i32>} : memref<98304xf32, #tpu.memory_space<vmem>>, vector<16xf32>,
        %parallel_loop3A_668 = vector.shape_cast %parallel_loop3A_667 : vector<16xf32> to vector<16xf32>
        %parallel_loop3A_669 = arith.constant 16 : i32
        %parallel_loop3A_670 = arith.addi %parallel_loop3A_637, %parallel_loop3A_669 : i32
        %parallel_loop3A_671 = arith.index_cast %parallel_loop3A_670 : i32 to index
        %parallel_loop3A_672 = tpu.vector_load %arg7[%parallel_loop3A_671] {strides = array<i32>} : memref<98304xf32, #tpu.memory_space<vmem>>, vector<16xf32>,
        %parallel_loop3A_673 = vector.shape_cast %parallel_loop3A_672 : vector<16xf32> to vector<16xf32>
        %parallel_loop3A_674 = arith.addf %parallel_loop3A_668, %parallel_loop3A_673 : vector<16xf32>
        %parallel_loop3A_675 = arith.constant 16 : i32
        %parallel_loop3A_676 = arith.addi %parallel_loop3A_639, %parallel_loop3A_675 : i32
        %parallel_loop3A_677 = arith.index_cast %parallel_loop3A_676 : i32 to index
        %parallel_loop3A_678 = tpu.vector_load %arg7[%parallel_loop3A_677] {strides = array<i32>} : memref<98304xf32, #tpu.memory_space<vmem>>, vector<16xf32>,
        %parallel_loop3A_679 = vector.shape_cast %parallel_loop3A_678 : vector<16xf32> to vector<16xf32>
        %parallel_loop3A_680 = arith.addf %parallel_loop3A_674, %parallel_loop3A_679 : vector<16xf32>
        %parallel_loop3A_681 = arith.constant 7 : i32
        %parallel_loop3A_682 = arith.addi %parallel_loop3A_231, %parallel_loop3A_681 : i32
        %parallel_loop3A_683 = arith.index_cast %parallel_loop3A_682 : i32 to index
        %parallel_loop3A_684 = arith.constant 16 : index
        %parallel_loop3A_685 = tpu.vector_load %arg8[%parallel_loop3A_683, %parallel_loop3A_684] {strides = array<i32>} : memref<80x32xf32, #tpu.memory_space<vmem>>, vector<1x16xf32>,
        %parallel_loop3A_686 = vector.shape_cast %parallel_loop3A_685 : vector<1x16xf32> to vector<16xf32>
        %parallel_loop3A_687 = vector.shape_cast %parallel_loop3A_680 : vector<16xf32> to vector<1x16xf32>
        tpu.vector_store %arg8[%parallel_loop3A_683, %parallel_loop3A_684], %parallel_loop3A_687 {strides = array<i32>} : memref<80x32xf32, #tpu.memory_space<vmem>>, vector<1x16xf32>,
        %parallel_loop3A_688 = vector.extract_strided_slice %parallel_loop3A_237 {offsets = [8], sizes = [1], strides = [1]} : vector<16xi32> to vector<1xi32>
        %parallel_loop3A_689 = vector.extract %parallel_loop3A_688[0] : i32 from vector<1xi32>
        %parallel_loop3A_690 = vector.extract_strided_slice %parallel_loop3A_246 {offsets = [8], sizes = [1], strides = [1]} : vector<16xi32> to vector<1xi32>
        %parallel_loop3A_691 = vector.extract %parallel_loop3A_690[0] : i32 from vector<1xi32>
        %parallel_loop3A_692 = vector.extract_strided_slice %parallel_loop3A_255 {offsets = [8], sizes = [1], strides = [1]} : vector<16xi32> to vector<1xi32>
        %parallel_loop3A_693 = vector.extract %parallel_loop3A_692[0] : i32 from vector<1xi32>
        %parallel_loop3A_694 = arith.constant 0 : i32
        %parallel_loop3A_695 = arith.addi %parallel_loop3A_689, %parallel_loop3A_694 : i32
        %parallel_loop3A_696 = arith.index_cast %parallel_loop3A_695 : i32 to index
        %parallel_loop3A_697 = tpu.vector_load %arg7[%parallel_loop3A_696] {strides = array<i32>} : memref<98304xf32, #tpu.memory_space<vmem>>, vector<16xf32>,
        %parallel_loop3A_698 = vector.shape_cast %parallel_loop3A_697 : vector<16xf32> to vector<16xf32>
        %parallel_loop3A_699 = arith.constant 0 : i32
        %parallel_loop3A_700 = arith.addi %parallel_loop3A_691, %parallel_loop3A_699 : i32
        %parallel_loop3A_701 = arith.index_cast %parallel_loop3A_700 : i32 to index
        %parallel_loop3A_702 = tpu.vector_load %arg7[%parallel_loop3A_701] {strides = array<i32>} : memref<98304xf32, #tpu.memory_space<vmem>>, vector<16xf32>,
        %parallel_loop3A_703 = vector.shape_cast %parallel_loop3A_702 : vector<16xf32> to vector<16xf32>
        %parallel_loop3A_704 = arith.addf %parallel_loop3A_698, %parallel_loop3A_703 : vector<16xf32>
        %parallel_loop3A_705 = arith.constant 0 : i32
        %parallel_loop3A_706 = arith.addi %parallel_loop3A_693, %parallel_loop3A_705 : i32
        %parallel_loop3A_707 = arith.index_cast %parallel_loop3A_706 : i32 to index
        %parallel_loop3A_708 = tpu.vector_load %arg7[%parallel_loop3A_707] {strides = array<i32>} : memref<98304xf32, #tpu.memory_space<vmem>>, vector<16xf32>,
        %parallel_loop3A_709 = vector.shape_cast %parallel_loop3A_708 : vector<16xf32> to vector<16xf32>
        %parallel_loop3A_710 = arith.addf %parallel_loop3A_704, %parallel_loop3A_709 : vector<16xf32>
        %parallel_loop3A_711 = arith.constant 8 : i32
        %parallel_loop3A_712 = arith.addi %parallel_loop3A_231, %parallel_loop3A_711 : i32
        %parallel_loop3A_713 = arith.index_cast %parallel_loop3A_712 : i32 to index
        %parallel_loop3A_714 = arith.constant 0 : index
        %parallel_loop3A_715 = tpu.vector_load %arg8[%parallel_loop3A_713, %parallel_loop3A_714] {strides = array<i32>} : memref<80x32xf32, #tpu.memory_space<vmem>>, vector<1x16xf32>,
        %parallel_loop3A_716 = vector.shape_cast %parallel_loop3A_715 : vector<1x16xf32> to vector<16xf32>
        %parallel_loop3A_717 = vector.shape_cast %parallel_loop3A_710 : vector<16xf32> to vector<1x16xf32>
        tpu.vector_store %arg8[%parallel_loop3A_713, %parallel_loop3A_714], %parallel_loop3A_717 {strides = array<i32>} : memref<80x32xf32, #tpu.memory_space<vmem>>, vector<1x16xf32>,
        %parallel_loop3A_718 = arith.constant 16 : i32
        %parallel_loop3A_719 = arith.addi %parallel_loop3A_689, %parallel_loop3A_718 : i32
        %parallel_loop3A_720 = arith.index_cast %parallel_loop3A_719 : i32 to index
        %parallel_loop3A_721 = tpu.vector_load %arg7[%parallel_loop3A_720] {strides = array<i32>} : memref<98304xf32, #tpu.memory_space<vmem>>, vector<16xf32>,
        %parallel_loop3A_722 = vector.shape_cast %parallel_loop3A_721 : vector<16xf32> to vector<16xf32>
        %parallel_loop3A_723 = arith.constant 16 : i32
        %parallel_loop3A_724 = arith.addi %parallel_loop3A_691, %parallel_loop3A_723 : i32
        %parallel_loop3A_725 = arith.index_cast %parallel_loop3A_724 : i32 to index
        %parallel_loop3A_726 = tpu.vector_load %arg7[%parallel_loop3A_725] {strides = array<i32>} : memref<98304xf32, #tpu.memory_space<vmem>>, vector<16xf32>,
        %parallel_loop3A_727 = vector.shape_cast %parallel_loop3A_726 : vector<16xf32> to vector<16xf32>
        %parallel_loop3A_728 = arith.addf %parallel_loop3A_722, %parallel_loop3A_727 : vector<16xf32>
        %parallel_loop3A_729 = arith.constant 16 : i32
        %parallel_loop3A_730 = arith.addi %parallel_loop3A_693, %parallel_loop3A_729 : i32
        %parallel_loop3A_731 = arith.index_cast %parallel_loop3A_730 : i32 to index
        %parallel_loop3A_732 = tpu.vector_load %arg7[%parallel_loop3A_731] {strides = array<i32>} : memref<98304xf32, #tpu.memory_space<vmem>>, vector<16xf32>,
        %parallel_loop3A_733 = vector.shape_cast %parallel_loop3A_732 : vector<16xf32> to vector<16xf32>
        %parallel_loop3A_734 = arith.addf %parallel_loop3A_728, %parallel_loop3A_733 : vector<16xf32>
        %parallel_loop3A_735 = arith.constant 8 : i32
        %parallel_loop3A_736 = arith.addi %parallel_loop3A_231, %parallel_loop3A_735 : i32
        %parallel_loop3A_737 = arith.index_cast %parallel_loop3A_736 : i32 to index
        %parallel_loop3A_738 = arith.constant 16 : index
        %parallel_loop3A_739 = tpu.vector_load %arg8[%parallel_loop3A_737, %parallel_loop3A_738] {strides = array<i32>} : memref<80x32xf32, #tpu.memory_space<vmem>>, vector<1x16xf32>,
        %parallel_loop3A_740 = vector.shape_cast %parallel_loop3A_739 : vector<1x16xf32> to vector<16xf32>
        %parallel_loop3A_741 = vector.shape_cast %parallel_loop3A_734 : vector<16xf32> to vector<1x16xf32>
        tpu.vector_store %arg8[%parallel_loop3A_737, %parallel_loop3A_738], %parallel_loop3A_741 {strides = array<i32>} : memref<80x32xf32, #tpu.memory_space<vmem>>, vector<1x16xf32>,
        %parallel_loop3A_742 = vector.extract_strided_slice %parallel_loop3A_237 {offsets = [9], sizes = [1], strides = [1]} : vector<16xi32> to vector<1xi32>
        %parallel_loop3A_743 = vector.extract %parallel_loop3A_742[0] : i32 from vector<1xi32>
        %parallel_loop3A_744 = vector.extract_strided_slice %parallel_loop3A_246 {offsets = [9], sizes = [1], strides = [1]} : vector<16xi32> to vector<1xi32>
        %parallel_loop3A_745 = vector.extract %parallel_loop3A_744[0] : i32 from vector<1xi32>
        %parallel_loop3A_746 = vector.extract_strided_slice %parallel_loop3A_255 {offsets = [9], sizes = [1], strides = [1]} : vector<16xi32> to vector<1xi32>
        %parallel_loop3A_747 = vector.extract %parallel_loop3A_746[0] : i32 from vector<1xi32>
        %parallel_loop3A_748 = arith.constant 0 : i32
        %parallel_loop3A_749 = arith.addi %parallel_loop3A_743, %parallel_loop3A_748 : i32
        %parallel_loop3A_750 = arith.index_cast %parallel_loop3A_749 : i32 to index
        %parallel_loop3A_751 = tpu.vector_load %arg7[%parallel_loop3A_750] {strides = array<i32>} : memref<98304xf32, #tpu.memory_space<vmem>>, vector<16xf32>,
        %parallel_loop3A_752 = vector.shape_cast %parallel_loop3A_751 : vector<16xf32> to vector<16xf32>
        %parallel_loop3A_753 = arith.constant 0 : i32
        %parallel_loop3A_754 = arith.addi %parallel_loop3A_745, %parallel_loop3A_753 : i32
        %parallel_loop3A_755 = arith.index_cast %parallel_loop3A_754 : i32 to index
        %parallel_loop3A_756 = tpu.vector_load %arg7[%parallel_loop3A_755] {strides = array<i32>} : memref<98304xf32, #tpu.memory_space<vmem>>, vector<16xf32>,
        %parallel_loop3A_757 = vector.shape_cast %parallel_loop3A_756 : vector<16xf32> to vector<16xf32>
        %parallel_loop3A_758 = arith.addf %parallel_loop3A_752, %parallel_loop3A_757 : vector<16xf32>
        %parallel_loop3A_759 = arith.constant 0 : i32
        %parallel_loop3A_760 = arith.addi %parallel_loop3A_747, %parallel_loop3A_759 : i32
        %parallel_loop3A_761 = arith.index_cast %parallel_loop3A_760 : i32 to index
        %parallel_loop3A_762 = tpu.vector_load %arg7[%parallel_loop3A_761] {strides = array<i32>} : memref<98304xf32, #tpu.memory_space<vmem>>, vector<16xf32>,
        %parallel_loop3A_763 = vector.shape_cast %parallel_loop3A_762 : vector<16xf32> to vector<16xf32>
        %parallel_loop3A_764 = arith.addf %parallel_loop3A_758, %parallel_loop3A_763 : vector<16xf32>
        %parallel_loop3A_765 = arith.constant 9 : i32
        %parallel_loop3A_766 = arith.addi %parallel_loop3A_231, %parallel_loop3A_765 : i32
        %parallel_loop3A_767 = arith.index_cast %parallel_loop3A_766 : i32 to index
        %parallel_loop3A_768 = arith.constant 0 : index
        %parallel_loop3A_769 = tpu.vector_load %arg8[%parallel_loop3A_767, %parallel_loop3A_768] {strides = array<i32>} : memref<80x32xf32, #tpu.memory_space<vmem>>, vector<1x16xf32>,
        %parallel_loop3A_770 = vector.shape_cast %parallel_loop3A_769 : vector<1x16xf32> to vector<16xf32>
        %parallel_loop3A_771 = vector.shape_cast %parallel_loop3A_764 : vector<16xf32> to vector<1x16xf32>
        tpu.vector_store %arg8[%parallel_loop3A_767, %parallel_loop3A_768], %parallel_loop3A_771 {strides = array<i32>} : memref<80x32xf32, #tpu.memory_space<vmem>>, vector<1x16xf32>,
        %parallel_loop3A_772 = arith.constant 16 : i32
        %parallel_loop3A_773 = arith.addi %parallel_loop3A_743, %parallel_loop3A_772 : i32
        %parallel_loop3A_774 = arith.index_cast %parallel_loop3A_773 : i32 to index
        %parallel_loop3A_775 = tpu.vector_load %arg7[%parallel_loop3A_774] {strides = array<i32>} : memref<98304xf32, #tpu.memory_space<vmem>>, vector<16xf32>,
        %parallel_loop3A_776 = vector.shape_cast %parallel_loop3A_775 : vector<16xf32> to vector<16xf32>
        %parallel_loop3A_777 = arith.constant 16 : i32
        %parallel_loop3A_778 = arith.addi %parallel_loop3A_745, %parallel_loop3A_777 : i32
        %parallel_loop3A_779 = arith.index_cast %parallel_loop3A_778 : i32 to index
        %parallel_loop3A_780 = tpu.vector_load %arg7[%parallel_loop3A_779] {strides = array<i32>} : memref<98304xf32, #tpu.memory_space<vmem>>, vector<16xf32>,
        %parallel_loop3A_781 = vector.shape_cast %parallel_loop3A_780 : vector<16xf32> to vector<16xf32>
        %parallel_loop3A_782 = arith.addf %parallel_loop3A_776, %parallel_loop3A_781 : vector<16xf32>
        %parallel_loop3A_783 = arith.constant 16 : i32
        %parallel_loop3A_784 = arith.addi %parallel_loop3A_747, %parallel_loop3A_783 : i32
        %parallel_loop3A_785 = arith.index_cast %parallel_loop3A_784 : i32 to index
        %parallel_loop3A_786 = tpu.vector_load %arg7[%parallel_loop3A_785] {strides = array<i32>} : memref<98304xf32, #tpu.memory_space<vmem>>, vector<16xf32>,
        %parallel_loop3A_787 = vector.shape_cast %parallel_loop3A_786 : vector<16xf32> to vector<16xf32>
        %parallel_loop3A_788 = arith.addf %parallel_loop3A_782, %parallel_loop3A_787 : vector<16xf32>
        %parallel_loop3A_789 = arith.constant 9 : i32
        %parallel_loop3A_790 = arith.addi %parallel_loop3A_231, %parallel_loop3A_789 : i32
        %parallel_loop3A_791 = arith.index_cast %parallel_loop3A_790 : i32 to index
        %parallel_loop3A_792 = arith.constant 16 : index
        %parallel_loop3A_793 = tpu.vector_load %arg8[%parallel_loop3A_791, %parallel_loop3A_792] {strides = array<i32>} : memref<80x32xf32, #tpu.memory_space<vmem>>, vector<1x16xf32>,
        %parallel_loop3A_794 = vector.shape_cast %parallel_loop3A_793 : vector<1x16xf32> to vector<16xf32>
        %parallel_loop3A_795 = vector.shape_cast %parallel_loop3A_788 : vector<16xf32> to vector<1x16xf32>
        tpu.vector_store %arg8[%parallel_loop3A_791, %parallel_loop3A_792], %parallel_loop3A_795 {strides = array<i32>} : memref<80x32xf32, #tpu.memory_space<vmem>>, vector<1x16xf32>,
        %parallel_loop3A_796 = vector.extract_strided_slice %parallel_loop3A_237 {offsets = [10], sizes = [1], strides = [1]} : vector<16xi32> to vector<1xi32>
        %parallel_loop3A_797 = vector.extract %parallel_loop3A_796[0] : i32 from vector<1xi32>
        %parallel_loop3A_798 = vector.extract_strided_slice %parallel_loop3A_246 {offsets = [10], sizes = [1], strides = [1]} : vector<16xi32> to vector<1xi32>
        %parallel_loop3A_799 = vector.extract %parallel_loop3A_798[0] : i32 from vector<1xi32>
        %parallel_loop3A_800 = vector.extract_strided_slice %parallel_loop3A_255 {offsets = [10], sizes = [1], strides = [1]} : vector<16xi32> to vector<1xi32>
        %parallel_loop3A_801 = vector.extract %parallel_loop3A_800[0] : i32 from vector<1xi32>
        %parallel_loop3A_802 = arith.constant 0 : i32
        %parallel_loop3A_803 = arith.addi %parallel_loop3A_797, %parallel_loop3A_802 : i32
        %parallel_loop3A_804 = arith.index_cast %parallel_loop3A_803 : i32 to index
        %parallel_loop3A_805 = tpu.vector_load %arg7[%parallel_loop3A_804] {strides = array<i32>} : memref<98304xf32, #tpu.memory_space<vmem>>, vector<16xf32>,
        %parallel_loop3A_806 = vector.shape_cast %parallel_loop3A_805 : vector<16xf32> to vector<16xf32>
        %parallel_loop3A_807 = arith.constant 0 : i32
        %parallel_loop3A_808 = arith.addi %parallel_loop3A_799, %parallel_loop3A_807 : i32
        %parallel_loop3A_809 = arith.index_cast %parallel_loop3A_808 : i32 to index
        %parallel_loop3A_810 = tpu.vector_load %arg7[%parallel_loop3A_809] {strides = array<i32>} : memref<98304xf32, #tpu.memory_space<vmem>>, vector<16xf32>,
        %parallel_loop3A_811 = vector.shape_cast %parallel_loop3A_810 : vector<16xf32> to vector<16xf32>
        %parallel_loop3A_812 = arith.addf %parallel_loop3A_806, %parallel_loop3A_811 : vector<16xf32>
        %parallel_loop3A_813 = arith.constant 0 : i32
        %parallel_loop3A_814 = arith.addi %parallel_loop3A_801, %parallel_loop3A_813 : i32
        %parallel_loop3A_815 = arith.index_cast %parallel_loop3A_814 : i32 to index
        %parallel_loop3A_816 = tpu.vector_load %arg7[%parallel_loop3A_815] {strides = array<i32>} : memref<98304xf32, #tpu.memory_space<vmem>>, vector<16xf32>,
        %parallel_loop3A_817 = vector.shape_cast %parallel_loop3A_816 : vector<16xf32> to vector<16xf32>
        %parallel_loop3A_818 = arith.addf %parallel_loop3A_812, %parallel_loop3A_817 : vector<16xf32>
        %parallel_loop3A_819 = arith.constant 10 : i32
        %parallel_loop3A_820 = arith.addi %parallel_loop3A_231, %parallel_loop3A_819 : i32
        %parallel_loop3A_821 = arith.index_cast %parallel_loop3A_820 : i32 to index
        %parallel_loop3A_822 = arith.constant 0 : index
        %parallel_loop3A_823 = tpu.vector_load %arg8[%parallel_loop3A_821, %parallel_loop3A_822] {strides = array<i32>} : memref<80x32xf32, #tpu.memory_space<vmem>>, vector<1x16xf32>,
        %parallel_loop3A_824 = vector.shape_cast %parallel_loop3A_823 : vector<1x16xf32> to vector<16xf32>
        %parallel_loop3A_825 = vector.shape_cast %parallel_loop3A_818 : vector<16xf32> to vector<1x16xf32>
        tpu.vector_store %arg8[%parallel_loop3A_821, %parallel_loop3A_822], %parallel_loop3A_825 {strides = array<i32>} : memref<80x32xf32, #tpu.memory_space<vmem>>, vector<1x16xf32>,
        %parallel_loop3A_826 = arith.constant 16 : i32
        %parallel_loop3A_827 = arith.addi %parallel_loop3A_797, %parallel_loop3A_826 : i32
        %parallel_loop3A_828 = arith.index_cast %parallel_loop3A_827 : i32 to index
        %parallel_loop3A_829 = tpu.vector_load %arg7[%parallel_loop3A_828] {strides = array<i32>} : memref<98304xf32, #tpu.memory_space<vmem>>, vector<16xf32>,
        %parallel_loop3A_830 = vector.shape_cast %parallel_loop3A_829 : vector<16xf32> to vector<16xf32>
        %parallel_loop3A_831 = arith.constant 16 : i32
        %parallel_loop3A_832 = arith.addi %parallel_loop3A_799, %parallel_loop3A_831 : i32
        %parallel_loop3A_833 = arith.index_cast %parallel_loop3A_832 : i32 to index
        %parallel_loop3A_834 = tpu.vector_load %arg7[%parallel_loop3A_833] {strides = array<i32>} : memref<98304xf32, #tpu.memory_space<vmem>>, vector<16xf32>,
        %parallel_loop3A_835 = vector.shape_cast %parallel_loop3A_834 : vector<16xf32> to vector<16xf32>
        %parallel_loop3A_836 = arith.addf %parallel_loop3A_830, %parallel_loop3A_835 : vector<16xf32>
        %parallel_loop3A_837 = arith.constant 16 : i32
        %parallel_loop3A_838 = arith.addi %parallel_loop3A_801, %parallel_loop3A_837 : i32
        %parallel_loop3A_839 = arith.index_cast %parallel_loop3A_838 : i32 to index
        %parallel_loop3A_840 = tpu.vector_load %arg7[%parallel_loop3A_839] {strides = array<i32>} : memref<98304xf32, #tpu.memory_space<vmem>>, vector<16xf32>,
        %parallel_loop3A_841 = vector.shape_cast %parallel_loop3A_840 : vector<16xf32> to vector<16xf32>
        %parallel_loop3A_842 = arith.addf %parallel_loop3A_836, %parallel_loop3A_841 : vector<16xf32>
        %parallel_loop3A_843 = arith.constant 10 : i32
        %parallel_loop3A_844 = arith.addi %parallel_loop3A_231, %parallel_loop3A_843 : i32
        %parallel_loop3A_845 = arith.index_cast %parallel_loop3A_844 : i32 to index
        %parallel_loop3A_846 = arith.constant 16 : index
        %parallel_loop3A_847 = tpu.vector_load %arg8[%parallel_loop3A_845, %parallel_loop3A_846] {strides = array<i32>} : memref<80x32xf32, #tpu.memory_space<vmem>>, vector<1x16xf32>,
        %parallel_loop3A_848 = vector.shape_cast %parallel_loop3A_847 : vector<1x16xf32> to vector<16xf32>
        %parallel_loop3A_849 = vector.shape_cast %parallel_loop3A_842 : vector<16xf32> to vector<1x16xf32>
        tpu.vector_store %arg8[%parallel_loop3A_845, %parallel_loop3A_846], %parallel_loop3A_849 {strides = array<i32>} : memref<80x32xf32, #tpu.memory_space<vmem>>, vector<1x16xf32>,
        %parallel_loop3A_850 = vector.extract_strided_slice %parallel_loop3A_237 {offsets = [11], sizes = [1], strides = [1]} : vector<16xi32> to vector<1xi32>
        %parallel_loop3A_851 = vector.extract %parallel_loop3A_850[0] : i32 from vector<1xi32>
        %parallel_loop3A_852 = vector.extract_strided_slice %parallel_loop3A_246 {offsets = [11], sizes = [1], strides = [1]} : vector<16xi32> to vector<1xi32>
        %parallel_loop3A_853 = vector.extract %parallel_loop3A_852[0] : i32 from vector<1xi32>
        %parallel_loop3A_854 = vector.extract_strided_slice %parallel_loop3A_255 {offsets = [11], sizes = [1], strides = [1]} : vector<16xi32> to vector<1xi32>
        %parallel_loop3A_855 = vector.extract %parallel_loop3A_854[0] : i32 from vector<1xi32>
        %parallel_loop3A_856 = arith.constant 0 : i32
        %parallel_loop3A_857 = arith.addi %parallel_loop3A_851, %parallel_loop3A_856 : i32
        %parallel_loop3A_858 = arith.index_cast %parallel_loop3A_857 : i32 to index
        %parallel_loop3A_859 = tpu.vector_load %arg7[%parallel_loop3A_858] {strides = array<i32>} : memref<98304xf32, #tpu.memory_space<vmem>>, vector<16xf32>,
        %parallel_loop3A_860 = vector.shape_cast %parallel_loop3A_859 : vector<16xf32> to vector<16xf32>
        %parallel_loop3A_861 = arith.constant 0 : i32
        %parallel_loop3A_862 = arith.addi %parallel_loop3A_853, %parallel_loop3A_861 : i32
        %parallel_loop3A_863 = arith.index_cast %parallel_loop3A_862 : i32 to index
        %parallel_loop3A_864 = tpu.vector_load %arg7[%parallel_loop3A_863] {strides = array<i32>} : memref<98304xf32, #tpu.memory_space<vmem>>, vector<16xf32>,
        %parallel_loop3A_865 = vector.shape_cast %parallel_loop3A_864 : vector<16xf32> to vector<16xf32>
        %parallel_loop3A_866 = arith.addf %parallel_loop3A_860, %parallel_loop3A_865 : vector<16xf32>
        %parallel_loop3A_867 = arith.constant 0 : i32
        %parallel_loop3A_868 = arith.addi %parallel_loop3A_855, %parallel_loop3A_867 : i32
        %parallel_loop3A_869 = arith.index_cast %parallel_loop3A_868 : i32 to index
        %parallel_loop3A_870 = tpu.vector_load %arg7[%parallel_loop3A_869] {strides = array<i32>} : memref<98304xf32, #tpu.memory_space<vmem>>, vector<16xf32>,
        %parallel_loop3A_871 = vector.shape_cast %parallel_loop3A_870 : vector<16xf32> to vector<16xf32>
        %parallel_loop3A_872 = arith.addf %parallel_loop3A_866, %parallel_loop3A_871 : vector<16xf32>
        %parallel_loop3A_873 = arith.constant 11 : i32
        %parallel_loop3A_874 = arith.addi %parallel_loop3A_231, %parallel_loop3A_873 : i32
        %parallel_loop3A_875 = arith.index_cast %parallel_loop3A_874 : i32 to index
        %parallel_loop3A_876 = arith.constant 0 : index
        %parallel_loop3A_877 = tpu.vector_load %arg8[%parallel_loop3A_875, %parallel_loop3A_876] {strides = array<i32>} : memref<80x32xf32, #tpu.memory_space<vmem>>, vector<1x16xf32>,
        %parallel_loop3A_878 = vector.shape_cast %parallel_loop3A_877 : vector<1x16xf32> to vector<16xf32>
        %parallel_loop3A_879 = vector.shape_cast %parallel_loop3A_872 : vector<16xf32> to vector<1x16xf32>
        tpu.vector_store %arg8[%parallel_loop3A_875, %parallel_loop3A_876], %parallel_loop3A_879 {strides = array<i32>} : memref<80x32xf32, #tpu.memory_space<vmem>>, vector<1x16xf32>,
        %parallel_loop3A_880 = arith.constant 16 : i32
        %parallel_loop3A_881 = arith.addi %parallel_loop3A_851, %parallel_loop3A_880 : i32
        %parallel_loop3A_882 = arith.index_cast %parallel_loop3A_881 : i32 to index
        %parallel_loop3A_883 = tpu.vector_load %arg7[%parallel_loop3A_882] {strides = array<i32>} : memref<98304xf32, #tpu.memory_space<vmem>>, vector<16xf32>,
        %parallel_loop3A_884 = vector.shape_cast %parallel_loop3A_883 : vector<16xf32> to vector<16xf32>
        %parallel_loop3A_885 = arith.constant 16 : i32
        %parallel_loop3A_886 = arith.addi %parallel_loop3A_853, %parallel_loop3A_885 : i32
        %parallel_loop3A_887 = arith.index_cast %parallel_loop3A_886 : i32 to index
        %parallel_loop3A_888 = tpu.vector_load %arg7[%parallel_loop3A_887] {strides = array<i32>} : memref<98304xf32, #tpu.memory_space<vmem>>, vector<16xf32>,
        %parallel_loop3A_889 = vector.shape_cast %parallel_loop3A_888 : vector<16xf32> to vector<16xf32>
        %parallel_loop3A_890 = arith.addf %parallel_loop3A_884, %parallel_loop3A_889 : vector<16xf32>
        %parallel_loop3A_891 = arith.constant 16 : i32
        %parallel_loop3A_892 = arith.addi %parallel_loop3A_855, %parallel_loop3A_891 : i32
        %parallel_loop3A_893 = arith.index_cast %parallel_loop3A_892 : i32 to index
        %parallel_loop3A_894 = tpu.vector_load %arg7[%parallel_loop3A_893] {strides = array<i32>} : memref<98304xf32, #tpu.memory_space<vmem>>, vector<16xf32>,
        %parallel_loop3A_895 = vector.shape_cast %parallel_loop3A_894 : vector<16xf32> to vector<16xf32>
        %parallel_loop3A_896 = arith.addf %parallel_loop3A_890, %parallel_loop3A_895 : vector<16xf32>
        %parallel_loop3A_897 = arith.constant 11 : i32
        %parallel_loop3A_898 = arith.addi %parallel_loop3A_231, %parallel_loop3A_897 : i32
        %parallel_loop3A_899 = arith.index_cast %parallel_loop3A_898 : i32 to index
        %parallel_loop3A_900 = arith.constant 16 : index
        %parallel_loop3A_901 = tpu.vector_load %arg8[%parallel_loop3A_899, %parallel_loop3A_900] {strides = array<i32>} : memref<80x32xf32, #tpu.memory_space<vmem>>, vector<1x16xf32>,
        %parallel_loop3A_902 = vector.shape_cast %parallel_loop3A_901 : vector<1x16xf32> to vector<16xf32>
        %parallel_loop3A_903 = vector.shape_cast %parallel_loop3A_896 : vector<16xf32> to vector<1x16xf32>
        tpu.vector_store %arg8[%parallel_loop3A_899, %parallel_loop3A_900], %parallel_loop3A_903 {strides = array<i32>} : memref<80x32xf32, #tpu.memory_space<vmem>>, vector<1x16xf32>,
        %parallel_loop3A_904 = vector.extract_strided_slice %parallel_loop3A_237 {offsets = [12], sizes = [1], strides = [1]} : vector<16xi32> to vector<1xi32>
        %parallel_loop3A_905 = vector.extract %parallel_loop3A_904[0] : i32 from vector<1xi32>
        %parallel_loop3A_906 = vector.extract_strided_slice %parallel_loop3A_246 {offsets = [12], sizes = [1], strides = [1]} : vector<16xi32> to vector<1xi32>
        %parallel_loop3A_907 = vector.extract %parallel_loop3A_906[0] : i32 from vector<1xi32>
        %parallel_loop3A_908 = vector.extract_strided_slice %parallel_loop3A_255 {offsets = [12], sizes = [1], strides = [1]} : vector<16xi32> to vector<1xi32>
        %parallel_loop3A_909 = vector.extract %parallel_loop3A_908[0] : i32 from vector<1xi32>
        %parallel_loop3A_910 = arith.constant 0 : i32
        %parallel_loop3A_911 = arith.addi %parallel_loop3A_905, %parallel_loop3A_910 : i32
        %parallel_loop3A_912 = arith.index_cast %parallel_loop3A_911 : i32 to index
        %parallel_loop3A_913 = tpu.vector_load %arg7[%parallel_loop3A_912] {strides = array<i32>} : memref<98304xf32, #tpu.memory_space<vmem>>, vector<16xf32>,
        %parallel_loop3A_914 = vector.shape_cast %parallel_loop3A_913 : vector<16xf32> to vector<16xf32>
        %parallel_loop3A_915 = arith.constant 0 : i32
        %parallel_loop3A_916 = arith.addi %parallel_loop3A_907, %parallel_loop3A_915 : i32
        %parallel_loop3A_917 = arith.index_cast %parallel_loop3A_916 : i32 to index
        %parallel_loop3A_918 = tpu.vector_load %arg7[%parallel_loop3A_917] {strides = array<i32>} : memref<98304xf32, #tpu.memory_space<vmem>>, vector<16xf32>,
        %parallel_loop3A_919 = vector.shape_cast %parallel_loop3A_918 : vector<16xf32> to vector<16xf32>
        %parallel_loop3A_920 = arith.addf %parallel_loop3A_914, %parallel_loop3A_919 : vector<16xf32>
        %parallel_loop3A_921 = arith.constant 0 : i32
        %parallel_loop3A_922 = arith.addi %parallel_loop3A_909, %parallel_loop3A_921 : i32
        %parallel_loop3A_923 = arith.index_cast %parallel_loop3A_922 : i32 to index
        %parallel_loop3A_924 = tpu.vector_load %arg7[%parallel_loop3A_923] {strides = array<i32>} : memref<98304xf32, #tpu.memory_space<vmem>>, vector<16xf32>,
        %parallel_loop3A_925 = vector.shape_cast %parallel_loop3A_924 : vector<16xf32> to vector<16xf32>
        %parallel_loop3A_926 = arith.addf %parallel_loop3A_920, %parallel_loop3A_925 : vector<16xf32>
        %parallel_loop3A_927 = arith.constant 12 : i32
        %parallel_loop3A_928 = arith.addi %parallel_loop3A_231, %parallel_loop3A_927 : i32
        %parallel_loop3A_929 = arith.index_cast %parallel_loop3A_928 : i32 to index
        %parallel_loop3A_930 = arith.constant 0 : index
        %parallel_loop3A_931 = tpu.vector_load %arg8[%parallel_loop3A_929, %parallel_loop3A_930] {strides = array<i32>} : memref<80x32xf32, #tpu.memory_space<vmem>>, vector<1x16xf32>,
        %parallel_loop3A_932 = vector.shape_cast %parallel_loop3A_931 : vector<1x16xf32> to vector<16xf32>
        %parallel_loop3A_933 = vector.shape_cast %parallel_loop3A_926 : vector<16xf32> to vector<1x16xf32>
        tpu.vector_store %arg8[%parallel_loop3A_929, %parallel_loop3A_930], %parallel_loop3A_933 {strides = array<i32>} : memref<80x32xf32, #tpu.memory_space<vmem>>, vector<1x16xf32>,
        %parallel_loop3A_934 = arith.constant 16 : i32
        %parallel_loop3A_935 = arith.addi %parallel_loop3A_905, %parallel_loop3A_934 : i32
        %parallel_loop3A_936 = arith.index_cast %parallel_loop3A_935 : i32 to index
        %parallel_loop3A_937 = tpu.vector_load %arg7[%parallel_loop3A_936] {strides = array<i32>} : memref<98304xf32, #tpu.memory_space<vmem>>, vector<16xf32>,
        %parallel_loop3A_938 = vector.shape_cast %parallel_loop3A_937 : vector<16xf32> to vector<16xf32>
        %parallel_loop3A_939 = arith.constant 16 : i32
        %parallel_loop3A_940 = arith.addi %parallel_loop3A_907, %parallel_loop3A_939 : i32
        %parallel_loop3A_941 = arith.index_cast %parallel_loop3A_940 : i32 to index
        %parallel_loop3A_942 = tpu.vector_load %arg7[%parallel_loop3A_941] {strides = array<i32>} : memref<98304xf32, #tpu.memory_space<vmem>>, vector<16xf32>,
        %parallel_loop3A_943 = vector.shape_cast %parallel_loop3A_942 : vector<16xf32> to vector<16xf32>
        %parallel_loop3A_944 = arith.addf %parallel_loop3A_938, %parallel_loop3A_943 : vector<16xf32>
        %parallel_loop3A_945 = arith.constant 16 : i32
        %parallel_loop3A_946 = arith.addi %parallel_loop3A_909, %parallel_loop3A_945 : i32
        %parallel_loop3A_947 = arith.index_cast %parallel_loop3A_946 : i32 to index
        %parallel_loop3A_948 = tpu.vector_load %arg7[%parallel_loop3A_947] {strides = array<i32>} : memref<98304xf32, #tpu.memory_space<vmem>>, vector<16xf32>,
        %parallel_loop3A_949 = vector.shape_cast %parallel_loop3A_948 : vector<16xf32> to vector<16xf32>
        %parallel_loop3A_950 = arith.addf %parallel_loop3A_944, %parallel_loop3A_949 : vector<16xf32>
        %parallel_loop3A_951 = arith.constant 12 : i32
        %parallel_loop3A_952 = arith.addi %parallel_loop3A_231, %parallel_loop3A_951 : i32
        %parallel_loop3A_953 = arith.index_cast %parallel_loop3A_952 : i32 to index
        %parallel_loop3A_954 = arith.constant 16 : index
        %parallel_loop3A_955 = tpu.vector_load %arg8[%parallel_loop3A_953, %parallel_loop3A_954] {strides = array<i32>} : memref<80x32xf32, #tpu.memory_space<vmem>>, vector<1x16xf32>,
        %parallel_loop3A_956 = vector.shape_cast %parallel_loop3A_955 : vector<1x16xf32> to vector<16xf32>
        %parallel_loop3A_957 = vector.shape_cast %parallel_loop3A_950 : vector<16xf32> to vector<1x16xf32>
        tpu.vector_store %arg8[%parallel_loop3A_953, %parallel_loop3A_954], %parallel_loop3A_957 {strides = array<i32>} : memref<80x32xf32, #tpu.memory_space<vmem>>, vector<1x16xf32>,
        %parallel_loop3A_958 = vector.extract_strided_slice %parallel_loop3A_237 {offsets = [13], sizes = [1], strides = [1]} : vector<16xi32> to vector<1xi32>
        %parallel_loop3A_959 = vector.extract %parallel_loop3A_958[0] : i32 from vector<1xi32>
        %parallel_loop3A_960 = vector.extract_strided_slice %parallel_loop3A_246 {offsets = [13], sizes = [1], strides = [1]} : vector<16xi32> to vector<1xi32>
        %parallel_loop3A_961 = vector.extract %parallel_loop3A_960[0] : i32 from vector<1xi32>
        %parallel_loop3A_962 = vector.extract_strided_slice %parallel_loop3A_255 {offsets = [13], sizes = [1], strides = [1]} : vector<16xi32> to vector<1xi32>
        %parallel_loop3A_963 = vector.extract %parallel_loop3A_962[0] : i32 from vector<1xi32>
        %parallel_loop3A_964 = arith.constant 0 : i32
        %parallel_loop3A_965 = arith.addi %parallel_loop3A_959, %parallel_loop3A_964 : i32
        %parallel_loop3A_966 = arith.index_cast %parallel_loop3A_965 : i32 to index
        %parallel_loop3A_967 = tpu.vector_load %arg7[%parallel_loop3A_966] {strides = array<i32>} : memref<98304xf32, #tpu.memory_space<vmem>>, vector<16xf32>,
        %parallel_loop3A_968 = vector.shape_cast %parallel_loop3A_967 : vector<16xf32> to vector<16xf32>
        %parallel_loop3A_969 = arith.constant 0 : i32
        %parallel_loop3A_970 = arith.addi %parallel_loop3A_961, %parallel_loop3A_969 : i32
        %parallel_loop3A_971 = arith.index_cast %parallel_loop3A_970 : i32 to index
        %parallel_loop3A_972 = tpu.vector_load %arg7[%parallel_loop3A_971] {strides = array<i32>} : memref<98304xf32, #tpu.memory_space<vmem>>, vector<16xf32>,
        %parallel_loop3A_973 = vector.shape_cast %parallel_loop3A_972 : vector<16xf32> to vector<16xf32>
        %parallel_loop3A_974 = arith.addf %parallel_loop3A_968, %parallel_loop3A_973 : vector<16xf32>
        %parallel_loop3A_975 = arith.constant 0 : i32
        %parallel_loop3A_976 = arith.addi %parallel_loop3A_963, %parallel_loop3A_975 : i32
        %parallel_loop3A_977 = arith.index_cast %parallel_loop3A_976 : i32 to index
        %parallel_loop3A_978 = tpu.vector_load %arg7[%parallel_loop3A_977] {strides = array<i32>} : memref<98304xf32, #tpu.memory_space<vmem>>, vector<16xf32>,
        %parallel_loop3A_979 = vector.shape_cast %parallel_loop3A_978 : vector<16xf32> to vector<16xf32>
        %parallel_loop3A_980 = arith.addf %parallel_loop3A_974, %parallel_loop3A_979 : vector<16xf32>
        %parallel_loop3A_981 = arith.constant 13 : i32
        %parallel_loop3A_982 = arith.addi %parallel_loop3A_231, %parallel_loop3A_981 : i32
        %parallel_loop3A_983 = arith.index_cast %parallel_loop3A_982 : i32 to index
        %parallel_loop3A_984 = arith.constant 0 : index
        %parallel_loop3A_985 = tpu.vector_load %arg8[%parallel_loop3A_983, %parallel_loop3A_984] {strides = array<i32>} : memref<80x32xf32, #tpu.memory_space<vmem>>, vector<1x16xf32>,
        %parallel_loop3A_986 = vector.shape_cast %parallel_loop3A_985 : vector<1x16xf32> to vector<16xf32>
        %parallel_loop3A_987 = vector.shape_cast %parallel_loop3A_980 : vector<16xf32> to vector<1x16xf32>
        tpu.vector_store %arg8[%parallel_loop3A_983, %parallel_loop3A_984], %parallel_loop3A_987 {strides = array<i32>} : memref<80x32xf32, #tpu.memory_space<vmem>>, vector<1x16xf32>,
        %parallel_loop3A_988 = arith.constant 16 : i32
        %parallel_loop3A_989 = arith.addi %parallel_loop3A_959, %parallel_loop3A_988 : i32
        %parallel_loop3A_990 = arith.index_cast %parallel_loop3A_989 : i32 to index
        %parallel_loop3A_991 = tpu.vector_load %arg7[%parallel_loop3A_990] {strides = array<i32>} : memref<98304xf32, #tpu.memory_space<vmem>>, vector<16xf32>,
        %parallel_loop3A_992 = vector.shape_cast %parallel_loop3A_991 : vector<16xf32> to vector<16xf32>
        %parallel_loop3A_993 = arith.constant 16 : i32
        %parallel_loop3A_994 = arith.addi %parallel_loop3A_961, %parallel_loop3A_993 : i32
        %parallel_loop3A_995 = arith.index_cast %parallel_loop3A_994 : i32 to index
        %parallel_loop3A_996 = tpu.vector_load %arg7[%parallel_loop3A_995] {strides = array<i32>} : memref<98304xf32, #tpu.memory_space<vmem>>, vector<16xf32>,
        %parallel_loop3A_997 = vector.shape_cast %parallel_loop3A_996 : vector<16xf32> to vector<16xf32>
        %parallel_loop3A_998 = arith.addf %parallel_loop3A_992, %parallel_loop3A_997 : vector<16xf32>
        %parallel_loop3A_999 = arith.constant 16 : i32
        %parallel_loop3A_1000 = arith.addi %parallel_loop3A_963, %parallel_loop3A_999 : i32
        %parallel_loop3A_1001 = arith.index_cast %parallel_loop3A_1000 : i32 to index
        %parallel_loop3A_1002 = tpu.vector_load %arg7[%parallel_loop3A_1001] {strides = array<i32>} : memref<98304xf32, #tpu.memory_space<vmem>>, vector<16xf32>,
        %parallel_loop3A_1003 = vector.shape_cast %parallel_loop3A_1002 : vector<16xf32> to vector<16xf32>
        %parallel_loop3A_1004 = arith.addf %parallel_loop3A_998, %parallel_loop3A_1003 : vector<16xf32>
        %parallel_loop3A_1005 = arith.constant 13 : i32
        %parallel_loop3A_1006 = arith.addi %parallel_loop3A_231, %parallel_loop3A_1005 : i32
        %parallel_loop3A_1007 = arith.index_cast %parallel_loop3A_1006 : i32 to index
        %parallel_loop3A_1008 = arith.constant 16 : index
        %parallel_loop3A_1009 = tpu.vector_load %arg8[%parallel_loop3A_1007, %parallel_loop3A_1008] {strides = array<i32>} : memref<80x32xf32, #tpu.memory_space<vmem>>, vector<1x16xf32>,
        %parallel_loop3A_1010 = vector.shape_cast %parallel_loop3A_1009 : vector<1x16xf32> to vector<16xf32>
        %parallel_loop3A_1011 = vector.shape_cast %parallel_loop3A_1004 : vector<16xf32> to vector<1x16xf32>
        tpu.vector_store %arg8[%parallel_loop3A_1007, %parallel_loop3A_1008], %parallel_loop3A_1011 {strides = array<i32>} : memref<80x32xf32, #tpu.memory_space<vmem>>, vector<1x16xf32>,
        %parallel_loop3A_1012 = vector.extract_strided_slice %parallel_loop3A_237 {offsets = [14], sizes = [1], strides = [1]} : vector<16xi32> to vector<1xi32>
        %parallel_loop3A_1013 = vector.extract %parallel_loop3A_1012[0] : i32 from vector<1xi32>
        %parallel_loop3A_1014 = vector.extract_strided_slice %parallel_loop3A_246 {offsets = [14], sizes = [1], strides = [1]} : vector<16xi32> to vector<1xi32>
        %parallel_loop3A_1015 = vector.extract %parallel_loop3A_1014[0] : i32 from vector<1xi32>
        %parallel_loop3A_1016 = vector.extract_strided_slice %parallel_loop3A_255 {offsets = [14], sizes = [1], strides = [1]} : vector<16xi32> to vector<1xi32>
        %parallel_loop3A_1017 = vector.extract %parallel_loop3A_1016[0] : i32 from vector<1xi32>
        %parallel_loop3A_1018 = arith.constant 0 : i32
        %parallel_loop3A_1019 = arith.addi %parallel_loop3A_1013, %parallel_loop3A_1018 : i32
        %parallel_loop3A_1020 = arith.index_cast %parallel_loop3A_1019 : i32 to index
        %parallel_loop3A_1021 = tpu.vector_load %arg7[%parallel_loop3A_1020] {strides = array<i32>} : memref<98304xf32, #tpu.memory_space<vmem>>, vector<16xf32>,
        %parallel_loop3A_1022 = vector.shape_cast %parallel_loop3A_1021 : vector<16xf32> to vector<16xf32>
        %parallel_loop3A_1023 = arith.constant 0 : i32
        %parallel_loop3A_1024 = arith.addi %parallel_loop3A_1015, %parallel_loop3A_1023 : i32
        %parallel_loop3A_1025 = arith.index_cast %parallel_loop3A_1024 : i32 to index
        %parallel_loop3A_1026 = tpu.vector_load %arg7[%parallel_loop3A_1025] {strides = array<i32>} : memref<98304xf32, #tpu.memory_space<vmem>>, vector<16xf32>,
        %parallel_loop3A_1027 = vector.shape_cast %parallel_loop3A_1026 : vector<16xf32> to vector<16xf32>
        %parallel_loop3A_1028 = arith.addf %parallel_loop3A_1022, %parallel_loop3A_1027 : vector<16xf32>
        %parallel_loop3A_1029 = arith.constant 0 : i32
        %parallel_loop3A_1030 = arith.addi %parallel_loop3A_1017, %parallel_loop3A_1029 : i32
        %parallel_loop3A_1031 = arith.index_cast %parallel_loop3A_1030 : i32 to index
        %parallel_loop3A_1032 = tpu.vector_load %arg7[%parallel_loop3A_1031] {strides = array<i32>} : memref<98304xf32, #tpu.memory_space<vmem>>, vector<16xf32>,
        %parallel_loop3A_1033 = vector.shape_cast %parallel_loop3A_1032 : vector<16xf32> to vector<16xf32>
        %parallel_loop3A_1034 = arith.addf %parallel_loop3A_1028, %parallel_loop3A_1033 : vector<16xf32>
        %parallel_loop3A_1035 = arith.constant 14 : i32
        %parallel_loop3A_1036 = arith.addi %parallel_loop3A_231, %parallel_loop3A_1035 : i32
        %parallel_loop3A_1037 = arith.index_cast %parallel_loop3A_1036 : i32 to index
        %parallel_loop3A_1038 = arith.constant 0 : index
        %parallel_loop3A_1039 = tpu.vector_load %arg8[%parallel_loop3A_1037, %parallel_loop3A_1038] {strides = array<i32>} : memref<80x32xf32, #tpu.memory_space<vmem>>, vector<1x16xf32>,
        %parallel_loop3A_1040 = vector.shape_cast %parallel_loop3A_1039 : vector<1x16xf32> to vector<16xf32>
        %parallel_loop3A_1041 = vector.shape_cast %parallel_loop3A_1034 : vector<16xf32> to vector<1x16xf32>
        tpu.vector_store %arg8[%parallel_loop3A_1037, %parallel_loop3A_1038], %parallel_loop3A_1041 {strides = array<i32>} : memref<80x32xf32, #tpu.memory_space<vmem>>, vector<1x16xf32>,
        %parallel_loop3A_1042 = arith.constant 16 : i32
        %parallel_loop3A_1043 = arith.addi %parallel_loop3A_1013, %parallel_loop3A_1042 : i32
        %parallel_loop3A_1044 = arith.index_cast %parallel_loop3A_1043 : i32 to index
        %parallel_loop3A_1045 = tpu.vector_load %arg7[%parallel_loop3A_1044] {strides = array<i32>} : memref<98304xf32, #tpu.memory_space<vmem>>, vector<16xf32>,
        %parallel_loop3A_1046 = vector.shape_cast %parallel_loop3A_1045 : vector<16xf32> to vector<16xf32>
        %parallel_loop3A_1047 = arith.constant 16 : i32
        %parallel_loop3A_1048 = arith.addi %parallel_loop3A_1015, %parallel_loop3A_1047 : i32
        %parallel_loop3A_1049 = arith.index_cast %parallel_loop3A_1048 : i32 to index
        %parallel_loop3A_1050 = tpu.vector_load %arg7[%parallel_loop3A_1049] {strides = array<i32>} : memref<98304xf32, #tpu.memory_space<vmem>>, vector<16xf32>,
        %parallel_loop3A_1051 = vector.shape_cast %parallel_loop3A_1050 : vector<16xf32> to vector<16xf32>
        %parallel_loop3A_1052 = arith.addf %parallel_loop3A_1046, %parallel_loop3A_1051 : vector<16xf32>
        %parallel_loop3A_1053 = arith.constant 16 : i32
        %parallel_loop3A_1054 = arith.addi %parallel_loop3A_1017, %parallel_loop3A_1053 : i32
        %parallel_loop3A_1055 = arith.index_cast %parallel_loop3A_1054 : i32 to index
        %parallel_loop3A_1056 = tpu.vector_load %arg7[%parallel_loop3A_1055] {strides = array<i32>} : memref<98304xf32, #tpu.memory_space<vmem>>, vector<16xf32>,
        %parallel_loop3A_1057 = vector.shape_cast %parallel_loop3A_1056 : vector<16xf32> to vector<16xf32>
        %parallel_loop3A_1058 = arith.addf %parallel_loop3A_1052, %parallel_loop3A_1057 : vector<16xf32>
        %parallel_loop3A_1059 = arith.constant 14 : i32
        %parallel_loop3A_1060 = arith.addi %parallel_loop3A_231, %parallel_loop3A_1059 : i32
        %parallel_loop3A_1061 = arith.index_cast %parallel_loop3A_1060 : i32 to index
        %parallel_loop3A_1062 = arith.constant 16 : index
        %parallel_loop3A_1063 = tpu.vector_load %arg8[%parallel_loop3A_1061, %parallel_loop3A_1062] {strides = array<i32>} : memref<80x32xf32, #tpu.memory_space<vmem>>, vector<1x16xf32>,
        %parallel_loop3A_1064 = vector.shape_cast %parallel_loop3A_1063 : vector<1x16xf32> to vector<16xf32>
        %parallel_loop3A_1065 = vector.shape_cast %parallel_loop3A_1058 : vector<16xf32> to vector<1x16xf32>
        tpu.vector_store %arg8[%parallel_loop3A_1061, %parallel_loop3A_1062], %parallel_loop3A_1065 {strides = array<i32>} : memref<80x32xf32, #tpu.memory_space<vmem>>, vector<1x16xf32>,
        %parallel_loop3A_1066 = vector.extract_strided_slice %parallel_loop3A_237 {offsets = [15], sizes = [1], strides = [1]} : vector<16xi32> to vector<1xi32>
        %parallel_loop3A_1067 = vector.extract %parallel_loop3A_1066[0] : i32 from vector<1xi32>
        %parallel_loop3A_1068 = vector.extract_strided_slice %parallel_loop3A_246 {offsets = [15], sizes = [1], strides = [1]} : vector<16xi32> to vector<1xi32>
        %parallel_loop3A_1069 = vector.extract %parallel_loop3A_1068[0] : i32 from vector<1xi32>
        %parallel_loop3A_1070 = vector.extract_strided_slice %parallel_loop3A_255 {offsets = [15], sizes = [1], strides = [1]} : vector<16xi32> to vector<1xi32>
        %parallel_loop3A_1071 = vector.extract %parallel_loop3A_1070[0] : i32 from vector<1xi32>
        %parallel_loop3A_1072 = arith.constant 0 : i32
        %parallel_loop3A_1073 = arith.addi %parallel_loop3A_1067, %parallel_loop3A_1072 : i32
        %parallel_loop3A_1074 = arith.index_cast %parallel_loop3A_1073 : i32 to index
        %parallel_loop3A_1075 = tpu.vector_load %arg7[%parallel_loop3A_1074] {strides = array<i32>} : memref<98304xf32, #tpu.memory_space<vmem>>, vector<16xf32>,
        %parallel_loop3A_1076 = vector.shape_cast %parallel_loop3A_1075 : vector<16xf32> to vector<16xf32>
        %parallel_loop3A_1077 = arith.constant 0 : i32
        %parallel_loop3A_1078 = arith.addi %parallel_loop3A_1069, %parallel_loop3A_1077 : i32
        %parallel_loop3A_1079 = arith.index_cast %parallel_loop3A_1078 : i32 to index
        %parallel_loop3A_1080 = tpu.vector_load %arg7[%parallel_loop3A_1079] {strides = array<i32>} : memref<98304xf32, #tpu.memory_space<vmem>>, vector<16xf32>,
        %parallel_loop3A_1081 = vector.shape_cast %parallel_loop3A_1080 : vector<16xf32> to vector<16xf32>
        %parallel_loop3A_1082 = arith.addf %parallel_loop3A_1076, %parallel_loop3A_1081 : vector<16xf32>
        %parallel_loop3A_1083 = arith.constant 0 : i32
        %parallel_loop3A_1084 = arith.addi %parallel_loop3A_1071, %parallel_loop3A_1083 : i32
        %parallel_loop3A_1085 = arith.index_cast %parallel_loop3A_1084 : i32 to index
        %parallel_loop3A_1086 = tpu.vector_load %arg7[%parallel_loop3A_1085] {strides = array<i32>} : memref<98304xf32, #tpu.memory_space<vmem>>, vector<16xf32>,
        %parallel_loop3A_1087 = vector.shape_cast %parallel_loop3A_1086 : vector<16xf32> to vector<16xf32>
        %parallel_loop3A_1088 = arith.addf %parallel_loop3A_1082, %parallel_loop3A_1087 : vector<16xf32>
        %parallel_loop3A_1089 = arith.constant 15 : i32
        %parallel_loop3A_1090 = arith.addi %parallel_loop3A_231, %parallel_loop3A_1089 : i32
        %parallel_loop3A_1091 = arith.index_cast %parallel_loop3A_1090 : i32 to index
        %parallel_loop3A_1092 = arith.constant 0 : index
        %parallel_loop3A_1093 = tpu.vector_load %arg8[%parallel_loop3A_1091, %parallel_loop3A_1092] {strides = array<i32>} : memref<80x32xf32, #tpu.memory_space<vmem>>, vector<1x16xf32>,
        %parallel_loop3A_1094 = vector.shape_cast %parallel_loop3A_1093 : vector<1x16xf32> to vector<16xf32>
        %parallel_loop3A_1095 = vector.shape_cast %parallel_loop3A_1088 : vector<16xf32> to vector<1x16xf32>
        tpu.vector_store %arg8[%parallel_loop3A_1091, %parallel_loop3A_1092], %parallel_loop3A_1095 {strides = array<i32>} : memref<80x32xf32, #tpu.memory_space<vmem>>, vector<1x16xf32>,
        %parallel_loop3A_1096 = arith.constant 16 : i32
        %parallel_loop3A_1097 = arith.addi %parallel_loop3A_1067, %parallel_loop3A_1096 : i32
        %parallel_loop3A_1098 = arith.index_cast %parallel_loop3A_1097 : i32 to index
        %parallel_loop3A_1099 = tpu.vector_load %arg7[%parallel_loop3A_1098] {strides = array<i32>} : memref<98304xf32, #tpu.memory_space<vmem>>, vector<16xf32>,
        %parallel_loop3A_1100 = vector.shape_cast %parallel_loop3A_1099 : vector<16xf32> to vector<16xf32>
        %parallel_loop3A_1101 = arith.constant 16 : i32
        %parallel_loop3A_1102 = arith.addi %parallel_loop3A_1069, %parallel_loop3A_1101 : i32
        %parallel_loop3A_1103 = arith.index_cast %parallel_loop3A_1102 : i32 to index
        %parallel_loop3A_1104 = tpu.vector_load %arg7[%parallel_loop3A_1103] {strides = array<i32>} : memref<98304xf32, #tpu.memory_space<vmem>>, vector<16xf32>,
        %parallel_loop3A_1105 = vector.shape_cast %parallel_loop3A_1104 : vector<16xf32> to vector<16xf32>
        %parallel_loop3A_1106 = arith.addf %parallel_loop3A_1100, %parallel_loop3A_1105 : vector<16xf32>
        %parallel_loop3A_1107 = arith.constant 16 : i32
        %parallel_loop3A_1108 = arith.addi %parallel_loop3A_1071, %parallel_loop3A_1107 : i32
        %parallel_loop3A_1109 = arith.index_cast %parallel_loop3A_1108 : i32 to index
        %parallel_loop3A_1110 = tpu.vector_load %arg7[%parallel_loop3A_1109] {strides = array<i32>} : memref<98304xf32, #tpu.memory_space<vmem>>, vector<16xf32>,
        %parallel_loop3A_1111 = vector.shape_cast %parallel_loop3A_1110 : vector<16xf32> to vector<16xf32>
        %parallel_loop3A_1112 = arith.addf %parallel_loop3A_1106, %parallel_loop3A_1111 : vector<16xf32>
        %parallel_loop3A_1113 = arith.constant 15 : i32
        %parallel_loop3A_1114 = arith.addi %parallel_loop3A_231, %parallel_loop3A_1113 : i32
        %parallel_loop3A_1115 = arith.index_cast %parallel_loop3A_1114 : i32 to index
        %parallel_loop3A_1116 = arith.constant 16 : index
        %parallel_loop3A_1117 = tpu.vector_load %arg8[%parallel_loop3A_1115, %parallel_loop3A_1116] {strides = array<i32>} : memref<80x32xf32, #tpu.memory_space<vmem>>, vector<1x16xf32>,
        %parallel_loop3A_1118 = vector.shape_cast %parallel_loop3A_1117 : vector<1x16xf32> to vector<16xf32>
        %parallel_loop3A_1119 = vector.shape_cast %parallel_loop3A_1112 : vector<16xf32> to vector<1x16xf32>
        tpu.vector_store %arg8[%parallel_loop3A_1115, %parallel_loop3A_1116], %parallel_loop3A_1119 {strides = array<i32>} : memref<80x32xf32, #tpu.memory_space<vmem>>, vector<1x16xf32>,
      } {sc.loop_unroll_factor = 1 : i64, sc.parallel_access}
      %min3A_136 = arith.constant 624 : i32
      %min3A_137 = arith.minsi %mul3A_111, %min3A_136 : i32
      %mul3A_138 = arith.constant 80 : i32
      %mul3A_139 = arith.muli %min3A_137, %mul3A_138 : i32
      %add3A_140 = arith.addi %mul3A_2, %mul3A_139 : i32
      %dma_start3A_141 = arith.constant 0 : i32
      %dma_start3A_142 = arith.constant 0 : i32
      %dma_start3A_143 = tpu.memref_slice %arg6[%add3A_140, %dma_start3A_142] : memref<1600000x32xf32, #tpu.memory_space<hbm>> -> memref<80x32xf32, #tpu.memory_space<hbm>>
      %dma_start3A_144 = tpu.memref_slice %arg17[%dma_start3A_141] : memref<2x!tpu.dma_semaphore, #tpu.memory_space<semaphore_mem>> -> memref<1x!tpu.dma_semaphore, #tpu.memory_space<semaphore_mem>>
      %dma_start3A_145 = tpu.memref_squeeze %dma_start3A_144 : memref<1x!tpu.dma_semaphore, #tpu.memory_space<semaphore_mem>> -> memref<!tpu.dma_semaphore, #tpu.memory_space<semaphore_mem>>
      %dma_start3A_146 = arith.constant 0 : i32
      %dma_start3A_147 = tpu.memref_slice %arg6[%add3A_140, %dma_start3A_146] : memref<1600000x32xf32, #tpu.memory_space<hbm>> -> memref<80x32xf32, #tpu.memory_space<hbm>>
      tpu.enqueue_dma source(%arg8 : memref<80x32xf32, #tpu.memory_space<vmem>>) target(%dma_start3A_147 : memref<80x32xf32, #tpu.memory_space<hbm>>) target_semaphore(%dma_start3A_145 : memref<!tpu.dma_semaphore, #tpu.memory_space<semaphore_mem>>)
      %add3A_148 = arith.constant 2 : i32
      %add3A_149 = arith.addi %mul3A_111, %add3A_148 : i32
      %min3A_150 = arith.constant 624 : i32
      %min3A_151 = arith.minsi %add3A_149, %min3A_150 : i32
      %mul3A_152 = arith.constant 80 : i32
      %mul3A_153 = arith.muli %min3A_151, %mul3A_152 : i32
      %add3A_154 = arith.addi %mul3A_2, %mul3A_153 : i32
      %dma_start3A_155 = arith.constant 0 : i32
      %dma_start3A_156 = tpu.memref_slice %arg2[%add3A_154] : memref<1600000xi32, #tpu.memory_space<hbm>> -> memref<80xi32, #tpu.memory_space<hbm>>
      %dma_start3A_157 = tpu.memref_slice %arg16[%dma_start3A_155] : memref<2x!tpu.dma_semaphore, #tpu.memory_space<semaphore_mem>> -> memref<1x!tpu.dma_semaphore, #tpu.memory_space<semaphore_mem>>
      %dma_start3A_158 = tpu.memref_squeeze %dma_start3A_157 : memref<1x!tpu.dma_semaphore, #tpu.memory_space<semaphore_mem>> -> memref<!tpu.dma_semaphore, #tpu.memory_space<semaphore_mem>>
      %dma_start3A_159 = tpu.memref_slice %arg2[%add3A_154] : memref<1600000xi32, #tpu.memory_space<hbm>> -> memref<80xi32, #tpu.memory_space<hbm>>
      tpu.enqueue_dma source(%dma_start3A_159 : memref<80xi32, #tpu.memory_space<hbm>>) target(%arg10 : memref<80xi32, #tpu.memory_space<vmem>>) target_semaphore(%dma_start3A_158 : memref<!tpu.dma_semaphore, #tpu.memory_space<semaphore_mem>>)
      %dma_start3A_160 = arith.constant 0 : i32
      %dma_start3A_161 = tpu.memref_slice %arg3[%add3A_154] : memref<1600000xi32, #tpu.memory_space<hbm>> -> memref<80xi32, #tpu.memory_space<hbm>>
      %dma_start3A_162 = tpu.memref_slice %arg16[%dma_start3A_160] : memref<2x!tpu.dma_semaphore, #tpu.memory_space<semaphore_mem>> -> memref<1x!tpu.dma_semaphore, #tpu.memory_space<semaphore_mem>>
      %dma_start3A_163 = tpu.memref_squeeze %dma_start3A_162 : memref<1x!tpu.dma_semaphore, #tpu.memory_space<semaphore_mem>> -> memref<!tpu.dma_semaphore, #tpu.memory_space<semaphore_mem>>
      %dma_start3A_164 = tpu.memref_slice %arg3[%add3A_154] : memref<1600000xi32, #tpu.memory_space<hbm>> -> memref<80xi32, #tpu.memory_space<hbm>>
      tpu.enqueue_dma source(%dma_start3A_164 : memref<80xi32, #tpu.memory_space<hbm>>) target(%arg11 : memref<80xi32, #tpu.memory_space<vmem>>) target_semaphore(%dma_start3A_163 : memref<!tpu.dma_semaphore, #tpu.memory_space<semaphore_mem>>)
      %dma_start3A_165 = arith.constant 0 : i32
      %dma_start3A_166 = tpu.memref_slice %arg4[%add3A_154] : memref<1600000xi32, #tpu.memory_space<hbm>> -> memref<80xi32, #tpu.memory_space<hbm>>
      %dma_start3A_167 = tpu.memref_slice %arg16[%dma_start3A_165] : memref<2x!tpu.dma_semaphore, #tpu.memory_space<semaphore_mem>> -> memref<1x!tpu.dma_semaphore, #tpu.memory_space<semaphore_mem>>
      %dma_start3A_168 = tpu.memref_squeeze %dma_start3A_167 : memref<1x!tpu.dma_semaphore, #tpu.memory_space<semaphore_mem>> -> memref<!tpu.dma_semaphore, #tpu.memory_space<semaphore_mem>>
      %dma_start3A_169 = tpu.memref_slice %arg4[%add3A_154] : memref<1600000xi32, #tpu.memory_space<hbm>> -> memref<80xi32, #tpu.memory_space<hbm>>
      tpu.enqueue_dma source(%dma_start3A_169 : memref<80xi32, #tpu.memory_space<hbm>>) target(%arg12 : memref<80xi32, #tpu.memory_space<vmem>>) target_semaphore(%dma_start3A_168 : memref<!tpu.dma_semaphore, #tpu.memory_space<semaphore_mem>>)
      %dma_wait3A_170 = arith.constant 1 : i32
      %dma_wait3A_171 = tpu.memref_slice %arg2[%mul3A_2] : memref<1600000xi32, #tpu.memory_space<hbm>> -> memref<80xi32, #tpu.memory_space<hbm>>
      %dma_wait3A_172 = tpu.memref_slice %arg16[%dma_wait3A_170] : memref<2x!tpu.dma_semaphore, #tpu.memory_space<semaphore_mem>> -> memref<1x!tpu.dma_semaphore, #tpu.memory_space<semaphore_mem>>
      %dma_wait3A_173 = tpu.memref_squeeze %dma_wait3A_172 : memref<1x!tpu.dma_semaphore, #tpu.memory_space<semaphore_mem>> -> memref<!tpu.dma_semaphore, #tpu.memory_space<semaphore_mem>>
      %dma_wait3A_174 = tpu.memref_slice %arg2[%mul3A_2] : memref<1600000xi32, #tpu.memory_space<hbm>> -> memref<80xi32, #tpu.memory_space<hbm>>
      tpu.wait_dma2 semaphore(%dma_wait3A_173 : memref<!tpu.dma_semaphore, #tpu.memory_space<semaphore_mem>>) src(%dma_wait3A_174 : memref<80xi32, #tpu.memory_space<hbm>>) dst(%arg13 : memref<80xi32, #tpu.memory_space<vmem>>)
      %dma_wait3A_175 = arith.constant 1 : i32
      %dma_wait3A_176 = tpu.memref_slice %arg3[%mul3A_2] : memref<1600000xi32, #tpu.memory_space<hbm>> -> memref<80xi32, #tpu.memory_space<hbm>>
      %dma_wait3A_177 = tpu.memref_slice %arg16[%dma_wait3A_175] : memref<2x!tpu.dma_semaphore, #tpu.memory_space<semaphore_mem>> -> memref<1x!tpu.dma_semaphore, #tpu.memory_space<semaphore_mem>>
      %dma_wait3A_178 = tpu.memref_squeeze %dma_wait3A_177 : memref<1x!tpu.dma_semaphore, #tpu.memory_space<semaphore_mem>> -> memref<!tpu.dma_semaphore, #tpu.memory_space<semaphore_mem>>
      %dma_wait3A_179 = tpu.memref_slice %arg3[%mul3A_2] : memref<1600000xi32, #tpu.memory_space<hbm>> -> memref<80xi32, #tpu.memory_space<hbm>>
      tpu.wait_dma2 semaphore(%dma_wait3A_178 : memref<!tpu.dma_semaphore, #tpu.memory_space<semaphore_mem>>) src(%dma_wait3A_179 : memref<80xi32, #tpu.memory_space<hbm>>) dst(%arg14 : memref<80xi32, #tpu.memory_space<vmem>>)
      %dma_wait3A_180 = arith.constant 1 : i32
      %dma_wait3A_181 = tpu.memref_slice %arg4[%mul3A_2] : memref<1600000xi32, #tpu.memory_space<hbm>> -> memref<80xi32, #tpu.memory_space<hbm>>
      %dma_wait3A_182 = tpu.memref_slice %arg16[%dma_wait3A_180] : memref<2x!tpu.dma_semaphore, #tpu.memory_space<semaphore_mem>> -> memref<1x!tpu.dma_semaphore, #tpu.memory_space<semaphore_mem>>
      %dma_wait3A_183 = tpu.memref_squeeze %dma_wait3A_182 : memref<1x!tpu.dma_semaphore, #tpu.memory_space<semaphore_mem>> -> memref<!tpu.dma_semaphore, #tpu.memory_space<semaphore_mem>>
      %dma_wait3A_184 = tpu.memref_slice %arg4[%mul3A_2] : memref<1600000xi32, #tpu.memory_space<hbm>> -> memref<80xi32, #tpu.memory_space<hbm>>
      tpu.wait_dma2 semaphore(%dma_wait3A_183 : memref<!tpu.dma_semaphore, #tpu.memory_space<semaphore_mem>>) src(%dma_wait3A_184 : memref<80xi32, #tpu.memory_space<hbm>>) dst(%arg15 : memref<80xi32, #tpu.memory_space<vmem>>)
      %add3A_185 = arith.constant 1 : i32
      %add3A_186 = arith.addi %mul3A_111, %add3A_185 : i32
      %eq3A_187 = arith.constant 0 : i32
      %eq3A_188 = arith.cmpi eq, %scan3A_109, %eq3A_187 : i32
      %not3A_189 = arith.constant true
      %not3A_190 = arith.xori %eq3A_188, %not3A_189 : i1
      %convert_element_type3A_191 = arith.extui %not3A_190 : i1 to i32
      %cond3A_192 = arith.constant 0 : i32
      %cond3A_193 = arith.cmpi ne, %convert_element_type3A_191, %cond3A_192 : i32
      scf.if %cond3A_193 {
        %dma_wait3A_231 = arith.constant 1 : i32
        %dma_wait3A_232 = arith.constant 0 : i32
        %dma_wait3A_233 = tpu.memref_slice %arg6[%mul3A_2, %dma_wait3A_232] : memref<1600000x32xf32, #tpu.memory_space<hbm>> -> memref<80x32xf32, #tpu.memory_space<hbm>>
        %dma_wait3A_234 = tpu.memref_slice %arg17[%dma_wait3A_231] : memref<2x!tpu.dma_semaphore, #tpu.memory_space<semaphore_mem>> -> memref<1x!tpu.dma_semaphore, #tpu.memory_space<semaphore_mem>>
        %dma_wait3A_235 = tpu.memref_squeeze %dma_wait3A_234 : memref<1x!tpu.dma_semaphore, #tpu.memory_space<semaphore_mem>> -> memref<!tpu.dma_semaphore, #tpu.memory_space<semaphore_mem>>
        %dma_wait3A_236 = arith.constant 0 : i32
        %dma_wait3A_237 = tpu.memref_slice %arg6[%mul3A_2, %dma_wait3A_236] : memref<1600000x32xf32, #tpu.memory_space<hbm>> -> memref<80x32xf32, #tpu.memory_space<hbm>>
        tpu.wait_dma2 semaphore(%dma_wait3A_235 : memref<!tpu.dma_semaphore, #tpu.memory_space<semaphore_mem>>) src(%arg9 : memref<80x32xf32, #tpu.memory_space<vmem>>) dst(%dma_wait3A_237 : memref<80x32xf32, #tpu.memory_space<hbm>>)
      } else {
      }
      %parallel_loop3A_194 = arith.constant 0 : i32
      %parallel_loop3A_195 = arith.constant 80 : i32
      %parallel_loop3A_196 = arith.constant 16 : i32
      scf.for %parallel_loop3A_231 = %parallel_loop3A_194 to %parallel_loop3A_195 step %parallel_loop3A_196  : i32 {
        %parallel_loop3A_232 = arith.index_cast %parallel_loop3A_231 : i32 to index
        %parallel_loop3A_233 = tpu.vector_load %arg13[%parallel_loop3A_232] {strides = array<i32>} : memref<80xi32, #tpu.memory_space<vmem>>, vector<16xi32>,
        %parallel_loop3A_234 = vector.shape_cast %parallel_loop3A_233 : vector<16xi32> to vector<16xi32>
        %parallel_loop3A_235 = arith.constant 32 : i32
        %parallel_loop3A_236 = vector.broadcast %parallel_loop3A_235 : i32 to vector<16xi32>
        %parallel_loop3A_237 = arith.muli %parallel_loop3A_234, %parallel_loop3A_236 : vector<16xi32>
        %parallel_loop3A_238 = arith.index_cast %parallel_loop3A_231 : i32 to index
        %parallel_loop3A_239 = tpu.vector_load %arg14[%parallel_loop3A_238] {strides = array<i32>} : memref<80xi32, #tpu.memory_space<vmem>>, vector<16xi32>,
        %parallel_loop3A_240 = vector.shape_cast %parallel_loop3A_239 : vector<16xi32> to vector<16xi32>
        %parallel_loop3A_241 = arith.constant 32 : i32
        %parallel_loop3A_242 = vector.broadcast %parallel_loop3A_241 : i32 to vector<16xi32>
        %parallel_loop3A_243 = arith.muli %parallel_loop3A_240, %parallel_loop3A_242 : vector<16xi32>
        %parallel_loop3A_244 = arith.constant 32768 : i32
        %parallel_loop3A_245 = vector.broadcast %parallel_loop3A_244 : i32 to vector<16xi32>
        %parallel_loop3A_246 = arith.addi %parallel_loop3A_243, %parallel_loop3A_245 : vector<16xi32>
        %parallel_loop3A_247 = arith.index_cast %parallel_loop3A_231 : i32 to index
        %parallel_loop3A_248 = tpu.vector_load %arg15[%parallel_loop3A_247] {strides = array<i32>} : memref<80xi32, #tpu.memory_space<vmem>>, vector<16xi32>,
        %parallel_loop3A_249 = vector.shape_cast %parallel_loop3A_248 : vector<16xi32> to vector<16xi32>
        %parallel_loop3A_250 = arith.constant 32 : i32
        %parallel_loop3A_251 = vector.broadcast %parallel_loop3A_250 : i32 to vector<16xi32>
        %parallel_loop3A_252 = arith.muli %parallel_loop3A_249, %parallel_loop3A_251 : vector<16xi32>
        %parallel_loop3A_253 = arith.constant 65536 : i32
        %parallel_loop3A_254 = vector.broadcast %parallel_loop3A_253 : i32 to vector<16xi32>
        %parallel_loop3A_255 = arith.addi %parallel_loop3A_252, %parallel_loop3A_254 : vector<16xi32>
        %parallel_loop3A_256 = vector.extract_strided_slice %parallel_loop3A_237 {offsets = [0], sizes = [1], strides = [1]} : vector<16xi32> to vector<1xi32>
        %parallel_loop3A_257 = vector.extract %parallel_loop3A_256[0] : i32 from vector<1xi32>
        %parallel_loop3A_258 = vector.extract_strided_slice %parallel_loop3A_246 {offsets = [0], sizes = [1], strides = [1]} : vector<16xi32> to vector<1xi32>
        %parallel_loop3A_259 = vector.extract %parallel_loop3A_258[0] : i32 from vector<1xi32>
        %parallel_loop3A_260 = vector.extract_strided_slice %parallel_loop3A_255 {offsets = [0], sizes = [1], strides = [1]} : vector<16xi32> to vector<1xi32>
        %parallel_loop3A_261 = vector.extract %parallel_loop3A_260[0] : i32 from vector<1xi32>
        %parallel_loop3A_262 = arith.constant 0 : i32
        %parallel_loop3A_263 = arith.addi %parallel_loop3A_257, %parallel_loop3A_262 : i32
        %parallel_loop3A_264 = arith.index_cast %parallel_loop3A_263 : i32 to index
        %parallel_loop3A_265 = tpu.vector_load %arg7[%parallel_loop3A_264] {strides = array<i32>} : memref<98304xf32, #tpu.memory_space<vmem>>, vector<16xf32>,
        %parallel_loop3A_266 = vector.shape_cast %parallel_loop3A_265 : vector<16xf32> to vector<16xf32>
        %parallel_loop3A_267 = arith.constant 0 : i32
        %parallel_loop3A_268 = arith.addi %parallel_loop3A_259, %parallel_loop3A_267 : i32
        %parallel_loop3A_269 = arith.index_cast %parallel_loop3A_268 : i32 to index
        %parallel_loop3A_270 = tpu.vector_load %arg7[%parallel_loop3A_269] {strides = array<i32>} : memref<98304xf32, #tpu.memory_space<vmem>>, vector<16xf32>,
        %parallel_loop3A_271 = vector.shape_cast %parallel_loop3A_270 : vector<16xf32> to vector<16xf32>
        %parallel_loop3A_272 = arith.addf %parallel_loop3A_266, %parallel_loop3A_271 : vector<16xf32>
        %parallel_loop3A_273 = arith.constant 0 : i32
        %parallel_loop3A_274 = arith.addi %parallel_loop3A_261, %parallel_loop3A_273 : i32
        %parallel_loop3A_275 = arith.index_cast %parallel_loop3A_274 : i32 to index
        %parallel_loop3A_276 = tpu.vector_load %arg7[%parallel_loop3A_275] {strides = array<i32>} : memref<98304xf32, #tpu.memory_space<vmem>>, vector<16xf32>,
        %parallel_loop3A_277 = vector.shape_cast %parallel_loop3A_276 : vector<16xf32> to vector<16xf32>
        %parallel_loop3A_278 = arith.addf %parallel_loop3A_272, %parallel_loop3A_277 : vector<16xf32>
        %parallel_loop3A_279 = arith.constant 0 : i32
        %parallel_loop3A_280 = arith.addi %parallel_loop3A_231, %parallel_loop3A_279 : i32
        %parallel_loop3A_281 = arith.index_cast %parallel_loop3A_280 : i32 to index
        %parallel_loop3A_282 = arith.constant 0 : index
        %parallel_loop3A_283 = tpu.vector_load %arg9[%parallel_loop3A_281, %parallel_loop3A_282] {strides = array<i32>} : memref<80x32xf32, #tpu.memory_space<vmem>>, vector<1x16xf32>,
        %parallel_loop3A_284 = vector.shape_cast %parallel_loop3A_283 : vector<1x16xf32> to vector<16xf32>
        %parallel_loop3A_285 = vector.shape_cast %parallel_loop3A_278 : vector<16xf32> to vector<1x16xf32>
        tpu.vector_store %arg9[%parallel_loop3A_281, %parallel_loop3A_282], %parallel_loop3A_285 {strides = array<i32>} : memref<80x32xf32, #tpu.memory_space<vmem>>, vector<1x16xf32>,
        %parallel_loop3A_286 = arith.constant 16 : i32
        %parallel_loop3A_287 = arith.addi %parallel_loop3A_257, %parallel_loop3A_286 : i32
        %parallel_loop3A_288 = arith.index_cast %parallel_loop3A_287 : i32 to index
        %parallel_loop3A_289 = tpu.vector_load %arg7[%parallel_loop3A_288] {strides = array<i32>} : memref<98304xf32, #tpu.memory_space<vmem>>, vector<16xf32>,
        %parallel_loop3A_290 = vector.shape_cast %parallel_loop3A_289 : vector<16xf32> to vector<16xf32>
        %parallel_loop3A_291 = arith.constant 16 : i32
        %parallel_loop3A_292 = arith.addi %parallel_loop3A_259, %parallel_loop3A_291 : i32
        %parallel_loop3A_293 = arith.index_cast %parallel_loop3A_292 : i32 to index
        %parallel_loop3A_294 = tpu.vector_load %arg7[%parallel_loop3A_293] {strides = array<i32>} : memref<98304xf32, #tpu.memory_space<vmem>>, vector<16xf32>,
        %parallel_loop3A_295 = vector.shape_cast %parallel_loop3A_294 : vector<16xf32> to vector<16xf32>
        %parallel_loop3A_296 = arith.addf %parallel_loop3A_290, %parallel_loop3A_295 : vector<16xf32>
        %parallel_loop3A_297 = arith.constant 16 : i32
        %parallel_loop3A_298 = arith.addi %parallel_loop3A_261, %parallel_loop3A_297 : i32
        %parallel_loop3A_299 = arith.index_cast %parallel_loop3A_298 : i32 to index
        %parallel_loop3A_300 = tpu.vector_load %arg7[%parallel_loop3A_299] {strides = array<i32>} : memref<98304xf32, #tpu.memory_space<vmem>>, vector<16xf32>,
        %parallel_loop3A_301 = vector.shape_cast %parallel_loop3A_300 : vector<16xf32> to vector<16xf32>
        %parallel_loop3A_302 = arith.addf %parallel_loop3A_296, %parallel_loop3A_301 : vector<16xf32>
        %parallel_loop3A_303 = arith.constant 0 : i32
        %parallel_loop3A_304 = arith.addi %parallel_loop3A_231, %parallel_loop3A_303 : i32
        %parallel_loop3A_305 = arith.index_cast %parallel_loop3A_304 : i32 to index
        %parallel_loop3A_306 = arith.constant 16 : index
        %parallel_loop3A_307 = tpu.vector_load %arg9[%parallel_loop3A_305, %parallel_loop3A_306] {strides = array<i32>} : memref<80x32xf32, #tpu.memory_space<vmem>>, vector<1x16xf32>,
        %parallel_loop3A_308 = vector.shape_cast %parallel_loop3A_307 : vector<1x16xf32> to vector<16xf32>
        %parallel_loop3A_309 = vector.shape_cast %parallel_loop3A_302 : vector<16xf32> to vector<1x16xf32>
        tpu.vector_store %arg9[%parallel_loop3A_305, %parallel_loop3A_306], %parallel_loop3A_309 {strides = array<i32>} : memref<80x32xf32, #tpu.memory_space<vmem>>, vector<1x16xf32>,
        %parallel_loop3A_310 = vector.extract_strided_slice %parallel_loop3A_237 {offsets = [1], sizes = [1], strides = [1]} : vector<16xi32> to vector<1xi32>
        %parallel_loop3A_311 = vector.extract %parallel_loop3A_310[0] : i32 from vector<1xi32>
        %parallel_loop3A_312 = vector.extract_strided_slice %parallel_loop3A_246 {offsets = [1], sizes = [1], strides = [1]} : vector<16xi32> to vector<1xi32>
        %parallel_loop3A_313 = vector.extract %parallel_loop3A_312[0] : i32 from vector<1xi32>
        %parallel_loop3A_314 = vector.extract_strided_slice %parallel_loop3A_255 {offsets = [1], sizes = [1], strides = [1]} : vector<16xi32> to vector<1xi32>
        %parallel_loop3A_315 = vector.extract %parallel_loop3A_314[0] : i32 from vector<1xi32>
        %parallel_loop3A_316 = arith.constant 0 : i32
        %parallel_loop3A_317 = arith.addi %parallel_loop3A_311, %parallel_loop3A_316 : i32
        %parallel_loop3A_318 = arith.index_cast %parallel_loop3A_317 : i32 to index
        %parallel_loop3A_319 = tpu.vector_load %arg7[%parallel_loop3A_318] {strides = array<i32>} : memref<98304xf32, #tpu.memory_space<vmem>>, vector<16xf32>,
        %parallel_loop3A_320 = vector.shape_cast %parallel_loop3A_319 : vector<16xf32> to vector<16xf32>
        %parallel_loop3A_321 = arith.constant 0 : i32
        %parallel_loop3A_322 = arith.addi %parallel_loop3A_313, %parallel_loop3A_321 : i32
        %parallel_loop3A_323 = arith.index_cast %parallel_loop3A_322 : i32 to index
        %parallel_loop3A_324 = tpu.vector_load %arg7[%parallel_loop3A_323] {strides = array<i32>} : memref<98304xf32, #tpu.memory_space<vmem>>, vector<16xf32>,
        %parallel_loop3A_325 = vector.shape_cast %parallel_loop3A_324 : vector<16xf32> to vector<16xf32>
        %parallel_loop3A_326 = arith.addf %parallel_loop3A_320, %parallel_loop3A_325 : vector<16xf32>
        %parallel_loop3A_327 = arith.constant 0 : i32
        %parallel_loop3A_328 = arith.addi %parallel_loop3A_315, %parallel_loop3A_327 : i32
        %parallel_loop3A_329 = arith.index_cast %parallel_loop3A_328 : i32 to index
        %parallel_loop3A_330 = tpu.vector_load %arg7[%parallel_loop3A_329] {strides = array<i32>} : memref<98304xf32, #tpu.memory_space<vmem>>, vector<16xf32>,
        %parallel_loop3A_331 = vector.shape_cast %parallel_loop3A_330 : vector<16xf32> to vector<16xf32>
        %parallel_loop3A_332 = arith.addf %parallel_loop3A_326, %parallel_loop3A_331 : vector<16xf32>
        %parallel_loop3A_333 = arith.constant 1 : i32
        %parallel_loop3A_334 = arith.addi %parallel_loop3A_231, %parallel_loop3A_333 : i32
        %parallel_loop3A_335 = arith.index_cast %parallel_loop3A_334 : i32 to index
        %parallel_loop3A_336 = arith.constant 0 : index
        %parallel_loop3A_337 = tpu.vector_load %arg9[%parallel_loop3A_335, %parallel_loop3A_336] {strides = array<i32>} : memref<80x32xf32, #tpu.memory_space<vmem>>, vector<1x16xf32>,
        %parallel_loop3A_338 = vector.shape_cast %parallel_loop3A_337 : vector<1x16xf32> to vector<16xf32>
        %parallel_loop3A_339 = vector.shape_cast %parallel_loop3A_332 : vector<16xf32> to vector<1x16xf32>
        tpu.vector_store %arg9[%parallel_loop3A_335, %parallel_loop3A_336], %parallel_loop3A_339 {strides = array<i32>} : memref<80x32xf32, #tpu.memory_space<vmem>>, vector<1x16xf32>,
        %parallel_loop3A_340 = arith.constant 16 : i32
        %parallel_loop3A_341 = arith.addi %parallel_loop3A_311, %parallel_loop3A_340 : i32
        %parallel_loop3A_342 = arith.index_cast %parallel_loop3A_341 : i32 to index
        %parallel_loop3A_343 = tpu.vector_load %arg7[%parallel_loop3A_342] {strides = array<i32>} : memref<98304xf32, #tpu.memory_space<vmem>>, vector<16xf32>,
        %parallel_loop3A_344 = vector.shape_cast %parallel_loop3A_343 : vector<16xf32> to vector<16xf32>
        %parallel_loop3A_345 = arith.constant 16 : i32
        %parallel_loop3A_346 = arith.addi %parallel_loop3A_313, %parallel_loop3A_345 : i32
        %parallel_loop3A_347 = arith.index_cast %parallel_loop3A_346 : i32 to index
        %parallel_loop3A_348 = tpu.vector_load %arg7[%parallel_loop3A_347] {strides = array<i32>} : memref<98304xf32, #tpu.memory_space<vmem>>, vector<16xf32>,
        %parallel_loop3A_349 = vector.shape_cast %parallel_loop3A_348 : vector<16xf32> to vector<16xf32>
        %parallel_loop3A_350 = arith.addf %parallel_loop3A_344, %parallel_loop3A_349 : vector<16xf32>
        %parallel_loop3A_351 = arith.constant 16 : i32
        %parallel_loop3A_352 = arith.addi %parallel_loop3A_315, %parallel_loop3A_351 : i32
        %parallel_loop3A_353 = arith.index_cast %parallel_loop3A_352 : i32 to index
        %parallel_loop3A_354 = tpu.vector_load %arg7[%parallel_loop3A_353] {strides = array<i32>} : memref<98304xf32, #tpu.memory_space<vmem>>, vector<16xf32>,
        %parallel_loop3A_355 = vector.shape_cast %parallel_loop3A_354 : vector<16xf32> to vector<16xf32>
        %parallel_loop3A_356 = arith.addf %parallel_loop3A_350, %parallel_loop3A_355 : vector<16xf32>
        %parallel_loop3A_357 = arith.constant 1 : i32
        %parallel_loop3A_358 = arith.addi %parallel_loop3A_231, %parallel_loop3A_357 : i32
        %parallel_loop3A_359 = arith.index_cast %parallel_loop3A_358 : i32 to index
        %parallel_loop3A_360 = arith.constant 16 : index
        %parallel_loop3A_361 = tpu.vector_load %arg9[%parallel_loop3A_359, %parallel_loop3A_360] {strides = array<i32>} : memref<80x32xf32, #tpu.memory_space<vmem>>, vector<1x16xf32>,
        %parallel_loop3A_362 = vector.shape_cast %parallel_loop3A_361 : vector<1x16xf32> to vector<16xf32>
        %parallel_loop3A_363 = vector.shape_cast %parallel_loop3A_356 : vector<16xf32> to vector<1x16xf32>
        tpu.vector_store %arg9[%parallel_loop3A_359, %parallel_loop3A_360], %parallel_loop3A_363 {strides = array<i32>} : memref<80x32xf32, #tpu.memory_space<vmem>>, vector<1x16xf32>,
        %parallel_loop3A_364 = vector.extract_strided_slice %parallel_loop3A_237 {offsets = [2], sizes = [1], strides = [1]} : vector<16xi32> to vector<1xi32>
        %parallel_loop3A_365 = vector.extract %parallel_loop3A_364[0] : i32 from vector<1xi32>
        %parallel_loop3A_366 = vector.extract_strided_slice %parallel_loop3A_246 {offsets = [2], sizes = [1], strides = [1]} : vector<16xi32> to vector<1xi32>
        %parallel_loop3A_367 = vector.extract %parallel_loop3A_366[0] : i32 from vector<1xi32>
        %parallel_loop3A_368 = vector.extract_strided_slice %parallel_loop3A_255 {offsets = [2], sizes = [1], strides = [1]} : vector<16xi32> to vector<1xi32>
        %parallel_loop3A_369 = vector.extract %parallel_loop3A_368[0] : i32 from vector<1xi32>
        %parallel_loop3A_370 = arith.constant 0 : i32
        %parallel_loop3A_371 = arith.addi %parallel_loop3A_365, %parallel_loop3A_370 : i32
        %parallel_loop3A_372 = arith.index_cast %parallel_loop3A_371 : i32 to index
        %parallel_loop3A_373 = tpu.vector_load %arg7[%parallel_loop3A_372] {strides = array<i32>} : memref<98304xf32, #tpu.memory_space<vmem>>, vector<16xf32>,
        %parallel_loop3A_374 = vector.shape_cast %parallel_loop3A_373 : vector<16xf32> to vector<16xf32>
        %parallel_loop3A_375 = arith.constant 0 : i32
        %parallel_loop3A_376 = arith.addi %parallel_loop3A_367, %parallel_loop3A_375 : i32
        %parallel_loop3A_377 = arith.index_cast %parallel_loop3A_376 : i32 to index
        %parallel_loop3A_378 = tpu.vector_load %arg7[%parallel_loop3A_377] {strides = array<i32>} : memref<98304xf32, #tpu.memory_space<vmem>>, vector<16xf32>,
        %parallel_loop3A_379 = vector.shape_cast %parallel_loop3A_378 : vector<16xf32> to vector<16xf32>
        %parallel_loop3A_380 = arith.addf %parallel_loop3A_374, %parallel_loop3A_379 : vector<16xf32>
        %parallel_loop3A_381 = arith.constant 0 : i32
        %parallel_loop3A_382 = arith.addi %parallel_loop3A_369, %parallel_loop3A_381 : i32
        %parallel_loop3A_383 = arith.index_cast %parallel_loop3A_382 : i32 to index
        %parallel_loop3A_384 = tpu.vector_load %arg7[%parallel_loop3A_383] {strides = array<i32>} : memref<98304xf32, #tpu.memory_space<vmem>>, vector<16xf32>,
        %parallel_loop3A_385 = vector.shape_cast %parallel_loop3A_384 : vector<16xf32> to vector<16xf32>
        %parallel_loop3A_386 = arith.addf %parallel_loop3A_380, %parallel_loop3A_385 : vector<16xf32>
        %parallel_loop3A_387 = arith.constant 2 : i32
        %parallel_loop3A_388 = arith.addi %parallel_loop3A_231, %parallel_loop3A_387 : i32
        %parallel_loop3A_389 = arith.index_cast %parallel_loop3A_388 : i32 to index
        %parallel_loop3A_390 = arith.constant 0 : index
        %parallel_loop3A_391 = tpu.vector_load %arg9[%parallel_loop3A_389, %parallel_loop3A_390] {strides = array<i32>} : memref<80x32xf32, #tpu.memory_space<vmem>>, vector<1x16xf32>,
        %parallel_loop3A_392 = vector.shape_cast %parallel_loop3A_391 : vector<1x16xf32> to vector<16xf32>
        %parallel_loop3A_393 = vector.shape_cast %parallel_loop3A_386 : vector<16xf32> to vector<1x16xf32>
        tpu.vector_store %arg9[%parallel_loop3A_389, %parallel_loop3A_390], %parallel_loop3A_393 {strides = array<i32>} : memref<80x32xf32, #tpu.memory_space<vmem>>, vector<1x16xf32>,
        %parallel_loop3A_394 = arith.constant 16 : i32
        %parallel_loop3A_395 = arith.addi %parallel_loop3A_365, %parallel_loop3A_394 : i32
        %parallel_loop3A_396 = arith.index_cast %parallel_loop3A_395 : i32 to index
        %parallel_loop3A_397 = tpu.vector_load %arg7[%parallel_loop3A_396] {strides = array<i32>} : memref<98304xf32, #tpu.memory_space<vmem>>, vector<16xf32>,
        %parallel_loop3A_398 = vector.shape_cast %parallel_loop3A_397 : vector<16xf32> to vector<16xf32>
        %parallel_loop3A_399 = arith.constant 16 : i32
        %parallel_loop3A_400 = arith.addi %parallel_loop3A_367, %parallel_loop3A_399 : i32
        %parallel_loop3A_401 = arith.index_cast %parallel_loop3A_400 : i32 to index
        %parallel_loop3A_402 = tpu.vector_load %arg7[%parallel_loop3A_401] {strides = array<i32>} : memref<98304xf32, #tpu.memory_space<vmem>>, vector<16xf32>,
        %parallel_loop3A_403 = vector.shape_cast %parallel_loop3A_402 : vector<16xf32> to vector<16xf32>
        %parallel_loop3A_404 = arith.addf %parallel_loop3A_398, %parallel_loop3A_403 : vector<16xf32>
        %parallel_loop3A_405 = arith.constant 16 : i32
        %parallel_loop3A_406 = arith.addi %parallel_loop3A_369, %parallel_loop3A_405 : i32
        %parallel_loop3A_407 = arith.index_cast %parallel_loop3A_406 : i32 to index
        %parallel_loop3A_408 = tpu.vector_load %arg7[%parallel_loop3A_407] {strides = array<i32>} : memref<98304xf32, #tpu.memory_space<vmem>>, vector<16xf32>,
        %parallel_loop3A_409 = vector.shape_cast %parallel_loop3A_408 : vector<16xf32> to vector<16xf32>
        %parallel_loop3A_410 = arith.addf %parallel_loop3A_404, %parallel_loop3A_409 : vector<16xf32>
        %parallel_loop3A_411 = arith.constant 2 : i32
        %parallel_loop3A_412 = arith.addi %parallel_loop3A_231, %parallel_loop3A_411 : i32
        %parallel_loop3A_413 = arith.index_cast %parallel_loop3A_412 : i32 to index
        %parallel_loop3A_414 = arith.constant 16 : index
        %parallel_loop3A_415 = tpu.vector_load %arg9[%parallel_loop3A_413, %parallel_loop3A_414] {strides = array<i32>} : memref<80x32xf32, #tpu.memory_space<vmem>>, vector<1x16xf32>,
        %parallel_loop3A_416 = vector.shape_cast %parallel_loop3A_415 : vector<1x16xf32> to vector<16xf32>
        %parallel_loop3A_417 = vector.shape_cast %parallel_loop3A_410 : vector<16xf32> to vector<1x16xf32>
        tpu.vector_store %arg9[%parallel_loop3A_413, %parallel_loop3A_414], %parallel_loop3A_417 {strides = array<i32>} : memref<80x32xf32, #tpu.memory_space<vmem>>, vector<1x16xf32>,
        %parallel_loop3A_418 = vector.extract_strided_slice %parallel_loop3A_237 {offsets = [3], sizes = [1], strides = [1]} : vector<16xi32> to vector<1xi32>
        %parallel_loop3A_419 = vector.extract %parallel_loop3A_418[0] : i32 from vector<1xi32>
        %parallel_loop3A_420 = vector.extract_strided_slice %parallel_loop3A_246 {offsets = [3], sizes = [1], strides = [1]} : vector<16xi32> to vector<1xi32>
        %parallel_loop3A_421 = vector.extract %parallel_loop3A_420[0] : i32 from vector<1xi32>
        %parallel_loop3A_422 = vector.extract_strided_slice %parallel_loop3A_255 {offsets = [3], sizes = [1], strides = [1]} : vector<16xi32> to vector<1xi32>
        %parallel_loop3A_423 = vector.extract %parallel_loop3A_422[0] : i32 from vector<1xi32>
        %parallel_loop3A_424 = arith.constant 0 : i32
        %parallel_loop3A_425 = arith.addi %parallel_loop3A_419, %parallel_loop3A_424 : i32
        %parallel_loop3A_426 = arith.index_cast %parallel_loop3A_425 : i32 to index
        %parallel_loop3A_427 = tpu.vector_load %arg7[%parallel_loop3A_426] {strides = array<i32>} : memref<98304xf32, #tpu.memory_space<vmem>>, vector<16xf32>,
        %parallel_loop3A_428 = vector.shape_cast %parallel_loop3A_427 : vector<16xf32> to vector<16xf32>
        %parallel_loop3A_429 = arith.constant 0 : i32
        %parallel_loop3A_430 = arith.addi %parallel_loop3A_421, %parallel_loop3A_429 : i32
        %parallel_loop3A_431 = arith.index_cast %parallel_loop3A_430 : i32 to index
        %parallel_loop3A_432 = tpu.vector_load %arg7[%parallel_loop3A_431] {strides = array<i32>} : memref<98304xf32, #tpu.memory_space<vmem>>, vector<16xf32>,
        %parallel_loop3A_433 = vector.shape_cast %parallel_loop3A_432 : vector<16xf32> to vector<16xf32>
        %parallel_loop3A_434 = arith.addf %parallel_loop3A_428, %parallel_loop3A_433 : vector<16xf32>
        %parallel_loop3A_435 = arith.constant 0 : i32
        %parallel_loop3A_436 = arith.addi %parallel_loop3A_423, %parallel_loop3A_435 : i32
        %parallel_loop3A_437 = arith.index_cast %parallel_loop3A_436 : i32 to index
        %parallel_loop3A_438 = tpu.vector_load %arg7[%parallel_loop3A_437] {strides = array<i32>} : memref<98304xf32, #tpu.memory_space<vmem>>, vector<16xf32>,
        %parallel_loop3A_439 = vector.shape_cast %parallel_loop3A_438 : vector<16xf32> to vector<16xf32>
        %parallel_loop3A_440 = arith.addf %parallel_loop3A_434, %parallel_loop3A_439 : vector<16xf32>
        %parallel_loop3A_441 = arith.constant 3 : i32
        %parallel_loop3A_442 = arith.addi %parallel_loop3A_231, %parallel_loop3A_441 : i32
        %parallel_loop3A_443 = arith.index_cast %parallel_loop3A_442 : i32 to index
        %parallel_loop3A_444 = arith.constant 0 : index
        %parallel_loop3A_445 = tpu.vector_load %arg9[%parallel_loop3A_443, %parallel_loop3A_444] {strides = array<i32>} : memref<80x32xf32, #tpu.memory_space<vmem>>, vector<1x16xf32>,
        %parallel_loop3A_446 = vector.shape_cast %parallel_loop3A_445 : vector<1x16xf32> to vector<16xf32>
        %parallel_loop3A_447 = vector.shape_cast %parallel_loop3A_440 : vector<16xf32> to vector<1x16xf32>
        tpu.vector_store %arg9[%parallel_loop3A_443, %parallel_loop3A_444], %parallel_loop3A_447 {strides = array<i32>} : memref<80x32xf32, #tpu.memory_space<vmem>>, vector<1x16xf32>,
        %parallel_loop3A_448 = arith.constant 16 : i32
        %parallel_loop3A_449 = arith.addi %parallel_loop3A_419, %parallel_loop3A_448 : i32
        %parallel_loop3A_450 = arith.index_cast %parallel_loop3A_449 : i32 to index
        %parallel_loop3A_451 = tpu.vector_load %arg7[%parallel_loop3A_450] {strides = array<i32>} : memref<98304xf32, #tpu.memory_space<vmem>>, vector<16xf32>,
        %parallel_loop3A_452 = vector.shape_cast %parallel_loop3A_451 : vector<16xf32> to vector<16xf32>
        %parallel_loop3A_453 = arith.constant 16 : i32
        %parallel_loop3A_454 = arith.addi %parallel_loop3A_421, %parallel_loop3A_453 : i32
        %parallel_loop3A_455 = arith.index_cast %parallel_loop3A_454 : i32 to index
        %parallel_loop3A_456 = tpu.vector_load %arg7[%parallel_loop3A_455] {strides = array<i32>} : memref<98304xf32, #tpu.memory_space<vmem>>, vector<16xf32>,
        %parallel_loop3A_457 = vector.shape_cast %parallel_loop3A_456 : vector<16xf32> to vector<16xf32>
        %parallel_loop3A_458 = arith.addf %parallel_loop3A_452, %parallel_loop3A_457 : vector<16xf32>
        %parallel_loop3A_459 = arith.constant 16 : i32
        %parallel_loop3A_460 = arith.addi %parallel_loop3A_423, %parallel_loop3A_459 : i32
        %parallel_loop3A_461 = arith.index_cast %parallel_loop3A_460 : i32 to index
        %parallel_loop3A_462 = tpu.vector_load %arg7[%parallel_loop3A_461] {strides = array<i32>} : memref<98304xf32, #tpu.memory_space<vmem>>, vector<16xf32>,
        %parallel_loop3A_463 = vector.shape_cast %parallel_loop3A_462 : vector<16xf32> to vector<16xf32>
        %parallel_loop3A_464 = arith.addf %parallel_loop3A_458, %parallel_loop3A_463 : vector<16xf32>
        %parallel_loop3A_465 = arith.constant 3 : i32
        %parallel_loop3A_466 = arith.addi %parallel_loop3A_231, %parallel_loop3A_465 : i32
        %parallel_loop3A_467 = arith.index_cast %parallel_loop3A_466 : i32 to index
        %parallel_loop3A_468 = arith.constant 16 : index
        %parallel_loop3A_469 = tpu.vector_load %arg9[%parallel_loop3A_467, %parallel_loop3A_468] {strides = array<i32>} : memref<80x32xf32, #tpu.memory_space<vmem>>, vector<1x16xf32>,
        %parallel_loop3A_470 = vector.shape_cast %parallel_loop3A_469 : vector<1x16xf32> to vector<16xf32>
        %parallel_loop3A_471 = vector.shape_cast %parallel_loop3A_464 : vector<16xf32> to vector<1x16xf32>
        tpu.vector_store %arg9[%parallel_loop3A_467, %parallel_loop3A_468], %parallel_loop3A_471 {strides = array<i32>} : memref<80x32xf32, #tpu.memory_space<vmem>>, vector<1x16xf32>,
        %parallel_loop3A_472 = vector.extract_strided_slice %parallel_loop3A_237 {offsets = [4], sizes = [1], strides = [1]} : vector<16xi32> to vector<1xi32>
        %parallel_loop3A_473 = vector.extract %parallel_loop3A_472[0] : i32 from vector<1xi32>
        %parallel_loop3A_474 = vector.extract_strided_slice %parallel_loop3A_246 {offsets = [4], sizes = [1], strides = [1]} : vector<16xi32> to vector<1xi32>
        %parallel_loop3A_475 = vector.extract %parallel_loop3A_474[0] : i32 from vector<1xi32>
        %parallel_loop3A_476 = vector.extract_strided_slice %parallel_loop3A_255 {offsets = [4], sizes = [1], strides = [1]} : vector<16xi32> to vector<1xi32>
        %parallel_loop3A_477 = vector.extract %parallel_loop3A_476[0] : i32 from vector<1xi32>
        %parallel_loop3A_478 = arith.constant 0 : i32
        %parallel_loop3A_479 = arith.addi %parallel_loop3A_473, %parallel_loop3A_478 : i32
        %parallel_loop3A_480 = arith.index_cast %parallel_loop3A_479 : i32 to index
        %parallel_loop3A_481 = tpu.vector_load %arg7[%parallel_loop3A_480] {strides = array<i32>} : memref<98304xf32, #tpu.memory_space<vmem>>, vector<16xf32>,
        %parallel_loop3A_482 = vector.shape_cast %parallel_loop3A_481 : vector<16xf32> to vector<16xf32>
        %parallel_loop3A_483 = arith.constant 0 : i32
        %parallel_loop3A_484 = arith.addi %parallel_loop3A_475, %parallel_loop3A_483 : i32
        %parallel_loop3A_485 = arith.index_cast %parallel_loop3A_484 : i32 to index
        %parallel_loop3A_486 = tpu.vector_load %arg7[%parallel_loop3A_485] {strides = array<i32>} : memref<98304xf32, #tpu.memory_space<vmem>>, vector<16xf32>,
        %parallel_loop3A_487 = vector.shape_cast %parallel_loop3A_486 : vector<16xf32> to vector<16xf32>
        %parallel_loop3A_488 = arith.addf %parallel_loop3A_482, %parallel_loop3A_487 : vector<16xf32>
        %parallel_loop3A_489 = arith.constant 0 : i32
        %parallel_loop3A_490 = arith.addi %parallel_loop3A_477, %parallel_loop3A_489 : i32
        %parallel_loop3A_491 = arith.index_cast %parallel_loop3A_490 : i32 to index
        %parallel_loop3A_492 = tpu.vector_load %arg7[%parallel_loop3A_491] {strides = array<i32>} : memref<98304xf32, #tpu.memory_space<vmem>>, vector<16xf32>,
        %parallel_loop3A_493 = vector.shape_cast %parallel_loop3A_492 : vector<16xf32> to vector<16xf32>
        %parallel_loop3A_494 = arith.addf %parallel_loop3A_488, %parallel_loop3A_493 : vector<16xf32>
        %parallel_loop3A_495 = arith.constant 4 : i32
        %parallel_loop3A_496 = arith.addi %parallel_loop3A_231, %parallel_loop3A_495 : i32
        %parallel_loop3A_497 = arith.index_cast %parallel_loop3A_496 : i32 to index
        %parallel_loop3A_498 = arith.constant 0 : index
        %parallel_loop3A_499 = tpu.vector_load %arg9[%parallel_loop3A_497, %parallel_loop3A_498] {strides = array<i32>} : memref<80x32xf32, #tpu.memory_space<vmem>>, vector<1x16xf32>,
        %parallel_loop3A_500 = vector.shape_cast %parallel_loop3A_499 : vector<1x16xf32> to vector<16xf32>
        %parallel_loop3A_501 = vector.shape_cast %parallel_loop3A_494 : vector<16xf32> to vector<1x16xf32>
        tpu.vector_store %arg9[%parallel_loop3A_497, %parallel_loop3A_498], %parallel_loop3A_501 {strides = array<i32>} : memref<80x32xf32, #tpu.memory_space<vmem>>, vector<1x16xf32>,
        %parallel_loop3A_502 = arith.constant 16 : i32
        %parallel_loop3A_503 = arith.addi %parallel_loop3A_473, %parallel_loop3A_502 : i32
        %parallel_loop3A_504 = arith.index_cast %parallel_loop3A_503 : i32 to index
        %parallel_loop3A_505 = tpu.vector_load %arg7[%parallel_loop3A_504] {strides = array<i32>} : memref<98304xf32, #tpu.memory_space<vmem>>, vector<16xf32>,
        %parallel_loop3A_506 = vector.shape_cast %parallel_loop3A_505 : vector<16xf32> to vector<16xf32>
        %parallel_loop3A_507 = arith.constant 16 : i32
        %parallel_loop3A_508 = arith.addi %parallel_loop3A_475, %parallel_loop3A_507 : i32
        %parallel_loop3A_509 = arith.index_cast %parallel_loop3A_508 : i32 to index
        %parallel_loop3A_510 = tpu.vector_load %arg7[%parallel_loop3A_509] {strides = array<i32>} : memref<98304xf32, #tpu.memory_space<vmem>>, vector<16xf32>,
        %parallel_loop3A_511 = vector.shape_cast %parallel_loop3A_510 : vector<16xf32> to vector<16xf32>
        %parallel_loop3A_512 = arith.addf %parallel_loop3A_506, %parallel_loop3A_511 : vector<16xf32>
        %parallel_loop3A_513 = arith.constant 16 : i32
        %parallel_loop3A_514 = arith.addi %parallel_loop3A_477, %parallel_loop3A_513 : i32
        %parallel_loop3A_515 = arith.index_cast %parallel_loop3A_514 : i32 to index
        %parallel_loop3A_516 = tpu.vector_load %arg7[%parallel_loop3A_515] {strides = array<i32>} : memref<98304xf32, #tpu.memory_space<vmem>>, vector<16xf32>,
        %parallel_loop3A_517 = vector.shape_cast %parallel_loop3A_516 : vector<16xf32> to vector<16xf32>
        %parallel_loop3A_518 = arith.addf %parallel_loop3A_512, %parallel_loop3A_517 : vector<16xf32>
        %parallel_loop3A_519 = arith.constant 4 : i32
        %parallel_loop3A_520 = arith.addi %parallel_loop3A_231, %parallel_loop3A_519 : i32
        %parallel_loop3A_521 = arith.index_cast %parallel_loop3A_520 : i32 to index
        %parallel_loop3A_522 = arith.constant 16 : index
        %parallel_loop3A_523 = tpu.vector_load %arg9[%parallel_loop3A_521, %parallel_loop3A_522] {strides = array<i32>} : memref<80x32xf32, #tpu.memory_space<vmem>>, vector<1x16xf32>,
        %parallel_loop3A_524 = vector.shape_cast %parallel_loop3A_523 : vector<1x16xf32> to vector<16xf32>
        %parallel_loop3A_525 = vector.shape_cast %parallel_loop3A_518 : vector<16xf32> to vector<1x16xf32>
        tpu.vector_store %arg9[%parallel_loop3A_521, %parallel_loop3A_522], %parallel_loop3A_525 {strides = array<i32>} : memref<80x32xf32, #tpu.memory_space<vmem>>, vector<1x16xf32>,
        %parallel_loop3A_526 = vector.extract_strided_slice %parallel_loop3A_237 {offsets = [5], sizes = [1], strides = [1]} : vector<16xi32> to vector<1xi32>
        %parallel_loop3A_527 = vector.extract %parallel_loop3A_526[0] : i32 from vector<1xi32>
        %parallel_loop3A_528 = vector.extract_strided_slice %parallel_loop3A_246 {offsets = [5], sizes = [1], strides = [1]} : vector<16xi32> to vector<1xi32>
        %parallel_loop3A_529 = vector.extract %parallel_loop3A_528[0] : i32 from vector<1xi32>
        %parallel_loop3A_530 = vector.extract_strided_slice %parallel_loop3A_255 {offsets = [5], sizes = [1], strides = [1]} : vector<16xi32> to vector<1xi32>
        %parallel_loop3A_531 = vector.extract %parallel_loop3A_530[0] : i32 from vector<1xi32>
        %parallel_loop3A_532 = arith.constant 0 : i32
        %parallel_loop3A_533 = arith.addi %parallel_loop3A_527, %parallel_loop3A_532 : i32
        %parallel_loop3A_534 = arith.index_cast %parallel_loop3A_533 : i32 to index
        %parallel_loop3A_535 = tpu.vector_load %arg7[%parallel_loop3A_534] {strides = array<i32>} : memref<98304xf32, #tpu.memory_space<vmem>>, vector<16xf32>,
        %parallel_loop3A_536 = vector.shape_cast %parallel_loop3A_535 : vector<16xf32> to vector<16xf32>
        %parallel_loop3A_537 = arith.constant 0 : i32
        %parallel_loop3A_538 = arith.addi %parallel_loop3A_529, %parallel_loop3A_537 : i32
        %parallel_loop3A_539 = arith.index_cast %parallel_loop3A_538 : i32 to index
        %parallel_loop3A_540 = tpu.vector_load %arg7[%parallel_loop3A_539] {strides = array<i32>} : memref<98304xf32, #tpu.memory_space<vmem>>, vector<16xf32>,
        %parallel_loop3A_541 = vector.shape_cast %parallel_loop3A_540 : vector<16xf32> to vector<16xf32>
        %parallel_loop3A_542 = arith.addf %parallel_loop3A_536, %parallel_loop3A_541 : vector<16xf32>
        %parallel_loop3A_543 = arith.constant 0 : i32
        %parallel_loop3A_544 = arith.addi %parallel_loop3A_531, %parallel_loop3A_543 : i32
        %parallel_loop3A_545 = arith.index_cast %parallel_loop3A_544 : i32 to index
        %parallel_loop3A_546 = tpu.vector_load %arg7[%parallel_loop3A_545] {strides = array<i32>} : memref<98304xf32, #tpu.memory_space<vmem>>, vector<16xf32>,
        %parallel_loop3A_547 = vector.shape_cast %parallel_loop3A_546 : vector<16xf32> to vector<16xf32>
        %parallel_loop3A_548 = arith.addf %parallel_loop3A_542, %parallel_loop3A_547 : vector<16xf32>
        %parallel_loop3A_549 = arith.constant 5 : i32
        %parallel_loop3A_550 = arith.addi %parallel_loop3A_231, %parallel_loop3A_549 : i32
        %parallel_loop3A_551 = arith.index_cast %parallel_loop3A_550 : i32 to index
        %parallel_loop3A_552 = arith.constant 0 : index
        %parallel_loop3A_553 = tpu.vector_load %arg9[%parallel_loop3A_551, %parallel_loop3A_552] {strides = array<i32>} : memref<80x32xf32, #tpu.memory_space<vmem>>, vector<1x16xf32>,
        %parallel_loop3A_554 = vector.shape_cast %parallel_loop3A_553 : vector<1x16xf32> to vector<16xf32>
        %parallel_loop3A_555 = vector.shape_cast %parallel_loop3A_548 : vector<16xf32> to vector<1x16xf32>
        tpu.vector_store %arg9[%parallel_loop3A_551, %parallel_loop3A_552], %parallel_loop3A_555 {strides = array<i32>} : memref<80x32xf32, #tpu.memory_space<vmem>>, vector<1x16xf32>,
        %parallel_loop3A_556 = arith.constant 16 : i32
        %parallel_loop3A_557 = arith.addi %parallel_loop3A_527, %parallel_loop3A_556 : i32
        %parallel_loop3A_558 = arith.index_cast %parallel_loop3A_557 : i32 to index
        %parallel_loop3A_559 = tpu.vector_load %arg7[%parallel_loop3A_558] {strides = array<i32>} : memref<98304xf32, #tpu.memory_space<vmem>>, vector<16xf32>,
        %parallel_loop3A_560 = vector.shape_cast %parallel_loop3A_559 : vector<16xf32> to vector<16xf32>
        %parallel_loop3A_561 = arith.constant 16 : i32
        %parallel_loop3A_562 = arith.addi %parallel_loop3A_529, %parallel_loop3A_561 : i32
        %parallel_loop3A_563 = arith.index_cast %parallel_loop3A_562 : i32 to index
        %parallel_loop3A_564 = tpu.vector_load %arg7[%parallel_loop3A_563] {strides = array<i32>} : memref<98304xf32, #tpu.memory_space<vmem>>, vector<16xf32>,
        %parallel_loop3A_565 = vector.shape_cast %parallel_loop3A_564 : vector<16xf32> to vector<16xf32>
        %parallel_loop3A_566 = arith.addf %parallel_loop3A_560, %parallel_loop3A_565 : vector<16xf32>
        %parallel_loop3A_567 = arith.constant 16 : i32
        %parallel_loop3A_568 = arith.addi %parallel_loop3A_531, %parallel_loop3A_567 : i32
        %parallel_loop3A_569 = arith.index_cast %parallel_loop3A_568 : i32 to index
        %parallel_loop3A_570 = tpu.vector_load %arg7[%parallel_loop3A_569] {strides = array<i32>} : memref<98304xf32, #tpu.memory_space<vmem>>, vector<16xf32>,
        %parallel_loop3A_571 = vector.shape_cast %parallel_loop3A_570 : vector<16xf32> to vector<16xf32>
        %parallel_loop3A_572 = arith.addf %parallel_loop3A_566, %parallel_loop3A_571 : vector<16xf32>
        %parallel_loop3A_573 = arith.constant 5 : i32
        %parallel_loop3A_574 = arith.addi %parallel_loop3A_231, %parallel_loop3A_573 : i32
        %parallel_loop3A_575 = arith.index_cast %parallel_loop3A_574 : i32 to index
        %parallel_loop3A_576 = arith.constant 16 : index
        %parallel_loop3A_577 = tpu.vector_load %arg9[%parallel_loop3A_575, %parallel_loop3A_576] {strides = array<i32>} : memref<80x32xf32, #tpu.memory_space<vmem>>, vector<1x16xf32>,
        %parallel_loop3A_578 = vector.shape_cast %parallel_loop3A_577 : vector<1x16xf32> to vector<16xf32>
        %parallel_loop3A_579 = vector.shape_cast %parallel_loop3A_572 : vector<16xf32> to vector<1x16xf32>
        tpu.vector_store %arg9[%parallel_loop3A_575, %parallel_loop3A_576], %parallel_loop3A_579 {strides = array<i32>} : memref<80x32xf32, #tpu.memory_space<vmem>>, vector<1x16xf32>,
        %parallel_loop3A_580 = vector.extract_strided_slice %parallel_loop3A_237 {offsets = [6], sizes = [1], strides = [1]} : vector<16xi32> to vector<1xi32>
        %parallel_loop3A_581 = vector.extract %parallel_loop3A_580[0] : i32 from vector<1xi32>
        %parallel_loop3A_582 = vector.extract_strided_slice %parallel_loop3A_246 {offsets = [6], sizes = [1], strides = [1]} : vector<16xi32> to vector<1xi32>
        %parallel_loop3A_583 = vector.extract %parallel_loop3A_582[0] : i32 from vector<1xi32>
        %parallel_loop3A_584 = vector.extract_strided_slice %parallel_loop3A_255 {offsets = [6], sizes = [1], strides = [1]} : vector<16xi32> to vector<1xi32>
        %parallel_loop3A_585 = vector.extract %parallel_loop3A_584[0] : i32 from vector<1xi32>
        %parallel_loop3A_586 = arith.constant 0 : i32
        %parallel_loop3A_587 = arith.addi %parallel_loop3A_581, %parallel_loop3A_586 : i32
        %parallel_loop3A_588 = arith.index_cast %parallel_loop3A_587 : i32 to index
        %parallel_loop3A_589 = tpu.vector_load %arg7[%parallel_loop3A_588] {strides = array<i32>} : memref<98304xf32, #tpu.memory_space<vmem>>, vector<16xf32>,
        %parallel_loop3A_590 = vector.shape_cast %parallel_loop3A_589 : vector<16xf32> to vector<16xf32>
        %parallel_loop3A_591 = arith.constant 0 : i32
        %parallel_loop3A_592 = arith.addi %parallel_loop3A_583, %parallel_loop3A_591 : i32
        %parallel_loop3A_593 = arith.index_cast %parallel_loop3A_592 : i32 to index
        %parallel_loop3A_594 = tpu.vector_load %arg7[%parallel_loop3A_593] {strides = array<i32>} : memref<98304xf32, #tpu.memory_space<vmem>>, vector<16xf32>,
        %parallel_loop3A_595 = vector.shape_cast %parallel_loop3A_594 : vector<16xf32> to vector<16xf32>
        %parallel_loop3A_596 = arith.addf %parallel_loop3A_590, %parallel_loop3A_595 : vector<16xf32>
        %parallel_loop3A_597 = arith.constant 0 : i32
        %parallel_loop3A_598 = arith.addi %parallel_loop3A_585, %parallel_loop3A_597 : i32
        %parallel_loop3A_599 = arith.index_cast %parallel_loop3A_598 : i32 to index
        %parallel_loop3A_600 = tpu.vector_load %arg7[%parallel_loop3A_599] {strides = array<i32>} : memref<98304xf32, #tpu.memory_space<vmem>>, vector<16xf32>,
        %parallel_loop3A_601 = vector.shape_cast %parallel_loop3A_600 : vector<16xf32> to vector<16xf32>
        %parallel_loop3A_602 = arith.addf %parallel_loop3A_596, %parallel_loop3A_601 : vector<16xf32>
        %parallel_loop3A_603 = arith.constant 6 : i32
        %parallel_loop3A_604 = arith.addi %parallel_loop3A_231, %parallel_loop3A_603 : i32
        %parallel_loop3A_605 = arith.index_cast %parallel_loop3A_604 : i32 to index
        %parallel_loop3A_606 = arith.constant 0 : index
        %parallel_loop3A_607 = tpu.vector_load %arg9[%parallel_loop3A_605, %parallel_loop3A_606] {strides = array<i32>} : memref<80x32xf32, #tpu.memory_space<vmem>>, vector<1x16xf32>,
        %parallel_loop3A_608 = vector.shape_cast %parallel_loop3A_607 : vector<1x16xf32> to vector<16xf32>
        %parallel_loop3A_609 = vector.shape_cast %parallel_loop3A_602 : vector<16xf32> to vector<1x16xf32>
        tpu.vector_store %arg9[%parallel_loop3A_605, %parallel_loop3A_606], %parallel_loop3A_609 {strides = array<i32>} : memref<80x32xf32, #tpu.memory_space<vmem>>, vector<1x16xf32>,
        %parallel_loop3A_610 = arith.constant 16 : i32
        %parallel_loop3A_611 = arith.addi %parallel_loop3A_581, %parallel_loop3A_610 : i32
        %parallel_loop3A_612 = arith.index_cast %parallel_loop3A_611 : i32 to index
        %parallel_loop3A_613 = tpu.vector_load %arg7[%parallel_loop3A_612] {strides = array<i32>} : memref<98304xf32, #tpu.memory_space<vmem>>, vector<16xf32>,
        %parallel_loop3A_614 = vector.shape_cast %parallel_loop3A_613 : vector<16xf32> to vector<16xf32>
        %parallel_loop3A_615 = arith.constant 16 : i32
        %parallel_loop3A_616 = arith.addi %parallel_loop3A_583, %parallel_loop3A_615 : i32
        %parallel_loop3A_617 = arith.index_cast %parallel_loop3A_616 : i32 to index
        %parallel_loop3A_618 = tpu.vector_load %arg7[%parallel_loop3A_617] {strides = array<i32>} : memref<98304xf32, #tpu.memory_space<vmem>>, vector<16xf32>,
        %parallel_loop3A_619 = vector.shape_cast %parallel_loop3A_618 : vector<16xf32> to vector<16xf32>
        %parallel_loop3A_620 = arith.addf %parallel_loop3A_614, %parallel_loop3A_619 : vector<16xf32>
        %parallel_loop3A_621 = arith.constant 16 : i32
        %parallel_loop3A_622 = arith.addi %parallel_loop3A_585, %parallel_loop3A_621 : i32
        %parallel_loop3A_623 = arith.index_cast %parallel_loop3A_622 : i32 to index
        %parallel_loop3A_624 = tpu.vector_load %arg7[%parallel_loop3A_623] {strides = array<i32>} : memref<98304xf32, #tpu.memory_space<vmem>>, vector<16xf32>,
        %parallel_loop3A_625 = vector.shape_cast %parallel_loop3A_624 : vector<16xf32> to vector<16xf32>
        %parallel_loop3A_626 = arith.addf %parallel_loop3A_620, %parallel_loop3A_625 : vector<16xf32>
        %parallel_loop3A_627 = arith.constant 6 : i32
        %parallel_loop3A_628 = arith.addi %parallel_loop3A_231, %parallel_loop3A_627 : i32
        %parallel_loop3A_629 = arith.index_cast %parallel_loop3A_628 : i32 to index
        %parallel_loop3A_630 = arith.constant 16 : index
        %parallel_loop3A_631 = tpu.vector_load %arg9[%parallel_loop3A_629, %parallel_loop3A_630] {strides = array<i32>} : memref<80x32xf32, #tpu.memory_space<vmem>>, vector<1x16xf32>,
        %parallel_loop3A_632 = vector.shape_cast %parallel_loop3A_631 : vector<1x16xf32> to vector<16xf32>
        %parallel_loop3A_633 = vector.shape_cast %parallel_loop3A_626 : vector<16xf32> to vector<1x16xf32>
        tpu.vector_store %arg9[%parallel_loop3A_629, %parallel_loop3A_630], %parallel_loop3A_633 {strides = array<i32>} : memref<80x32xf32, #tpu.memory_space<vmem>>, vector<1x16xf32>,
        %parallel_loop3A_634 = vector.extract_strided_slice %parallel_loop3A_237 {offsets = [7], sizes = [1], strides = [1]} : vector<16xi32> to vector<1xi32>
        %parallel_loop3A_635 = vector.extract %parallel_loop3A_634[0] : i32 from vector<1xi32>
        %parallel_loop3A_636 = vector.extract_strided_slice %parallel_loop3A_246 {offsets = [7], sizes = [1], strides = [1]} : vector<16xi32> to vector<1xi32>
        %parallel_loop3A_637 = vector.extract %parallel_loop3A_636[0] : i32 from vector<1xi32>
        %parallel_loop3A_638 = vector.extract_strided_slice %parallel_loop3A_255 {offsets = [7], sizes = [1], strides = [1]} : vector<16xi32> to vector<1xi32>
        %parallel_loop3A_639 = vector.extract %parallel_loop3A_638[0] : i32 from vector<1xi32>
        %parallel_loop3A_640 = arith.constant 0 : i32
        %parallel_loop3A_641 = arith.addi %parallel_loop3A_635, %parallel_loop3A_640 : i32
        %parallel_loop3A_642 = arith.index_cast %parallel_loop3A_641 : i32 to index
        %parallel_loop3A_643 = tpu.vector_load %arg7[%parallel_loop3A_642] {strides = array<i32>} : memref<98304xf32, #tpu.memory_space<vmem>>, vector<16xf32>,
        %parallel_loop3A_644 = vector.shape_cast %parallel_loop3A_643 : vector<16xf32> to vector<16xf32>
        %parallel_loop3A_645 = arith.constant 0 : i32
        %parallel_loop3A_646 = arith.addi %parallel_loop3A_637, %parallel_loop3A_645 : i32
        %parallel_loop3A_647 = arith.index_cast %parallel_loop3A_646 : i32 to index
        %parallel_loop3A_648 = tpu.vector_load %arg7[%parallel_loop3A_647] {strides = array<i32>} : memref<98304xf32, #tpu.memory_space<vmem>>, vector<16xf32>,
        %parallel_loop3A_649 = vector.shape_cast %parallel_loop3A_648 : vector<16xf32> to vector<16xf32>
        %parallel_loop3A_650 = arith.addf %parallel_loop3A_644, %parallel_loop3A_649 : vector<16xf32>
        %parallel_loop3A_651 = arith.constant 0 : i32
        %parallel_loop3A_652 = arith.addi %parallel_loop3A_639, %parallel_loop3A_651 : i32
        %parallel_loop3A_653 = arith.index_cast %parallel_loop3A_652 : i32 to index
        %parallel_loop3A_654 = tpu.vector_load %arg7[%parallel_loop3A_653] {strides = array<i32>} : memref<98304xf32, #tpu.memory_space<vmem>>, vector<16xf32>,
        %parallel_loop3A_655 = vector.shape_cast %parallel_loop3A_654 : vector<16xf32> to vector<16xf32>
        %parallel_loop3A_656 = arith.addf %parallel_loop3A_650, %parallel_loop3A_655 : vector<16xf32>
        %parallel_loop3A_657 = arith.constant 7 : i32
        %parallel_loop3A_658 = arith.addi %parallel_loop3A_231, %parallel_loop3A_657 : i32
        %parallel_loop3A_659 = arith.index_cast %parallel_loop3A_658 : i32 to index
        %parallel_loop3A_660 = arith.constant 0 : index
        %parallel_loop3A_661 = tpu.vector_load %arg9[%parallel_loop3A_659, %parallel_loop3A_660] {strides = array<i32>} : memref<80x32xf32, #tpu.memory_space<vmem>>, vector<1x16xf32>,
        %parallel_loop3A_662 = vector.shape_cast %parallel_loop3A_661 : vector<1x16xf32> to vector<16xf32>
        %parallel_loop3A_663 = vector.shape_cast %parallel_loop3A_656 : vector<16xf32> to vector<1x16xf32>
        tpu.vector_store %arg9[%parallel_loop3A_659, %parallel_loop3A_660], %parallel_loop3A_663 {strides = array<i32>} : memref<80x32xf32, #tpu.memory_space<vmem>>, vector<1x16xf32>,
        %parallel_loop3A_664 = arith.constant 16 : i32
        %parallel_loop3A_665 = arith.addi %parallel_loop3A_635, %parallel_loop3A_664 : i32
        %parallel_loop3A_666 = arith.index_cast %parallel_loop3A_665 : i32 to index
        %parallel_loop3A_667 = tpu.vector_load %arg7[%parallel_loop3A_666] {strides = array<i32>} : memref<98304xf32, #tpu.memory_space<vmem>>, vector<16xf32>,
        %parallel_loop3A_668 = vector.shape_cast %parallel_loop3A_667 : vector<16xf32> to vector<16xf32>
        %parallel_loop3A_669 = arith.constant 16 : i32
        %parallel_loop3A_670 = arith.addi %parallel_loop3A_637, %parallel_loop3A_669 : i32
        %parallel_loop3A_671 = arith.index_cast %parallel_loop3A_670 : i32 to index
        %parallel_loop3A_672 = tpu.vector_load %arg7[%parallel_loop3A_671] {strides = array<i32>} : memref<98304xf32, #tpu.memory_space<vmem>>, vector<16xf32>,
        %parallel_loop3A_673 = vector.shape_cast %parallel_loop3A_672 : vector<16xf32> to vector<16xf32>
        %parallel_loop3A_674 = arith.addf %parallel_loop3A_668, %parallel_loop3A_673 : vector<16xf32>
        %parallel_loop3A_675 = arith.constant 16 : i32
        %parallel_loop3A_676 = arith.addi %parallel_loop3A_639, %parallel_loop3A_675 : i32
        %parallel_loop3A_677 = arith.index_cast %parallel_loop3A_676 : i32 to index
        %parallel_loop3A_678 = tpu.vector_load %arg7[%parallel_loop3A_677] {strides = array<i32>} : memref<98304xf32, #tpu.memory_space<vmem>>, vector<16xf32>,
        %parallel_loop3A_679 = vector.shape_cast %parallel_loop3A_678 : vector<16xf32> to vector<16xf32>
        %parallel_loop3A_680 = arith.addf %parallel_loop3A_674, %parallel_loop3A_679 : vector<16xf32>
        %parallel_loop3A_681 = arith.constant 7 : i32
        %parallel_loop3A_682 = arith.addi %parallel_loop3A_231, %parallel_loop3A_681 : i32
        %parallel_loop3A_683 = arith.index_cast %parallel_loop3A_682 : i32 to index
        %parallel_loop3A_684 = arith.constant 16 : index
        %parallel_loop3A_685 = tpu.vector_load %arg9[%parallel_loop3A_683, %parallel_loop3A_684] {strides = array<i32>} : memref<80x32xf32, #tpu.memory_space<vmem>>, vector<1x16xf32>,
        %parallel_loop3A_686 = vector.shape_cast %parallel_loop3A_685 : vector<1x16xf32> to vector<16xf32>
        %parallel_loop3A_687 = vector.shape_cast %parallel_loop3A_680 : vector<16xf32> to vector<1x16xf32>
        tpu.vector_store %arg9[%parallel_loop3A_683, %parallel_loop3A_684], %parallel_loop3A_687 {strides = array<i32>} : memref<80x32xf32, #tpu.memory_space<vmem>>, vector<1x16xf32>,
        %parallel_loop3A_688 = vector.extract_strided_slice %parallel_loop3A_237 {offsets = [8], sizes = [1], strides = [1]} : vector<16xi32> to vector<1xi32>
        %parallel_loop3A_689 = vector.extract %parallel_loop3A_688[0] : i32 from vector<1xi32>
        %parallel_loop3A_690 = vector.extract_strided_slice %parallel_loop3A_246 {offsets = [8], sizes = [1], strides = [1]} : vector<16xi32> to vector<1xi32>
        %parallel_loop3A_691 = vector.extract %parallel_loop3A_690[0] : i32 from vector<1xi32>
        %parallel_loop3A_692 = vector.extract_strided_slice %parallel_loop3A_255 {offsets = [8], sizes = [1], strides = [1]} : vector<16xi32> to vector<1xi32>
        %parallel_loop3A_693 = vector.extract %parallel_loop3A_692[0] : i32 from vector<1xi32>
        %parallel_loop3A_694 = arith.constant 0 : i32
        %parallel_loop3A_695 = arith.addi %parallel_loop3A_689, %parallel_loop3A_694 : i32
        %parallel_loop3A_696 = arith.index_cast %parallel_loop3A_695 : i32 to index
        %parallel_loop3A_697 = tpu.vector_load %arg7[%parallel_loop3A_696] {strides = array<i32>} : memref<98304xf32, #tpu.memory_space<vmem>>, vector<16xf32>,
        %parallel_loop3A_698 = vector.shape_cast %parallel_loop3A_697 : vector<16xf32> to vector<16xf32>
        %parallel_loop3A_699 = arith.constant 0 : i32
        %parallel_loop3A_700 = arith.addi %parallel_loop3A_691, %parallel_loop3A_699 : i32
        %parallel_loop3A_701 = arith.index_cast %parallel_loop3A_700 : i32 to index
        %parallel_loop3A_702 = tpu.vector_load %arg7[%parallel_loop3A_701] {strides = array<i32>} : memref<98304xf32, #tpu.memory_space<vmem>>, vector<16xf32>,
        %parallel_loop3A_703 = vector.shape_cast %parallel_loop3A_702 : vector<16xf32> to vector<16xf32>
        %parallel_loop3A_704 = arith.addf %parallel_loop3A_698, %parallel_loop3A_703 : vector<16xf32>
        %parallel_loop3A_705 = arith.constant 0 : i32
        %parallel_loop3A_706 = arith.addi %parallel_loop3A_693, %parallel_loop3A_705 : i32
        %parallel_loop3A_707 = arith.index_cast %parallel_loop3A_706 : i32 to index
        %parallel_loop3A_708 = tpu.vector_load %arg7[%parallel_loop3A_707] {strides = array<i32>} : memref<98304xf32, #tpu.memory_space<vmem>>, vector<16xf32>,
        %parallel_loop3A_709 = vector.shape_cast %parallel_loop3A_708 : vector<16xf32> to vector<16xf32>
        %parallel_loop3A_710 = arith.addf %parallel_loop3A_704, %parallel_loop3A_709 : vector<16xf32>
        %parallel_loop3A_711 = arith.constant 8 : i32
        %parallel_loop3A_712 = arith.addi %parallel_loop3A_231, %parallel_loop3A_711 : i32
        %parallel_loop3A_713 = arith.index_cast %parallel_loop3A_712 : i32 to index
        %parallel_loop3A_714 = arith.constant 0 : index
        %parallel_loop3A_715 = tpu.vector_load %arg9[%parallel_loop3A_713, %parallel_loop3A_714] {strides = array<i32>} : memref<80x32xf32, #tpu.memory_space<vmem>>, vector<1x16xf32>,
        %parallel_loop3A_716 = vector.shape_cast %parallel_loop3A_715 : vector<1x16xf32> to vector<16xf32>
        %parallel_loop3A_717 = vector.shape_cast %parallel_loop3A_710 : vector<16xf32> to vector<1x16xf32>
        tpu.vector_store %arg9[%parallel_loop3A_713, %parallel_loop3A_714], %parallel_loop3A_717 {strides = array<i32>} : memref<80x32xf32, #tpu.memory_space<vmem>>, vector<1x16xf32>,
        %parallel_loop3A_718 = arith.constant 16 : i32
        %parallel_loop3A_719 = arith.addi %parallel_loop3A_689, %parallel_loop3A_718 : i32
        %parallel_loop3A_720 = arith.index_cast %parallel_loop3A_719 : i32 to index
        %parallel_loop3A_721 = tpu.vector_load %arg7[%parallel_loop3A_720] {strides = array<i32>} : memref<98304xf32, #tpu.memory_space<vmem>>, vector<16xf32>,
        %parallel_loop3A_722 = vector.shape_cast %parallel_loop3A_721 : vector<16xf32> to vector<16xf32>
        %parallel_loop3A_723 = arith.constant 16 : i32
        %parallel_loop3A_724 = arith.addi %parallel_loop3A_691, %parallel_loop3A_723 : i32
        %parallel_loop3A_725 = arith.index_cast %parallel_loop3A_724 : i32 to index
        %parallel_loop3A_726 = tpu.vector_load %arg7[%parallel_loop3A_725] {strides = array<i32>} : memref<98304xf32, #tpu.memory_space<vmem>>, vector<16xf32>,
        %parallel_loop3A_727 = vector.shape_cast %parallel_loop3A_726 : vector<16xf32> to vector<16xf32>
        %parallel_loop3A_728 = arith.addf %parallel_loop3A_722, %parallel_loop3A_727 : vector<16xf32>
        %parallel_loop3A_729 = arith.constant 16 : i32
        %parallel_loop3A_730 = arith.addi %parallel_loop3A_693, %parallel_loop3A_729 : i32
        %parallel_loop3A_731 = arith.index_cast %parallel_loop3A_730 : i32 to index
        %parallel_loop3A_732 = tpu.vector_load %arg7[%parallel_loop3A_731] {strides = array<i32>} : memref<98304xf32, #tpu.memory_space<vmem>>, vector<16xf32>,
        %parallel_loop3A_733 = vector.shape_cast %parallel_loop3A_732 : vector<16xf32> to vector<16xf32>
        %parallel_loop3A_734 = arith.addf %parallel_loop3A_728, %parallel_loop3A_733 : vector<16xf32>
        %parallel_loop3A_735 = arith.constant 8 : i32
        %parallel_loop3A_736 = arith.addi %parallel_loop3A_231, %parallel_loop3A_735 : i32
        %parallel_loop3A_737 = arith.index_cast %parallel_loop3A_736 : i32 to index
        %parallel_loop3A_738 = arith.constant 16 : index
        %parallel_loop3A_739 = tpu.vector_load %arg9[%parallel_loop3A_737, %parallel_loop3A_738] {strides = array<i32>} : memref<80x32xf32, #tpu.memory_space<vmem>>, vector<1x16xf32>,
        %parallel_loop3A_740 = vector.shape_cast %parallel_loop3A_739 : vector<1x16xf32> to vector<16xf32>
        %parallel_loop3A_741 = vector.shape_cast %parallel_loop3A_734 : vector<16xf32> to vector<1x16xf32>
        tpu.vector_store %arg9[%parallel_loop3A_737, %parallel_loop3A_738], %parallel_loop3A_741 {strides = array<i32>} : memref<80x32xf32, #tpu.memory_space<vmem>>, vector<1x16xf32>,
        %parallel_loop3A_742 = vector.extract_strided_slice %parallel_loop3A_237 {offsets = [9], sizes = [1], strides = [1]} : vector<16xi32> to vector<1xi32>
        %parallel_loop3A_743 = vector.extract %parallel_loop3A_742[0] : i32 from vector<1xi32>
        %parallel_loop3A_744 = vector.extract_strided_slice %parallel_loop3A_246 {offsets = [9], sizes = [1], strides = [1]} : vector<16xi32> to vector<1xi32>
        %parallel_loop3A_745 = vector.extract %parallel_loop3A_744[0] : i32 from vector<1xi32>
        %parallel_loop3A_746 = vector.extract_strided_slice %parallel_loop3A_255 {offsets = [9], sizes = [1], strides = [1]} : vector<16xi32> to vector<1xi32>
        %parallel_loop3A_747 = vector.extract %parallel_loop3A_746[0] : i32 from vector<1xi32>
        %parallel_loop3A_748 = arith.constant 0 : i32
        %parallel_loop3A_749 = arith.addi %parallel_loop3A_743, %parallel_loop3A_748 : i32
        %parallel_loop3A_750 = arith.index_cast %parallel_loop3A_749 : i32 to index
        %parallel_loop3A_751 = tpu.vector_load %arg7[%parallel_loop3A_750] {strides = array<i32>} : memref<98304xf32, #tpu.memory_space<vmem>>, vector<16xf32>,
        %parallel_loop3A_752 = vector.shape_cast %parallel_loop3A_751 : vector<16xf32> to vector<16xf32>
        %parallel_loop3A_753 = arith.constant 0 : i32
        %parallel_loop3A_754 = arith.addi %parallel_loop3A_745, %parallel_loop3A_753 : i32
        %parallel_loop3A_755 = arith.index_cast %parallel_loop3A_754 : i32 to index
        %parallel_loop3A_756 = tpu.vector_load %arg7[%parallel_loop3A_755] {strides = array<i32>} : memref<98304xf32, #tpu.memory_space<vmem>>, vector<16xf32>,
        %parallel_loop3A_757 = vector.shape_cast %parallel_loop3A_756 : vector<16xf32> to vector<16xf32>
        %parallel_loop3A_758 = arith.addf %parallel_loop3A_752, %parallel_loop3A_757 : vector<16xf32>
        %parallel_loop3A_759 = arith.constant 0 : i32
        %parallel_loop3A_760 = arith.addi %parallel_loop3A_747, %parallel_loop3A_759 : i32
        %parallel_loop3A_761 = arith.index_cast %parallel_loop3A_760 : i32 to index
        %parallel_loop3A_762 = tpu.vector_load %arg7[%parallel_loop3A_761] {strides = array<i32>} : memref<98304xf32, #tpu.memory_space<vmem>>, vector<16xf32>,
        %parallel_loop3A_763 = vector.shape_cast %parallel_loop3A_762 : vector<16xf32> to vector<16xf32>
        %parallel_loop3A_764 = arith.addf %parallel_loop3A_758, %parallel_loop3A_763 : vector<16xf32>
        %parallel_loop3A_765 = arith.constant 9 : i32
        %parallel_loop3A_766 = arith.addi %parallel_loop3A_231, %parallel_loop3A_765 : i32
        %parallel_loop3A_767 = arith.index_cast %parallel_loop3A_766 : i32 to index
        %parallel_loop3A_768 = arith.constant 0 : index
        %parallel_loop3A_769 = tpu.vector_load %arg9[%parallel_loop3A_767, %parallel_loop3A_768] {strides = array<i32>} : memref<80x32xf32, #tpu.memory_space<vmem>>, vector<1x16xf32>,
        %parallel_loop3A_770 = vector.shape_cast %parallel_loop3A_769 : vector<1x16xf32> to vector<16xf32>
        %parallel_loop3A_771 = vector.shape_cast %parallel_loop3A_764 : vector<16xf32> to vector<1x16xf32>
        tpu.vector_store %arg9[%parallel_loop3A_767, %parallel_loop3A_768], %parallel_loop3A_771 {strides = array<i32>} : memref<80x32xf32, #tpu.memory_space<vmem>>, vector<1x16xf32>,
        %parallel_loop3A_772 = arith.constant 16 : i32
        %parallel_loop3A_773 = arith.addi %parallel_loop3A_743, %parallel_loop3A_772 : i32
        %parallel_loop3A_774 = arith.index_cast %parallel_loop3A_773 : i32 to index
        %parallel_loop3A_775 = tpu.vector_load %arg7[%parallel_loop3A_774] {strides = array<i32>} : memref<98304xf32, #tpu.memory_space<vmem>>, vector<16xf32>,
        %parallel_loop3A_776 = vector.shape_cast %parallel_loop3A_775 : vector<16xf32> to vector<16xf32>
        %parallel_loop3A_777 = arith.constant 16 : i32
        %parallel_loop3A_778 = arith.addi %parallel_loop3A_745, %parallel_loop3A_777 : i32
        %parallel_loop3A_779 = arith.index_cast %parallel_loop3A_778 : i32 to index
        %parallel_loop3A_780 = tpu.vector_load %arg7[%parallel_loop3A_779] {strides = array<i32>} : memref<98304xf32, #tpu.memory_space<vmem>>, vector<16xf32>,
        %parallel_loop3A_781 = vector.shape_cast %parallel_loop3A_780 : vector<16xf32> to vector<16xf32>
        %parallel_loop3A_782 = arith.addf %parallel_loop3A_776, %parallel_loop3A_781 : vector<16xf32>
        %parallel_loop3A_783 = arith.constant 16 : i32
        %parallel_loop3A_784 = arith.addi %parallel_loop3A_747, %parallel_loop3A_783 : i32
        %parallel_loop3A_785 = arith.index_cast %parallel_loop3A_784 : i32 to index
        %parallel_loop3A_786 = tpu.vector_load %arg7[%parallel_loop3A_785] {strides = array<i32>} : memref<98304xf32, #tpu.memory_space<vmem>>, vector<16xf32>,
        %parallel_loop3A_787 = vector.shape_cast %parallel_loop3A_786 : vector<16xf32> to vector<16xf32>
        %parallel_loop3A_788 = arith.addf %parallel_loop3A_782, %parallel_loop3A_787 : vector<16xf32>
        %parallel_loop3A_789 = arith.constant 9 : i32
        %parallel_loop3A_790 = arith.addi %parallel_loop3A_231, %parallel_loop3A_789 : i32
        %parallel_loop3A_791 = arith.index_cast %parallel_loop3A_790 : i32 to index
        %parallel_loop3A_792 = arith.constant 16 : index
        %parallel_loop3A_793 = tpu.vector_load %arg9[%parallel_loop3A_791, %parallel_loop3A_792] {strides = array<i32>} : memref<80x32xf32, #tpu.memory_space<vmem>>, vector<1x16xf32>,
        %parallel_loop3A_794 = vector.shape_cast %parallel_loop3A_793 : vector<1x16xf32> to vector<16xf32>
        %parallel_loop3A_795 = vector.shape_cast %parallel_loop3A_788 : vector<16xf32> to vector<1x16xf32>
        tpu.vector_store %arg9[%parallel_loop3A_791, %parallel_loop3A_792], %parallel_loop3A_795 {strides = array<i32>} : memref<80x32xf32, #tpu.memory_space<vmem>>, vector<1x16xf32>,
        %parallel_loop3A_796 = vector.extract_strided_slice %parallel_loop3A_237 {offsets = [10], sizes = [1], strides = [1]} : vector<16xi32> to vector<1xi32>
        %parallel_loop3A_797 = vector.extract %parallel_loop3A_796[0] : i32 from vector<1xi32>
        %parallel_loop3A_798 = vector.extract_strided_slice %parallel_loop3A_246 {offsets = [10], sizes = [1], strides = [1]} : vector<16xi32> to vector<1xi32>
        %parallel_loop3A_799 = vector.extract %parallel_loop3A_798[0] : i32 from vector<1xi32>
        %parallel_loop3A_800 = vector.extract_strided_slice %parallel_loop3A_255 {offsets = [10], sizes = [1], strides = [1]} : vector<16xi32> to vector<1xi32>
        %parallel_loop3A_801 = vector.extract %parallel_loop3A_800[0] : i32 from vector<1xi32>
        %parallel_loop3A_802 = arith.constant 0 : i32
        %parallel_loop3A_803 = arith.addi %parallel_loop3A_797, %parallel_loop3A_802 : i32
        %parallel_loop3A_804 = arith.index_cast %parallel_loop3A_803 : i32 to index
        %parallel_loop3A_805 = tpu.vector_load %arg7[%parallel_loop3A_804] {strides = array<i32>} : memref<98304xf32, #tpu.memory_space<vmem>>, vector<16xf32>,
        %parallel_loop3A_806 = vector.shape_cast %parallel_loop3A_805 : vector<16xf32> to vector<16xf32>
        %parallel_loop3A_807 = arith.constant 0 : i32
        %parallel_loop3A_808 = arith.addi %parallel_loop3A_799, %parallel_loop3A_807 : i32
        %parallel_loop3A_809 = arith.index_cast %parallel_loop3A_808 : i32 to index
        %parallel_loop3A_810 = tpu.vector_load %arg7[%parallel_loop3A_809] {strides = array<i32>} : memref<98304xf32, #tpu.memory_space<vmem>>, vector<16xf32>,
        %parallel_loop3A_811 = vector.shape_cast %parallel_loop3A_810 : vector<16xf32> to vector<16xf32>
        %parallel_loop3A_812 = arith.addf %parallel_loop3A_806, %parallel_loop3A_811 : vector<16xf32>
        %parallel_loop3A_813 = arith.constant 0 : i32
        %parallel_loop3A_814 = arith.addi %parallel_loop3A_801, %parallel_loop3A_813 : i32
        %parallel_loop3A_815 = arith.index_cast %parallel_loop3A_814 : i32 to index
        %parallel_loop3A_816 = tpu.vector_load %arg7[%parallel_loop3A_815] {strides = array<i32>} : memref<98304xf32, #tpu.memory_space<vmem>>, vector<16xf32>,
        %parallel_loop3A_817 = vector.shape_cast %parallel_loop3A_816 : vector<16xf32> to vector<16xf32>
        %parallel_loop3A_818 = arith.addf %parallel_loop3A_812, %parallel_loop3A_817 : vector<16xf32>
        %parallel_loop3A_819 = arith.constant 10 : i32
        %parallel_loop3A_820 = arith.addi %parallel_loop3A_231, %parallel_loop3A_819 : i32
        %parallel_loop3A_821 = arith.index_cast %parallel_loop3A_820 : i32 to index
        %parallel_loop3A_822 = arith.constant 0 : index
        %parallel_loop3A_823 = tpu.vector_load %arg9[%parallel_loop3A_821, %parallel_loop3A_822] {strides = array<i32>} : memref<80x32xf32, #tpu.memory_space<vmem>>, vector<1x16xf32>,
        %parallel_loop3A_824 = vector.shape_cast %parallel_loop3A_823 : vector<1x16xf32> to vector<16xf32>
        %parallel_loop3A_825 = vector.shape_cast %parallel_loop3A_818 : vector<16xf32> to vector<1x16xf32>
        tpu.vector_store %arg9[%parallel_loop3A_821, %parallel_loop3A_822], %parallel_loop3A_825 {strides = array<i32>} : memref<80x32xf32, #tpu.memory_space<vmem>>, vector<1x16xf32>,
        %parallel_loop3A_826 = arith.constant 16 : i32
        %parallel_loop3A_827 = arith.addi %parallel_loop3A_797, %parallel_loop3A_826 : i32
        %parallel_loop3A_828 = arith.index_cast %parallel_loop3A_827 : i32 to index
        %parallel_loop3A_829 = tpu.vector_load %arg7[%parallel_loop3A_828] {strides = array<i32>} : memref<98304xf32, #tpu.memory_space<vmem>>, vector<16xf32>,
        %parallel_loop3A_830 = vector.shape_cast %parallel_loop3A_829 : vector<16xf32> to vector<16xf32>
        %parallel_loop3A_831 = arith.constant 16 : i32
        %parallel_loop3A_832 = arith.addi %parallel_loop3A_799, %parallel_loop3A_831 : i32
        %parallel_loop3A_833 = arith.index_cast %parallel_loop3A_832 : i32 to index
        %parallel_loop3A_834 = tpu.vector_load %arg7[%parallel_loop3A_833] {strides = array<i32>} : memref<98304xf32, #tpu.memory_space<vmem>>, vector<16xf32>,
        %parallel_loop3A_835 = vector.shape_cast %parallel_loop3A_834 : vector<16xf32> to vector<16xf32>
        %parallel_loop3A_836 = arith.addf %parallel_loop3A_830, %parallel_loop3A_835 : vector<16xf32>
        %parallel_loop3A_837 = arith.constant 16 : i32
        %parallel_loop3A_838 = arith.addi %parallel_loop3A_801, %parallel_loop3A_837 : i32
        %parallel_loop3A_839 = arith.index_cast %parallel_loop3A_838 : i32 to index
        %parallel_loop3A_840 = tpu.vector_load %arg7[%parallel_loop3A_839] {strides = array<i32>} : memref<98304xf32, #tpu.memory_space<vmem>>, vector<16xf32>,
        %parallel_loop3A_841 = vector.shape_cast %parallel_loop3A_840 : vector<16xf32> to vector<16xf32>
        %parallel_loop3A_842 = arith.addf %parallel_loop3A_836, %parallel_loop3A_841 : vector<16xf32>
        %parallel_loop3A_843 = arith.constant 10 : i32
        %parallel_loop3A_844 = arith.addi %parallel_loop3A_231, %parallel_loop3A_843 : i32
        %parallel_loop3A_845 = arith.index_cast %parallel_loop3A_844 : i32 to index
        %parallel_loop3A_846 = arith.constant 16 : index
        %parallel_loop3A_847 = tpu.vector_load %arg9[%parallel_loop3A_845, %parallel_loop3A_846] {strides = array<i32>} : memref<80x32xf32, #tpu.memory_space<vmem>>, vector<1x16xf32>,
        %parallel_loop3A_848 = vector.shape_cast %parallel_loop3A_847 : vector<1x16xf32> to vector<16xf32>
        %parallel_loop3A_849 = vector.shape_cast %parallel_loop3A_842 : vector<16xf32> to vector<1x16xf32>
        tpu.vector_store %arg9[%parallel_loop3A_845, %parallel_loop3A_846], %parallel_loop3A_849 {strides = array<i32>} : memref<80x32xf32, #tpu.memory_space<vmem>>, vector<1x16xf32>,
        %parallel_loop3A_850 = vector.extract_strided_slice %parallel_loop3A_237 {offsets = [11], sizes = [1], strides = [1]} : vector<16xi32> to vector<1xi32>
        %parallel_loop3A_851 = vector.extract %parallel_loop3A_850[0] : i32 from vector<1xi32>
        %parallel_loop3A_852 = vector.extract_strided_slice %parallel_loop3A_246 {offsets = [11], sizes = [1], strides = [1]} : vector<16xi32> to vector<1xi32>
        %parallel_loop3A_853 = vector.extract %parallel_loop3A_852[0] : i32 from vector<1xi32>
        %parallel_loop3A_854 = vector.extract_strided_slice %parallel_loop3A_255 {offsets = [11], sizes = [1], strides = [1]} : vector<16xi32> to vector<1xi32>
        %parallel_loop3A_855 = vector.extract %parallel_loop3A_854[0] : i32 from vector<1xi32>
        %parallel_loop3A_856 = arith.constant 0 : i32
        %parallel_loop3A_857 = arith.addi %parallel_loop3A_851, %parallel_loop3A_856 : i32
        %parallel_loop3A_858 = arith.index_cast %parallel_loop3A_857 : i32 to index
        %parallel_loop3A_859 = tpu.vector_load %arg7[%parallel_loop3A_858] {strides = array<i32>} : memref<98304xf32, #tpu.memory_space<vmem>>, vector<16xf32>,
        %parallel_loop3A_860 = vector.shape_cast %parallel_loop3A_859 : vector<16xf32> to vector<16xf32>
        %parallel_loop3A_861 = arith.constant 0 : i32
        %parallel_loop3A_862 = arith.addi %parallel_loop3A_853, %parallel_loop3A_861 : i32
        %parallel_loop3A_863 = arith.index_cast %parallel_loop3A_862 : i32 to index
        %parallel_loop3A_864 = tpu.vector_load %arg7[%parallel_loop3A_863] {strides = array<i32>} : memref<98304xf32, #tpu.memory_space<vmem>>, vector<16xf32>,
        %parallel_loop3A_865 = vector.shape_cast %parallel_loop3A_864 : vector<16xf32> to vector<16xf32>
        %parallel_loop3A_866 = arith.addf %parallel_loop3A_860, %parallel_loop3A_865 : vector<16xf32>
        %parallel_loop3A_867 = arith.constant 0 : i32
        %parallel_loop3A_868 = arith.addi %parallel_loop3A_855, %parallel_loop3A_867 : i32
        %parallel_loop3A_869 = arith.index_cast %parallel_loop3A_868 : i32 to index
        %parallel_loop3A_870 = tpu.vector_load %arg7[%parallel_loop3A_869] {strides = array<i32>} : memref<98304xf32, #tpu.memory_space<vmem>>, vector<16xf32>,
        %parallel_loop3A_871 = vector.shape_cast %parallel_loop3A_870 : vector<16xf32> to vector<16xf32>
        %parallel_loop3A_872 = arith.addf %parallel_loop3A_866, %parallel_loop3A_871 : vector<16xf32>
        %parallel_loop3A_873 = arith.constant 11 : i32
        %parallel_loop3A_874 = arith.addi %parallel_loop3A_231, %parallel_loop3A_873 : i32
        %parallel_loop3A_875 = arith.index_cast %parallel_loop3A_874 : i32 to index
        %parallel_loop3A_876 = arith.constant 0 : index
        %parallel_loop3A_877 = tpu.vector_load %arg9[%parallel_loop3A_875, %parallel_loop3A_876] {strides = array<i32>} : memref<80x32xf32, #tpu.memory_space<vmem>>, vector<1x16xf32>,
        %parallel_loop3A_878 = vector.shape_cast %parallel_loop3A_877 : vector<1x16xf32> to vector<16xf32>
        %parallel_loop3A_879 = vector.shape_cast %parallel_loop3A_872 : vector<16xf32> to vector<1x16xf32>
        tpu.vector_store %arg9[%parallel_loop3A_875, %parallel_loop3A_876], %parallel_loop3A_879 {strides = array<i32>} : memref<80x32xf32, #tpu.memory_space<vmem>>, vector<1x16xf32>,
        %parallel_loop3A_880 = arith.constant 16 : i32
        %parallel_loop3A_881 = arith.addi %parallel_loop3A_851, %parallel_loop3A_880 : i32
        %parallel_loop3A_882 = arith.index_cast %parallel_loop3A_881 : i32 to index
        %parallel_loop3A_883 = tpu.vector_load %arg7[%parallel_loop3A_882] {strides = array<i32>} : memref<98304xf32, #tpu.memory_space<vmem>>, vector<16xf32>,
        %parallel_loop3A_884 = vector.shape_cast %parallel_loop3A_883 : vector<16xf32> to vector<16xf32>
        %parallel_loop3A_885 = arith.constant 16 : i32
        %parallel_loop3A_886 = arith.addi %parallel_loop3A_853, %parallel_loop3A_885 : i32
        %parallel_loop3A_887 = arith.index_cast %parallel_loop3A_886 : i32 to index
        %parallel_loop3A_888 = tpu.vector_load %arg7[%parallel_loop3A_887] {strides = array<i32>} : memref<98304xf32, #tpu.memory_space<vmem>>, vector<16xf32>,
        %parallel_loop3A_889 = vector.shape_cast %parallel_loop3A_888 : vector<16xf32> to vector<16xf32>
        %parallel_loop3A_890 = arith.addf %parallel_loop3A_884, %parallel_loop3A_889 : vector<16xf32>
        %parallel_loop3A_891 = arith.constant 16 : i32
        %parallel_loop3A_892 = arith.addi %parallel_loop3A_855, %parallel_loop3A_891 : i32
        %parallel_loop3A_893 = arith.index_cast %parallel_loop3A_892 : i32 to index
        %parallel_loop3A_894 = tpu.vector_load %arg7[%parallel_loop3A_893] {strides = array<i32>} : memref<98304xf32, #tpu.memory_space<vmem>>, vector<16xf32>,
        %parallel_loop3A_895 = vector.shape_cast %parallel_loop3A_894 : vector<16xf32> to vector<16xf32>
        %parallel_loop3A_896 = arith.addf %parallel_loop3A_890, %parallel_loop3A_895 : vector<16xf32>
        %parallel_loop3A_897 = arith.constant 11 : i32
        %parallel_loop3A_898 = arith.addi %parallel_loop3A_231, %parallel_loop3A_897 : i32
        %parallel_loop3A_899 = arith.index_cast %parallel_loop3A_898 : i32 to index
        %parallel_loop3A_900 = arith.constant 16 : index
        %parallel_loop3A_901 = tpu.vector_load %arg9[%parallel_loop3A_899, %parallel_loop3A_900] {strides = array<i32>} : memref<80x32xf32, #tpu.memory_space<vmem>>, vector<1x16xf32>,
        %parallel_loop3A_902 = vector.shape_cast %parallel_loop3A_901 : vector<1x16xf32> to vector<16xf32>
        %parallel_loop3A_903 = vector.shape_cast %parallel_loop3A_896 : vector<16xf32> to vector<1x16xf32>
        tpu.vector_store %arg9[%parallel_loop3A_899, %parallel_loop3A_900], %parallel_loop3A_903 {strides = array<i32>} : memref<80x32xf32, #tpu.memory_space<vmem>>, vector<1x16xf32>,
        %parallel_loop3A_904 = vector.extract_strided_slice %parallel_loop3A_237 {offsets = [12], sizes = [1], strides = [1]} : vector<16xi32> to vector<1xi32>
        %parallel_loop3A_905 = vector.extract %parallel_loop3A_904[0] : i32 from vector<1xi32>
        %parallel_loop3A_906 = vector.extract_strided_slice %parallel_loop3A_246 {offsets = [12], sizes = [1], strides = [1]} : vector<16xi32> to vector<1xi32>
        %parallel_loop3A_907 = vector.extract %parallel_loop3A_906[0] : i32 from vector<1xi32>
        %parallel_loop3A_908 = vector.extract_strided_slice %parallel_loop3A_255 {offsets = [12], sizes = [1], strides = [1]} : vector<16xi32> to vector<1xi32>
        %parallel_loop3A_909 = vector.extract %parallel_loop3A_908[0] : i32 from vector<1xi32>
        %parallel_loop3A_910 = arith.constant 0 : i32
        %parallel_loop3A_911 = arith.addi %parallel_loop3A_905, %parallel_loop3A_910 : i32
        %parallel_loop3A_912 = arith.index_cast %parallel_loop3A_911 : i32 to index
        %parallel_loop3A_913 = tpu.vector_load %arg7[%parallel_loop3A_912] {strides = array<i32>} : memref<98304xf32, #tpu.memory_space<vmem>>, vector<16xf32>,
        %parallel_loop3A_914 = vector.shape_cast %parallel_loop3A_913 : vector<16xf32> to vector<16xf32>
        %parallel_loop3A_915 = arith.constant 0 : i32
        %parallel_loop3A_916 = arith.addi %parallel_loop3A_907, %parallel_loop3A_915 : i32
        %parallel_loop3A_917 = arith.index_cast %parallel_loop3A_916 : i32 to index
        %parallel_loop3A_918 = tpu.vector_load %arg7[%parallel_loop3A_917] {strides = array<i32>} : memref<98304xf32, #tpu.memory_space<vmem>>, vector<16xf32>,
        %parallel_loop3A_919 = vector.shape_cast %parallel_loop3A_918 : vector<16xf32> to vector<16xf32>
        %parallel_loop3A_920 = arith.addf %parallel_loop3A_914, %parallel_loop3A_919 : vector<16xf32>
        %parallel_loop3A_921 = arith.constant 0 : i32
        %parallel_loop3A_922 = arith.addi %parallel_loop3A_909, %parallel_loop3A_921 : i32
        %parallel_loop3A_923 = arith.index_cast %parallel_loop3A_922 : i32 to index
        %parallel_loop3A_924 = tpu.vector_load %arg7[%parallel_loop3A_923] {strides = array<i32>} : memref<98304xf32, #tpu.memory_space<vmem>>, vector<16xf32>,
        %parallel_loop3A_925 = vector.shape_cast %parallel_loop3A_924 : vector<16xf32> to vector<16xf32>
        %parallel_loop3A_926 = arith.addf %parallel_loop3A_920, %parallel_loop3A_925 : vector<16xf32>
        %parallel_loop3A_927 = arith.constant 12 : i32
        %parallel_loop3A_928 = arith.addi %parallel_loop3A_231, %parallel_loop3A_927 : i32
        %parallel_loop3A_929 = arith.index_cast %parallel_loop3A_928 : i32 to index
        %parallel_loop3A_930 = arith.constant 0 : index
        %parallel_loop3A_931 = tpu.vector_load %arg9[%parallel_loop3A_929, %parallel_loop3A_930] {strides = array<i32>} : memref<80x32xf32, #tpu.memory_space<vmem>>, vector<1x16xf32>,
        %parallel_loop3A_932 = vector.shape_cast %parallel_loop3A_931 : vector<1x16xf32> to vector<16xf32>
        %parallel_loop3A_933 = vector.shape_cast %parallel_loop3A_926 : vector<16xf32> to vector<1x16xf32>
        tpu.vector_store %arg9[%parallel_loop3A_929, %parallel_loop3A_930], %parallel_loop3A_933 {strides = array<i32>} : memref<80x32xf32, #tpu.memory_space<vmem>>, vector<1x16xf32>,
        %parallel_loop3A_934 = arith.constant 16 : i32
        %parallel_loop3A_935 = arith.addi %parallel_loop3A_905, %parallel_loop3A_934 : i32
        %parallel_loop3A_936 = arith.index_cast %parallel_loop3A_935 : i32 to index
        %parallel_loop3A_937 = tpu.vector_load %arg7[%parallel_loop3A_936] {strides = array<i32>} : memref<98304xf32, #tpu.memory_space<vmem>>, vector<16xf32>,
        %parallel_loop3A_938 = vector.shape_cast %parallel_loop3A_937 : vector<16xf32> to vector<16xf32>
        %parallel_loop3A_939 = arith.constant 16 : i32
        %parallel_loop3A_940 = arith.addi %parallel_loop3A_907, %parallel_loop3A_939 : i32
        %parallel_loop3A_941 = arith.index_cast %parallel_loop3A_940 : i32 to index
        %parallel_loop3A_942 = tpu.vector_load %arg7[%parallel_loop3A_941] {strides = array<i32>} : memref<98304xf32, #tpu.memory_space<vmem>>, vector<16xf32>,
        %parallel_loop3A_943 = vector.shape_cast %parallel_loop3A_942 : vector<16xf32> to vector<16xf32>
        %parallel_loop3A_944 = arith.addf %parallel_loop3A_938, %parallel_loop3A_943 : vector<16xf32>
        %parallel_loop3A_945 = arith.constant 16 : i32
        %parallel_loop3A_946 = arith.addi %parallel_loop3A_909, %parallel_loop3A_945 : i32
        %parallel_loop3A_947 = arith.index_cast %parallel_loop3A_946 : i32 to index
        %parallel_loop3A_948 = tpu.vector_load %arg7[%parallel_loop3A_947] {strides = array<i32>} : memref<98304xf32, #tpu.memory_space<vmem>>, vector<16xf32>,
        %parallel_loop3A_949 = vector.shape_cast %parallel_loop3A_948 : vector<16xf32> to vector<16xf32>
        %parallel_loop3A_950 = arith.addf %parallel_loop3A_944, %parallel_loop3A_949 : vector<16xf32>
        %parallel_loop3A_951 = arith.constant 12 : i32
        %parallel_loop3A_952 = arith.addi %parallel_loop3A_231, %parallel_loop3A_951 : i32
        %parallel_loop3A_953 = arith.index_cast %parallel_loop3A_952 : i32 to index
        %parallel_loop3A_954 = arith.constant 16 : index
        %parallel_loop3A_955 = tpu.vector_load %arg9[%parallel_loop3A_953, %parallel_loop3A_954] {strides = array<i32>} : memref<80x32xf32, #tpu.memory_space<vmem>>, vector<1x16xf32>,
        %parallel_loop3A_956 = vector.shape_cast %parallel_loop3A_955 : vector<1x16xf32> to vector<16xf32>
        %parallel_loop3A_957 = vector.shape_cast %parallel_loop3A_950 : vector<16xf32> to vector<1x16xf32>
        tpu.vector_store %arg9[%parallel_loop3A_953, %parallel_loop3A_954], %parallel_loop3A_957 {strides = array<i32>} : memref<80x32xf32, #tpu.memory_space<vmem>>, vector<1x16xf32>,
        %parallel_loop3A_958 = vector.extract_strided_slice %parallel_loop3A_237 {offsets = [13], sizes = [1], strides = [1]} : vector<16xi32> to vector<1xi32>
        %parallel_loop3A_959 = vector.extract %parallel_loop3A_958[0] : i32 from vector<1xi32>
        %parallel_loop3A_960 = vector.extract_strided_slice %parallel_loop3A_246 {offsets = [13], sizes = [1], strides = [1]} : vector<16xi32> to vector<1xi32>
        %parallel_loop3A_961 = vector.extract %parallel_loop3A_960[0] : i32 from vector<1xi32>
        %parallel_loop3A_962 = vector.extract_strided_slice %parallel_loop3A_255 {offsets = [13], sizes = [1], strides = [1]} : vector<16xi32> to vector<1xi32>
        %parallel_loop3A_963 = vector.extract %parallel_loop3A_962[0] : i32 from vector<1xi32>
        %parallel_loop3A_964 = arith.constant 0 : i32
        %parallel_loop3A_965 = arith.addi %parallel_loop3A_959, %parallel_loop3A_964 : i32
        %parallel_loop3A_966 = arith.index_cast %parallel_loop3A_965 : i32 to index
        %parallel_loop3A_967 = tpu.vector_load %arg7[%parallel_loop3A_966] {strides = array<i32>} : memref<98304xf32, #tpu.memory_space<vmem>>, vector<16xf32>,
        %parallel_loop3A_968 = vector.shape_cast %parallel_loop3A_967 : vector<16xf32> to vector<16xf32>
        %parallel_loop3A_969 = arith.constant 0 : i32
        %parallel_loop3A_970 = arith.addi %parallel_loop3A_961, %parallel_loop3A_969 : i32
        %parallel_loop3A_971 = arith.index_cast %parallel_loop3A_970 : i32 to index
        %parallel_loop3A_972 = tpu.vector_load %arg7[%parallel_loop3A_971] {strides = array<i32>} : memref<98304xf32, #tpu.memory_space<vmem>>, vector<16xf32>,
        %parallel_loop3A_973 = vector.shape_cast %parallel_loop3A_972 : vector<16xf32> to vector<16xf32>
        %parallel_loop3A_974 = arith.addf %parallel_loop3A_968, %parallel_loop3A_973 : vector<16xf32>
        %parallel_loop3A_975 = arith.constant 0 : i32
        %parallel_loop3A_976 = arith.addi %parallel_loop3A_963, %parallel_loop3A_975 : i32
        %parallel_loop3A_977 = arith.index_cast %parallel_loop3A_976 : i32 to index
        %parallel_loop3A_978 = tpu.vector_load %arg7[%parallel_loop3A_977] {strides = array<i32>} : memref<98304xf32, #tpu.memory_space<vmem>>, vector<16xf32>,
        %parallel_loop3A_979 = vector.shape_cast %parallel_loop3A_978 : vector<16xf32> to vector<16xf32>
        %parallel_loop3A_980 = arith.addf %parallel_loop3A_974, %parallel_loop3A_979 : vector<16xf32>
        %parallel_loop3A_981 = arith.constant 13 : i32
        %parallel_loop3A_982 = arith.addi %parallel_loop3A_231, %parallel_loop3A_981 : i32
        %parallel_loop3A_983 = arith.index_cast %parallel_loop3A_982 : i32 to index
        %parallel_loop3A_984 = arith.constant 0 : index
        %parallel_loop3A_985 = tpu.vector_load %arg9[%parallel_loop3A_983, %parallel_loop3A_984] {strides = array<i32>} : memref<80x32xf32, #tpu.memory_space<vmem>>, vector<1x16xf32>,
        %parallel_loop3A_986 = vector.shape_cast %parallel_loop3A_985 : vector<1x16xf32> to vector<16xf32>
        %parallel_loop3A_987 = vector.shape_cast %parallel_loop3A_980 : vector<16xf32> to vector<1x16xf32>
        tpu.vector_store %arg9[%parallel_loop3A_983, %parallel_loop3A_984], %parallel_loop3A_987 {strides = array<i32>} : memref<80x32xf32, #tpu.memory_space<vmem>>, vector<1x16xf32>,
        %parallel_loop3A_988 = arith.constant 16 : i32
        %parallel_loop3A_989 = arith.addi %parallel_loop3A_959, %parallel_loop3A_988 : i32
        %parallel_loop3A_990 = arith.index_cast %parallel_loop3A_989 : i32 to index
        %parallel_loop3A_991 = tpu.vector_load %arg7[%parallel_loop3A_990] {strides = array<i32>} : memref<98304xf32, #tpu.memory_space<vmem>>, vector<16xf32>,
        %parallel_loop3A_992 = vector.shape_cast %parallel_loop3A_991 : vector<16xf32> to vector<16xf32>
        %parallel_loop3A_993 = arith.constant 16 : i32
        %parallel_loop3A_994 = arith.addi %parallel_loop3A_961, %parallel_loop3A_993 : i32
        %parallel_loop3A_995 = arith.index_cast %parallel_loop3A_994 : i32 to index
        %parallel_loop3A_996 = tpu.vector_load %arg7[%parallel_loop3A_995] {strides = array<i32>} : memref<98304xf32, #tpu.memory_space<vmem>>, vector<16xf32>,
        %parallel_loop3A_997 = vector.shape_cast %parallel_loop3A_996 : vector<16xf32> to vector<16xf32>
        %parallel_loop3A_998 = arith.addf %parallel_loop3A_992, %parallel_loop3A_997 : vector<16xf32>
        %parallel_loop3A_999 = arith.constant 16 : i32
        %parallel_loop3A_1000 = arith.addi %parallel_loop3A_963, %parallel_loop3A_999 : i32
        %parallel_loop3A_1001 = arith.index_cast %parallel_loop3A_1000 : i32 to index
        %parallel_loop3A_1002 = tpu.vector_load %arg7[%parallel_loop3A_1001] {strides = array<i32>} : memref<98304xf32, #tpu.memory_space<vmem>>, vector<16xf32>,
        %parallel_loop3A_1003 = vector.shape_cast %parallel_loop3A_1002 : vector<16xf32> to vector<16xf32>
        %parallel_loop3A_1004 = arith.addf %parallel_loop3A_998, %parallel_loop3A_1003 : vector<16xf32>
        %parallel_loop3A_1005 = arith.constant 13 : i32
        %parallel_loop3A_1006 = arith.addi %parallel_loop3A_231, %parallel_loop3A_1005 : i32
        %parallel_loop3A_1007 = arith.index_cast %parallel_loop3A_1006 : i32 to index
        %parallel_loop3A_1008 = arith.constant 16 : index
        %parallel_loop3A_1009 = tpu.vector_load %arg9[%parallel_loop3A_1007, %parallel_loop3A_1008] {strides = array<i32>} : memref<80x32xf32, #tpu.memory_space<vmem>>, vector<1x16xf32>,
        %parallel_loop3A_1010 = vector.shape_cast %parallel_loop3A_1009 : vector<1x16xf32> to vector<16xf32>
        %parallel_loop3A_1011 = vector.shape_cast %parallel_loop3A_1004 : vector<16xf32> to vector<1x16xf32>
        tpu.vector_store %arg9[%parallel_loop3A_1007, %parallel_loop3A_1008], %parallel_loop3A_1011 {strides = array<i32>} : memref<80x32xf32, #tpu.memory_space<vmem>>, vector<1x16xf32>,
        %parallel_loop3A_1012 = vector.extract_strided_slice %parallel_loop3A_237 {offsets = [14], sizes = [1], strides = [1]} : vector<16xi32> to vector<1xi32>
        %parallel_loop3A_1013 = vector.extract %parallel_loop3A_1012[0] : i32 from vector<1xi32>
        %parallel_loop3A_1014 = vector.extract_strided_slice %parallel_loop3A_246 {offsets = [14], sizes = [1], strides = [1]} : vector<16xi32> to vector<1xi32>
        %parallel_loop3A_1015 = vector.extract %parallel_loop3A_1014[0] : i32 from vector<1xi32>
        %parallel_loop3A_1016 = vector.extract_strided_slice %parallel_loop3A_255 {offsets = [14], sizes = [1], strides = [1]} : vector<16xi32> to vector<1xi32>
        %parallel_loop3A_1017 = vector.extract %parallel_loop3A_1016[0] : i32 from vector<1xi32>
        %parallel_loop3A_1018 = arith.constant 0 : i32
        %parallel_loop3A_1019 = arith.addi %parallel_loop3A_1013, %parallel_loop3A_1018 : i32
        %parallel_loop3A_1020 = arith.index_cast %parallel_loop3A_1019 : i32 to index
        %parallel_loop3A_1021 = tpu.vector_load %arg7[%parallel_loop3A_1020] {strides = array<i32>} : memref<98304xf32, #tpu.memory_space<vmem>>, vector<16xf32>,
        %parallel_loop3A_1022 = vector.shape_cast %parallel_loop3A_1021 : vector<16xf32> to vector<16xf32>
        %parallel_loop3A_1023 = arith.constant 0 : i32
        %parallel_loop3A_1024 = arith.addi %parallel_loop3A_1015, %parallel_loop3A_1023 : i32
        %parallel_loop3A_1025 = arith.index_cast %parallel_loop3A_1024 : i32 to index
        %parallel_loop3A_1026 = tpu.vector_load %arg7[%parallel_loop3A_1025] {strides = array<i32>} : memref<98304xf32, #tpu.memory_space<vmem>>, vector<16xf32>,
        %parallel_loop3A_1027 = vector.shape_cast %parallel_loop3A_1026 : vector<16xf32> to vector<16xf32>
        %parallel_loop3A_1028 = arith.addf %parallel_loop3A_1022, %parallel_loop3A_1027 : vector<16xf32>
        %parallel_loop3A_1029 = arith.constant 0 : i32
        %parallel_loop3A_1030 = arith.addi %parallel_loop3A_1017, %parallel_loop3A_1029 : i32
        %parallel_loop3A_1031 = arith.index_cast %parallel_loop3A_1030 : i32 to index
        %parallel_loop3A_1032 = tpu.vector_load %arg7[%parallel_loop3A_1031] {strides = array<i32>} : memref<98304xf32, #tpu.memory_space<vmem>>, vector<16xf32>,
        %parallel_loop3A_1033 = vector.shape_cast %parallel_loop3A_1032 : vector<16xf32> to vector<16xf32>
        %parallel_loop3A_1034 = arith.addf %parallel_loop3A_1028, %parallel_loop3A_1033 : vector<16xf32>
        %parallel_loop3A_1035 = arith.constant 14 : i32
        %parallel_loop3A_1036 = arith.addi %parallel_loop3A_231, %parallel_loop3A_1035 : i32
        %parallel_loop3A_1037 = arith.index_cast %parallel_loop3A_1036 : i32 to index
        %parallel_loop3A_1038 = arith.constant 0 : index
        %parallel_loop3A_1039 = tpu.vector_load %arg9[%parallel_loop3A_1037, %parallel_loop3A_1038] {strides = array<i32>} : memref<80x32xf32, #tpu.memory_space<vmem>>, vector<1x16xf32>,
        %parallel_loop3A_1040 = vector.shape_cast %parallel_loop3A_1039 : vector<1x16xf32> to vector<16xf32>
        %parallel_loop3A_1041 = vector.shape_cast %parallel_loop3A_1034 : vector<16xf32> to vector<1x16xf32>
        tpu.vector_store %arg9[%parallel_loop3A_1037, %parallel_loop3A_1038], %parallel_loop3A_1041 {strides = array<i32>} : memref<80x32xf32, #tpu.memory_space<vmem>>, vector<1x16xf32>,
        %parallel_loop3A_1042 = arith.constant 16 : i32
        %parallel_loop3A_1043 = arith.addi %parallel_loop3A_1013, %parallel_loop3A_1042 : i32
        %parallel_loop3A_1044 = arith.index_cast %parallel_loop3A_1043 : i32 to index
        %parallel_loop3A_1045 = tpu.vector_load %arg7[%parallel_loop3A_1044] {strides = array<i32>} : memref<98304xf32, #tpu.memory_space<vmem>>, vector<16xf32>,
        %parallel_loop3A_1046 = vector.shape_cast %parallel_loop3A_1045 : vector<16xf32> to vector<16xf32>
        %parallel_loop3A_1047 = arith.constant 16 : i32
        %parallel_loop3A_1048 = arith.addi %parallel_loop3A_1015, %parallel_loop3A_1047 : i32
        %parallel_loop3A_1049 = arith.index_cast %parallel_loop3A_1048 : i32 to index
        %parallel_loop3A_1050 = tpu.vector_load %arg7[%parallel_loop3A_1049] {strides = array<i32>} : memref<98304xf32, #tpu.memory_space<vmem>>, vector<16xf32>,
        %parallel_loop3A_1051 = vector.shape_cast %parallel_loop3A_1050 : vector<16xf32> to vector<16xf32>
        %parallel_loop3A_1052 = arith.addf %parallel_loop3A_1046, %parallel_loop3A_1051 : vector<16xf32>
        %parallel_loop3A_1053 = arith.constant 16 : i32
        %parallel_loop3A_1054 = arith.addi %parallel_loop3A_1017, %parallel_loop3A_1053 : i32
        %parallel_loop3A_1055 = arith.index_cast %parallel_loop3A_1054 : i32 to index
        %parallel_loop3A_1056 = tpu.vector_load %arg7[%parallel_loop3A_1055] {strides = array<i32>} : memref<98304xf32, #tpu.memory_space<vmem>>, vector<16xf32>,
        %parallel_loop3A_1057 = vector.shape_cast %parallel_loop3A_1056 : vector<16xf32> to vector<16xf32>
        %parallel_loop3A_1058 = arith.addf %parallel_loop3A_1052, %parallel_loop3A_1057 : vector<16xf32>
        %parallel_loop3A_1059 = arith.constant 14 : i32
        %parallel_loop3A_1060 = arith.addi %parallel_loop3A_231, %parallel_loop3A_1059 : i32
        %parallel_loop3A_1061 = arith.index_cast %parallel_loop3A_1060 : i32 to index
        %parallel_loop3A_1062 = arith.constant 16 : index
        %parallel_loop3A_1063 = tpu.vector_load %arg9[%parallel_loop3A_1061, %parallel_loop3A_1062] {strides = array<i32>} : memref<80x32xf32, #tpu.memory_space<vmem>>, vector<1x16xf32>,
        %parallel_loop3A_1064 = vector.shape_cast %parallel_loop3A_1063 : vector<1x16xf32> to vector<16xf32>
        %parallel_loop3A_1065 = vector.shape_cast %parallel_loop3A_1058 : vector<16xf32> to vector<1x16xf32>
        tpu.vector_store %arg9[%parallel_loop3A_1061, %parallel_loop3A_1062], %parallel_loop3A_1065 {strides = array<i32>} : memref<80x32xf32, #tpu.memory_space<vmem>>, vector<1x16xf32>,
        %parallel_loop3A_1066 = vector.extract_strided_slice %parallel_loop3A_237 {offsets = [15], sizes = [1], strides = [1]} : vector<16xi32> to vector<1xi32>
        %parallel_loop3A_1067 = vector.extract %parallel_loop3A_1066[0] : i32 from vector<1xi32>
        %parallel_loop3A_1068 = vector.extract_strided_slice %parallel_loop3A_246 {offsets = [15], sizes = [1], strides = [1]} : vector<16xi32> to vector<1xi32>
        %parallel_loop3A_1069 = vector.extract %parallel_loop3A_1068[0] : i32 from vector<1xi32>
        %parallel_loop3A_1070 = vector.extract_strided_slice %parallel_loop3A_255 {offsets = [15], sizes = [1], strides = [1]} : vector<16xi32> to vector<1xi32>
        %parallel_loop3A_1071 = vector.extract %parallel_loop3A_1070[0] : i32 from vector<1xi32>
        %parallel_loop3A_1072 = arith.constant 0 : i32
        %parallel_loop3A_1073 = arith.addi %parallel_loop3A_1067, %parallel_loop3A_1072 : i32
        %parallel_loop3A_1074 = arith.index_cast %parallel_loop3A_1073 : i32 to index
        %parallel_loop3A_1075 = tpu.vector_load %arg7[%parallel_loop3A_1074] {strides = array<i32>} : memref<98304xf32, #tpu.memory_space<vmem>>, vector<16xf32>,
        %parallel_loop3A_1076 = vector.shape_cast %parallel_loop3A_1075 : vector<16xf32> to vector<16xf32>
        %parallel_loop3A_1077 = arith.constant 0 : i32
        %parallel_loop3A_1078 = arith.addi %parallel_loop3A_1069, %parallel_loop3A_1077 : i32
        %parallel_loop3A_1079 = arith.index_cast %parallel_loop3A_1078 : i32 to index
        %parallel_loop3A_1080 = tpu.vector_load %arg7[%parallel_loop3A_1079] {strides = array<i32>} : memref<98304xf32, #tpu.memory_space<vmem>>, vector<16xf32>,
        %parallel_loop3A_1081 = vector.shape_cast %parallel_loop3A_1080 : vector<16xf32> to vector<16xf32>
        %parallel_loop3A_1082 = arith.addf %parallel_loop3A_1076, %parallel_loop3A_1081 : vector<16xf32>
        %parallel_loop3A_1083 = arith.constant 0 : i32
        %parallel_loop3A_1084 = arith.addi %parallel_loop3A_1071, %parallel_loop3A_1083 : i32
        %parallel_loop3A_1085 = arith.index_cast %parallel_loop3A_1084 : i32 to index
        %parallel_loop3A_1086 = tpu.vector_load %arg7[%parallel_loop3A_1085] {strides = array<i32>} : memref<98304xf32, #tpu.memory_space<vmem>>, vector<16xf32>,
        %parallel_loop3A_1087 = vector.shape_cast %parallel_loop3A_1086 : vector<16xf32> to vector<16xf32>
        %parallel_loop3A_1088 = arith.addf %parallel_loop3A_1082, %parallel_loop3A_1087 : vector<16xf32>
        %parallel_loop3A_1089 = arith.constant 15 : i32
        %parallel_loop3A_1090 = arith.addi %parallel_loop3A_231, %parallel_loop3A_1089 : i32
        %parallel_loop3A_1091 = arith.index_cast %parallel_loop3A_1090 : i32 to index
        %parallel_loop3A_1092 = arith.constant 0 : index
        %parallel_loop3A_1093 = tpu.vector_load %arg9[%parallel_loop3A_1091, %parallel_loop3A_1092] {strides = array<i32>} : memref<80x32xf32, #tpu.memory_space<vmem>>, vector<1x16xf32>,
        %parallel_loop3A_1094 = vector.shape_cast %parallel_loop3A_1093 : vector<1x16xf32> to vector<16xf32>
        %parallel_loop3A_1095 = vector.shape_cast %parallel_loop3A_1088 : vector<16xf32> to vector<1x16xf32>
        tpu.vector_store %arg9[%parallel_loop3A_1091, %parallel_loop3A_1092], %parallel_loop3A_1095 {strides = array<i32>} : memref<80x32xf32, #tpu.memory_space<vmem>>, vector<1x16xf32>,
        %parallel_loop3A_1096 = arith.constant 16 : i32
        %parallel_loop3A_1097 = arith.addi %parallel_loop3A_1067, %parallel_loop3A_1096 : i32
        %parallel_loop3A_1098 = arith.index_cast %parallel_loop3A_1097 : i32 to index
        %parallel_loop3A_1099 = tpu.vector_load %arg7[%parallel_loop3A_1098] {strides = array<i32>} : memref<98304xf32, #tpu.memory_space<vmem>>, vector<16xf32>,
        %parallel_loop3A_1100 = vector.shape_cast %parallel_loop3A_1099 : vector<16xf32> to vector<16xf32>
        %parallel_loop3A_1101 = arith.constant 16 : i32
        %parallel_loop3A_1102 = arith.addi %parallel_loop3A_1069, %parallel_loop3A_1101 : i32
        %parallel_loop3A_1103 = arith.index_cast %parallel_loop3A_1102 : i32 to index
        %parallel_loop3A_1104 = tpu.vector_load %arg7[%parallel_loop3A_1103] {strides = array<i32>} : memref<98304xf32, #tpu.memory_space<vmem>>, vector<16xf32>,
        %parallel_loop3A_1105 = vector.shape_cast %parallel_loop3A_1104 : vector<16xf32> to vector<16xf32>
        %parallel_loop3A_1106 = arith.addf %parallel_loop3A_1100, %parallel_loop3A_1105 : vector<16xf32>
        %parallel_loop3A_1107 = arith.constant 16 : i32
        %parallel_loop3A_1108 = arith.addi %parallel_loop3A_1071, %parallel_loop3A_1107 : i32
        %parallel_loop3A_1109 = arith.index_cast %parallel_loop3A_1108 : i32 to index
        %parallel_loop3A_1110 = tpu.vector_load %arg7[%parallel_loop3A_1109] {strides = array<i32>} : memref<98304xf32, #tpu.memory_space<vmem>>, vector<16xf32>,
        %parallel_loop3A_1111 = vector.shape_cast %parallel_loop3A_1110 : vector<16xf32> to vector<16xf32>
        %parallel_loop3A_1112 = arith.addf %parallel_loop3A_1106, %parallel_loop3A_1111 : vector<16xf32>
        %parallel_loop3A_1113 = arith.constant 15 : i32
        %parallel_loop3A_1114 = arith.addi %parallel_loop3A_231, %parallel_loop3A_1113 : i32
        %parallel_loop3A_1115 = arith.index_cast %parallel_loop3A_1114 : i32 to index
        %parallel_loop3A_1116 = arith.constant 16 : index
        %parallel_loop3A_1117 = tpu.vector_load %arg9[%parallel_loop3A_1115, %parallel_loop3A_1116] {strides = array<i32>} : memref<80x32xf32, #tpu.memory_space<vmem>>, vector<1x16xf32>,
        %parallel_loop3A_1118 = vector.shape_cast %parallel_loop3A_1117 : vector<1x16xf32> to vector<16xf32>
        %parallel_loop3A_1119 = vector.shape_cast %parallel_loop3A_1112 : vector<16xf32> to vector<1x16xf32>
        tpu.vector_store %arg9[%parallel_loop3A_1115, %parallel_loop3A_1116], %parallel_loop3A_1119 {strides = array<i32>} : memref<80x32xf32, #tpu.memory_space<vmem>>, vector<1x16xf32>,
      } {sc.loop_unroll_factor = 1 : i64, sc.parallel_access}
      %min3A_197 = arith.constant 624 : i32
      %min3A_198 = arith.minsi %add3A_186, %min3A_197 : i32
      %mul3A_199 = arith.constant 80 : i32
      %mul3A_200 = arith.muli %min3A_198, %mul3A_199 : i32
      %add3A_201 = arith.addi %mul3A_2, %mul3A_200 : i32
      %dma_start3A_202 = arith.constant 1 : i32
      %dma_start3A_203 = arith.constant 0 : i32
      %dma_start3A_204 = tpu.memref_slice %arg6[%add3A_201, %dma_start3A_203] : memref<1600000x32xf32, #tpu.memory_space<hbm>> -> memref<80x32xf32, #tpu.memory_space<hbm>>
      %dma_start3A_205 = tpu.memref_slice %arg17[%dma_start3A_202] : memref<2x!tpu.dma_semaphore, #tpu.memory_space<semaphore_mem>> -> memref<1x!tpu.dma_semaphore, #tpu.memory_space<semaphore_mem>>
      %dma_start3A_206 = tpu.memref_squeeze %dma_start3A_205 : memref<1x!tpu.dma_semaphore, #tpu.memory_space<semaphore_mem>> -> memref<!tpu.dma_semaphore, #tpu.memory_space<semaphore_mem>>
      %dma_start3A_207 = arith.constant 0 : i32
      %dma_start3A_208 = tpu.memref_slice %arg6[%add3A_201, %dma_start3A_207] : memref<1600000x32xf32, #tpu.memory_space<hbm>> -> memref<80x32xf32, #tpu.memory_space<hbm>>
      tpu.enqueue_dma source(%arg9 : memref<80x32xf32, #tpu.memory_space<vmem>>) target(%dma_start3A_208 : memref<80x32xf32, #tpu.memory_space<hbm>>) target_semaphore(%dma_start3A_206 : memref<!tpu.dma_semaphore, #tpu.memory_space<semaphore_mem>>)
      %add3A_209 = arith.constant 3 : i32
      %add3A_210 = arith.addi %mul3A_111, %add3A_209 : i32
      %min3A_211 = arith.constant 624 : i32
      %min3A_212 = arith.minsi %add3A_210, %min3A_211 : i32
      %mul3A_213 = arith.constant 80 : i32
      %mul3A_214 = arith.muli %min3A_212, %mul3A_213 : i32
      %add3A_215 = arith.addi %mul3A_2, %mul3A_214 : i32
      %dma_start3A_216 = arith.constant 1 : i32
      %dma_start3A_217 = tpu.memref_slice %arg2[%add3A_215] : memref<1600000xi32, #tpu.memory_space<hbm>> -> memref<80xi32, #tpu.memory_space<hbm>>
      %dma_start3A_218 = tpu.memref_slice %arg16[%dma_start3A_216] : memref<2x!tpu.dma_semaphore, #tpu.memory_space<semaphore_mem>> -> memref<1x!tpu.dma_semaphore, #tpu.memory_space<semaphore_mem>>
      %dma_start3A_219 = tpu.memref_squeeze %dma_start3A_218 : memref<1x!tpu.dma_semaphore, #tpu.memory_space<semaphore_mem>> -> memref<!tpu.dma_semaphore, #tpu.memory_space<semaphore_mem>>
      %dma_start3A_220 = tpu.memref_slice %arg2[%add3A_215] : memref<1600000xi32, #tpu.memory_space<hbm>> -> memref<80xi32, #tpu.memory_space<hbm>>
      tpu.enqueue_dma source(%dma_start3A_220 : memref<80xi32, #tpu.memory_space<hbm>>) target(%arg13 : memref<80xi32, #tpu.memory_space<vmem>>) target_semaphore(%dma_start3A_219 : memref<!tpu.dma_semaphore, #tpu.memory_space<semaphore_mem>>)
      %dma_start3A_221 = arith.constant 1 : i32
      %dma_start3A_222 = tpu.memref_slice %arg3[%add3A_215] : memref<1600000xi32, #tpu.memory_space<hbm>> -> memref<80xi32, #tpu.memory_space<hbm>>
      %dma_start3A_223 = tpu.memref_slice %arg16[%dma_start3A_221] : memref<2x!tpu.dma_semaphore, #tpu.memory_space<semaphore_mem>> -> memref<1x!tpu.dma_semaphore, #tpu.memory_space<semaphore_mem>>
      %dma_start3A_224 = tpu.memref_squeeze %dma_start3A_223 : memref<1x!tpu.dma_semaphore, #tpu.memory_space<semaphore_mem>> -> memref<!tpu.dma_semaphore, #tpu.memory_space<semaphore_mem>>
      %dma_start3A_225 = tpu.memref_slice %arg3[%add3A_215] : memref<1600000xi32, #tpu.memory_space<hbm>> -> memref<80xi32, #tpu.memory_space<hbm>>
      tpu.enqueue_dma source(%dma_start3A_225 : memref<80xi32, #tpu.memory_space<hbm>>) target(%arg14 : memref<80xi32, #tpu.memory_space<vmem>>) target_semaphore(%dma_start3A_224 : memref<!tpu.dma_semaphore, #tpu.memory_space<semaphore_mem>>)
      %dma_start3A_226 = arith.constant 1 : i32
      %dma_start3A_227 = tpu.memref_slice %arg4[%add3A_215] : memref<1600000xi32, #tpu.memory_space<hbm>> -> memref<80xi32, #tpu.memory_space<hbm>>
      %dma_start3A_228 = tpu.memref_slice %arg16[%dma_start3A_226] : memref<2x!tpu.dma_semaphore, #tpu.memory_space<semaphore_mem>> -> memref<1x!tpu.dma_semaphore, #tpu.memory_space<semaphore_mem>>
      %dma_start3A_229 = tpu.memref_squeeze %dma_start3A_228 : memref<1x!tpu.dma_semaphore, #tpu.memory_space<semaphore_mem>> -> memref<!tpu.dma_semaphore, #tpu.memory_space<semaphore_mem>>
      %dma_start3A_230 = tpu.memref_slice %arg4[%add3A_215] : memref<1600000xi32, #tpu.memory_space<hbm>> -> memref<80xi32, #tpu.memory_space<hbm>>
      tpu.enqueue_dma source(%dma_start3A_230 : memref<80xi32, #tpu.memory_space<hbm>>) target(%arg15 : memref<80xi32, #tpu.memory_space<vmem>>) target_semaphore(%dma_start3A_229 : memref<!tpu.dma_semaphore, #tpu.memory_space<semaphore_mem>>)
    }
    %scan3A_47 = arith.constant 312 : i32
    %dma_wait3A = arith.constant 0 : i32
    %dma_wait3A_48 = tpu.memref_slice %arg2[%mul3A_2] : memref<1600000xi32, #tpu.memory_space<hbm>> -> memref<80xi32, #tpu.memory_space<hbm>>
    %dma_wait3A_49 = tpu.memref_slice %arg16[%dma_wait3A] : memref<2x!tpu.dma_semaphore, #tpu.memory_space<semaphore_mem>> -> memref<1x!tpu.dma_semaphore, #tpu.memory_space<semaphore_mem>>
    %dma_wait3A_50 = tpu.memref_squeeze %dma_wait3A_49 : memref<1x!tpu.dma_semaphore, #tpu.memory_space<semaphore_mem>> -> memref<!tpu.dma_semaphore, #tpu.memory_space<semaphore_mem>>
    %dma_wait3A_51 = tpu.memref_slice %arg2[%mul3A_2] : memref<1600000xi32, #tpu.memory_space<hbm>> -> memref<80xi32, #tpu.memory_space<hbm>>
    tpu.wait_dma2 semaphore(%dma_wait3A_50 : memref<!tpu.dma_semaphore, #tpu.memory_space<semaphore_mem>>) src(%dma_wait3A_51 : memref<80xi32, #tpu.memory_space<hbm>>) dst(%arg10 : memref<80xi32, #tpu.memory_space<vmem>>)
    %dma_wait3A_52 = arith.constant 0 : i32
    %dma_wait3A_53 = tpu.memref_slice %arg3[%mul3A_2] : memref<1600000xi32, #tpu.memory_space<hbm>> -> memref<80xi32, #tpu.memory_space<hbm>>
    %dma_wait3A_54 = tpu.memref_slice %arg16[%dma_wait3A_52] : memref<2x!tpu.dma_semaphore, #tpu.memory_space<semaphore_mem>> -> memref<1x!tpu.dma_semaphore, #tpu.memory_space<semaphore_mem>>
    %dma_wait3A_55 = tpu.memref_squeeze %dma_wait3A_54 : memref<1x!tpu.dma_semaphore, #tpu.memory_space<semaphore_mem>> -> memref<!tpu.dma_semaphore, #tpu.memory_space<semaphore_mem>>
    %dma_wait3A_56 = tpu.memref_slice %arg3[%mul3A_2] : memref<1600000xi32, #tpu.memory_space<hbm>> -> memref<80xi32, #tpu.memory_space<hbm>>
    tpu.wait_dma2 semaphore(%dma_wait3A_55 : memref<!tpu.dma_semaphore, #tpu.memory_space<semaphore_mem>>) src(%dma_wait3A_56 : memref<80xi32, #tpu.memory_space<hbm>>) dst(%arg11 : memref<80xi32, #tpu.memory_space<vmem>>)
    %dma_wait3A_57 = arith.constant 0 : i32
    %dma_wait3A_58 = tpu.memref_slice %arg4[%mul3A_2] : memref<1600000xi32, #tpu.memory_space<hbm>> -> memref<80xi32, #tpu.memory_space<hbm>>
    %dma_wait3A_59 = tpu.memref_slice %arg16[%dma_wait3A_57] : memref<2x!tpu.dma_semaphore, #tpu.memory_space<semaphore_mem>> -> memref<1x!tpu.dma_semaphore, #tpu.memory_space<semaphore_mem>>
    %dma_wait3A_60 = tpu.memref_squeeze %dma_wait3A_59 : memref<1x!tpu.dma_semaphore, #tpu.memory_space<semaphore_mem>> -> memref<!tpu.dma_semaphore, #tpu.memory_space<semaphore_mem>>
    %dma_wait3A_61 = tpu.memref_slice %arg4[%mul3A_2] : memref<1600000xi32, #tpu.memory_space<hbm>> -> memref<80xi32, #tpu.memory_space<hbm>>
    tpu.wait_dma2 semaphore(%dma_wait3A_60 : memref<!tpu.dma_semaphore, #tpu.memory_space<semaphore_mem>>) src(%dma_wait3A_61 : memref<80xi32, #tpu.memory_space<hbm>>) dst(%arg12 : memref<80xi32, #tpu.memory_space<vmem>>)
    %not3A = arith.constant false
    %not3A_62 = arith.constant true
    %not3A_63 = arith.xori %not3A, %not3A_62 : i1
    %convert_element_type3A = arith.extui %not3A_63 : i1 to i32
    %cond3A = arith.constant 0 : i32
    %cond3A_64 = arith.cmpi ne, %convert_element_type3A, %cond3A : i32
    scf.if %cond3A_64 {
      %dma_wait3A_109 = arith.constant 0 : i32
      %dma_wait3A_110 = arith.constant 0 : i32
      %dma_wait3A_111 = tpu.memref_slice %arg6[%mul3A_2, %dma_wait3A_110] : memref<1600000x32xf32, #tpu.memory_space<hbm>> -> memref<80x32xf32, #tpu.memory_space<hbm>>
      %dma_wait3A_112 = tpu.memref_slice %arg17[%dma_wait3A_109] : memref<2x!tpu.dma_semaphore, #tpu.memory_space<semaphore_mem>> -> memref<1x!tpu.dma_semaphore, #tpu.memory_space<semaphore_mem>>
      %dma_wait3A_113 = tpu.memref_squeeze %dma_wait3A_112 : memref<1x!tpu.dma_semaphore, #tpu.memory_space<semaphore_mem>> -> memref<!tpu.dma_semaphore, #tpu.memory_space<semaphore_mem>>
      %dma_wait3A_114 = arith.constant 0 : i32
      %dma_wait3A_115 = tpu.memref_slice %arg6[%mul3A_2, %dma_wait3A_114] : memref<1600000x32xf32, #tpu.memory_space<hbm>> -> memref<80x32xf32, #tpu.memory_space<hbm>>
      tpu.wait_dma2 semaphore(%dma_wait3A_113 : memref<!tpu.dma_semaphore, #tpu.memory_space<semaphore_mem>>) src(%arg8 : memref<80x32xf32, #tpu.memory_space<vmem>>) dst(%dma_wait3A_115 : memref<80x32xf32, #tpu.memory_space<hbm>>)
    } else {
    }
    %parallel_loop3A = arith.constant 0 : i32
    %parallel_loop3A_65 = arith.constant 80 : i32
    %parallel_loop3A_66 = arith.constant 16 : i32
    scf.for %parallel_loop3A_109 = %parallel_loop3A to %parallel_loop3A_65 step %parallel_loop3A_66  : i32 {
      %parallel_loop3A_110 = arith.index_cast %parallel_loop3A_109 : i32 to index
      %parallel_loop3A_111 = tpu.vector_load %arg10[%parallel_loop3A_110] {strides = array<i32>} : memref<80xi32, #tpu.memory_space<vmem>>, vector<16xi32>,
      %parallel_loop3A_112 = vector.shape_cast %parallel_loop3A_111 : vector<16xi32> to vector<16xi32>
      %parallel_loop3A_113 = arith.constant 32 : i32
      %parallel_loop3A_114 = vector.broadcast %parallel_loop3A_113 : i32 to vector<16xi32>
      %parallel_loop3A_115 = arith.muli %parallel_loop3A_112, %parallel_loop3A_114 : vector<16xi32>
      %parallel_loop3A_116 = arith.index_cast %parallel_loop3A_109 : i32 to index
      %parallel_loop3A_117 = tpu.vector_load %arg11[%parallel_loop3A_116] {strides = array<i32>} : memref<80xi32, #tpu.memory_space<vmem>>, vector<16xi32>,
      %parallel_loop3A_118 = vector.shape_cast %parallel_loop3A_117 : vector<16xi32> to vector<16xi32>
      %parallel_loop3A_119 = arith.constant 32 : i32
      %parallel_loop3A_120 = vector.broadcast %parallel_loop3A_119 : i32 to vector<16xi32>
      %parallel_loop3A_121 = arith.muli %parallel_loop3A_118, %parallel_loop3A_120 : vector<16xi32>
      %parallel_loop3A_122 = arith.constant 32768 : i32
      %parallel_loop3A_123 = vector.broadcast %parallel_loop3A_122 : i32 to vector<16xi32>
      %parallel_loop3A_124 = arith.addi %parallel_loop3A_121, %parallel_loop3A_123 : vector<16xi32>
      %parallel_loop3A_125 = arith.index_cast %parallel_loop3A_109 : i32 to index
      %parallel_loop3A_126 = tpu.vector_load %arg12[%parallel_loop3A_125] {strides = array<i32>} : memref<80xi32, #tpu.memory_space<vmem>>, vector<16xi32>,
      %parallel_loop3A_127 = vector.shape_cast %parallel_loop3A_126 : vector<16xi32> to vector<16xi32>
      %parallel_loop3A_128 = arith.constant 32 : i32
      %parallel_loop3A_129 = vector.broadcast %parallel_loop3A_128 : i32 to vector<16xi32>
      %parallel_loop3A_130 = arith.muli %parallel_loop3A_127, %parallel_loop3A_129 : vector<16xi32>
      %parallel_loop3A_131 = arith.constant 65536 : i32
      %parallel_loop3A_132 = vector.broadcast %parallel_loop3A_131 : i32 to vector<16xi32>
      %parallel_loop3A_133 = arith.addi %parallel_loop3A_130, %parallel_loop3A_132 : vector<16xi32>
      %parallel_loop3A_134 = vector.extract_strided_slice %parallel_loop3A_115 {offsets = [0], sizes = [1], strides = [1]} : vector<16xi32> to vector<1xi32>
      %parallel_loop3A_135 = vector.extract %parallel_loop3A_134[0] : i32 from vector<1xi32>
      %parallel_loop3A_136 = vector.extract_strided_slice %parallel_loop3A_124 {offsets = [0], sizes = [1], strides = [1]} : vector<16xi32> to vector<1xi32>
      %parallel_loop3A_137 = vector.extract %parallel_loop3A_136[0] : i32 from vector<1xi32>
      %parallel_loop3A_138 = vector.extract_strided_slice %parallel_loop3A_133 {offsets = [0], sizes = [1], strides = [1]} : vector<16xi32> to vector<1xi32>
      %parallel_loop3A_139 = vector.extract %parallel_loop3A_138[0] : i32 from vector<1xi32>
      %parallel_loop3A_140 = arith.constant 0 : i32
      %parallel_loop3A_141 = arith.addi %parallel_loop3A_135, %parallel_loop3A_140 : i32
      %parallel_loop3A_142 = arith.index_cast %parallel_loop3A_141 : i32 to index
      %parallel_loop3A_143 = tpu.vector_load %arg7[%parallel_loop3A_142] {strides = array<i32>} : memref<98304xf32, #tpu.memory_space<vmem>>, vector<16xf32>,
      %parallel_loop3A_144 = vector.shape_cast %parallel_loop3A_143 : vector<16xf32> to vector<16xf32>
      %parallel_loop3A_145 = arith.constant 0 : i32
      %parallel_loop3A_146 = arith.addi %parallel_loop3A_137, %parallel_loop3A_145 : i32
      %parallel_loop3A_147 = arith.index_cast %parallel_loop3A_146 : i32 to index
      %parallel_loop3A_148 = tpu.vector_load %arg7[%parallel_loop3A_147] {strides = array<i32>} : memref<98304xf32, #tpu.memory_space<vmem>>, vector<16xf32>,
      %parallel_loop3A_149 = vector.shape_cast %parallel_loop3A_148 : vector<16xf32> to vector<16xf32>
      %parallel_loop3A_150 = arith.addf %parallel_loop3A_144, %parallel_loop3A_149 : vector<16xf32>
      %parallel_loop3A_151 = arith.constant 0 : i32
      %parallel_loop3A_152 = arith.addi %parallel_loop3A_139, %parallel_loop3A_151 : i32
      %parallel_loop3A_153 = arith.index_cast %parallel_loop3A_152 : i32 to index
      %parallel_loop3A_154 = tpu.vector_load %arg7[%parallel_loop3A_153] {strides = array<i32>} : memref<98304xf32, #tpu.memory_space<vmem>>, vector<16xf32>,
      %parallel_loop3A_155 = vector.shape_cast %parallel_loop3A_154 : vector<16xf32> to vector<16xf32>
      %parallel_loop3A_156 = arith.addf %parallel_loop3A_150, %parallel_loop3A_155 : vector<16xf32>
      %parallel_loop3A_157 = arith.constant 0 : i32
      %parallel_loop3A_158 = arith.addi %parallel_loop3A_109, %parallel_loop3A_157 : i32
      %parallel_loop3A_159 = arith.index_cast %parallel_loop3A_158 : i32 to index
      %parallel_loop3A_160 = arith.constant 0 : index
      %parallel_loop3A_161 = tpu.vector_load %arg8[%parallel_loop3A_159, %parallel_loop3A_160] {strides = array<i32>} : memref<80x32xf32, #tpu.memory_space<vmem>>, vector<1x16xf32>,
      %parallel_loop3A_162 = vector.shape_cast %parallel_loop3A_161 : vector<1x16xf32> to vector<16xf32>
      %parallel_loop3A_163 = vector.shape_cast %parallel_loop3A_156 : vector<16xf32> to vector<1x16xf32>
      tpu.vector_store %arg8[%parallel_loop3A_159, %parallel_loop3A_160], %parallel_loop3A_163 {strides = array<i32>} : memref<80x32xf32, #tpu.memory_space<vmem>>, vector<1x16xf32>,
      %parallel_loop3A_164 = arith.constant 16 : i32
      %parallel_loop3A_165 = arith.addi %parallel_loop3A_135, %parallel_loop3A_164 : i32
      %parallel_loop3A_166 = arith.index_cast %parallel_loop3A_165 : i32 to index
      %parallel_loop3A_167 = tpu.vector_load %arg7[%parallel_loop3A_166] {strides = array<i32>} : memref<98304xf32, #tpu.memory_space<vmem>>, vector<16xf32>,
      %parallel_loop3A_168 = vector.shape_cast %parallel_loop3A_167 : vector<16xf32> to vector<16xf32>
      %parallel_loop3A_169 = arith.constant 16 : i32
      %parallel_loop3A_170 = arith.addi %parallel_loop3A_137, %parallel_loop3A_169 : i32
      %parallel_loop3A_171 = arith.index_cast %parallel_loop3A_170 : i32 to index
      %parallel_loop3A_172 = tpu.vector_load %arg7[%parallel_loop3A_171] {strides = array<i32>} : memref<98304xf32, #tpu.memory_space<vmem>>, vector<16xf32>,
      %parallel_loop3A_173 = vector.shape_cast %parallel_loop3A_172 : vector<16xf32> to vector<16xf32>
      %parallel_loop3A_174 = arith.addf %parallel_loop3A_168, %parallel_loop3A_173 : vector<16xf32>
      %parallel_loop3A_175 = arith.constant 16 : i32
      %parallel_loop3A_176 = arith.addi %parallel_loop3A_139, %parallel_loop3A_175 : i32
      %parallel_loop3A_177 = arith.index_cast %parallel_loop3A_176 : i32 to index
      %parallel_loop3A_178 = tpu.vector_load %arg7[%parallel_loop3A_177] {strides = array<i32>} : memref<98304xf32, #tpu.memory_space<vmem>>, vector<16xf32>,
      %parallel_loop3A_179 = vector.shape_cast %parallel_loop3A_178 : vector<16xf32> to vector<16xf32>
      %parallel_loop3A_180 = arith.addf %parallel_loop3A_174, %parallel_loop3A_179 : vector<16xf32>
      %parallel_loop3A_181 = arith.constant 0 : i32
      %parallel_loop3A_182 = arith.addi %parallel_loop3A_109, %parallel_loop3A_181 : i32
      %parallel_loop3A_183 = arith.index_cast %parallel_loop3A_182 : i32 to index
      %parallel_loop3A_184 = arith.constant 16 : index
      %parallel_loop3A_185 = tpu.vector_load %arg8[%parallel_loop3A_183, %parallel_loop3A_184] {strides = array<i32>} : memref<80x32xf32, #tpu.memory_space<vmem>>, vector<1x16xf32>,
      %parallel_loop3A_186 = vector.shape_cast %parallel_loop3A_185 : vector<1x16xf32> to vector<16xf32>
      %parallel_loop3A_187 = vector.shape_cast %parallel_loop3A_180 : vector<16xf32> to vector<1x16xf32>
      tpu.vector_store %arg8[%parallel_loop3A_183, %parallel_loop3A_184], %parallel_loop3A_187 {strides = array<i32>} : memref<80x32xf32, #tpu.memory_space<vmem>>, vector<1x16xf32>,
      %parallel_loop3A_188 = vector.extract_strided_slice %parallel_loop3A_115 {offsets = [1], sizes = [1], strides = [1]} : vector<16xi32> to vector<1xi32>
      %parallel_loop3A_189 = vector.extract %parallel_loop3A_188[0] : i32 from vector<1xi32>
      %parallel_loop3A_190 = vector.extract_strided_slice %parallel_loop3A_124 {offsets = [1], sizes = [1], strides = [1]} : vector<16xi32> to vector<1xi32>
      %parallel_loop3A_191 = vector.extract %parallel_loop3A_190[0] : i32 from vector<1xi32>
      %parallel_loop3A_192 = vector.extract_strided_slice %parallel_loop3A_133 {offsets = [1], sizes = [1], strides = [1]} : vector<16xi32> to vector<1xi32>
      %parallel_loop3A_193 = vector.extract %parallel_loop3A_192[0] : i32 from vector<1xi32>
      %parallel_loop3A_194 = arith.constant 0 : i32
      %parallel_loop3A_195 = arith.addi %parallel_loop3A_189, %parallel_loop3A_194 : i32
      %parallel_loop3A_196 = arith.index_cast %parallel_loop3A_195 : i32 to index
      %parallel_loop3A_197 = tpu.vector_load %arg7[%parallel_loop3A_196] {strides = array<i32>} : memref<98304xf32, #tpu.memory_space<vmem>>, vector<16xf32>,
      %parallel_loop3A_198 = vector.shape_cast %parallel_loop3A_197 : vector<16xf32> to vector<16xf32>
      %parallel_loop3A_199 = arith.constant 0 : i32
      %parallel_loop3A_200 = arith.addi %parallel_loop3A_191, %parallel_loop3A_199 : i32
      %parallel_loop3A_201 = arith.index_cast %parallel_loop3A_200 : i32 to index
      %parallel_loop3A_202 = tpu.vector_load %arg7[%parallel_loop3A_201] {strides = array<i32>} : memref<98304xf32, #tpu.memory_space<vmem>>, vector<16xf32>,
      %parallel_loop3A_203 = vector.shape_cast %parallel_loop3A_202 : vector<16xf32> to vector<16xf32>
      %parallel_loop3A_204 = arith.addf %parallel_loop3A_198, %parallel_loop3A_203 : vector<16xf32>
      %parallel_loop3A_205 = arith.constant 0 : i32
      %parallel_loop3A_206 = arith.addi %parallel_loop3A_193, %parallel_loop3A_205 : i32
      %parallel_loop3A_207 = arith.index_cast %parallel_loop3A_206 : i32 to index
      %parallel_loop3A_208 = tpu.vector_load %arg7[%parallel_loop3A_207] {strides = array<i32>} : memref<98304xf32, #tpu.memory_space<vmem>>, vector<16xf32>,
      %parallel_loop3A_209 = vector.shape_cast %parallel_loop3A_208 : vector<16xf32> to vector<16xf32>
      %parallel_loop3A_210 = arith.addf %parallel_loop3A_204, %parallel_loop3A_209 : vector<16xf32>
      %parallel_loop3A_211 = arith.constant 1 : i32
      %parallel_loop3A_212 = arith.addi %parallel_loop3A_109, %parallel_loop3A_211 : i32
      %parallel_loop3A_213 = arith.index_cast %parallel_loop3A_212 : i32 to index
      %parallel_loop3A_214 = arith.constant 0 : index
      %parallel_loop3A_215 = tpu.vector_load %arg8[%parallel_loop3A_213, %parallel_loop3A_214] {strides = array<i32>} : memref<80x32xf32, #tpu.memory_space<vmem>>, vector<1x16xf32>,
      %parallel_loop3A_216 = vector.shape_cast %parallel_loop3A_215 : vector<1x16xf32> to vector<16xf32>
      %parallel_loop3A_217 = vector.shape_cast %parallel_loop3A_210 : vector<16xf32> to vector<1x16xf32>
      tpu.vector_store %arg8[%parallel_loop3A_213, %parallel_loop3A_214], %parallel_loop3A_217 {strides = array<i32>} : memref<80x32xf32, #tpu.memory_space<vmem>>, vector<1x16xf32>,
      %parallel_loop3A_218 = arith.constant 16 : i32
      %parallel_loop3A_219 = arith.addi %parallel_loop3A_189, %parallel_loop3A_218 : i32
      %parallel_loop3A_220 = arith.index_cast %parallel_loop3A_219 : i32 to index
      %parallel_loop3A_221 = tpu.vector_load %arg7[%parallel_loop3A_220] {strides = array<i32>} : memref<98304xf32, #tpu.memory_space<vmem>>, vector<16xf32>,
      %parallel_loop3A_222 = vector.shape_cast %parallel_loop3A_221 : vector<16xf32> to vector<16xf32>
      %parallel_loop3A_223 = arith.constant 16 : i32
      %parallel_loop3A_224 = arith.addi %parallel_loop3A_191, %parallel_loop3A_223 : i32
      %parallel_loop3A_225 = arith.index_cast %parallel_loop3A_224 : i32 to index
      %parallel_loop3A_226 = tpu.vector_load %arg7[%parallel_loop3A_225] {strides = array<i32>} : memref<98304xf32, #tpu.memory_space<vmem>>, vector<16xf32>,
      %parallel_loop3A_227 = vector.shape_cast %parallel_loop3A_226 : vector<16xf32> to vector<16xf32>
      %parallel_loop3A_228 = arith.addf %parallel_loop3A_222, %parallel_loop3A_227 : vector<16xf32>
      %parallel_loop3A_229 = arith.constant 16 : i32
      %parallel_loop3A_230 = arith.addi %parallel_loop3A_193, %parallel_loop3A_229 : i32
      %parallel_loop3A_231 = arith.index_cast %parallel_loop3A_230 : i32 to index
      %parallel_loop3A_232 = tpu.vector_load %arg7[%parallel_loop3A_231] {strides = array<i32>} : memref<98304xf32, #tpu.memory_space<vmem>>, vector<16xf32>,
      %parallel_loop3A_233 = vector.shape_cast %parallel_loop3A_232 : vector<16xf32> to vector<16xf32>
      %parallel_loop3A_234 = arith.addf %parallel_loop3A_228, %parallel_loop3A_233 : vector<16xf32>
      %parallel_loop3A_235 = arith.constant 1 : i32
      %parallel_loop3A_236 = arith.addi %parallel_loop3A_109, %parallel_loop3A_235 : i32
      %parallel_loop3A_237 = arith.index_cast %parallel_loop3A_236 : i32 to index
      %parallel_loop3A_238 = arith.constant 16 : index
      %parallel_loop3A_239 = tpu.vector_load %arg8[%parallel_loop3A_237, %parallel_loop3A_238] {strides = array<i32>} : memref<80x32xf32, #tpu.memory_space<vmem>>, vector<1x16xf32>,
      %parallel_loop3A_240 = vector.shape_cast %parallel_loop3A_239 : vector<1x16xf32> to vector<16xf32>
      %parallel_loop3A_241 = vector.shape_cast %parallel_loop3A_234 : vector<16xf32> to vector<1x16xf32>
      tpu.vector_store %arg8[%parallel_loop3A_237, %parallel_loop3A_238], %parallel_loop3A_241 {strides = array<i32>} : memref<80x32xf32, #tpu.memory_space<vmem>>, vector<1x16xf32>,
      %parallel_loop3A_242 = vector.extract_strided_slice %parallel_loop3A_115 {offsets = [2], sizes = [1], strides = [1]} : vector<16xi32> to vector<1xi32>
      %parallel_loop3A_243 = vector.extract %parallel_loop3A_242[0] : i32 from vector<1xi32>
      %parallel_loop3A_244 = vector.extract_strided_slice %parallel_loop3A_124 {offsets = [2], sizes = [1], strides = [1]} : vector<16xi32> to vector<1xi32>
      %parallel_loop3A_245 = vector.extract %parallel_loop3A_244[0] : i32 from vector<1xi32>
      %parallel_loop3A_246 = vector.extract_strided_slice %parallel_loop3A_133 {offsets = [2], sizes = [1], strides = [1]} : vector<16xi32> to vector<1xi32>
      %parallel_loop3A_247 = vector.extract %parallel_loop3A_246[0] : i32 from vector<1xi32>
      %parallel_loop3A_248 = arith.constant 0 : i32
      %parallel_loop3A_249 = arith.addi %parallel_loop3A_243, %parallel_loop3A_248 : i32
      %parallel_loop3A_250 = arith.index_cast %parallel_loop3A_249 : i32 to index
      %parallel_loop3A_251 = tpu.vector_load %arg7[%parallel_loop3A_250] {strides = array<i32>} : memref<98304xf32, #tpu.memory_space<vmem>>, vector<16xf32>,
      %parallel_loop3A_252 = vector.shape_cast %parallel_loop3A_251 : vector<16xf32> to vector<16xf32>
      %parallel_loop3A_253 = arith.constant 0 : i32
      %parallel_loop3A_254 = arith.addi %parallel_loop3A_245, %parallel_loop3A_253 : i32
      %parallel_loop3A_255 = arith.index_cast %parallel_loop3A_254 : i32 to index
      %parallel_loop3A_256 = tpu.vector_load %arg7[%parallel_loop3A_255] {strides = array<i32>} : memref<98304xf32, #tpu.memory_space<vmem>>, vector<16xf32>,
      %parallel_loop3A_257 = vector.shape_cast %parallel_loop3A_256 : vector<16xf32> to vector<16xf32>
      %parallel_loop3A_258 = arith.addf %parallel_loop3A_252, %parallel_loop3A_257 : vector<16xf32>
      %parallel_loop3A_259 = arith.constant 0 : i32
      %parallel_loop3A_260 = arith.addi %parallel_loop3A_247, %parallel_loop3A_259 : i32
      %parallel_loop3A_261 = arith.index_cast %parallel_loop3A_260 : i32 to index
      %parallel_loop3A_262 = tpu.vector_load %arg7[%parallel_loop3A_261] {strides = array<i32>} : memref<98304xf32, #tpu.memory_space<vmem>>, vector<16xf32>,
      %parallel_loop3A_263 = vector.shape_cast %parallel_loop3A_262 : vector<16xf32> to vector<16xf32>
      %parallel_loop3A_264 = arith.addf %parallel_loop3A_258, %parallel_loop3A_263 : vector<16xf32>
      %parallel_loop3A_265 = arith.constant 2 : i32
      %parallel_loop3A_266 = arith.addi %parallel_loop3A_109, %parallel_loop3A_265 : i32
      %parallel_loop3A_267 = arith.index_cast %parallel_loop3A_266 : i32 to index
      %parallel_loop3A_268 = arith.constant 0 : index
      %parallel_loop3A_269 = tpu.vector_load %arg8[%parallel_loop3A_267, %parallel_loop3A_268] {strides = array<i32>} : memref<80x32xf32, #tpu.memory_space<vmem>>, vector<1x16xf32>,
      %parallel_loop3A_270 = vector.shape_cast %parallel_loop3A_269 : vector<1x16xf32> to vector<16xf32>
      %parallel_loop3A_271 = vector.shape_cast %parallel_loop3A_264 : vector<16xf32> to vector<1x16xf32>
      tpu.vector_store %arg8[%parallel_loop3A_267, %parallel_loop3A_268], %parallel_loop3A_271 {strides = array<i32>} : memref<80x32xf32, #tpu.memory_space<vmem>>, vector<1x16xf32>,
      %parallel_loop3A_272 = arith.constant 16 : i32
      %parallel_loop3A_273 = arith.addi %parallel_loop3A_243, %parallel_loop3A_272 : i32
      %parallel_loop3A_274 = arith.index_cast %parallel_loop3A_273 : i32 to index
      %parallel_loop3A_275 = tpu.vector_load %arg7[%parallel_loop3A_274] {strides = array<i32>} : memref<98304xf32, #tpu.memory_space<vmem>>, vector<16xf32>,
      %parallel_loop3A_276 = vector.shape_cast %parallel_loop3A_275 : vector<16xf32> to vector<16xf32>
      %parallel_loop3A_277 = arith.constant 16 : i32
      %parallel_loop3A_278 = arith.addi %parallel_loop3A_245, %parallel_loop3A_277 : i32
      %parallel_loop3A_279 = arith.index_cast %parallel_loop3A_278 : i32 to index
      %parallel_loop3A_280 = tpu.vector_load %arg7[%parallel_loop3A_279] {strides = array<i32>} : memref<98304xf32, #tpu.memory_space<vmem>>, vector<16xf32>,
      %parallel_loop3A_281 = vector.shape_cast %parallel_loop3A_280 : vector<16xf32> to vector<16xf32>
      %parallel_loop3A_282 = arith.addf %parallel_loop3A_276, %parallel_loop3A_281 : vector<16xf32>
      %parallel_loop3A_283 = arith.constant 16 : i32
      %parallel_loop3A_284 = arith.addi %parallel_loop3A_247, %parallel_loop3A_283 : i32
      %parallel_loop3A_285 = arith.index_cast %parallel_loop3A_284 : i32 to index
      %parallel_loop3A_286 = tpu.vector_load %arg7[%parallel_loop3A_285] {strides = array<i32>} : memref<98304xf32, #tpu.memory_space<vmem>>, vector<16xf32>,
      %parallel_loop3A_287 = vector.shape_cast %parallel_loop3A_286 : vector<16xf32> to vector<16xf32>
      %parallel_loop3A_288 = arith.addf %parallel_loop3A_282, %parallel_loop3A_287 : vector<16xf32>
      %parallel_loop3A_289 = arith.constant 2 : i32
      %parallel_loop3A_290 = arith.addi %parallel_loop3A_109, %parallel_loop3A_289 : i32
      %parallel_loop3A_291 = arith.index_cast %parallel_loop3A_290 : i32 to index
      %parallel_loop3A_292 = arith.constant 16 : index
      %parallel_loop3A_293 = tpu.vector_load %arg8[%parallel_loop3A_291, %parallel_loop3A_292] {strides = array<i32>} : memref<80x32xf32, #tpu.memory_space<vmem>>, vector<1x16xf32>,
      %parallel_loop3A_294 = vector.shape_cast %parallel_loop3A_293 : vector<1x16xf32> to vector<16xf32>
      %parallel_loop3A_295 = vector.shape_cast %parallel_loop3A_288 : vector<16xf32> to vector<1x16xf32>
      tpu.vector_store %arg8[%parallel_loop3A_291, %parallel_loop3A_292], %parallel_loop3A_295 {strides = array<i32>} : memref<80x32xf32, #tpu.memory_space<vmem>>, vector<1x16xf32>,
      %parallel_loop3A_296 = vector.extract_strided_slice %parallel_loop3A_115 {offsets = [3], sizes = [1], strides = [1]} : vector<16xi32> to vector<1xi32>
      %parallel_loop3A_297 = vector.extract %parallel_loop3A_296[0] : i32 from vector<1xi32>
      %parallel_loop3A_298 = vector.extract_strided_slice %parallel_loop3A_124 {offsets = [3], sizes = [1], strides = [1]} : vector<16xi32> to vector<1xi32>
      %parallel_loop3A_299 = vector.extract %parallel_loop3A_298[0] : i32 from vector<1xi32>
      %parallel_loop3A_300 = vector.extract_strided_slice %parallel_loop3A_133 {offsets = [3], sizes = [1], strides = [1]} : vector<16xi32> to vector<1xi32>
      %parallel_loop3A_301 = vector.extract %parallel_loop3A_300[0] : i32 from vector<1xi32>
      %parallel_loop3A_302 = arith.constant 0 : i32
      %parallel_loop3A_303 = arith.addi %parallel_loop3A_297, %parallel_loop3A_302 : i32
      %parallel_loop3A_304 = arith.index_cast %parallel_loop3A_303 : i32 to index
      %parallel_loop3A_305 = tpu.vector_load %arg7[%parallel_loop3A_304] {strides = array<i32>} : memref<98304xf32, #tpu.memory_space<vmem>>, vector<16xf32>,
      %parallel_loop3A_306 = vector.shape_cast %parallel_loop3A_305 : vector<16xf32> to vector<16xf32>
      %parallel_loop3A_307 = arith.constant 0 : i32
      %parallel_loop3A_308 = arith.addi %parallel_loop3A_299, %parallel_loop3A_307 : i32
      %parallel_loop3A_309 = arith.index_cast %parallel_loop3A_308 : i32 to index
      %parallel_loop3A_310 = tpu.vector_load %arg7[%parallel_loop3A_309] {strides = array<i32>} : memref<98304xf32, #tpu.memory_space<vmem>>, vector<16xf32>,
      %parallel_loop3A_311 = vector.shape_cast %parallel_loop3A_310 : vector<16xf32> to vector<16xf32>
      %parallel_loop3A_312 = arith.addf %parallel_loop3A_306, %parallel_loop3A_311 : vector<16xf32>
      %parallel_loop3A_313 = arith.constant 0 : i32
      %parallel_loop3A_314 = arith.addi %parallel_loop3A_301, %parallel_loop3A_313 : i32
      %parallel_loop3A_315 = arith.index_cast %parallel_loop3A_314 : i32 to index
      %parallel_loop3A_316 = tpu.vector_load %arg7[%parallel_loop3A_315] {strides = array<i32>} : memref<98304xf32, #tpu.memory_space<vmem>>, vector<16xf32>,
      %parallel_loop3A_317 = vector.shape_cast %parallel_loop3A_316 : vector<16xf32> to vector<16xf32>
      %parallel_loop3A_318 = arith.addf %parallel_loop3A_312, %parallel_loop3A_317 : vector<16xf32>
      %parallel_loop3A_319 = arith.constant 3 : i32
      %parallel_loop3A_320 = arith.addi %parallel_loop3A_109, %parallel_loop3A_319 : i32
      %parallel_loop3A_321 = arith.index_cast %parallel_loop3A_320 : i32 to index
      %parallel_loop3A_322 = arith.constant 0 : index
      %parallel_loop3A_323 = tpu.vector_load %arg8[%parallel_loop3A_321, %parallel_loop3A_322] {strides = array<i32>} : memref<80x32xf32, #tpu.memory_space<vmem>>, vector<1x16xf32>,
      %parallel_loop3A_324 = vector.shape_cast %parallel_loop3A_323 : vector<1x16xf32> to vector<16xf32>
      %parallel_loop3A_325 = vector.shape_cast %parallel_loop3A_318 : vector<16xf32> to vector<1x16xf32>
      tpu.vector_store %arg8[%parallel_loop3A_321, %parallel_loop3A_322], %parallel_loop3A_325 {strides = array<i32>} : memref<80x32xf32, #tpu.memory_space<vmem>>, vector<1x16xf32>,
      %parallel_loop3A_326 = arith.constant 16 : i32
      %parallel_loop3A_327 = arith.addi %parallel_loop3A_297, %parallel_loop3A_326 : i32
      %parallel_loop3A_328 = arith.index_cast %parallel_loop3A_327 : i32 to index
      %parallel_loop3A_329 = tpu.vector_load %arg7[%parallel_loop3A_328] {strides = array<i32>} : memref<98304xf32, #tpu.memory_space<vmem>>, vector<16xf32>,
      %parallel_loop3A_330 = vector.shape_cast %parallel_loop3A_329 : vector<16xf32> to vector<16xf32>
      %parallel_loop3A_331 = arith.constant 16 : i32
      %parallel_loop3A_332 = arith.addi %parallel_loop3A_299, %parallel_loop3A_331 : i32
      %parallel_loop3A_333 = arith.index_cast %parallel_loop3A_332 : i32 to index
      %parallel_loop3A_334 = tpu.vector_load %arg7[%parallel_loop3A_333] {strides = array<i32>} : memref<98304xf32, #tpu.memory_space<vmem>>, vector<16xf32>,
      %parallel_loop3A_335 = vector.shape_cast %parallel_loop3A_334 : vector<16xf32> to vector<16xf32>
      %parallel_loop3A_336 = arith.addf %parallel_loop3A_330, %parallel_loop3A_335 : vector<16xf32>
      %parallel_loop3A_337 = arith.constant 16 : i32
      %parallel_loop3A_338 = arith.addi %parallel_loop3A_301, %parallel_loop3A_337 : i32
      %parallel_loop3A_339 = arith.index_cast %parallel_loop3A_338 : i32 to index
      %parallel_loop3A_340 = tpu.vector_load %arg7[%parallel_loop3A_339] {strides = array<i32>} : memref<98304xf32, #tpu.memory_space<vmem>>, vector<16xf32>,
      %parallel_loop3A_341 = vector.shape_cast %parallel_loop3A_340 : vector<16xf32> to vector<16xf32>
      %parallel_loop3A_342 = arith.addf %parallel_loop3A_336, %parallel_loop3A_341 : vector<16xf32>
      %parallel_loop3A_343 = arith.constant 3 : i32
      %parallel_loop3A_344 = arith.addi %parallel_loop3A_109, %parallel_loop3A_343 : i32
      %parallel_loop3A_345 = arith.index_cast %parallel_loop3A_344 : i32 to index
      %parallel_loop3A_346 = arith.constant 16 : index
      %parallel_loop3A_347 = tpu.vector_load %arg8[%parallel_loop3A_345, %parallel_loop3A_346] {strides = array<i32>} : memref<80x32xf32, #tpu.memory_space<vmem>>, vector<1x16xf32>,
      %parallel_loop3A_348 = vector.shape_cast %parallel_loop3A_347 : vector<1x16xf32> to vector<16xf32>
      %parallel_loop3A_349 = vector.shape_cast %parallel_loop3A_342 : vector<16xf32> to vector<1x16xf32>
      tpu.vector_store %arg8[%parallel_loop3A_345, %parallel_loop3A_346], %parallel_loop3A_349 {strides = array<i32>} : memref<80x32xf32, #tpu.memory_space<vmem>>, vector<1x16xf32>,
      %parallel_loop3A_350 = vector.extract_strided_slice %parallel_loop3A_115 {offsets = [4], sizes = [1], strides = [1]} : vector<16xi32> to vector<1xi32>
      %parallel_loop3A_351 = vector.extract %parallel_loop3A_350[0] : i32 from vector<1xi32>
      %parallel_loop3A_352 = vector.extract_strided_slice %parallel_loop3A_124 {offsets = [4], sizes = [1], strides = [1]} : vector<16xi32> to vector<1xi32>
      %parallel_loop3A_353 = vector.extract %parallel_loop3A_352[0] : i32 from vector<1xi32>
      %parallel_loop3A_354 = vector.extract_strided_slice %parallel_loop3A_133 {offsets = [4], sizes = [1], strides = [1]} : vector<16xi32> to vector<1xi32>
      %parallel_loop3A_355 = vector.extract %parallel_loop3A_354[0] : i32 from vector<1xi32>
      %parallel_loop3A_356 = arith.constant 0 : i32
      %parallel_loop3A_357 = arith.addi %parallel_loop3A_351, %parallel_loop3A_356 : i32
      %parallel_loop3A_358 = arith.index_cast %parallel_loop3A_357 : i32 to index
      %parallel_loop3A_359 = tpu.vector_load %arg7[%parallel_loop3A_358] {strides = array<i32>} : memref<98304xf32, #tpu.memory_space<vmem>>, vector<16xf32>,
      %parallel_loop3A_360 = vector.shape_cast %parallel_loop3A_359 : vector<16xf32> to vector<16xf32>
      %parallel_loop3A_361 = arith.constant 0 : i32
      %parallel_loop3A_362 = arith.addi %parallel_loop3A_353, %parallel_loop3A_361 : i32
      %parallel_loop3A_363 = arith.index_cast %parallel_loop3A_362 : i32 to index
      %parallel_loop3A_364 = tpu.vector_load %arg7[%parallel_loop3A_363] {strides = array<i32>} : memref<98304xf32, #tpu.memory_space<vmem>>, vector<16xf32>,
      %parallel_loop3A_365 = vector.shape_cast %parallel_loop3A_364 : vector<16xf32> to vector<16xf32>
      %parallel_loop3A_366 = arith.addf %parallel_loop3A_360, %parallel_loop3A_365 : vector<16xf32>
      %parallel_loop3A_367 = arith.constant 0 : i32
      %parallel_loop3A_368 = arith.addi %parallel_loop3A_355, %parallel_loop3A_367 : i32
      %parallel_loop3A_369 = arith.index_cast %parallel_loop3A_368 : i32 to index
      %parallel_loop3A_370 = tpu.vector_load %arg7[%parallel_loop3A_369] {strides = array<i32>} : memref<98304xf32, #tpu.memory_space<vmem>>, vector<16xf32>,
      %parallel_loop3A_371 = vector.shape_cast %parallel_loop3A_370 : vector<16xf32> to vector<16xf32>
      %parallel_loop3A_372 = arith.addf %parallel_loop3A_366, %parallel_loop3A_371 : vector<16xf32>
      %parallel_loop3A_373 = arith.constant 4 : i32
      %parallel_loop3A_374 = arith.addi %parallel_loop3A_109, %parallel_loop3A_373 : i32
      %parallel_loop3A_375 = arith.index_cast %parallel_loop3A_374 : i32 to index
      %parallel_loop3A_376 = arith.constant 0 : index
      %parallel_loop3A_377 = tpu.vector_load %arg8[%parallel_loop3A_375, %parallel_loop3A_376] {strides = array<i32>} : memref<80x32xf32, #tpu.memory_space<vmem>>, vector<1x16xf32>,
      %parallel_loop3A_378 = vector.shape_cast %parallel_loop3A_377 : vector<1x16xf32> to vector<16xf32>
      %parallel_loop3A_379 = vector.shape_cast %parallel_loop3A_372 : vector<16xf32> to vector<1x16xf32>
      tpu.vector_store %arg8[%parallel_loop3A_375, %parallel_loop3A_376], %parallel_loop3A_379 {strides = array<i32>} : memref<80x32xf32, #tpu.memory_space<vmem>>, vector<1x16xf32>,
      %parallel_loop3A_380 = arith.constant 16 : i32
      %parallel_loop3A_381 = arith.addi %parallel_loop3A_351, %parallel_loop3A_380 : i32
      %parallel_loop3A_382 = arith.index_cast %parallel_loop3A_381 : i32 to index
      %parallel_loop3A_383 = tpu.vector_load %arg7[%parallel_loop3A_382] {strides = array<i32>} : memref<98304xf32, #tpu.memory_space<vmem>>, vector<16xf32>,
      %parallel_loop3A_384 = vector.shape_cast %parallel_loop3A_383 : vector<16xf32> to vector<16xf32>
      %parallel_loop3A_385 = arith.constant 16 : i32
      %parallel_loop3A_386 = arith.addi %parallel_loop3A_353, %parallel_loop3A_385 : i32
      %parallel_loop3A_387 = arith.index_cast %parallel_loop3A_386 : i32 to index
      %parallel_loop3A_388 = tpu.vector_load %arg7[%parallel_loop3A_387] {strides = array<i32>} : memref<98304xf32, #tpu.memory_space<vmem>>, vector<16xf32>,
      %parallel_loop3A_389 = vector.shape_cast %parallel_loop3A_388 : vector<16xf32> to vector<16xf32>
      %parallel_loop3A_390 = arith.addf %parallel_loop3A_384, %parallel_loop3A_389 : vector<16xf32>
      %parallel_loop3A_391 = arith.constant 16 : i32
      %parallel_loop3A_392 = arith.addi %parallel_loop3A_355, %parallel_loop3A_391 : i32
      %parallel_loop3A_393 = arith.index_cast %parallel_loop3A_392 : i32 to index
      %parallel_loop3A_394 = tpu.vector_load %arg7[%parallel_loop3A_393] {strides = array<i32>} : memref<98304xf32, #tpu.memory_space<vmem>>, vector<16xf32>,
      %parallel_loop3A_395 = vector.shape_cast %parallel_loop3A_394 : vector<16xf32> to vector<16xf32>
      %parallel_loop3A_396 = arith.addf %parallel_loop3A_390, %parallel_loop3A_395 : vector<16xf32>
      %parallel_loop3A_397 = arith.constant 4 : i32
      %parallel_loop3A_398 = arith.addi %parallel_loop3A_109, %parallel_loop3A_397 : i32
      %parallel_loop3A_399 = arith.index_cast %parallel_loop3A_398 : i32 to index
      %parallel_loop3A_400 = arith.constant 16 : index
      %parallel_loop3A_401 = tpu.vector_load %arg8[%parallel_loop3A_399, %parallel_loop3A_400] {strides = array<i32>} : memref<80x32xf32, #tpu.memory_space<vmem>>, vector<1x16xf32>,
      %parallel_loop3A_402 = vector.shape_cast %parallel_loop3A_401 : vector<1x16xf32> to vector<16xf32>
      %parallel_loop3A_403 = vector.shape_cast %parallel_loop3A_396 : vector<16xf32> to vector<1x16xf32>
      tpu.vector_store %arg8[%parallel_loop3A_399, %parallel_loop3A_400], %parallel_loop3A_403 {strides = array<i32>} : memref<80x32xf32, #tpu.memory_space<vmem>>, vector<1x16xf32>,
      %parallel_loop3A_404 = vector.extract_strided_slice %parallel_loop3A_115 {offsets = [5], sizes = [1], strides = [1]} : vector<16xi32> to vector<1xi32>
      %parallel_loop3A_405 = vector.extract %parallel_loop3A_404[0] : i32 from vector<1xi32>
      %parallel_loop3A_406 = vector.extract_strided_slice %parallel_loop3A_124 {offsets = [5], sizes = [1], strides = [1]} : vector<16xi32> to vector<1xi32>
      %parallel_loop3A_407 = vector.extract %parallel_loop3A_406[0] : i32 from vector<1xi32>
      %parallel_loop3A_408 = vector.extract_strided_slice %parallel_loop3A_133 {offsets = [5], sizes = [1], strides = [1]} : vector<16xi32> to vector<1xi32>
      %parallel_loop3A_409 = vector.extract %parallel_loop3A_408[0] : i32 from vector<1xi32>
      %parallel_loop3A_410 = arith.constant 0 : i32
      %parallel_loop3A_411 = arith.addi %parallel_loop3A_405, %parallel_loop3A_410 : i32
      %parallel_loop3A_412 = arith.index_cast %parallel_loop3A_411 : i32 to index
      %parallel_loop3A_413 = tpu.vector_load %arg7[%parallel_loop3A_412] {strides = array<i32>} : memref<98304xf32, #tpu.memory_space<vmem>>, vector<16xf32>,
      %parallel_loop3A_414 = vector.shape_cast %parallel_loop3A_413 : vector<16xf32> to vector<16xf32>
      %parallel_loop3A_415 = arith.constant 0 : i32
      %parallel_loop3A_416 = arith.addi %parallel_loop3A_407, %parallel_loop3A_415 : i32
      %parallel_loop3A_417 = arith.index_cast %parallel_loop3A_416 : i32 to index
      %parallel_loop3A_418 = tpu.vector_load %arg7[%parallel_loop3A_417] {strides = array<i32>} : memref<98304xf32, #tpu.memory_space<vmem>>, vector<16xf32>,
      %parallel_loop3A_419 = vector.shape_cast %parallel_loop3A_418 : vector<16xf32> to vector<16xf32>
      %parallel_loop3A_420 = arith.addf %parallel_loop3A_414, %parallel_loop3A_419 : vector<16xf32>
      %parallel_loop3A_421 = arith.constant 0 : i32
      %parallel_loop3A_422 = arith.addi %parallel_loop3A_409, %parallel_loop3A_421 : i32
      %parallel_loop3A_423 = arith.index_cast %parallel_loop3A_422 : i32 to index
      %parallel_loop3A_424 = tpu.vector_load %arg7[%parallel_loop3A_423] {strides = array<i32>} : memref<98304xf32, #tpu.memory_space<vmem>>, vector<16xf32>,
      %parallel_loop3A_425 = vector.shape_cast %parallel_loop3A_424 : vector<16xf32> to vector<16xf32>
      %parallel_loop3A_426 = arith.addf %parallel_loop3A_420, %parallel_loop3A_425 : vector<16xf32>
      %parallel_loop3A_427 = arith.constant 5 : i32
      %parallel_loop3A_428 = arith.addi %parallel_loop3A_109, %parallel_loop3A_427 : i32
      %parallel_loop3A_429 = arith.index_cast %parallel_loop3A_428 : i32 to index
      %parallel_loop3A_430 = arith.constant 0 : index
      %parallel_loop3A_431 = tpu.vector_load %arg8[%parallel_loop3A_429, %parallel_loop3A_430] {strides = array<i32>} : memref<80x32xf32, #tpu.memory_space<vmem>>, vector<1x16xf32>,
      %parallel_loop3A_432 = vector.shape_cast %parallel_loop3A_431 : vector<1x16xf32> to vector<16xf32>
      %parallel_loop3A_433 = vector.shape_cast %parallel_loop3A_426 : vector<16xf32> to vector<1x16xf32>
      tpu.vector_store %arg8[%parallel_loop3A_429, %parallel_loop3A_430], %parallel_loop3A_433 {strides = array<i32>} : memref<80x32xf32, #tpu.memory_space<vmem>>, vector<1x16xf32>,
      %parallel_loop3A_434 = arith.constant 16 : i32
      %parallel_loop3A_435 = arith.addi %parallel_loop3A_405, %parallel_loop3A_434 : i32
      %parallel_loop3A_436 = arith.index_cast %parallel_loop3A_435 : i32 to index
      %parallel_loop3A_437 = tpu.vector_load %arg7[%parallel_loop3A_436] {strides = array<i32>} : memref<98304xf32, #tpu.memory_space<vmem>>, vector<16xf32>,
      %parallel_loop3A_438 = vector.shape_cast %parallel_loop3A_437 : vector<16xf32> to vector<16xf32>
      %parallel_loop3A_439 = arith.constant 16 : i32
      %parallel_loop3A_440 = arith.addi %parallel_loop3A_407, %parallel_loop3A_439 : i32
      %parallel_loop3A_441 = arith.index_cast %parallel_loop3A_440 : i32 to index
      %parallel_loop3A_442 = tpu.vector_load %arg7[%parallel_loop3A_441] {strides = array<i32>} : memref<98304xf32, #tpu.memory_space<vmem>>, vector<16xf32>,
      %parallel_loop3A_443 = vector.shape_cast %parallel_loop3A_442 : vector<16xf32> to vector<16xf32>
      %parallel_loop3A_444 = arith.addf %parallel_loop3A_438, %parallel_loop3A_443 : vector<16xf32>
      %parallel_loop3A_445 = arith.constant 16 : i32
      %parallel_loop3A_446 = arith.addi %parallel_loop3A_409, %parallel_loop3A_445 : i32
      %parallel_loop3A_447 = arith.index_cast %parallel_loop3A_446 : i32 to index
      %parallel_loop3A_448 = tpu.vector_load %arg7[%parallel_loop3A_447] {strides = array<i32>} : memref<98304xf32, #tpu.memory_space<vmem>>, vector<16xf32>,
      %parallel_loop3A_449 = vector.shape_cast %parallel_loop3A_448 : vector<16xf32> to vector<16xf32>
      %parallel_loop3A_450 = arith.addf %parallel_loop3A_444, %parallel_loop3A_449 : vector<16xf32>
      %parallel_loop3A_451 = arith.constant 5 : i32
      %parallel_loop3A_452 = arith.addi %parallel_loop3A_109, %parallel_loop3A_451 : i32
      %parallel_loop3A_453 = arith.index_cast %parallel_loop3A_452 : i32 to index
      %parallel_loop3A_454 = arith.constant 16 : index
      %parallel_loop3A_455 = tpu.vector_load %arg8[%parallel_loop3A_453, %parallel_loop3A_454] {strides = array<i32>} : memref<80x32xf32, #tpu.memory_space<vmem>>, vector<1x16xf32>,
      %parallel_loop3A_456 = vector.shape_cast %parallel_loop3A_455 : vector<1x16xf32> to vector<16xf32>
      %parallel_loop3A_457 = vector.shape_cast %parallel_loop3A_450 : vector<16xf32> to vector<1x16xf32>
      tpu.vector_store %arg8[%parallel_loop3A_453, %parallel_loop3A_454], %parallel_loop3A_457 {strides = array<i32>} : memref<80x32xf32, #tpu.memory_space<vmem>>, vector<1x16xf32>,
      %parallel_loop3A_458 = vector.extract_strided_slice %parallel_loop3A_115 {offsets = [6], sizes = [1], strides = [1]} : vector<16xi32> to vector<1xi32>
      %parallel_loop3A_459 = vector.extract %parallel_loop3A_458[0] : i32 from vector<1xi32>
      %parallel_loop3A_460 = vector.extract_strided_slice %parallel_loop3A_124 {offsets = [6], sizes = [1], strides = [1]} : vector<16xi32> to vector<1xi32>
      %parallel_loop3A_461 = vector.extract %parallel_loop3A_460[0] : i32 from vector<1xi32>
      %parallel_loop3A_462 = vector.extract_strided_slice %parallel_loop3A_133 {offsets = [6], sizes = [1], strides = [1]} : vector<16xi32> to vector<1xi32>
      %parallel_loop3A_463 = vector.extract %parallel_loop3A_462[0] : i32 from vector<1xi32>
      %parallel_loop3A_464 = arith.constant 0 : i32
      %parallel_loop3A_465 = arith.addi %parallel_loop3A_459, %parallel_loop3A_464 : i32
      %parallel_loop3A_466 = arith.index_cast %parallel_loop3A_465 : i32 to index
      %parallel_loop3A_467 = tpu.vector_load %arg7[%parallel_loop3A_466] {strides = array<i32>} : memref<98304xf32, #tpu.memory_space<vmem>>, vector<16xf32>,
      %parallel_loop3A_468 = vector.shape_cast %parallel_loop3A_467 : vector<16xf32> to vector<16xf32>
      %parallel_loop3A_469 = arith.constant 0 : i32
      %parallel_loop3A_470 = arith.addi %parallel_loop3A_461, %parallel_loop3A_469 : i32
      %parallel_loop3A_471 = arith.index_cast %parallel_loop3A_470 : i32 to index
      %parallel_loop3A_472 = tpu.vector_load %arg7[%parallel_loop3A_471] {strides = array<i32>} : memref<98304xf32, #tpu.memory_space<vmem>>, vector<16xf32>,
      %parallel_loop3A_473 = vector.shape_cast %parallel_loop3A_472 : vector<16xf32> to vector<16xf32>
      %parallel_loop3A_474 = arith.addf %parallel_loop3A_468, %parallel_loop3A_473 : vector<16xf32>
      %parallel_loop3A_475 = arith.constant 0 : i32
      %parallel_loop3A_476 = arith.addi %parallel_loop3A_463, %parallel_loop3A_475 : i32
      %parallel_loop3A_477 = arith.index_cast %parallel_loop3A_476 : i32 to index
      %parallel_loop3A_478 = tpu.vector_load %arg7[%parallel_loop3A_477] {strides = array<i32>} : memref<98304xf32, #tpu.memory_space<vmem>>, vector<16xf32>,
      %parallel_loop3A_479 = vector.shape_cast %parallel_loop3A_478 : vector<16xf32> to vector<16xf32>
      %parallel_loop3A_480 = arith.addf %parallel_loop3A_474, %parallel_loop3A_479 : vector<16xf32>
      %parallel_loop3A_481 = arith.constant 6 : i32
      %parallel_loop3A_482 = arith.addi %parallel_loop3A_109, %parallel_loop3A_481 : i32
      %parallel_loop3A_483 = arith.index_cast %parallel_loop3A_482 : i32 to index
      %parallel_loop3A_484 = arith.constant 0 : index
      %parallel_loop3A_485 = tpu.vector_load %arg8[%parallel_loop3A_483, %parallel_loop3A_484] {strides = array<i32>} : memref<80x32xf32, #tpu.memory_space<vmem>>, vector<1x16xf32>,
      %parallel_loop3A_486 = vector.shape_cast %parallel_loop3A_485 : vector<1x16xf32> to vector<16xf32>
      %parallel_loop3A_487 = vector.shape_cast %parallel_loop3A_480 : vector<16xf32> to vector<1x16xf32>
      tpu.vector_store %arg8[%parallel_loop3A_483, %parallel_loop3A_484], %parallel_loop3A_487 {strides = array<i32>} : memref<80x32xf32, #tpu.memory_space<vmem>>, vector<1x16xf32>,
      %parallel_loop3A_488 = arith.constant 16 : i32
      %parallel_loop3A_489 = arith.addi %parallel_loop3A_459, %parallel_loop3A_488 : i32
      %parallel_loop3A_490 = arith.index_cast %parallel_loop3A_489 : i32 to index
      %parallel_loop3A_491 = tpu.vector_load %arg7[%parallel_loop3A_490] {strides = array<i32>} : memref<98304xf32, #tpu.memory_space<vmem>>, vector<16xf32>,
      %parallel_loop3A_492 = vector.shape_cast %parallel_loop3A_491 : vector<16xf32> to vector<16xf32>
      %parallel_loop3A_493 = arith.constant 16 : i32
      %parallel_loop3A_494 = arith.addi %parallel_loop3A_461, %parallel_loop3A_493 : i32
      %parallel_loop3A_495 = arith.index_cast %parallel_loop3A_494 : i32 to index
      %parallel_loop3A_496 = tpu.vector_load %arg7[%parallel_loop3A_495] {strides = array<i32>} : memref<98304xf32, #tpu.memory_space<vmem>>, vector<16xf32>,
      %parallel_loop3A_497 = vector.shape_cast %parallel_loop3A_496 : vector<16xf32> to vector<16xf32>
      %parallel_loop3A_498 = arith.addf %parallel_loop3A_492, %parallel_loop3A_497 : vector<16xf32>
      %parallel_loop3A_499 = arith.constant 16 : i32
      %parallel_loop3A_500 = arith.addi %parallel_loop3A_463, %parallel_loop3A_499 : i32
      %parallel_loop3A_501 = arith.index_cast %parallel_loop3A_500 : i32 to index
      %parallel_loop3A_502 = tpu.vector_load %arg7[%parallel_loop3A_501] {strides = array<i32>} : memref<98304xf32, #tpu.memory_space<vmem>>, vector<16xf32>,
      %parallel_loop3A_503 = vector.shape_cast %parallel_loop3A_502 : vector<16xf32> to vector<16xf32>
      %parallel_loop3A_504 = arith.addf %parallel_loop3A_498, %parallel_loop3A_503 : vector<16xf32>
      %parallel_loop3A_505 = arith.constant 6 : i32
      %parallel_loop3A_506 = arith.addi %parallel_loop3A_109, %parallel_loop3A_505 : i32
      %parallel_loop3A_507 = arith.index_cast %parallel_loop3A_506 : i32 to index
      %parallel_loop3A_508 = arith.constant 16 : index
      %parallel_loop3A_509 = tpu.vector_load %arg8[%parallel_loop3A_507, %parallel_loop3A_508] {strides = array<i32>} : memref<80x32xf32, #tpu.memory_space<vmem>>, vector<1x16xf32>,
      %parallel_loop3A_510 = vector.shape_cast %parallel_loop3A_509 : vector<1x16xf32> to vector<16xf32>
      %parallel_loop3A_511 = vector.shape_cast %parallel_loop3A_504 : vector<16xf32> to vector<1x16xf32>
      tpu.vector_store %arg8[%parallel_loop3A_507, %parallel_loop3A_508], %parallel_loop3A_511 {strides = array<i32>} : memref<80x32xf32, #tpu.memory_space<vmem>>, vector<1x16xf32>,
      %parallel_loop3A_512 = vector.extract_strided_slice %parallel_loop3A_115 {offsets = [7], sizes = [1], strides = [1]} : vector<16xi32> to vector<1xi32>
      %parallel_loop3A_513 = vector.extract %parallel_loop3A_512[0] : i32 from vector<1xi32>
      %parallel_loop3A_514 = vector.extract_strided_slice %parallel_loop3A_124 {offsets = [7], sizes = [1], strides = [1]} : vector<16xi32> to vector<1xi32>
      %parallel_loop3A_515 = vector.extract %parallel_loop3A_514[0] : i32 from vector<1xi32>
      %parallel_loop3A_516 = vector.extract_strided_slice %parallel_loop3A_133 {offsets = [7], sizes = [1], strides = [1]} : vector<16xi32> to vector<1xi32>
      %parallel_loop3A_517 = vector.extract %parallel_loop3A_516[0] : i32 from vector<1xi32>
      %parallel_loop3A_518 = arith.constant 0 : i32
      %parallel_loop3A_519 = arith.addi %parallel_loop3A_513, %parallel_loop3A_518 : i32
      %parallel_loop3A_520 = arith.index_cast %parallel_loop3A_519 : i32 to index
      %parallel_loop3A_521 = tpu.vector_load %arg7[%parallel_loop3A_520] {strides = array<i32>} : memref<98304xf32, #tpu.memory_space<vmem>>, vector<16xf32>,
      %parallel_loop3A_522 = vector.shape_cast %parallel_loop3A_521 : vector<16xf32> to vector<16xf32>
      %parallel_loop3A_523 = arith.constant 0 : i32
      %parallel_loop3A_524 = arith.addi %parallel_loop3A_515, %parallel_loop3A_523 : i32
      %parallel_loop3A_525 = arith.index_cast %parallel_loop3A_524 : i32 to index
      %parallel_loop3A_526 = tpu.vector_load %arg7[%parallel_loop3A_525] {strides = array<i32>} : memref<98304xf32, #tpu.memory_space<vmem>>, vector<16xf32>,
      %parallel_loop3A_527 = vector.shape_cast %parallel_loop3A_526 : vector<16xf32> to vector<16xf32>
      %parallel_loop3A_528 = arith.addf %parallel_loop3A_522, %parallel_loop3A_527 : vector<16xf32>
      %parallel_loop3A_529 = arith.constant 0 : i32
      %parallel_loop3A_530 = arith.addi %parallel_loop3A_517, %parallel_loop3A_529 : i32
      %parallel_loop3A_531 = arith.index_cast %parallel_loop3A_530 : i32 to index
      %parallel_loop3A_532 = tpu.vector_load %arg7[%parallel_loop3A_531] {strides = array<i32>} : memref<98304xf32, #tpu.memory_space<vmem>>, vector<16xf32>,
      %parallel_loop3A_533 = vector.shape_cast %parallel_loop3A_532 : vector<16xf32> to vector<16xf32>
      %parallel_loop3A_534 = arith.addf %parallel_loop3A_528, %parallel_loop3A_533 : vector<16xf32>
      %parallel_loop3A_535 = arith.constant 7 : i32
      %parallel_loop3A_536 = arith.addi %parallel_loop3A_109, %parallel_loop3A_535 : i32
      %parallel_loop3A_537 = arith.index_cast %parallel_loop3A_536 : i32 to index
      %parallel_loop3A_538 = arith.constant 0 : index
      %parallel_loop3A_539 = tpu.vector_load %arg8[%parallel_loop3A_537, %parallel_loop3A_538] {strides = array<i32>} : memref<80x32xf32, #tpu.memory_space<vmem>>, vector<1x16xf32>,
      %parallel_loop3A_540 = vector.shape_cast %parallel_loop3A_539 : vector<1x16xf32> to vector<16xf32>
      %parallel_loop3A_541 = vector.shape_cast %parallel_loop3A_534 : vector<16xf32> to vector<1x16xf32>
      tpu.vector_store %arg8[%parallel_loop3A_537, %parallel_loop3A_538], %parallel_loop3A_541 {strides = array<i32>} : memref<80x32xf32, #tpu.memory_space<vmem>>, vector<1x16xf32>,
      %parallel_loop3A_542 = arith.constant 16 : i32
      %parallel_loop3A_543 = arith.addi %parallel_loop3A_513, %parallel_loop3A_542 : i32
      %parallel_loop3A_544 = arith.index_cast %parallel_loop3A_543 : i32 to index
      %parallel_loop3A_545 = tpu.vector_load %arg7[%parallel_loop3A_544] {strides = array<i32>} : memref<98304xf32, #tpu.memory_space<vmem>>, vector<16xf32>,
      %parallel_loop3A_546 = vector.shape_cast %parallel_loop3A_545 : vector<16xf32> to vector<16xf32>
      %parallel_loop3A_547 = arith.constant 16 : i32
      %parallel_loop3A_548 = arith.addi %parallel_loop3A_515, %parallel_loop3A_547 : i32
      %parallel_loop3A_549 = arith.index_cast %parallel_loop3A_548 : i32 to index
      %parallel_loop3A_550 = tpu.vector_load %arg7[%parallel_loop3A_549] {strides = array<i32>} : memref<98304xf32, #tpu.memory_space<vmem>>, vector<16xf32>,
      %parallel_loop3A_551 = vector.shape_cast %parallel_loop3A_550 : vector<16xf32> to vector<16xf32>
      %parallel_loop3A_552 = arith.addf %parallel_loop3A_546, %parallel_loop3A_551 : vector<16xf32>
      %parallel_loop3A_553 = arith.constant 16 : i32
      %parallel_loop3A_554 = arith.addi %parallel_loop3A_517, %parallel_loop3A_553 : i32
      %parallel_loop3A_555 = arith.index_cast %parallel_loop3A_554 : i32 to index
      %parallel_loop3A_556 = tpu.vector_load %arg7[%parallel_loop3A_555] {strides = array<i32>} : memref<98304xf32, #tpu.memory_space<vmem>>, vector<16xf32>,
      %parallel_loop3A_557 = vector.shape_cast %parallel_loop3A_556 : vector<16xf32> to vector<16xf32>
      %parallel_loop3A_558 = arith.addf %parallel_loop3A_552, %parallel_loop3A_557 : vector<16xf32>
      %parallel_loop3A_559 = arith.constant 7 : i32
      %parallel_loop3A_560 = arith.addi %parallel_loop3A_109, %parallel_loop3A_559 : i32
      %parallel_loop3A_561 = arith.index_cast %parallel_loop3A_560 : i32 to index
      %parallel_loop3A_562 = arith.constant 16 : index
      %parallel_loop3A_563 = tpu.vector_load %arg8[%parallel_loop3A_561, %parallel_loop3A_562] {strides = array<i32>} : memref<80x32xf32, #tpu.memory_space<vmem>>, vector<1x16xf32>,
      %parallel_loop3A_564 = vector.shape_cast %parallel_loop3A_563 : vector<1x16xf32> to vector<16xf32>
      %parallel_loop3A_565 = vector.shape_cast %parallel_loop3A_558 : vector<16xf32> to vector<1x16xf32>
      tpu.vector_store %arg8[%parallel_loop3A_561, %parallel_loop3A_562], %parallel_loop3A_565 {strides = array<i32>} : memref<80x32xf32, #tpu.memory_space<vmem>>, vector<1x16xf32>,
      %parallel_loop3A_566 = vector.extract_strided_slice %parallel_loop3A_115 {offsets = [8], sizes = [1], strides = [1]} : vector<16xi32> to vector<1xi32>
      %parallel_loop3A_567 = vector.extract %parallel_loop3A_566[0] : i32 from vector<1xi32>
      %parallel_loop3A_568 = vector.extract_strided_slice %parallel_loop3A_124 {offsets = [8], sizes = [1], strides = [1]} : vector<16xi32> to vector<1xi32>
      %parallel_loop3A_569 = vector.extract %parallel_loop3A_568[0] : i32 from vector<1xi32>
      %parallel_loop3A_570 = vector.extract_strided_slice %parallel_loop3A_133 {offsets = [8], sizes = [1], strides = [1]} : vector<16xi32> to vector<1xi32>
      %parallel_loop3A_571 = vector.extract %parallel_loop3A_570[0] : i32 from vector<1xi32>
      %parallel_loop3A_572 = arith.constant 0 : i32
      %parallel_loop3A_573 = arith.addi %parallel_loop3A_567, %parallel_loop3A_572 : i32
      %parallel_loop3A_574 = arith.index_cast %parallel_loop3A_573 : i32 to index
      %parallel_loop3A_575 = tpu.vector_load %arg7[%parallel_loop3A_574] {strides = array<i32>} : memref<98304xf32, #tpu.memory_space<vmem>>, vector<16xf32>,
      %parallel_loop3A_576 = vector.shape_cast %parallel_loop3A_575 : vector<16xf32> to vector<16xf32>
      %parallel_loop3A_577 = arith.constant 0 : i32
      %parallel_loop3A_578 = arith.addi %parallel_loop3A_569, %parallel_loop3A_577 : i32
      %parallel_loop3A_579 = arith.index_cast %parallel_loop3A_578 : i32 to index
      %parallel_loop3A_580 = tpu.vector_load %arg7[%parallel_loop3A_579] {strides = array<i32>} : memref<98304xf32, #tpu.memory_space<vmem>>, vector<16xf32>,
      %parallel_loop3A_581 = vector.shape_cast %parallel_loop3A_580 : vector<16xf32> to vector<16xf32>
      %parallel_loop3A_582 = arith.addf %parallel_loop3A_576, %parallel_loop3A_581 : vector<16xf32>
      %parallel_loop3A_583 = arith.constant 0 : i32
      %parallel_loop3A_584 = arith.addi %parallel_loop3A_571, %parallel_loop3A_583 : i32
      %parallel_loop3A_585 = arith.index_cast %parallel_loop3A_584 : i32 to index
      %parallel_loop3A_586 = tpu.vector_load %arg7[%parallel_loop3A_585] {strides = array<i32>} : memref<98304xf32, #tpu.memory_space<vmem>>, vector<16xf32>,
      %parallel_loop3A_587 = vector.shape_cast %parallel_loop3A_586 : vector<16xf32> to vector<16xf32>
      %parallel_loop3A_588 = arith.addf %parallel_loop3A_582, %parallel_loop3A_587 : vector<16xf32>
      %parallel_loop3A_589 = arith.constant 8 : i32
      %parallel_loop3A_590 = arith.addi %parallel_loop3A_109, %parallel_loop3A_589 : i32
      %parallel_loop3A_591 = arith.index_cast %parallel_loop3A_590 : i32 to index
      %parallel_loop3A_592 = arith.constant 0 : index
      %parallel_loop3A_593 = tpu.vector_load %arg8[%parallel_loop3A_591, %parallel_loop3A_592] {strides = array<i32>} : memref<80x32xf32, #tpu.memory_space<vmem>>, vector<1x16xf32>,
      %parallel_loop3A_594 = vector.shape_cast %parallel_loop3A_593 : vector<1x16xf32> to vector<16xf32>
      %parallel_loop3A_595 = vector.shape_cast %parallel_loop3A_588 : vector<16xf32> to vector<1x16xf32>
      tpu.vector_store %arg8[%parallel_loop3A_591, %parallel_loop3A_592], %parallel_loop3A_595 {strides = array<i32>} : memref<80x32xf32, #tpu.memory_space<vmem>>, vector<1x16xf32>,
      %parallel_loop3A_596 = arith.constant 16 : i32
      %parallel_loop3A_597 = arith.addi %parallel_loop3A_567, %parallel_loop3A_596 : i32
      %parallel_loop3A_598 = arith.index_cast %parallel_loop3A_597 : i32 to index
      %parallel_loop3A_599 = tpu.vector_load %arg7[%parallel_loop3A_598] {strides = array<i32>} : memref<98304xf32, #tpu.memory_space<vmem>>, vector<16xf32>,
      %parallel_loop3A_600 = vector.shape_cast %parallel_loop3A_599 : vector<16xf32> to vector<16xf32>
      %parallel_loop3A_601 = arith.constant 16 : i32
      %parallel_loop3A_602 = arith.addi %parallel_loop3A_569, %parallel_loop3A_601 : i32
      %parallel_loop3A_603 = arith.index_cast %parallel_loop3A_602 : i32 to index
      %parallel_loop3A_604 = tpu.vector_load %arg7[%parallel_loop3A_603] {strides = array<i32>} : memref<98304xf32, #tpu.memory_space<vmem>>, vector<16xf32>,
      %parallel_loop3A_605 = vector.shape_cast %parallel_loop3A_604 : vector<16xf32> to vector<16xf32>
      %parallel_loop3A_606 = arith.addf %parallel_loop3A_600, %parallel_loop3A_605 : vector<16xf32>
      %parallel_loop3A_607 = arith.constant 16 : i32
      %parallel_loop3A_608 = arith.addi %parallel_loop3A_571, %parallel_loop3A_607 : i32
      %parallel_loop3A_609 = arith.index_cast %parallel_loop3A_608 : i32 to index
      %parallel_loop3A_610 = tpu.vector_load %arg7[%parallel_loop3A_609] {strides = array<i32>} : memref<98304xf32, #tpu.memory_space<vmem>>, vector<16xf32>,
      %parallel_loop3A_611 = vector.shape_cast %parallel_loop3A_610 : vector<16xf32> to vector<16xf32>
      %parallel_loop3A_612 = arith.addf %parallel_loop3A_606, %parallel_loop3A_611 : vector<16xf32>
      %parallel_loop3A_613 = arith.constant 8 : i32
      %parallel_loop3A_614 = arith.addi %parallel_loop3A_109, %parallel_loop3A_613 : i32
      %parallel_loop3A_615 = arith.index_cast %parallel_loop3A_614 : i32 to index
      %parallel_loop3A_616 = arith.constant 16 : index
      %parallel_loop3A_617 = tpu.vector_load %arg8[%parallel_loop3A_615, %parallel_loop3A_616] {strides = array<i32>} : memref<80x32xf32, #tpu.memory_space<vmem>>, vector<1x16xf32>,
      %parallel_loop3A_618 = vector.shape_cast %parallel_loop3A_617 : vector<1x16xf32> to vector<16xf32>
      %parallel_loop3A_619 = vector.shape_cast %parallel_loop3A_612 : vector<16xf32> to vector<1x16xf32>
      tpu.vector_store %arg8[%parallel_loop3A_615, %parallel_loop3A_616], %parallel_loop3A_619 {strides = array<i32>} : memref<80x32xf32, #tpu.memory_space<vmem>>, vector<1x16xf32>,
      %parallel_loop3A_620 = vector.extract_strided_slice %parallel_loop3A_115 {offsets = [9], sizes = [1], strides = [1]} : vector<16xi32> to vector<1xi32>
      %parallel_loop3A_621 = vector.extract %parallel_loop3A_620[0] : i32 from vector<1xi32>
      %parallel_loop3A_622 = vector.extract_strided_slice %parallel_loop3A_124 {offsets = [9], sizes = [1], strides = [1]} : vector<16xi32> to vector<1xi32>
      %parallel_loop3A_623 = vector.extract %parallel_loop3A_622[0] : i32 from vector<1xi32>
      %parallel_loop3A_624 = vector.extract_strided_slice %parallel_loop3A_133 {offsets = [9], sizes = [1], strides = [1]} : vector<16xi32> to vector<1xi32>
      %parallel_loop3A_625 = vector.extract %parallel_loop3A_624[0] : i32 from vector<1xi32>
      %parallel_loop3A_626 = arith.constant 0 : i32
      %parallel_loop3A_627 = arith.addi %parallel_loop3A_621, %parallel_loop3A_626 : i32
      %parallel_loop3A_628 = arith.index_cast %parallel_loop3A_627 : i32 to index
      %parallel_loop3A_629 = tpu.vector_load %arg7[%parallel_loop3A_628] {strides = array<i32>} : memref<98304xf32, #tpu.memory_space<vmem>>, vector<16xf32>,
      %parallel_loop3A_630 = vector.shape_cast %parallel_loop3A_629 : vector<16xf32> to vector<16xf32>
      %parallel_loop3A_631 = arith.constant 0 : i32
      %parallel_loop3A_632 = arith.addi %parallel_loop3A_623, %parallel_loop3A_631 : i32
      %parallel_loop3A_633 = arith.index_cast %parallel_loop3A_632 : i32 to index
      %parallel_loop3A_634 = tpu.vector_load %arg7[%parallel_loop3A_633] {strides = array<i32>} : memref<98304xf32, #tpu.memory_space<vmem>>, vector<16xf32>,
      %parallel_loop3A_635 = vector.shape_cast %parallel_loop3A_634 : vector<16xf32> to vector<16xf32>
      %parallel_loop3A_636 = arith.addf %parallel_loop3A_630, %parallel_loop3A_635 : vector<16xf32>
      %parallel_loop3A_637 = arith.constant 0 : i32
      %parallel_loop3A_638 = arith.addi %parallel_loop3A_625, %parallel_loop3A_637 : i32
      %parallel_loop3A_639 = arith.index_cast %parallel_loop3A_638 : i32 to index
      %parallel_loop3A_640 = tpu.vector_load %arg7[%parallel_loop3A_639] {strides = array<i32>} : memref<98304xf32, #tpu.memory_space<vmem>>, vector<16xf32>,
      %parallel_loop3A_641 = vector.shape_cast %parallel_loop3A_640 : vector<16xf32> to vector<16xf32>
      %parallel_loop3A_642 = arith.addf %parallel_loop3A_636, %parallel_loop3A_641 : vector<16xf32>
      %parallel_loop3A_643 = arith.constant 9 : i32
      %parallel_loop3A_644 = arith.addi %parallel_loop3A_109, %parallel_loop3A_643 : i32
      %parallel_loop3A_645 = arith.index_cast %parallel_loop3A_644 : i32 to index
      %parallel_loop3A_646 = arith.constant 0 : index
      %parallel_loop3A_647 = tpu.vector_load %arg8[%parallel_loop3A_645, %parallel_loop3A_646] {strides = array<i32>} : memref<80x32xf32, #tpu.memory_space<vmem>>, vector<1x16xf32>,
      %parallel_loop3A_648 = vector.shape_cast %parallel_loop3A_647 : vector<1x16xf32> to vector<16xf32>
      %parallel_loop3A_649 = vector.shape_cast %parallel_loop3A_642 : vector<16xf32> to vector<1x16xf32>
      tpu.vector_store %arg8[%parallel_loop3A_645, %parallel_loop3A_646], %parallel_loop3A_649 {strides = array<i32>} : memref<80x32xf32, #tpu.memory_space<vmem>>, vector<1x16xf32>,
      %parallel_loop3A_650 = arith.constant 16 : i32
      %parallel_loop3A_651 = arith.addi %parallel_loop3A_621, %parallel_loop3A_650 : i32
      %parallel_loop3A_652 = arith.index_cast %parallel_loop3A_651 : i32 to index
      %parallel_loop3A_653 = tpu.vector_load %arg7[%parallel_loop3A_652] {strides = array<i32>} : memref<98304xf32, #tpu.memory_space<vmem>>, vector<16xf32>,
      %parallel_loop3A_654 = vector.shape_cast %parallel_loop3A_653 : vector<16xf32> to vector<16xf32>
      %parallel_loop3A_655 = arith.constant 16 : i32
      %parallel_loop3A_656 = arith.addi %parallel_loop3A_623, %parallel_loop3A_655 : i32
      %parallel_loop3A_657 = arith.index_cast %parallel_loop3A_656 : i32 to index
      %parallel_loop3A_658 = tpu.vector_load %arg7[%parallel_loop3A_657] {strides = array<i32>} : memref<98304xf32, #tpu.memory_space<vmem>>, vector<16xf32>,
      %parallel_loop3A_659 = vector.shape_cast %parallel_loop3A_658 : vector<16xf32> to vector<16xf32>
      %parallel_loop3A_660 = arith.addf %parallel_loop3A_654, %parallel_loop3A_659 : vector<16xf32>
      %parallel_loop3A_661 = arith.constant 16 : i32
      %parallel_loop3A_662 = arith.addi %parallel_loop3A_625, %parallel_loop3A_661 : i32
      %parallel_loop3A_663 = arith.index_cast %parallel_loop3A_662 : i32 to index
      %parallel_loop3A_664 = tpu.vector_load %arg7[%parallel_loop3A_663] {strides = array<i32>} : memref<98304xf32, #tpu.memory_space<vmem>>, vector<16xf32>,
      %parallel_loop3A_665 = vector.shape_cast %parallel_loop3A_664 : vector<16xf32> to vector<16xf32>
      %parallel_loop3A_666 = arith.addf %parallel_loop3A_660, %parallel_loop3A_665 : vector<16xf32>
      %parallel_loop3A_667 = arith.constant 9 : i32
      %parallel_loop3A_668 = arith.addi %parallel_loop3A_109, %parallel_loop3A_667 : i32
      %parallel_loop3A_669 = arith.index_cast %parallel_loop3A_668 : i32 to index
      %parallel_loop3A_670 = arith.constant 16 : index
      %parallel_loop3A_671 = tpu.vector_load %arg8[%parallel_loop3A_669, %parallel_loop3A_670] {strides = array<i32>} : memref<80x32xf32, #tpu.memory_space<vmem>>, vector<1x16xf32>,
      %parallel_loop3A_672 = vector.shape_cast %parallel_loop3A_671 : vector<1x16xf32> to vector<16xf32>
      %parallel_loop3A_673 = vector.shape_cast %parallel_loop3A_666 : vector<16xf32> to vector<1x16xf32>
      tpu.vector_store %arg8[%parallel_loop3A_669, %parallel_loop3A_670], %parallel_loop3A_673 {strides = array<i32>} : memref<80x32xf32, #tpu.memory_space<vmem>>, vector<1x16xf32>,
      %parallel_loop3A_674 = vector.extract_strided_slice %parallel_loop3A_115 {offsets = [10], sizes = [1], strides = [1]} : vector<16xi32> to vector<1xi32>
      %parallel_loop3A_675 = vector.extract %parallel_loop3A_674[0] : i32 from vector<1xi32>
      %parallel_loop3A_676 = vector.extract_strided_slice %parallel_loop3A_124 {offsets = [10], sizes = [1], strides = [1]} : vector<16xi32> to vector<1xi32>
      %parallel_loop3A_677 = vector.extract %parallel_loop3A_676[0] : i32 from vector<1xi32>
      %parallel_loop3A_678 = vector.extract_strided_slice %parallel_loop3A_133 {offsets = [10], sizes = [1], strides = [1]} : vector<16xi32> to vector<1xi32>
      %parallel_loop3A_679 = vector.extract %parallel_loop3A_678[0] : i32 from vector<1xi32>
      %parallel_loop3A_680 = arith.constant 0 : i32
      %parallel_loop3A_681 = arith.addi %parallel_loop3A_675, %parallel_loop3A_680 : i32
      %parallel_loop3A_682 = arith.index_cast %parallel_loop3A_681 : i32 to index
      %parallel_loop3A_683 = tpu.vector_load %arg7[%parallel_loop3A_682] {strides = array<i32>} : memref<98304xf32, #tpu.memory_space<vmem>>, vector<16xf32>,
      %parallel_loop3A_684 = vector.shape_cast %parallel_loop3A_683 : vector<16xf32> to vector<16xf32>
      %parallel_loop3A_685 = arith.constant 0 : i32
      %parallel_loop3A_686 = arith.addi %parallel_loop3A_677, %parallel_loop3A_685 : i32
      %parallel_loop3A_687 = arith.index_cast %parallel_loop3A_686 : i32 to index
      %parallel_loop3A_688 = tpu.vector_load %arg7[%parallel_loop3A_687] {strides = array<i32>} : memref<98304xf32, #tpu.memory_space<vmem>>, vector<16xf32>,
      %parallel_loop3A_689 = vector.shape_cast %parallel_loop3A_688 : vector<16xf32> to vector<16xf32>
      %parallel_loop3A_690 = arith.addf %parallel_loop3A_684, %parallel_loop3A_689 : vector<16xf32>
      %parallel_loop3A_691 = arith.constant 0 : i32
      %parallel_loop3A_692 = arith.addi %parallel_loop3A_679, %parallel_loop3A_691 : i32
      %parallel_loop3A_693 = arith.index_cast %parallel_loop3A_692 : i32 to index
      %parallel_loop3A_694 = tpu.vector_load %arg7[%parallel_loop3A_693] {strides = array<i32>} : memref<98304xf32, #tpu.memory_space<vmem>>, vector<16xf32>,
      %parallel_loop3A_695 = vector.shape_cast %parallel_loop3A_694 : vector<16xf32> to vector<16xf32>
      %parallel_loop3A_696 = arith.addf %parallel_loop3A_690, %parallel_loop3A_695 : vector<16xf32>
      %parallel_loop3A_697 = arith.constant 10 : i32
      %parallel_loop3A_698 = arith.addi %parallel_loop3A_109, %parallel_loop3A_697 : i32
      %parallel_loop3A_699 = arith.index_cast %parallel_loop3A_698 : i32 to index
      %parallel_loop3A_700 = arith.constant 0 : index
      %parallel_loop3A_701 = tpu.vector_load %arg8[%parallel_loop3A_699, %parallel_loop3A_700] {strides = array<i32>} : memref<80x32xf32, #tpu.memory_space<vmem>>, vector<1x16xf32>,
      %parallel_loop3A_702 = vector.shape_cast %parallel_loop3A_701 : vector<1x16xf32> to vector<16xf32>
      %parallel_loop3A_703 = vector.shape_cast %parallel_loop3A_696 : vector<16xf32> to vector<1x16xf32>
      tpu.vector_store %arg8[%parallel_loop3A_699, %parallel_loop3A_700], %parallel_loop3A_703 {strides = array<i32>} : memref<80x32xf32, #tpu.memory_space<vmem>>, vector<1x16xf32>,
      %parallel_loop3A_704 = arith.constant 16 : i32
      %parallel_loop3A_705 = arith.addi %parallel_loop3A_675, %parallel_loop3A_704 : i32
      %parallel_loop3A_706 = arith.index_cast %parallel_loop3A_705 : i32 to index
      %parallel_loop3A_707 = tpu.vector_load %arg7[%parallel_loop3A_706] {strides = array<i32>} : memref<98304xf32, #tpu.memory_space<vmem>>, vector<16xf32>,
      %parallel_loop3A_708 = vector.shape_cast %parallel_loop3A_707 : vector<16xf32> to vector<16xf32>
      %parallel_loop3A_709 = arith.constant 16 : i32
      %parallel_loop3A_710 = arith.addi %parallel_loop3A_677, %parallel_loop3A_709 : i32
      %parallel_loop3A_711 = arith.index_cast %parallel_loop3A_710 : i32 to index
      %parallel_loop3A_712 = tpu.vector_load %arg7[%parallel_loop3A_711] {strides = array<i32>} : memref<98304xf32, #tpu.memory_space<vmem>>, vector<16xf32>,
      %parallel_loop3A_713 = vector.shape_cast %parallel_loop3A_712 : vector<16xf32> to vector<16xf32>
      %parallel_loop3A_714 = arith.addf %parallel_loop3A_708, %parallel_loop3A_713 : vector<16xf32>
      %parallel_loop3A_715 = arith.constant 16 : i32
      %parallel_loop3A_716 = arith.addi %parallel_loop3A_679, %parallel_loop3A_715 : i32
      %parallel_loop3A_717 = arith.index_cast %parallel_loop3A_716 : i32 to index
      %parallel_loop3A_718 = tpu.vector_load %arg7[%parallel_loop3A_717] {strides = array<i32>} : memref<98304xf32, #tpu.memory_space<vmem>>, vector<16xf32>,
      %parallel_loop3A_719 = vector.shape_cast %parallel_loop3A_718 : vector<16xf32> to vector<16xf32>
      %parallel_loop3A_720 = arith.addf %parallel_loop3A_714, %parallel_loop3A_719 : vector<16xf32>
      %parallel_loop3A_721 = arith.constant 10 : i32
      %parallel_loop3A_722 = arith.addi %parallel_loop3A_109, %parallel_loop3A_721 : i32
      %parallel_loop3A_723 = arith.index_cast %parallel_loop3A_722 : i32 to index
      %parallel_loop3A_724 = arith.constant 16 : index
      %parallel_loop3A_725 = tpu.vector_load %arg8[%parallel_loop3A_723, %parallel_loop3A_724] {strides = array<i32>} : memref<80x32xf32, #tpu.memory_space<vmem>>, vector<1x16xf32>,
      %parallel_loop3A_726 = vector.shape_cast %parallel_loop3A_725 : vector<1x16xf32> to vector<16xf32>
      %parallel_loop3A_727 = vector.shape_cast %parallel_loop3A_720 : vector<16xf32> to vector<1x16xf32>
      tpu.vector_store %arg8[%parallel_loop3A_723, %parallel_loop3A_724], %parallel_loop3A_727 {strides = array<i32>} : memref<80x32xf32, #tpu.memory_space<vmem>>, vector<1x16xf32>,
      %parallel_loop3A_728 = vector.extract_strided_slice %parallel_loop3A_115 {offsets = [11], sizes = [1], strides = [1]} : vector<16xi32> to vector<1xi32>
      %parallel_loop3A_729 = vector.extract %parallel_loop3A_728[0] : i32 from vector<1xi32>
      %parallel_loop3A_730 = vector.extract_strided_slice %parallel_loop3A_124 {offsets = [11], sizes = [1], strides = [1]} : vector<16xi32> to vector<1xi32>
      %parallel_loop3A_731 = vector.extract %parallel_loop3A_730[0] : i32 from vector<1xi32>
      %parallel_loop3A_732 = vector.extract_strided_slice %parallel_loop3A_133 {offsets = [11], sizes = [1], strides = [1]} : vector<16xi32> to vector<1xi32>
      %parallel_loop3A_733 = vector.extract %parallel_loop3A_732[0] : i32 from vector<1xi32>
      %parallel_loop3A_734 = arith.constant 0 : i32
      %parallel_loop3A_735 = arith.addi %parallel_loop3A_729, %parallel_loop3A_734 : i32
      %parallel_loop3A_736 = arith.index_cast %parallel_loop3A_735 : i32 to index
      %parallel_loop3A_737 = tpu.vector_load %arg7[%parallel_loop3A_736] {strides = array<i32>} : memref<98304xf32, #tpu.memory_space<vmem>>, vector<16xf32>,
      %parallel_loop3A_738 = vector.shape_cast %parallel_loop3A_737 : vector<16xf32> to vector<16xf32>
      %parallel_loop3A_739 = arith.constant 0 : i32
      %parallel_loop3A_740 = arith.addi %parallel_loop3A_731, %parallel_loop3A_739 : i32
      %parallel_loop3A_741 = arith.index_cast %parallel_loop3A_740 : i32 to index
      %parallel_loop3A_742 = tpu.vector_load %arg7[%parallel_loop3A_741] {strides = array<i32>} : memref<98304xf32, #tpu.memory_space<vmem>>, vector<16xf32>,
      %parallel_loop3A_743 = vector.shape_cast %parallel_loop3A_742 : vector<16xf32> to vector<16xf32>
      %parallel_loop3A_744 = arith.addf %parallel_loop3A_738, %parallel_loop3A_743 : vector<16xf32>
      %parallel_loop3A_745 = arith.constant 0 : i32
      %parallel_loop3A_746 = arith.addi %parallel_loop3A_733, %parallel_loop3A_745 : i32
      %parallel_loop3A_747 = arith.index_cast %parallel_loop3A_746 : i32 to index
      %parallel_loop3A_748 = tpu.vector_load %arg7[%parallel_loop3A_747] {strides = array<i32>} : memref<98304xf32, #tpu.memory_space<vmem>>, vector<16xf32>,
      %parallel_loop3A_749 = vector.shape_cast %parallel_loop3A_748 : vector<16xf32> to vector<16xf32>
      %parallel_loop3A_750 = arith.addf %parallel_loop3A_744, %parallel_loop3A_749 : vector<16xf32>
      %parallel_loop3A_751 = arith.constant 11 : i32
      %parallel_loop3A_752 = arith.addi %parallel_loop3A_109, %parallel_loop3A_751 : i32
      %parallel_loop3A_753 = arith.index_cast %parallel_loop3A_752 : i32 to index
      %parallel_loop3A_754 = arith.constant 0 : index
      %parallel_loop3A_755 = tpu.vector_load %arg8[%parallel_loop3A_753, %parallel_loop3A_754] {strides = array<i32>} : memref<80x32xf32, #tpu.memory_space<vmem>>, vector<1x16xf32>,
      %parallel_loop3A_756 = vector.shape_cast %parallel_loop3A_755 : vector<1x16xf32> to vector<16xf32>
      %parallel_loop3A_757 = vector.shape_cast %parallel_loop3A_750 : vector<16xf32> to vector<1x16xf32>
      tpu.vector_store %arg8[%parallel_loop3A_753, %parallel_loop3A_754], %parallel_loop3A_757 {strides = array<i32>} : memref<80x32xf32, #tpu.memory_space<vmem>>, vector<1x16xf32>,
      %parallel_loop3A_758 = arith.constant 16 : i32
      %parallel_loop3A_759 = arith.addi %parallel_loop3A_729, %parallel_loop3A_758 : i32
      %parallel_loop3A_760 = arith.index_cast %parallel_loop3A_759 : i32 to index
      %parallel_loop3A_761 = tpu.vector_load %arg7[%parallel_loop3A_760] {strides = array<i32>} : memref<98304xf32, #tpu.memory_space<vmem>>, vector<16xf32>,
      %parallel_loop3A_762 = vector.shape_cast %parallel_loop3A_761 : vector<16xf32> to vector<16xf32>
      %parallel_loop3A_763 = arith.constant 16 : i32
      %parallel_loop3A_764 = arith.addi %parallel_loop3A_731, %parallel_loop3A_763 : i32
      %parallel_loop3A_765 = arith.index_cast %parallel_loop3A_764 : i32 to index
      %parallel_loop3A_766 = tpu.vector_load %arg7[%parallel_loop3A_765] {strides = array<i32>} : memref<98304xf32, #tpu.memory_space<vmem>>, vector<16xf32>,
      %parallel_loop3A_767 = vector.shape_cast %parallel_loop3A_766 : vector<16xf32> to vector<16xf32>
      %parallel_loop3A_768 = arith.addf %parallel_loop3A_762, %parallel_loop3A_767 : vector<16xf32>
      %parallel_loop3A_769 = arith.constant 16 : i32
      %parallel_loop3A_770 = arith.addi %parallel_loop3A_733, %parallel_loop3A_769 : i32
      %parallel_loop3A_771 = arith.index_cast %parallel_loop3A_770 : i32 to index
      %parallel_loop3A_772 = tpu.vector_load %arg7[%parallel_loop3A_771] {strides = array<i32>} : memref<98304xf32, #tpu.memory_space<vmem>>, vector<16xf32>,
      %parallel_loop3A_773 = vector.shape_cast %parallel_loop3A_772 : vector<16xf32> to vector<16xf32>
      %parallel_loop3A_774 = arith.addf %parallel_loop3A_768, %parallel_loop3A_773 : vector<16xf32>
      %parallel_loop3A_775 = arith.constant 11 : i32
      %parallel_loop3A_776 = arith.addi %parallel_loop3A_109, %parallel_loop3A_775 : i32
      %parallel_loop3A_777 = arith.index_cast %parallel_loop3A_776 : i32 to index
      %parallel_loop3A_778 = arith.constant 16 : index
      %parallel_loop3A_779 = tpu.vector_load %arg8[%parallel_loop3A_777, %parallel_loop3A_778] {strides = array<i32>} : memref<80x32xf32, #tpu.memory_space<vmem>>, vector<1x16xf32>,
      %parallel_loop3A_780 = vector.shape_cast %parallel_loop3A_779 : vector<1x16xf32> to vector<16xf32>
      %parallel_loop3A_781 = vector.shape_cast %parallel_loop3A_774 : vector<16xf32> to vector<1x16xf32>
      tpu.vector_store %arg8[%parallel_loop3A_777, %parallel_loop3A_778], %parallel_loop3A_781 {strides = array<i32>} : memref<80x32xf32, #tpu.memory_space<vmem>>, vector<1x16xf32>,
      %parallel_loop3A_782 = vector.extract_strided_slice %parallel_loop3A_115 {offsets = [12], sizes = [1], strides = [1]} : vector<16xi32> to vector<1xi32>
      %parallel_loop3A_783 = vector.extract %parallel_loop3A_782[0] : i32 from vector<1xi32>
      %parallel_loop3A_784 = vector.extract_strided_slice %parallel_loop3A_124 {offsets = [12], sizes = [1], strides = [1]} : vector<16xi32> to vector<1xi32>
      %parallel_loop3A_785 = vector.extract %parallel_loop3A_784[0] : i32 from vector<1xi32>
      %parallel_loop3A_786 = vector.extract_strided_slice %parallel_loop3A_133 {offsets = [12], sizes = [1], strides = [1]} : vector<16xi32> to vector<1xi32>
      %parallel_loop3A_787 = vector.extract %parallel_loop3A_786[0] : i32 from vector<1xi32>
      %parallel_loop3A_788 = arith.constant 0 : i32
      %parallel_loop3A_789 = arith.addi %parallel_loop3A_783, %parallel_loop3A_788 : i32
      %parallel_loop3A_790 = arith.index_cast %parallel_loop3A_789 : i32 to index
      %parallel_loop3A_791 = tpu.vector_load %arg7[%parallel_loop3A_790] {strides = array<i32>} : memref<98304xf32, #tpu.memory_space<vmem>>, vector<16xf32>,
      %parallel_loop3A_792 = vector.shape_cast %parallel_loop3A_791 : vector<16xf32> to vector<16xf32>
      %parallel_loop3A_793 = arith.constant 0 : i32
      %parallel_loop3A_794 = arith.addi %parallel_loop3A_785, %parallel_loop3A_793 : i32
      %parallel_loop3A_795 = arith.index_cast %parallel_loop3A_794 : i32 to index
      %parallel_loop3A_796 = tpu.vector_load %arg7[%parallel_loop3A_795] {strides = array<i32>} : memref<98304xf32, #tpu.memory_space<vmem>>, vector<16xf32>,
      %parallel_loop3A_797 = vector.shape_cast %parallel_loop3A_796 : vector<16xf32> to vector<16xf32>
      %parallel_loop3A_798 = arith.addf %parallel_loop3A_792, %parallel_loop3A_797 : vector<16xf32>
      %parallel_loop3A_799 = arith.constant 0 : i32
      %parallel_loop3A_800 = arith.addi %parallel_loop3A_787, %parallel_loop3A_799 : i32
      %parallel_loop3A_801 = arith.index_cast %parallel_loop3A_800 : i32 to index
      %parallel_loop3A_802 = tpu.vector_load %arg7[%parallel_loop3A_801] {strides = array<i32>} : memref<98304xf32, #tpu.memory_space<vmem>>, vector<16xf32>,
      %parallel_loop3A_803 = vector.shape_cast %parallel_loop3A_802 : vector<16xf32> to vector<16xf32>
      %parallel_loop3A_804 = arith.addf %parallel_loop3A_798, %parallel_loop3A_803 : vector<16xf32>
      %parallel_loop3A_805 = arith.constant 12 : i32
      %parallel_loop3A_806 = arith.addi %parallel_loop3A_109, %parallel_loop3A_805 : i32
      %parallel_loop3A_807 = arith.index_cast %parallel_loop3A_806 : i32 to index
      %parallel_loop3A_808 = arith.constant 0 : index
      %parallel_loop3A_809 = tpu.vector_load %arg8[%parallel_loop3A_807, %parallel_loop3A_808] {strides = array<i32>} : memref<80x32xf32, #tpu.memory_space<vmem>>, vector<1x16xf32>,
      %parallel_loop3A_810 = vector.shape_cast %parallel_loop3A_809 : vector<1x16xf32> to vector<16xf32>
      %parallel_loop3A_811 = vector.shape_cast %parallel_loop3A_804 : vector<16xf32> to vector<1x16xf32>
      tpu.vector_store %arg8[%parallel_loop3A_807, %parallel_loop3A_808], %parallel_loop3A_811 {strides = array<i32>} : memref<80x32xf32, #tpu.memory_space<vmem>>, vector<1x16xf32>,
      %parallel_loop3A_812 = arith.constant 16 : i32
      %parallel_loop3A_813 = arith.addi %parallel_loop3A_783, %parallel_loop3A_812 : i32
      %parallel_loop3A_814 = arith.index_cast %parallel_loop3A_813 : i32 to index
      %parallel_loop3A_815 = tpu.vector_load %arg7[%parallel_loop3A_814] {strides = array<i32>} : memref<98304xf32, #tpu.memory_space<vmem>>, vector<16xf32>,
      %parallel_loop3A_816 = vector.shape_cast %parallel_loop3A_815 : vector<16xf32> to vector<16xf32>
      %parallel_loop3A_817 = arith.constant 16 : i32
      %parallel_loop3A_818 = arith.addi %parallel_loop3A_785, %parallel_loop3A_817 : i32
      %parallel_loop3A_819 = arith.index_cast %parallel_loop3A_818 : i32 to index
      %parallel_loop3A_820 = tpu.vector_load %arg7[%parallel_loop3A_819] {strides = array<i32>} : memref<98304xf32, #tpu.memory_space<vmem>>, vector<16xf32>,
      %parallel_loop3A_821 = vector.shape_cast %parallel_loop3A_820 : vector<16xf32> to vector<16xf32>
      %parallel_loop3A_822 = arith.addf %parallel_loop3A_816, %parallel_loop3A_821 : vector<16xf32>
      %parallel_loop3A_823 = arith.constant 16 : i32
      %parallel_loop3A_824 = arith.addi %parallel_loop3A_787, %parallel_loop3A_823 : i32
      %parallel_loop3A_825 = arith.index_cast %parallel_loop3A_824 : i32 to index
      %parallel_loop3A_826 = tpu.vector_load %arg7[%parallel_loop3A_825] {strides = array<i32>} : memref<98304xf32, #tpu.memory_space<vmem>>, vector<16xf32>,
      %parallel_loop3A_827 = vector.shape_cast %parallel_loop3A_826 : vector<16xf32> to vector<16xf32>
      %parallel_loop3A_828 = arith.addf %parallel_loop3A_822, %parallel_loop3A_827 : vector<16xf32>
      %parallel_loop3A_829 = arith.constant 12 : i32
      %parallel_loop3A_830 = arith.addi %parallel_loop3A_109, %parallel_loop3A_829 : i32
      %parallel_loop3A_831 = arith.index_cast %parallel_loop3A_830 : i32 to index
      %parallel_loop3A_832 = arith.constant 16 : index
      %parallel_loop3A_833 = tpu.vector_load %arg8[%parallel_loop3A_831, %parallel_loop3A_832] {strides = array<i32>} : memref<80x32xf32, #tpu.memory_space<vmem>>, vector<1x16xf32>,
      %parallel_loop3A_834 = vector.shape_cast %parallel_loop3A_833 : vector<1x16xf32> to vector<16xf32>
      %parallel_loop3A_835 = vector.shape_cast %parallel_loop3A_828 : vector<16xf32> to vector<1x16xf32>
      tpu.vector_store %arg8[%parallel_loop3A_831, %parallel_loop3A_832], %parallel_loop3A_835 {strides = array<i32>} : memref<80x32xf32, #tpu.memory_space<vmem>>, vector<1x16xf32>,
      %parallel_loop3A_836 = vector.extract_strided_slice %parallel_loop3A_115 {offsets = [13], sizes = [1], strides = [1]} : vector<16xi32> to vector<1xi32>
      %parallel_loop3A_837 = vector.extract %parallel_loop3A_836[0] : i32 from vector<1xi32>
      %parallel_loop3A_838 = vector.extract_strided_slice %parallel_loop3A_124 {offsets = [13], sizes = [1], strides = [1]} : vector<16xi32> to vector<1xi32>
      %parallel_loop3A_839 = vector.extract %parallel_loop3A_838[0] : i32 from vector<1xi32>
      %parallel_loop3A_840 = vector.extract_strided_slice %parallel_loop3A_133 {offsets = [13], sizes = [1], strides = [1]} : vector<16xi32> to vector<1xi32>
      %parallel_loop3A_841 = vector.extract %parallel_loop3A_840[0] : i32 from vector<1xi32>
      %parallel_loop3A_842 = arith.constant 0 : i32
      %parallel_loop3A_843 = arith.addi %parallel_loop3A_837, %parallel_loop3A_842 : i32
      %parallel_loop3A_844 = arith.index_cast %parallel_loop3A_843 : i32 to index
      %parallel_loop3A_845 = tpu.vector_load %arg7[%parallel_loop3A_844] {strides = array<i32>} : memref<98304xf32, #tpu.memory_space<vmem>>, vector<16xf32>,
      %parallel_loop3A_846 = vector.shape_cast %parallel_loop3A_845 : vector<16xf32> to vector<16xf32>
      %parallel_loop3A_847 = arith.constant 0 : i32
      %parallel_loop3A_848 = arith.addi %parallel_loop3A_839, %parallel_loop3A_847 : i32
      %parallel_loop3A_849 = arith.index_cast %parallel_loop3A_848 : i32 to index
      %parallel_loop3A_850 = tpu.vector_load %arg7[%parallel_loop3A_849] {strides = array<i32>} : memref<98304xf32, #tpu.memory_space<vmem>>, vector<16xf32>,
      %parallel_loop3A_851 = vector.shape_cast %parallel_loop3A_850 : vector<16xf32> to vector<16xf32>
      %parallel_loop3A_852 = arith.addf %parallel_loop3A_846, %parallel_loop3A_851 : vector<16xf32>
      %parallel_loop3A_853 = arith.constant 0 : i32
      %parallel_loop3A_854 = arith.addi %parallel_loop3A_841, %parallel_loop3A_853 : i32
      %parallel_loop3A_855 = arith.index_cast %parallel_loop3A_854 : i32 to index
      %parallel_loop3A_856 = tpu.vector_load %arg7[%parallel_loop3A_855] {strides = array<i32>} : memref<98304xf32, #tpu.memory_space<vmem>>, vector<16xf32>,
      %parallel_loop3A_857 = vector.shape_cast %parallel_loop3A_856 : vector<16xf32> to vector<16xf32>
      %parallel_loop3A_858 = arith.addf %parallel_loop3A_852, %parallel_loop3A_857 : vector<16xf32>
      %parallel_loop3A_859 = arith.constant 13 : i32
      %parallel_loop3A_860 = arith.addi %parallel_loop3A_109, %parallel_loop3A_859 : i32
      %parallel_loop3A_861 = arith.index_cast %parallel_loop3A_860 : i32 to index
      %parallel_loop3A_862 = arith.constant 0 : index
      %parallel_loop3A_863 = tpu.vector_load %arg8[%parallel_loop3A_861, %parallel_loop3A_862] {strides = array<i32>} : memref<80x32xf32, #tpu.memory_space<vmem>>, vector<1x16xf32>,
      %parallel_loop3A_864 = vector.shape_cast %parallel_loop3A_863 : vector<1x16xf32> to vector<16xf32>
      %parallel_loop3A_865 = vector.shape_cast %parallel_loop3A_858 : vector<16xf32> to vector<1x16xf32>
      tpu.vector_store %arg8[%parallel_loop3A_861, %parallel_loop3A_862], %parallel_loop3A_865 {strides = array<i32>} : memref<80x32xf32, #tpu.memory_space<vmem>>, vector<1x16xf32>,
      %parallel_loop3A_866 = arith.constant 16 : i32
      %parallel_loop3A_867 = arith.addi %parallel_loop3A_837, %parallel_loop3A_866 : i32
      %parallel_loop3A_868 = arith.index_cast %parallel_loop3A_867 : i32 to index
      %parallel_loop3A_869 = tpu.vector_load %arg7[%parallel_loop3A_868] {strides = array<i32>} : memref<98304xf32, #tpu.memory_space<vmem>>, vector<16xf32>,
      %parallel_loop3A_870 = vector.shape_cast %parallel_loop3A_869 : vector<16xf32> to vector<16xf32>
      %parallel_loop3A_871 = arith.constant 16 : i32
      %parallel_loop3A_872 = arith.addi %parallel_loop3A_839, %parallel_loop3A_871 : i32
      %parallel_loop3A_873 = arith.index_cast %parallel_loop3A_872 : i32 to index
      %parallel_loop3A_874 = tpu.vector_load %arg7[%parallel_loop3A_873] {strides = array<i32>} : memref<98304xf32, #tpu.memory_space<vmem>>, vector<16xf32>,
      %parallel_loop3A_875 = vector.shape_cast %parallel_loop3A_874 : vector<16xf32> to vector<16xf32>
      %parallel_loop3A_876 = arith.addf %parallel_loop3A_870, %parallel_loop3A_875 : vector<16xf32>
      %parallel_loop3A_877 = arith.constant 16 : i32
      %parallel_loop3A_878 = arith.addi %parallel_loop3A_841, %parallel_loop3A_877 : i32
      %parallel_loop3A_879 = arith.index_cast %parallel_loop3A_878 : i32 to index
      %parallel_loop3A_880 = tpu.vector_load %arg7[%parallel_loop3A_879] {strides = array<i32>} : memref<98304xf32, #tpu.memory_space<vmem>>, vector<16xf32>,
      %parallel_loop3A_881 = vector.shape_cast %parallel_loop3A_880 : vector<16xf32> to vector<16xf32>
      %parallel_loop3A_882 = arith.addf %parallel_loop3A_876, %parallel_loop3A_881 : vector<16xf32>
      %parallel_loop3A_883 = arith.constant 13 : i32
      %parallel_loop3A_884 = arith.addi %parallel_loop3A_109, %parallel_loop3A_883 : i32
      %parallel_loop3A_885 = arith.index_cast %parallel_loop3A_884 : i32 to index
      %parallel_loop3A_886 = arith.constant 16 : index
      %parallel_loop3A_887 = tpu.vector_load %arg8[%parallel_loop3A_885, %parallel_loop3A_886] {strides = array<i32>} : memref<80x32xf32, #tpu.memory_space<vmem>>, vector<1x16xf32>,
      %parallel_loop3A_888 = vector.shape_cast %parallel_loop3A_887 : vector<1x16xf32> to vector<16xf32>
      %parallel_loop3A_889 = vector.shape_cast %parallel_loop3A_882 : vector<16xf32> to vector<1x16xf32>
      tpu.vector_store %arg8[%parallel_loop3A_885, %parallel_loop3A_886], %parallel_loop3A_889 {strides = array<i32>} : memref<80x32xf32, #tpu.memory_space<vmem>>, vector<1x16xf32>,
      %parallel_loop3A_890 = vector.extract_strided_slice %parallel_loop3A_115 {offsets = [14], sizes = [1], strides = [1]} : vector<16xi32> to vector<1xi32>
      %parallel_loop3A_891 = vector.extract %parallel_loop3A_890[0] : i32 from vector<1xi32>
      %parallel_loop3A_892 = vector.extract_strided_slice %parallel_loop3A_124 {offsets = [14], sizes = [1], strides = [1]} : vector<16xi32> to vector<1xi32>
      %parallel_loop3A_893 = vector.extract %parallel_loop3A_892[0] : i32 from vector<1xi32>
      %parallel_loop3A_894 = vector.extract_strided_slice %parallel_loop3A_133 {offsets = [14], sizes = [1], strides = [1]} : vector<16xi32> to vector<1xi32>
      %parallel_loop3A_895 = vector.extract %parallel_loop3A_894[0] : i32 from vector<1xi32>
      %parallel_loop3A_896 = arith.constant 0 : i32
      %parallel_loop3A_897 = arith.addi %parallel_loop3A_891, %parallel_loop3A_896 : i32
      %parallel_loop3A_898 = arith.index_cast %parallel_loop3A_897 : i32 to index
      %parallel_loop3A_899 = tpu.vector_load %arg7[%parallel_loop3A_898] {strides = array<i32>} : memref<98304xf32, #tpu.memory_space<vmem>>, vector<16xf32>,
      %parallel_loop3A_900 = vector.shape_cast %parallel_loop3A_899 : vector<16xf32> to vector<16xf32>
      %parallel_loop3A_901 = arith.constant 0 : i32
      %parallel_loop3A_902 = arith.addi %parallel_loop3A_893, %parallel_loop3A_901 : i32
      %parallel_loop3A_903 = arith.index_cast %parallel_loop3A_902 : i32 to index
      %parallel_loop3A_904 = tpu.vector_load %arg7[%parallel_loop3A_903] {strides = array<i32>} : memref<98304xf32, #tpu.memory_space<vmem>>, vector<16xf32>,
      %parallel_loop3A_905 = vector.shape_cast %parallel_loop3A_904 : vector<16xf32> to vector<16xf32>
      %parallel_loop3A_906 = arith.addf %parallel_loop3A_900, %parallel_loop3A_905 : vector<16xf32>
      %parallel_loop3A_907 = arith.constant 0 : i32
      %parallel_loop3A_908 = arith.addi %parallel_loop3A_895, %parallel_loop3A_907 : i32
      %parallel_loop3A_909 = arith.index_cast %parallel_loop3A_908 : i32 to index
      %parallel_loop3A_910 = tpu.vector_load %arg7[%parallel_loop3A_909] {strides = array<i32>} : memref<98304xf32, #tpu.memory_space<vmem>>, vector<16xf32>,
      %parallel_loop3A_911 = vector.shape_cast %parallel_loop3A_910 : vector<16xf32> to vector<16xf32>
      %parallel_loop3A_912 = arith.addf %parallel_loop3A_906, %parallel_loop3A_911 : vector<16xf32>
      %parallel_loop3A_913 = arith.constant 14 : i32
      %parallel_loop3A_914 = arith.addi %parallel_loop3A_109, %parallel_loop3A_913 : i32
      %parallel_loop3A_915 = arith.index_cast %parallel_loop3A_914 : i32 to index
      %parallel_loop3A_916 = arith.constant 0 : index
      %parallel_loop3A_917 = tpu.vector_load %arg8[%parallel_loop3A_915, %parallel_loop3A_916] {strides = array<i32>} : memref<80x32xf32, #tpu.memory_space<vmem>>, vector<1x16xf32>,
      %parallel_loop3A_918 = vector.shape_cast %parallel_loop3A_917 : vector<1x16xf32> to vector<16xf32>
      %parallel_loop3A_919 = vector.shape_cast %parallel_loop3A_912 : vector<16xf32> to vector<1x16xf32>
      tpu.vector_store %arg8[%parallel_loop3A_915, %parallel_loop3A_916], %parallel_loop3A_919 {strides = array<i32>} : memref<80x32xf32, #tpu.memory_space<vmem>>, vector<1x16xf32>,
      %parallel_loop3A_920 = arith.constant 16 : i32
      %parallel_loop3A_921 = arith.addi %parallel_loop3A_891, %parallel_loop3A_920 : i32
      %parallel_loop3A_922 = arith.index_cast %parallel_loop3A_921 : i32 to index
      %parallel_loop3A_923 = tpu.vector_load %arg7[%parallel_loop3A_922] {strides = array<i32>} : memref<98304xf32, #tpu.memory_space<vmem>>, vector<16xf32>,
      %parallel_loop3A_924 = vector.shape_cast %parallel_loop3A_923 : vector<16xf32> to vector<16xf32>
      %parallel_loop3A_925 = arith.constant 16 : i32
      %parallel_loop3A_926 = arith.addi %parallel_loop3A_893, %parallel_loop3A_925 : i32
      %parallel_loop3A_927 = arith.index_cast %parallel_loop3A_926 : i32 to index
      %parallel_loop3A_928 = tpu.vector_load %arg7[%parallel_loop3A_927] {strides = array<i32>} : memref<98304xf32, #tpu.memory_space<vmem>>, vector<16xf32>,
      %parallel_loop3A_929 = vector.shape_cast %parallel_loop3A_928 : vector<16xf32> to vector<16xf32>
      %parallel_loop3A_930 = arith.addf %parallel_loop3A_924, %parallel_loop3A_929 : vector<16xf32>
      %parallel_loop3A_931 = arith.constant 16 : i32
      %parallel_loop3A_932 = arith.addi %parallel_loop3A_895, %parallel_loop3A_931 : i32
      %parallel_loop3A_933 = arith.index_cast %parallel_loop3A_932 : i32 to index
      %parallel_loop3A_934 = tpu.vector_load %arg7[%parallel_loop3A_933] {strides = array<i32>} : memref<98304xf32, #tpu.memory_space<vmem>>, vector<16xf32>,
      %parallel_loop3A_935 = vector.shape_cast %parallel_loop3A_934 : vector<16xf32> to vector<16xf32>
      %parallel_loop3A_936 = arith.addf %parallel_loop3A_930, %parallel_loop3A_935 : vector<16xf32>
      %parallel_loop3A_937 = arith.constant 14 : i32
      %parallel_loop3A_938 = arith.addi %parallel_loop3A_109, %parallel_loop3A_937 : i32
      %parallel_loop3A_939 = arith.index_cast %parallel_loop3A_938 : i32 to index
      %parallel_loop3A_940 = arith.constant 16 : index
      %parallel_loop3A_941 = tpu.vector_load %arg8[%parallel_loop3A_939, %parallel_loop3A_940] {strides = array<i32>} : memref<80x32xf32, #tpu.memory_space<vmem>>, vector<1x16xf32>,
      %parallel_loop3A_942 = vector.shape_cast %parallel_loop3A_941 : vector<1x16xf32> to vector<16xf32>
      %parallel_loop3A_943 = vector.shape_cast %parallel_loop3A_936 : vector<16xf32> to vector<1x16xf32>
      tpu.vector_store %arg8[%parallel_loop3A_939, %parallel_loop3A_940], %parallel_loop3A_943 {strides = array<i32>} : memref<80x32xf32, #tpu.memory_space<vmem>>, vector<1x16xf32>,
      %parallel_loop3A_944 = vector.extract_strided_slice %parallel_loop3A_115 {offsets = [15], sizes = [1], strides = [1]} : vector<16xi32> to vector<1xi32>
      %parallel_loop3A_945 = vector.extract %parallel_loop3A_944[0] : i32 from vector<1xi32>
      %parallel_loop3A_946 = vector.extract_strided_slice %parallel_loop3A_124 {offsets = [15], sizes = [1], strides = [1]} : vector<16xi32> to vector<1xi32>
      %parallel_loop3A_947 = vector.extract %parallel_loop3A_946[0] : i32 from vector<1xi32>
      %parallel_loop3A_948 = vector.extract_strided_slice %parallel_loop3A_133 {offsets = [15], sizes = [1], strides = [1]} : vector<16xi32> to vector<1xi32>
      %parallel_loop3A_949 = vector.extract %parallel_loop3A_948[0] : i32 from vector<1xi32>
      %parallel_loop3A_950 = arith.constant 0 : i32
      %parallel_loop3A_951 = arith.addi %parallel_loop3A_945, %parallel_loop3A_950 : i32
      %parallel_loop3A_952 = arith.index_cast %parallel_loop3A_951 : i32 to index
      %parallel_loop3A_953 = tpu.vector_load %arg7[%parallel_loop3A_952] {strides = array<i32>} : memref<98304xf32, #tpu.memory_space<vmem>>, vector<16xf32>,
      %parallel_loop3A_954 = vector.shape_cast %parallel_loop3A_953 : vector<16xf32> to vector<16xf32>
      %parallel_loop3A_955 = arith.constant 0 : i32
      %parallel_loop3A_956 = arith.addi %parallel_loop3A_947, %parallel_loop3A_955 : i32
      %parallel_loop3A_957 = arith.index_cast %parallel_loop3A_956 : i32 to index
      %parallel_loop3A_958 = tpu.vector_load %arg7[%parallel_loop3A_957] {strides = array<i32>} : memref<98304xf32, #tpu.memory_space<vmem>>, vector<16xf32>,
      %parallel_loop3A_959 = vector.shape_cast %parallel_loop3A_958 : vector<16xf32> to vector<16xf32>
      %parallel_loop3A_960 = arith.addf %parallel_loop3A_954, %parallel_loop3A_959 : vector<16xf32>
      %parallel_loop3A_961 = arith.constant 0 : i32
      %parallel_loop3A_962 = arith.addi %parallel_loop3A_949, %parallel_loop3A_961 : i32
      %parallel_loop3A_963 = arith.index_cast %parallel_loop3A_962 : i32 to index
      %parallel_loop3A_964 = tpu.vector_load %arg7[%parallel_loop3A_963] {strides = array<i32>} : memref<98304xf32, #tpu.memory_space<vmem>>, vector<16xf32>,
      %parallel_loop3A_965 = vector.shape_cast %parallel_loop3A_964 : vector<16xf32> to vector<16xf32>
      %parallel_loop3A_966 = arith.addf %parallel_loop3A_960, %parallel_loop3A_965 : vector<16xf32>
      %parallel_loop3A_967 = arith.constant 15 : i32
      %parallel_loop3A_968 = arith.addi %parallel_loop3A_109, %parallel_loop3A_967 : i32
      %parallel_loop3A_969 = arith.index_cast %parallel_loop3A_968 : i32 to index
      %parallel_loop3A_970 = arith.constant 0 : index
      %parallel_loop3A_971 = tpu.vector_load %arg8[%parallel_loop3A_969, %parallel_loop3A_970] {strides = array<i32>} : memref<80x32xf32, #tpu.memory_space<vmem>>, vector<1x16xf32>,
      %parallel_loop3A_972 = vector.shape_cast %parallel_loop3A_971 : vector<1x16xf32> to vector<16xf32>
      %parallel_loop3A_973 = vector.shape_cast %parallel_loop3A_966 : vector<16xf32> to vector<1x16xf32>
      tpu.vector_store %arg8[%parallel_loop3A_969, %parallel_loop3A_970], %parallel_loop3A_973 {strides = array<i32>} : memref<80x32xf32, #tpu.memory_space<vmem>>, vector<1x16xf32>,
      %parallel_loop3A_974 = arith.constant 16 : i32
      %parallel_loop3A_975 = arith.addi %parallel_loop3A_945, %parallel_loop3A_974 : i32
      %parallel_loop3A_976 = arith.index_cast %parallel_loop3A_975 : i32 to index
      %parallel_loop3A_977 = tpu.vector_load %arg7[%parallel_loop3A_976] {strides = array<i32>} : memref<98304xf32, #tpu.memory_space<vmem>>, vector<16xf32>,
      %parallel_loop3A_978 = vector.shape_cast %parallel_loop3A_977 : vector<16xf32> to vector<16xf32>
      %parallel_loop3A_979 = arith.constant 16 : i32
      %parallel_loop3A_980 = arith.addi %parallel_loop3A_947, %parallel_loop3A_979 : i32
      %parallel_loop3A_981 = arith.index_cast %parallel_loop3A_980 : i32 to index
      %parallel_loop3A_982 = tpu.vector_load %arg7[%parallel_loop3A_981] {strides = array<i32>} : memref<98304xf32, #tpu.memory_space<vmem>>, vector<16xf32>,
      %parallel_loop3A_983 = vector.shape_cast %parallel_loop3A_982 : vector<16xf32> to vector<16xf32>
      %parallel_loop3A_984 = arith.addf %parallel_loop3A_978, %parallel_loop3A_983 : vector<16xf32>
      %parallel_loop3A_985 = arith.constant 16 : i32
      %parallel_loop3A_986 = arith.addi %parallel_loop3A_949, %parallel_loop3A_985 : i32
      %parallel_loop3A_987 = arith.index_cast %parallel_loop3A_986 : i32 to index
      %parallel_loop3A_988 = tpu.vector_load %arg7[%parallel_loop3A_987] {strides = array<i32>} : memref<98304xf32, #tpu.memory_space<vmem>>, vector<16xf32>,
      %parallel_loop3A_989 = vector.shape_cast %parallel_loop3A_988 : vector<16xf32> to vector<16xf32>
      %parallel_loop3A_990 = arith.addf %parallel_loop3A_984, %parallel_loop3A_989 : vector<16xf32>
      %parallel_loop3A_991 = arith.constant 15 : i32
      %parallel_loop3A_992 = arith.addi %parallel_loop3A_109, %parallel_loop3A_991 : i32
      %parallel_loop3A_993 = arith.index_cast %parallel_loop3A_992 : i32 to index
      %parallel_loop3A_994 = arith.constant 16 : index
      %parallel_loop3A_995 = tpu.vector_load %arg8[%parallel_loop3A_993, %parallel_loop3A_994] {strides = array<i32>} : memref<80x32xf32, #tpu.memory_space<vmem>>, vector<1x16xf32>,
      %parallel_loop3A_996 = vector.shape_cast %parallel_loop3A_995 : vector<1x16xf32> to vector<16xf32>
      %parallel_loop3A_997 = vector.shape_cast %parallel_loop3A_990 : vector<16xf32> to vector<1x16xf32>
      tpu.vector_store %arg8[%parallel_loop3A_993, %parallel_loop3A_994], %parallel_loop3A_997 {strides = array<i32>} : memref<80x32xf32, #tpu.memory_space<vmem>>, vector<1x16xf32>,
    } {sc.loop_unroll_factor = 1 : i64, sc.parallel_access}
    %min3A_67 = arith.constant 624 : i32
    %min3A_68 = arith.constant 624 : i32
    %min3A_69 = arith.minsi %min3A_67, %min3A_68 : i32
    %mul3A_70 = arith.constant 80 : i32
    %mul3A_71 = arith.muli %min3A_69, %mul3A_70 : i32
    %add3A_72 = arith.addi %mul3A_2, %mul3A_71 : i32
    %dma_start3A_73 = arith.constant 0 : i32
    %dma_start3A_74 = arith.constant 0 : i32
    %dma_start3A_75 = tpu.memref_slice %arg6[%add3A_72, %dma_start3A_74] : memref<1600000x32xf32, #tpu.memory_space<hbm>> -> memref<80x32xf32, #tpu.memory_space<hbm>>
    %dma_start3A_76 = tpu.memref_slice %arg17[%dma_start3A_73] : memref<2x!tpu.dma_semaphore, #tpu.memory_space<semaphore_mem>> -> memref<1x!tpu.dma_semaphore, #tpu.memory_space<semaphore_mem>>
    %dma_start3A_77 = tpu.memref_squeeze %dma_start3A_76 : memref<1x!tpu.dma_semaphore, #tpu.memory_space<semaphore_mem>> -> memref<!tpu.dma_semaphore, #tpu.memory_space<semaphore_mem>>
    %dma_start3A_78 = arith.constant 0 : i32
    %dma_start3A_79 = tpu.memref_slice %arg6[%add3A_72, %dma_start3A_78] : memref<1600000x32xf32, #tpu.memory_space<hbm>> -> memref<80x32xf32, #tpu.memory_space<hbm>>
    tpu.enqueue_dma source(%arg8 : memref<80x32xf32, #tpu.memory_space<vmem>>) target(%dma_start3A_79 : memref<80x32xf32, #tpu.memory_space<hbm>>) target_semaphore(%dma_start3A_77 : memref<!tpu.dma_semaphore, #tpu.memory_space<semaphore_mem>>)
    %dma_wait3A_80 = arith.constant 1 : i32
    %dma_wait3A_81 = tpu.memref_slice %arg2[%mul3A_2] : memref<1600000xi32, #tpu.memory_space<hbm>> -> memref<80xi32, #tpu.memory_space<hbm>>
    %dma_wait3A_82 = tpu.memref_slice %arg16[%dma_wait3A_80] : memref<2x!tpu.dma_semaphore, #tpu.memory_space<semaphore_mem>> -> memref<1x!tpu.dma_semaphore, #tpu.memory_space<semaphore_mem>>
    %dma_wait3A_83 = tpu.memref_squeeze %dma_wait3A_82 : memref<1x!tpu.dma_semaphore, #tpu.memory_space<semaphore_mem>> -> memref<!tpu.dma_semaphore, #tpu.memory_space<semaphore_mem>>
    %dma_wait3A_84 = tpu.memref_slice %arg2[%mul3A_2] : memref<1600000xi32, #tpu.memory_space<hbm>> -> memref<80xi32, #tpu.memory_space<hbm>>
    tpu.wait_dma2 semaphore(%dma_wait3A_83 : memref<!tpu.dma_semaphore, #tpu.memory_space<semaphore_mem>>) src(%dma_wait3A_84 : memref<80xi32, #tpu.memory_space<hbm>>) dst(%arg13 : memref<80xi32, #tpu.memory_space<vmem>>)
    %dma_wait3A_85 = arith.constant 1 : i32
    %dma_wait3A_86 = tpu.memref_slice %arg3[%mul3A_2] : memref<1600000xi32, #tpu.memory_space<hbm>> -> memref<80xi32, #tpu.memory_space<hbm>>
    %dma_wait3A_87 = tpu.memref_slice %arg16[%dma_wait3A_85] : memref<2x!tpu.dma_semaphore, #tpu.memory_space<semaphore_mem>> -> memref<1x!tpu.dma_semaphore, #tpu.memory_space<semaphore_mem>>
    %dma_wait3A_88 = tpu.memref_squeeze %dma_wait3A_87 : memref<1x!tpu.dma_semaphore, #tpu.memory_space<semaphore_mem>> -> memref<!tpu.dma_semaphore, #tpu.memory_space<semaphore_mem>>
    %dma_wait3A_89 = tpu.memref_slice %arg3[%mul3A_2] : memref<1600000xi32, #tpu.memory_space<hbm>> -> memref<80xi32, #tpu.memory_space<hbm>>
    tpu.wait_dma2 semaphore(%dma_wait3A_88 : memref<!tpu.dma_semaphore, #tpu.memory_space<semaphore_mem>>) src(%dma_wait3A_89 : memref<80xi32, #tpu.memory_space<hbm>>) dst(%arg14 : memref<80xi32, #tpu.memory_space<vmem>>)
    %dma_wait3A_90 = arith.constant 1 : i32
    %dma_wait3A_91 = tpu.memref_slice %arg4[%mul3A_2] : memref<1600000xi32, #tpu.memory_space<hbm>> -> memref<80xi32, #tpu.memory_space<hbm>>
    %dma_wait3A_92 = tpu.memref_slice %arg16[%dma_wait3A_90] : memref<2x!tpu.dma_semaphore, #tpu.memory_space<semaphore_mem>> -> memref<1x!tpu.dma_semaphore, #tpu.memory_space<semaphore_mem>>
    %dma_wait3A_93 = tpu.memref_squeeze %dma_wait3A_92 : memref<1x!tpu.dma_semaphore, #tpu.memory_space<semaphore_mem>> -> memref<!tpu.dma_semaphore, #tpu.memory_space<semaphore_mem>>
    %dma_wait3A_94 = tpu.memref_slice %arg4[%mul3A_2] : memref<1600000xi32, #tpu.memory_space<hbm>> -> memref<80xi32, #tpu.memory_space<hbm>>
    tpu.wait_dma2 semaphore(%dma_wait3A_93 : memref<!tpu.dma_semaphore, #tpu.memory_space<semaphore_mem>>) src(%dma_wait3A_94 : memref<80xi32, #tpu.memory_space<hbm>>) dst(%arg15 : memref<80xi32, #tpu.memory_space<vmem>>)
    %dma_wait3A_95 = arith.constant 0 : i32
    %dma_wait3A_96 = arith.constant 0 : i32
    %dma_wait3A_97 = tpu.memref_slice %arg6[%mul3A_2, %dma_wait3A_96] : memref<1600000x32xf32, #tpu.memory_space<hbm>> -> memref<80x32xf32, #tpu.memory_space<hbm>>
    %dma_wait3A_98 = tpu.memref_slice %arg17[%dma_wait3A_95] : memref<2x!tpu.dma_semaphore, #tpu.memory_space<semaphore_mem>> -> memref<1x!tpu.dma_semaphore, #tpu.memory_space<semaphore_mem>>
    %dma_wait3A_99 = tpu.memref_squeeze %dma_wait3A_98 : memref<1x!tpu.dma_semaphore, #tpu.memory_space<semaphore_mem>> -> memref<!tpu.dma_semaphore, #tpu.memory_space<semaphore_mem>>
    %dma_wait3A_100 = arith.constant 0 : i32
    %dma_wait3A_101 = tpu.memref_slice %arg6[%mul3A_2, %dma_wait3A_100] : memref<1600000x32xf32, #tpu.memory_space<hbm>> -> memref<80x32xf32, #tpu.memory_space<hbm>>
    tpu.wait_dma2 semaphore(%dma_wait3A_99 : memref<!tpu.dma_semaphore, #tpu.memory_space<semaphore_mem>>) src(%arg8 : memref<80x32xf32, #tpu.memory_space<vmem>>) dst(%dma_wait3A_101 : memref<80x32xf32, #tpu.memory_space<hbm>>)
    %dma_wait3A_102 = arith.constant 1 : i32
    %dma_wait3A_103 = arith.constant 0 : i32
    %dma_wait3A_104 = tpu.memref_slice %arg6[%mul3A_2, %dma_wait3A_103] : memref<1600000x32xf32, #tpu.memory_space<hbm>> -> memref<80x32xf32, #tpu.memory_space<hbm>>
    %dma_wait3A_105 = tpu.memref_slice %arg17[%dma_wait3A_102] : memref<2x!tpu.dma_semaphore, #tpu.memory_space<semaphore_mem>> -> memref<1x!tpu.dma_semaphore, #tpu.memory_space<semaphore_mem>>
    %dma_wait3A_106 = tpu.memref_squeeze %dma_wait3A_105 : memref<1x!tpu.dma_semaphore, #tpu.memory_space<semaphore_mem>> -> memref<!tpu.dma_semaphore, #tpu.memory_space<semaphore_mem>>
    %dma_wait3A_107 = arith.constant 0 : i32
    %dma_wait3A_108 = tpu.memref_slice %arg6[%mul3A_2, %dma_wait3A_107] : memref<1600000x32xf32, #tpu.memory_space<hbm>> -> memref<80x32xf32, #tpu.memory_space<hbm>>
    tpu.wait_dma2 semaphore(%dma_wait3A_106 : memref<!tpu.dma_semaphore, #tpu.memory_space<semaphore_mem>>) src(%arg9 : memref<80x32xf32, #tpu.memory_space<vmem>>) dst(%dma_wait3A_108 : memref<80x32xf32, #tpu.memory_space<hbm>>)
    return
  }
}

</mosaic_0001>

<sc_bundles>
// kernel: kernel.3.cloned.1.call-start
scs
__scs_entry_jumppad:
0x0: {  	(pc) =	sbr.rel $0x88, $3  }
0x1: {  	(tag) =	ssettag $0x0;
	lr =	simm.s32 $0x1  }
0x2: {  	[smem:$0x3F9D] =	sst lr;
	_ =	strace $0xD0000000  }
0x3: {  	_ = 	snop  }
0x4: {  	_ = 	snop  }
0x5: {  	_ = 	snop  }
0x6: {  	_ = 	snop  }
0x7: {  	_ = 	snop  }
__scs_overlays_trampoline_lowered:
0x8: {  	[smem:$0x3FAC] =	sst s0  }
0x9: {  	[smem:$0x3FAD] =	sst s1  }
0xa: {  	[smem:$0x3FAE] =	sst s2  }
0xb: {  	[smem:$0x3FAF] =	sst s3  }
0xc: {  	[smem:$0x3FB0] =	sst s4  }
0xd: {  	[smem:$0x3FB1] =	sst s5  }
0xe: {  	[smem:$0x3FB2] =	sst s6  }
0xf: {  	[smem:$0x3FB3] =	sst s7  }
0x10: {  	[smem:$0x3FB4] =	sst s8  }
0x11: {  	[smem:$0x3FB5] =	sst s9;
	s0 =	simm.s32 @!p0 $0x0  }
0x12: {  	s1 =	sld [smem:$0x3F9B];
	s0 =	simm.s32 @p0 $0x1  }
0x13: {  	[smem:$0x3FB6] =	sst s0;
	s0 =	simm.s32 @!p1 $0x0  }
0x14: {  	s2 =	sld [smem:$0x3F9A];
	s0 =	simm.s32 @p1 $0x1  }
0x15: {  	[smem:$0x3FB7] =	sst s0;
	s0 =	simm.s32 @!p2 $0x0  }
0x16: {  	s3 =	sld [smem:$0x3FDB];
	s0 =	simm.s32 @p2 $0x1  }
0x17: {  	s4 =	simm.s32 $0x1BF5;
	[smem:$0x3FB9] =	sst s0  }
0x18: {  	s0 =	sld [smem:$0x3F9C];
	_ =	swait.ge [sflag:s4], $0x0  }
0x19: {  	s7 =	sld [smem:$0x3F9D]  }
0x1a: {  	s8 =	sadd.s32 $0xFFFFE003, lr  }
0x1b: {  	s9 =	sadd.s32 $0xFFFFFEF7, lr;
	s5 =	simm.s32 $0xFFFFFFFF;
	p2 =	slt.u32 s8, $0xFFFFF086  }
0x1c: {  	p1 =	slt.u32 s9, $0xF7A;
	s5 =	simm.s32 @!p2 $0x0  }
0x1d: {  	s5 =	simm.s32 @p1 $0x1;
	p0 =	seq.s32 s7, s2  }
0x1e: {  	s7 =	smul.u32 @!p0 $0xF7A, s2;
	p2 =	seq.s32 @!p0 s5, $0x0  }
0x1f: {  	s9 =	smul.u32 $0xF7A, s1;
	s8 =	simm.s32 @!p0 $0x1BF5;
	p2 =	por !p2, p0  }
0x20: {  	[sflag:s8] =	ssyncset.s32 @!p0 $0xFFFFF086;
	s6 =	sadd.s32 @!p0 s3, s7;
	s7 =	simm.s32 @!p0 $0x108  }
0x21: {  	s3 =	sadd.s32 s3, s9;
	s6 =	sadd.s32 @!p0 $0x88, s6;
	s7 =	simm.s32 @p2 $0x1082  }
0x22: {  	[simem:s7], [sflag:s8] =	dma.local @!p0 [hbm:s6], $0xF7A  }
0x23: {  	s9 =	sor.u32 $0xD0000000, s2;
	s6 =	simm.s32 $0x108;
	_ =	swait.ge @!p0 [sflag:s8], $0x0  }
0x24: {  	s3 =	sadd.s32 $0x88, s3;
	s6 =	simm.s32 @!p1 $0x1082;
	[sflag:s4] =	ssyncset.s32 $0xFFFFF086  }
0x25: {  	[simem:s6], [sflag:s4] =	dma.local [hbm:s3], $0xF7A  }
0x26: {  	[smem:$0x3F9D] =	sst s1;
	(tag) =	ssettag s2;
	_ =	strace s9  }
0x27: {  	s1 =	sld [smem:$0x3FAD]  }
0x28: {  	s2 =	sld [smem:$0x3FAE]  }
0x29: {  	s4 =	sld [smem:$0x3FB0]  }
0x2a: {  	p0 =	seq.s32 s5, $0x0;
	s5 =	sld [smem:$0x3FB1]  }
0x2b: {  	s6 =	sld [smem:$0x3FB2]  }
0x2c: {  	s7 =	sld [smem:$0x3FB3]  }
0x2d: {  	s3 =	simm.s32 $0x108;
	s8 =	sld [smem:$0x3FB4]  }
0x2e: {  	s3 =	simm.s32 @!p0 $0x1082;
	s9 =	sld [smem:$0x3FB5]  }
0x2f: {  	lr =	sadd.s32 s0, s3;
	s0 =	sld [smem:$0x3FAC]  }
0x30: {  	s3 =	sld [smem:$0x3FAF]  }
0x31: {  	[smem:$0x3FB8] =	sst s10  }
0x32: {  	s10 =	sld [smem:$0x3FB6];
	_ =	sdelay $0x3  }
0x33: {  	p0 =	seq.s32 s10, $0x1;
	s10 =	sld [smem:$0x3FB8];
	_ =	sdelay $0x3  }
0x34: {  	[smem:$0x3FB8] =	sst s10  }
0x35: {  	s10 =	sld [smem:$0x3FB7];
	_ =	sdelay $0x3  }
0x36: {  	p1 =	seq.s32 s10, $0x1;
	s10 =	sld [smem:$0x3FB8];
	_ =	sdelay $0x3  }
0x37: {  	[smem:$0x3FB8] =	sst s10  }
0x38: {  	s10 =	sld [smem:$0x3FB9]  }
0x39: {  	_ = 	snop;
	(pc) =	sbr.ind lr, $3  }
0x3a: {  	_ = 	snop  }
0x3b: {  	_ = 	snop  }
0x3c: {  	p2 =	seq.s32 s10, $0x1;
	s10 =	sld [smem:$0x3FB8]  }
0x3d: {  	_ =	shalt  }
0x3e: {  	_ =	shalt  }
0x3f: {  	_ =	shalt  }
0x40: {  	_ =	shalt  }
0x41: {  	_ =	shalt  }
0x42: {  	_ =	shalt  }
0x43: {  	_ =	shalt  }
0x44: {  	_ =	shalt  }
0x45: {  	_ =	shalt  }
0x46: {  	_ =	shalt  }
0x47: {  	_ =	shalt  }
0x48: {  	_ =	shalt  }
0x49: {  	_ =	shalt  }
0x4a: {  	_ =	shalt  }
0x4b: {  	_ =	shalt  }
0x4c: {  	_ =	shalt  }
0x4d: {  	_ =	shalt  }
0x4e: {  	_ =	shalt  }
0x4f: {  	_ =	shalt  }
0x50: {  	_ =	shalt  }
0x51: {  	_ =	shalt  }
0x52: {  	_ =	shalt  }
0x53: {  	_ =	shalt  }
0x54: {  	_ =	shalt  }
0x55: {  	_ =	shalt  }
0x56: {  	_ =	shalt  }
0x57: {  	_ =	shalt  }
0x58: {  	_ =	shalt  }
0x59: {  	_ =	shalt  }
0x5a: {  	_ =	shalt  }
0x5b: {  	_ =	shalt  }
0x5c: {  	_ =	shalt  }
0x5d: {  	_ =	shalt  }
0x5e: {  	_ =	shalt  }
0x5f: {  	_ =	shalt  }
0x60: {  	_ =	shalt  }
0x61: {  	_ =	shalt  }
0x62: {  	_ =	shalt  }
0x63: {  	_ =	shalt  }
0x64: {  	_ =	shalt  }
0x65: {  	_ =	shalt  }
0x66: {  	_ =	shalt  }
0x67: {  	_ =	shalt  }
0x68: {  	_ =	shalt  }
0x69: {  	_ =	shalt  }
0x6a: {  	_ =	shalt  }
0x6b: {  	_ =	shalt  }
0x6c: {  	_ =	shalt  }
0x6d: {  	_ =	shalt  }
0x6e: {  	_ =	shalt  }
0x6f: {  	_ =	shalt  }
0x70: {  	_ =	shalt  }
0x71: {  	_ =	shalt  }
0x72: {  	_ =	shalt  }
0x73: {  	_ =	shalt  }
0x74: {  	_ =	shalt  }
0x75: {  	_ =	shalt  }
0x76: {  	_ =	shalt  }
0x77: {  	_ =	shalt  }
0x78: {  	_ =	shalt  }
0x79: {  	_ =	shalt  }
0x7a: {  	_ =	shalt  }
0x7b: {  	_ =	shalt  }
0x7c: {  	_ =	shalt  }
0x7d: {  	_ =	shalt  }
0x7e: {  	_ =	shalt  }
0x7f: {  	_ =	shalt  }
0x80: {  	_ =	shalt  }
0x81: {  	_ =	shalt  }
0x82: {  	_ =	shalt  }
0x83: {  	_ =	shalt  }
0x84: {  	_ =	shalt  }
0x85: {  	_ =	shalt  }
0x86: {  	_ =	shalt  }
0x87: {  	_ =	shalt  }
.Lfunc_end0:
.L_simem_size_0:
called_computation_lowered:
.L_overlay_start_0:
0x88: {  	s2 =	sld [smem:$0x3FD9]  }
0x89: {  	s3 =	sld [smem:$0x3FFE];
	_ =	sdelay $0x1  }
0x8a: {  	s1 =	srdreg.scid  }
0x8b: {  	s0 =	sand.u32 $0x1, s1  }
0x8c: {  	s17 =	sshll.u32 s0, $0xA;
	s2 =	sadd.s32 s3, s2  }
0x8d: {  	s2 =	sadd.s32 s2, s17  }
0x8e: {  	[smem:$0x3FC4] =	sst s2  }
0x8f: {  	_ = 	snop  }
0x90: {  	s2 =	sld [smem:$0x3FD0];
	(tm) =	ssettm $0x1  }
0x91: {  	s18 =	sld [smem:$0x3FFB];
	_ =	sdelay $0x3  }
0x92: {  	_ =	strace s18  }
0x93: {  	s3 =	sld [smem:$0x3FFC];
	_ =	sdelay $0x3  }
0x94: {  	_ =	strace s3  }
0x95: {  	s3 =	sld [smem:$0x3FFD];
	_ =	sdelay $0x3  }
0x96: {  	_ =	strace s3  }
0x97: {  	_ =	strace $0x8FFFFFFF  }
0x98: {  	s19 =	sld [smem:$0x3FDB];
	_ =	sdelay $0x1  }
0x99: {  	s4 =	simm.s32 $_scs_section_size  }
0x9a: {  	s5 =	simm.s32 $_size__tile_overlayer_lowered;
	s6 =	simm.s32 $_tile_overlayer_lowered  }
0x9b: {  	s22 =	simm.s32 $0x1BFF;
	s21 =	sshll.u32 s6, $0x1;
	s3 =	sadd.s32 s4, s19  }
0x9c: {  	s7 =	simm.s32 $0x0;
	s20 =	sshll.u32 s5, $0x1;
	s5 =	sadd.s32 s21, s3  }
0x9d: {  	[timem:s7], [sflag:s22] =	dma.local [hbm:s5], s20  }
0x9e: {  	_ =	swait.ge [sflag:s22], s20  }
0x9f: {  	s4 =	ssub.s32 $0x0, s20;
	[sflag:s22] =	ssyncset.done $0x0  }
0xa0: {  	[sflag:s22] =	ssyncadd.s32 s4;
	_ =	sdelay $0x1  }
0xa1: {  	s23 =	simm.s32 $0x1B8B  }
0xa2: {  	_ =	swait.ge [sflag:s23], $0x1  }
0xa3: {  	[sflag:s23] =	ssyncset.done $0x0  }
0xa4: {  	s25 =	simm.s32 $0x1B8E;
	s24 =	sld [smem:$0x3FFE];
	[sflag:s23] =	ssyncadd.s32 $0xFFFFFFFF  }
0xa5: {  	s26 =	simm.s32 $execute0_lowered;
	[smem:$0x3FD2] =	sst s25  }
0xa6: {  	s5 =	sshll.u32 s26, $0x1;
	_ =	strace $0x80000046;
	[dreg:$0x1] =	wrdreg $0xFFFFFFFF  }
0xa7: {  	s28 =	simm.s32 $_size_execute0_lowered;
	s3 =	sadd.s32 s3, s5;
	[dreg:$0x0] =	wrdreg $0x0  }
0xa8: {  	s5 =	sshll.u32 s28, $0x1;
	[dreg:$0x2] =	wrdreg s3  }
0xa9: {  	[dreg:$0x3] =	wrdreg s5  }
0xaa: {  	[dreg:$0x4] =	wrdreg $0xC0  }
0xab: {  	_ =	task [dreg:s7], $0x5FFFF  }
0xac: {  	[dreg:$0x1] =	wrdreg $0xFFFFFFFF  }
0xad: {  	[dreg:$0x0] =	wrdreg $0x60  }
0xae: {  	[dreg:$0x2] =	wrdreg s24  }
0xaf: {  	[dreg:$0x3] =	wrdreg s2  }
0xb0: {  	[dreg:$0x4] =	wrdreg $0x9  }
0xb1: {  	_ =	task.clear_ibuf [dreg:s7], $0x5FFFF;
	_ =	strace $0x90000046  }
0xb2: {  	s29 =	simm.s32 $0x9;
	_ =	strace $0x80000048  }
0xb3: {  	_ =	swait.ge [sflag:s29], $0x1  }
0xb4: {  	[sflag:s29] =	ssyncadd.s32 $0xFFFFFFFF  }
0xb5: {  	_ =	strace $0x90000048  }
0xb6: {  	_ =	sfence  }
0xb7: {  	s30 =	sld [smem:$0x0];
	_ =	sdelay $0x2  }
0xb8: {  	s31 =	sshll.u32 s1, $0xD;
	s1 =	sshrl.u32 s1, $0x2  }
0xb9: {  	s3 =	sand.u32 $0x4000, s31;
	s1 =	sadd.s32 s1, s30  }
0xba: {  	s0 =	sor.u32 s3, s0;
	s1 =	sshll.u32 s1, $0x11  }
0xbb: {  	s0 =	sor.u32 s1, s0  }
0xbc: {  	s0 =	sadd.s32 $0x8F2B, s0  }
0xbd: {  	[sflag:s0] =	ssyncadd.remote.s32 $0x1  }
0xbe: {  	_ =	sfence.sel $0xFFFF  }
0xbf: {  	[dreg:$0x0] =	wrdreg $0xFFFFFFFF;
	(pc) =	sbr.abs _section_cstart, $3  }
0xc0: {  	[dreg:$0x1] =	wrdreg $0xFFFFFFFF  }
0xc1: {  	_ =	task.clear_ibuf [dreg:s7], $0x2FFFF;
	_ =	strace $0x9FFFFFFF  }
0xc2: {  	(tm) =	ssettm $0x7FFFFFFF  }
0xc3: {  	_ =	shalt  }
tec
execute0_lowered:
.L_overlay_start_1:
0x0: {  	(tag) =	ssettag $0x1  }
0x1: {  	s3 =	rddreg [dreg:$0x0]  }
0x2: {  	s4 =	rddreg [dreg:$0x1]  }
0x3: {  	s5 =	simm.s32 $0x0;
	s0 =	srdreg.scid;
	s1 =	stileid.u32  }
0x4: {  	[smem:$0x7FF] =	sst s5;
	s0 =	sand.u32 $0x1, s0;
	s1 =	sshll.u32 s1, $0x1  }
0x5: {  	s6 =	sadd.s32 $0x33E00, s3;
	s8 =	sadd.s32 $0x3000, s3;
	_ =	strace $0x80000047  }
0x6: {  	s2 =	ssub.s32 $0x2, s0;
	s0 =	sor.u32 s0, s1;
	[dreg:$0x3] =	wrdreg s6  }
0x7: {  	s9 =	sadd.s32 $0x64C00, s3;
	[dreg:$0x5] =	wrdreg s8;
	s7 =	smul.u32 $0xC350, s0  }
0x8: {  	[dreg:$0x6] =	wrdreg s9  }
0x9: {  	s23 =	sadd.s32 $0x50, s7;
	[dreg:$0x4] =	wrdreg s7  }
0xa: {  	s21 =	sshrl.u32 s2, $0x1;
	s29 =	sadd.s32 $0xA0, s7;
	[dreg:$0x7] =	wrdreg s23  }
0xb: {  	s1 =	ssub.s32 s2, s21;
	s30 =	sadd.s32 $0xF0, s7;
	[dreg:$0xe] =	wrdreg s29  }
0xc: {  	s22 =	sshrl.u32 s7, $0x3;
	s31 =	smax.u32 s1, $0x1;
	[dreg:$0xf] =	wrdreg s30  }
0xd: {  	s10 =	sadd.s32 s6, s22;
	[dreg:$0x11] =	wrdreg s31  }
0xe: {  	s0 =	smul.u32 $0x61A800, s0;
	s24 =	sadd.s32 s8, s22;
	[dreg:$0x8] =	wrdreg s10  }
0xf: {  	s3 =	sshrl.u32 s23, $0x3;
	s2 =	sadd.s32 s4, s22;
	[dreg:$0x9] =	wrdreg s24  }
0x10: {  	[dreg:$0xa] =	wrdreg s2;
	s25 =	sadd.s32 s6, s3  }
0x11: {  	s0 =	sshrl.u32 s0, $0x3;
	s26 =	sadd.s32 s8, s3;
	[dreg:$0xb] =	wrdreg s25  }
0x12: {  	s0 =	sadd.s32 s9, s0;
	s28 =	sadd.s32 s4, s3;
	[dreg:$0xc] =	wrdreg s26  }
0x13: {  	s0 =	sadd.s32 $0xC3000, s0;
	[dreg:$0xd] =	wrdreg s28  }
0x14: {  	s2 =	simm.s32 $0x0;
	[dreg:$0x10] =	wrdreg s0  }
.LBB2_1:
0x15: {  	[dreg:$0x12] =	wrdreg s2  }
0x16: {  	s0 =	rddreg [dreg:$0x0];
	s19 =	simm.s32 $0x5  }
0x17: {  	[tilespmem:s5], [sflag:$0x5] =	stream.linear.gather [hbm4b:s0+s5], $0x18000, $0x38;
	[tilespmem:$0x1D300] =	vst v63  }
0x18: {  	_ =	swait.ge [sflag:s19], $0x18000  }
0x19: {  	[sflag:s19] =	ssyncset.done $0x0  }
0x1a: {  	s1 =	simm.s32 $0x1D000;
	s20 =	rddreg [dreg:$0x8];
	[sflag:s19] =	ssyncadd.s32 $0xFFFE8000  }
0x1b: {  	[tilespmem:s1], [sflag:$0x1] =	stream.linear.gather [hbm4b:s20+s5], $0x50, $0x38;
	[tilespmem:$0x1D300] =	vst v63  }
0x1c: {  	s22 =	simm.s32 $0x1D080;
	s21 =	rddreg [dreg:$0x9]  }
0x1d: {  	[tilespmem:s22], [sflag:$0x1] =	stream.linear.gather [hbm4b:s21+s5], $0x50, $0x38;
	[tilespmem:$0x1D300] =	vst v63  }
0x1e: {  	s24 =	simm.s32 $0x1D100;
	s23 =	rddreg [dreg:$0xa]  }
0x1f: {  	[tilespmem:s24], [sflag:$0x1] =	stream.linear.gather [hbm4b:s23+s5], $0x50, $0x38;
	[tilespmem:$0x1D300] =	vst v63  }
0x20: {  	s26 =	simm.s32 $0x1D180;
	s25 =	rddreg [dreg:$0xb]  }
0x21: {  	[tilespmem:s26], [sflag:$0x2] =	stream.linear.gather [hbm4b:s25+s5], $0x50, $0x38;
	[tilespmem:$0x1D300] =	vst v63  }
0x22: {  	s29 =	simm.s32 $0x1D200;
	s28 =	rddreg [dreg:$0xc]  }
0x23: {  	[tilespmem:s29], [sflag:$0x2] =	stream.linear.gather [hbm4b:s28+s5], $0x50, $0x38;
	[tilespmem:$0x1D300] =	vst v63  }
0x24: {  	s31 =	simm.s32 $0x1D280;
	s11 =	simm.s32 $0x0;
	s30 =	rddreg [dreg:$0xd]  }
0x25: {  	[tilespmem:s31], [sflag:$0x2] =	stream.linear.gather [hbm4b:s30+s5], $0x50, $0x38;
	[tilespmem:$0x1D300] =	vst v63  }
.LBB2_2:
0x26: {  	s0 =	simm.s32 $0x1  }
0x27: {  	_ =	swait.ge [sflag:s0], $0x50  }
0x28: {  	[sflag:s0] =	ssyncset.done $0x0  }
0x29: {  	[sflag:s0] =	ssyncadd.s32 $0xFFFFFFB0  }
0x2a: {  	_ =	swait.ge [sflag:s0], $0x50  }
0x2b: {  	[sflag:s0] =	ssyncset.done $0x0  }
0x2c: {  	[sflag:s0] =	ssyncadd.s32 $0xFFFFFFB0  }
0x2d: {  	_ =	swait.ge [sflag:s0], $0x50  }
0x2e: {  	p0 =	seq.s32 s11, $0x0;
	[sflag:s0] =	ssyncset.done $0x0  }
0x2f: {  	[sflag:s0] =	ssyncadd.s32 $0xFFFFFFB0;
	s0 =	simm.s32 @!p0 $0x3  }
0x30: {  	_ =	swait.ge @!p0 [sflag:s0], $0x2800  }
0x31: {  	[sflag:s0] =	ssyncset.done @!p0 $0x0  }
0x32: {  	s31 =	simm.s32 $0x1D100;
	[sflag:s0] =	ssyncadd.s32 @!p0 $0xFFFFD800  }
0x33: {  	s1 =	simm.s32 $0x1D000;
	v0 =	vld [tilespmem:s31+$0x0]  }
0x34: {  	s2 =	simm.s32 $0x1D080;
	v1 =	vld [tilespmem:s1+$0x0]  }
0x35: {  	v2 =	vld [tilespmem:s2+$0x0];
	_ =	sdelay $0x3  }
0x36: {  	v10 =	vshll.u32 v1, $0x5;
	v0 =	vshll.u32 v0, $0x5  }
0x37: {  	(v2sf) =	vpush v10, $0x0;
	v9 =	vadd.s32 $0x10000, v0;
	v0 =	vshll.u32 v2, $0x5  }
0x38: {  	(v2sf) =	vpush v9, $0x0;
	v11 =	vadd.s32 $0x8000, v0  }
0x39: {  	(v2sf) =	vpush v11, $0x0;
	_ =	sdelay $0xc  }
0x3a: {  	s3 =	spop (v2sf)  }
0x3b: {  	s4 =	spop (v2sf)  }
0x3c: {  	v0 =	vld [tilespmem:s3+$0x0];
	s2 =	spop (v2sf)  }
0x3d: {  	v1 =	vld [tilespmem:s2+$0x0];
	_ =	sdelay $0x1  }
0x3e: {  	v2 =	vld [tilespmem:s4+$0x0];
	_ =	sdelay $0x1  }
0x3f: {  	(v2sf) =	vpush v9, $0x1  }
0x40: {  	(v2sf) =	vpush v10, $0x1;
	v0 =	vadd.f32 v1, v0  }
0x41: {  	(v2sf) =	vpush v11, $0x1  }
0x42: {  	v0 =	vadd.f32 v2, v0  }
0x43: {  	s13 =	simm.s32 $0x18400  }
0x44: {  	[tilespmem:s13+$0xFFFFFC00] =	vst v0  }
0x45: {  	v0 =	vld [tilespmem:s3+$0x10]  }
0x46: {  	v1 =	vld [tilespmem:s2+$0x10];
	_ =	sdelay $0x1  }
0x47: {  	v2 =	vld [tilespmem:s4+$0x10];
	_ =	sdelay $0x2  }
0x48: {  	v0 =	vadd.f32 v1, v0;
	_ =	sdelay $0x1  }
0x49: {  	v0 =	vadd.f32 v2, v0  }
0x4a: {  	s5 =	spop (v2sf)  }
0x4b: {  	s6 =	spop (v2sf);
	[tilespmem:s13+$0xFFFFFC10] =	vst v0  }
0x4c: {  	s7 =	spop (v2sf);
	v0 =	vld [tilespmem:s6+$0x0]  }
0x4d: {  	v1 =	vld [tilespmem:s7+$0x0];
	_ =	sdelay $0x1  }
0x4e: {  	v2 =	vld [tilespmem:s5+$0x0];
	_ =	sdelay $0x2  }
0x4f: {  	(v2sf) =	vpush v9, $0x2;
	v0 =	vadd.f32 v1, v0  }
0x50: {  	(v2sf) =	vpush v10, $0x2  }
0x51: {  	(v2sf) =	vpush v11, $0x2;
	v0 =	vadd.f32 v2, v0;
	_ =	sdelay $0x1  }
0x52: {  	[tilespmem:s13+$0xFFFFFC80] =	vst v0  }
0x53: {  	v0 =	vld [tilespmem:s6+$0x10]  }
0x54: {  	v1 =	vld [tilespmem:s7+$0x10];
	_ =	sdelay $0x1  }
0x55: {  	v2 =	vld [tilespmem:s5+$0x10];
	_ =	sdelay $0x2  }
0x56: {  	v0 =	vadd.f32 v1, v0;
	_ =	sdelay $0x1  }
0x57: {  	v0 =	vadd.f32 v2, v0;
	_ =	sdelay $0x1  }
0x58: {  	s8 =	spop (v2sf);
	[tilespmem:s13+$0xFFFFFC90] =	vst v0  }
0x59: {  	s9 =	spop (v2sf);
	v0 =	vld [tilespmem:s8+$0x0]  }
0x5a: {  	v1 =	vld [tilespmem:s9+$0x0];
	s2 =	spop (v2sf)  }
0x5b: {  	v2 =	vld [tilespmem:s2+$0x0];
	_ =	sdelay $0x3  }
0x5c: {  	(v2sf) =	vpush v10, $0x3  }
0x5d: {  	(v2sf) =	vpush v9, $0x3;
	v1 =	vadd.f32 v2, v1  }
0x5e: {  	(v2sf) =	vpush v11, $0x3  }
0x5f: {  	v0 =	vadd.f32 v0, v1;
	_ =	sdelay $0x1  }
0x60: {  	[tilespmem:s13+$0xFFFFFD00] =	vst v0  }
0x61: {  	v0 =	vld [tilespmem:s9+$0x10]  }
0x62: {  	v1 =	vld [tilespmem:s2+$0x10];
	_ =	sdelay $0x1  }
0x63: {  	v2 =	vld [tilespmem:s8+$0x10];
	_ =	sdelay $0x2  }
0x64: {  	s12 =	simm.s32 $0x1D010;
	v0 =	vadd.f32 v1, v0  }
0x65: {  	s10 =	simm.s32 $0x1D110;
	v3 =	vld [tilespmem:s12+$0x0]  }
0x66: {  	s14 =	simm.s32 $0x1D090;
	v1 =	vld [tilespmem:s10+$0x0];
	v0 =	vadd.f32 v2, v0  }
0x67: {  	v4 =	vld [tilespmem:s14+$0x0];
	s15 =	spop (v2sf)  }
0x68: {  	s16 =	spop (v2sf);
	[tilespmem:s13+$0xFFFFFD10] =	vst v0  }
0x69: {  	s17 =	spop (v2sf);
	v0 =	vld [tilespmem:s15+$0x0]  }
0x6a: {  	v5 =	vld [tilespmem:s17+$0x0]  }
0x6b: {  	v2 =	vshll.u32 v3, $0x5;
	v1 =	vshll.u32 v1, $0x5  }
0x6c: {  	v4 =	vshll.u32 v4, $0x5;
	(v2sf) =	vpush v2, $0x0;
	v3 =	vld [tilespmem:s16+$0x0];
	v1 =	vadd.s32 $0x10000, v1  }
0x6d: {  	v4 =	vadd.s32 $0x8000, v4;
	(v2sf) =	vpush v1, $0x0  }
0x6e: {  	(v2sf) =	vpush v4, $0x0  }
0x6f: {  	(v2sf) =	vpush v10, $0x4;
	v0 =	vadd.f32 v5, v0  }
0x70: {  	(v2sf) =	vpush v11, $0x4  }
0x71: {  	v0 =	vadd.f32 v3, v0  }
0x72: {  	(v2sf) =	vpush v9, $0x4  }
0x73: {  	[tilespmem:s13+$0xFFFFFD80] =	vst v0  }
0x74: {  	v0 =	vld [tilespmem:s15+$0x10]  }
0x75: {  	v3 =	vld [tilespmem:s17+$0x10];
	_ =	sdelay $0x1  }
0x76: {  	v5 =	vld [tilespmem:s16+$0x10];
	_ =	sdelay $0x2  }
0x77: {  	v0 =	vadd.f32 v3, v0  }
0x78: {  	s18 =	spop (v2sf)  }
0x79: {  	s19 =	spop (v2sf);
	v0 =	vadd.f32 v5, v0  }
0x7a: {  	s20 =	spop (v2sf)  }
0x7b: {  	[tilespmem:s13+$0xFFFFFD90] =	vst v0;
	s3 =	spop (v2sf)  }
0x7c: {  	v0 =	vld [tilespmem:s3+$0x0];
	s4 =	spop (v2sf)  }
0x7d: {  	v3 =	vld [tilespmem:s4+$0x0]  }
0x7e: {  	s5 =	spop (v2sf)  }
0x7f: {  	v5 =	vld [tilespmem:s5+$0x0];
	_ =	sdelay $0x1  }
0x80: {  	(v2sf) =	vpush v9, $0x5  }
0x81: {  	(v2sf) =	vpush v10, $0x5;
	v0 =	vadd.f32 v3, v0  }
0x82: {  	(v2sf) =	vpush v11, $0x5  }
0x83: {  	v3 =	vld [tilespmem:s18+$0x0];
	v0 =	vadd.f32 v5, v0  }
0x84: {  	v5 =	vld [tilespmem:s20+$0x0]  }
0x85: {  	v6 =	vld [tilespmem:s19+$0x0];
	[tilespmem:s13+$0xFFFFFE00] =	vst v0  }
0x86: {  	v0 =	vld [tilespmem:s3+$0x10]  }
0x87: {  	v7 =	vld [tilespmem:s4+$0x10]  }
0x88: {  	(v2sf) =	vpush v1, $0x1  }
0x89: {  	(v2sf) =	vpush v2, $0x1;
	v3 =	vadd.f32 v5, v3;
	v5 =	vld [tilespmem:s5+$0x10]  }
0x8a: {  	(v2sf) =	vpush v4, $0x1  }
0x8b: {  	v3 =	vadd.f32 v6, v3  }
0x8c: {  	s14 =	simm.s32 $0x18C00;
	v0 =	vadd.f32 v7, v0  }
0x8d: {  	[tilespmem:s14+$0xFFFFFC00] =	vst v3  }
0x8e: {  	v3 =	vld [tilespmem:s18+$0x10];
	v0 =	vadd.f32 v5, v0  }
0x8f: {  	s21 =	spop (v2sf);
	v5 =	vld [tilespmem:s20+$0x10]  }
0x90: {  	s22 =	spop (v2sf);
	v6 =	vld [tilespmem:s19+$0x10];
	[tilespmem:s13+$0xFFFFFE10] =	vst v0  }
0x91: {  	s23 =	spop (v2sf);
	v0 =	vld [tilespmem:s22+$0x0]  }
0x92: {  	v7 =	vld [tilespmem:s23+$0x0];
	_ =	sdelay $0x1  }
0x93: {  	v8 =	vld [tilespmem:s21+$0x0];
	v3 =	vadd.f32 v5, v3;
	_ =	sdelay $0x1  }
0x94: {  	(v2sf) =	vpush v9, $0x6;
	v3 =	vadd.f32 v6, v3  }
0x95: {  	(v2sf) =	vpush v10, $0x6;
	s24 =	spop (v2sf);
	v0 =	vadd.f32 v7, v0  }
0x96: {  	(v2sf) =	vpush v11, $0x6;
	s25 =	spop (v2sf);
	[tilespmem:s14+$0xFFFFFC10] =	vst v3  }
0x97: {  	s26 =	spop (v2sf);
	v0 =	vadd.f32 v8, v0;
	v3 =	vld [tilespmem:s25+$0x0]  }
0x98: {  	v5 =	vld [tilespmem:s26+$0x0]  }
0x99: {  	v6 =	vld [tilespmem:s24+$0x0];
	[tilespmem:s13+$0xFFFFFE80] =	vst v0  }
0x9a: {  	v0 =	vld [tilespmem:s22+$0x10]  }
0x9b: {  	v7 =	vld [tilespmem:s23+$0x10]  }
0x9c: {  	(v2sf) =	vpush v1, $0x2  }
0x9d: {  	(v2sf) =	vpush v2, $0x2;
	v8 =	vld [tilespmem:s21+$0x10];
	v3 =	vadd.f32 v5, v3  }
0x9e: {  	(v2sf) =	vpush v4, $0x2  }
0x9f: {  	v3 =	vadd.f32 v6, v3  }
0xa0: {  	v0 =	vadd.f32 v7, v0  }
0xa1: {  	[tilespmem:s14+$0xFFFFFC80] =	vst v3  }
0xa2: {  	v3 =	vld [tilespmem:s25+$0x10];
	v0 =	vadd.f32 v8, v0  }
0xa3: {  	s28 =	spop (v2sf);
	v5 =	vld [tilespmem:s26+$0x10]  }
0xa4: {  	s29 =	spop (v2sf);
	v6 =	vld [tilespmem:s24+$0x10];
	[tilespmem:s13+$0xFFFFFE90] =	vst v0  }
0xa5: {  	s30 =	spop (v2sf);
	v0 =	vld [tilespmem:s29+$0x0]  }
0xa6: {  	v7 =	vld [tilespmem:s30+$0x0];
	_ =	sdelay $0x1  }
0xa7: {  	v8 =	vld [tilespmem:s28+$0x0];
	v3 =	vadd.f32 v5, v3;
	_ =	sdelay $0x1  }
0xa8: {  	(v2sf) =	vpush v10, $0x7;
	v3 =	vadd.f32 v6, v3  }
0xa9: {  	(v2sf) =	vpush v9, $0x7;
	s31 =	spop (v2sf);
	v0 =	vadd.f32 v7, v0  }
0xaa: {  	(v2sf) =	vpush v11, $0x7;
	s5 =	spop (v2sf);
	[tilespmem:s14+$0xFFFFFC90] =	vst v3  }
0xab: {  	s6 =	spop (v2sf);
	v0 =	vadd.f32 v8, v0;
	v3 =	vld [tilespmem:s5+$0x0]  }
0xac: {  	v5 =	vld [tilespmem:s6+$0x0]  }
0xad: {  	v6 =	vld [tilespmem:s31+$0x0];
	[tilespmem:s13+$0xFFFFFF00] =	vst v0  }
0xae: {  	v0 =	vld [tilespmem:s29+$0x10]  }
0xaf: {  	v7 =	vld [tilespmem:s30+$0x10]  }
0xb0: {  	(v2sf) =	vpush v2, $0x3  }
0xb1: {  	(v2sf) =	vpush v1, $0x3;
	v8 =	vld [tilespmem:s28+$0x10];
	v3 =	vadd.f32 v5, v3  }
0xb2: {  	(v2sf) =	vpush v4, $0x3  }
0xb3: {  	v3 =	vadd.f32 v6, v3  }
0xb4: {  	s7 =	simm.s32 $0x1D020;
	v0 =	vadd.f32 v7, v0  }
0xb5: {  	v5 =	vld [tilespmem:s7+$0x0];
	[tilespmem:s14+$0xFFFFFD00] =	vst v3  }
0xb6: {  	v0 =	vadd.f32 v8, v0;
	v3 =	vld [tilespmem:s5+$0x10]  }
0xb7: {  	s8 =	spop (v2sf);
	v6 =	vld [tilespmem:s6+$0x10]  }
0xb8: {  	s9 =	spop (v2sf);
	v7 =	vld [tilespmem:s31+$0x10];
	[tilespmem:s13+$0xFFFFFF10] =	vst v0  }
0xb9: {  	s10 =	spop (v2sf);
	v8 =	vld [tilespmem:s8+$0x0]  }
0xba: {  	v12 =	vld [tilespmem:s10+$0x0];
	_ =	sdelay $0x1  }
0xbb: {  	v13 =	vld [tilespmem:s9+$0x0];
	v3 =	vadd.f32 v6, v3  }
0xbc: {  	s12 =	simm.s32 $0x1D120;
	v0 =	vshll.u32 v5, $0x5  }
0xbd: {  	s15 =	simm.s32 $0x1D0A0;
	v5 =	vld [tilespmem:s12+$0x0];
	(v2sf) =	vpush v0, $0x0;
	v3 =	vadd.f32 v7, v3  }
0xbe: {  	s16 =	spop (v2sf);
	(v2sf) =	vpush v10, $0x8;
	v6 =	vld [tilespmem:s15+$0x0];
	v7 =	vadd.f32 v12, v8  }
0xbf: {  	s17 =	spop (v2sf);
	(v2sf) =	vpush v11, $0x8;
	[tilespmem:s14+$0xFFFFFD10] =	vst v3  }
0xc0: {  	s18 =	spop (v2sf);
	v8 =	vld [tilespmem:s16+$0x0];
	v3 =	vadd.f32 v13, v7  }
0xc1: {  	(v2sf) =	vpush v9, $0x8;
	v7 =	vld [tilespmem:s18+$0x0]  }
0xc2: {  	v5 =	vshll.u32 v5, $0x5;
	v12 =	vld [tilespmem:s17+$0x0];
	[tilespmem:s13+$0xFFFFFF80] =	vst v3  }
0xc3: {  	v3 =	vadd.s32 $0x10000, v5;
	v5 =	vshll.u32 v6, $0x5;
	v6 =	vld [tilespmem:s8+$0x10]  }
0xc4: {  	(v2sf) =	vpush v3, $0x0;
	v5 =	vadd.s32 $0x8000, v5;
	v13 =	vld [tilespmem:s10+$0x10]  }
0xc5: {  	(v2sf) =	vpush v5, $0x0  }
0xc6: {  	v14 =	vld [tilespmem:s9+$0x10];
	v7 =	vadd.f32 v7, v8;
	(v2sf) =	vpush v2, $0x4  }
0xc7: {  	(v2sf) =	vpush v4, $0x4  }
0xc8: {  	v7 =	vadd.f32 v12, v7;
	(v2sf) =	vpush v1, $0x4  }
0xc9: {  	v6 =	vadd.f32 v13, v6  }
0xca: {  	[tilespmem:s14+$0xFFFFFD80] =	vst v7  }
0xcb: {  	v7 =	vld [tilespmem:s16+$0x10];
	v6 =	vadd.f32 v14, v6  }
0xcc: {  	s19 =	spop (v2sf);
	v8 =	vld [tilespmem:s18+$0x10]  }
0xcd: {  	s20 =	spop (v2sf);
	v12 =	vld [tilespmem:s17+$0x10];
	[tilespmem:s13+$0xFFFFFF90] =	vst v6  }
0xce: {  	s21 =	spop (v2sf);
	v6 =	vld [tilespmem:s20+$0x0]  }
0xcf: {  	v13 =	vld [tilespmem:s21+$0x0]  }
0xd0: {  	s22 =	spop (v2sf)  }
0xd1: {  	v14 =	vld [tilespmem:s22+$0x0];
	v7 =	vadd.f32 v8, v7;
	_ =	sdelay $0x1  }
0xd2: {  	v7 =	vadd.f32 v12, v7;
	s23 =	spop (v2sf)  }
0xd3: {  	(v2sf) =	vpush v10, $0x9;
	v6 =	vadd.f32 v13, v6;
	s24 =	spop (v2sf)  }
0xd4: {  	(v2sf) =	vpush v11, $0x9;
	[tilespmem:s14+$0xFFFFFD90] =	vst v7;
	s6 =	spop (v2sf)  }
0xd5: {  	v6 =	vadd.f32 v14, v6;
	v7 =	vld [tilespmem:s6+$0x0];
	s7 =	spop (v2sf)  }
0xd6: {  	(v2sf) =	vpush v9, $0x9;
	v8 =	vld [tilespmem:s7+$0x0];
	s8 =	spop (v2sf)  }
0xd7: {  	[tilespmem:s13+$0x0] =	vst v6;
	v12 =	vld [tilespmem:s8+$0x0]  }
0xd8: {  	v6 =	vld [tilespmem:s20+$0x10]  }
0xd9: {  	v13 =	vld [tilespmem:s21+$0x10]  }
0xda: {  	(v2sf) =	vpush v1, $0x5  }
0xdb: {  	(v2sf) =	vpush v2, $0x5;
	v14 =	vld [tilespmem:s22+$0x10];
	v7 =	vadd.f32 v8, v7  }
0xdc: {  	(v2sf) =	vpush v4, $0x5  }
0xdd: {  	v8 =	vld [tilespmem:s19+$0x0];
	v7 =	vadd.f32 v12, v7  }
0xde: {  	v6 =	vadd.f32 v13, v6;
	v12 =	vld [tilespmem:s24+$0x0]  }
0xdf: {  	v13 =	vld [tilespmem:s23+$0x0];
	[tilespmem:s14+$0xFFFFFE00] =	vst v7  }
0xe0: {  	v6 =	vadd.f32 v14, v6;
	v7 =	vld [tilespmem:s6+$0x10]  }
0xe1: {  	v14 =	vld [tilespmem:s7+$0x10]  }
0xe2: {  	(v2sf) =	vpush v3, $0x1;
	s25 =	spop (v2sf);
	v15 =	vld [tilespmem:s8+$0x10];
	[tilespmem:s13+$0x10] =	vst v6  }
0xe3: {  	(v2sf) =	vpush v0, $0x1;
	s26 =	spop (v2sf);
	v6 =	vadd.f32 v12, v8;
	v8 =	vld [tilespmem:s25+$0x0]  }
0xe4: {  	(v2sf) =	vpush v5, $0x1;
	v12 =	vld [tilespmem:s26+$0x0]  }
0xe5: {  	s28 =	spop (v2sf);
	v6 =	vadd.f32 v13, v6  }
0xe6: {  	s15 =	simm.s32 $0x19400;
	v13 =	vld [tilespmem:s28+$0x0];
	v7 =	vadd.f32 v14, v7  }
0xe7: {  	[tilespmem:s15+$0xFFFFFC00] =	vst v6  }
0xe8: {  	v6 =	vld [tilespmem:s19+$0x10];
	v7 =	vadd.f32 v15, v7  }
0xe9: {  	(v2sf) =	vpush v10, $0xA;
	s29 =	spop (v2sf);
	v14 =	vld [tilespmem:s24+$0x10];
	v8 =	vadd.f32 v12, v8  }
0xea: {  	(v2sf) =	vpush v11, $0xA;
	s30 =	spop (v2sf);
	v12 =	vld [tilespmem:s23+$0x10];
	[tilespmem:s14+$0xFFFFFE10] =	vst v7  }
0xeb: {  	s31 =	spop (v2sf);
	v7 =	vadd.f32 v13, v8;
	v8 =	vld [tilespmem:s30+$0x0]  }
0xec: {  	(v2sf) =	vpush v9, $0xA;
	v13 =	vld [tilespmem:s31+$0x0]  }
0xed: {  	v15 =	vld [tilespmem:s29+$0x0];
	[tilespmem:s13+$0x80] =	vst v7  }
0xee: {  	v6 =	vadd.f32 v14, v6;
	v7 =	vld [tilespmem:s25+$0x10]  }
0xef: {  	v14 =	vld [tilespmem:s26+$0x10]  }
0xf0: {  	(v2sf) =	vpush v1, $0x6;
	v6 =	vadd.f32 v12, v6  }
0xf1: {  	s6 =	spop (v2sf);
	(v2sf) =	vpush v2, $0x6;
	v12 =	vld [tilespmem:s28+$0x10];
	v8 =	vadd.f32 v13, v8  }
0xf2: {  	s7 =	spop (v2sf);
	(v2sf) =	vpush v4, $0x6;
	[tilespmem:s15+$0xFFFFFC10] =	vst v6  }
0xf3: {  	s8 =	spop (v2sf);
	v6 =	vadd.f32 v15, v8;
	v8 =	vld [tilespmem:s7+$0x0]  }
0xf4: {  	v7 =	vadd.f32 v14, v7;
	v13 =	vld [tilespmem:s8+$0x0]  }
0xf5: {  	v14 =	vld [tilespmem:s6+$0x0];
	[tilespmem:s14+$0xFFFFFE80] =	vst v6  }
0xf6: {  	v6 =	vadd.f32 v12, v7;
	v7 =	vld [tilespmem:s30+$0x10]  }
0xf7: {  	v12 =	vld [tilespmem:s31+$0x10]  }
0xf8: {  	(v2sf) =	vpush v3, $0x2;
	s9 =	spop (v2sf);
	v15 =	vld [tilespmem:s29+$0x10];
	[tilespmem:s13+$0x90] =	vst v6  }
0xf9: {  	(v2sf) =	vpush v0, $0x2;
	s10 =	spop (v2sf);
	v6 =	vld [tilespmem:s9+$0x0];
	v8 =	vadd.f32 v13, v8  }
0xfa: {  	(v2sf) =	vpush v5, $0x2;
	v13 =	vld [tilespmem:s10+$0x0]  }
0xfb: {  	s12 =	spop (v2sf);
	v8 =	vadd.f32 v14, v8  }
0xfc: {  	v7 =	vadd.f32 v12, v7;
	v12 =	vld [tilespmem:s12+$0x0]  }
0xfd: {  	[tilespmem:s15+$0xFFFFFC80] =	vst v8  }
0xfe: {  	v8 =	vld [tilespmem:s7+$0x10];
	v7 =	vadd.f32 v15, v7  }
0xff: {  	s16 =	spop (v2sf);
	(v2sf) =	vpush v10, $0xB;
	v14 =	vld [tilespmem:s8+$0x10];
	v6 =	vadd.f32 v13, v6  }
0x100: {  	s17 =	spop (v2sf);
	(v2sf) =	vpush v11, $0xB;
	v13 =	vld [tilespmem:s6+$0x10];
	[tilespmem:s14+$0xFFFFFE90] =	vst v7  }
0x101: {  	s18 =	spop (v2sf);
	v6 =	vadd.f32 v12, v6;
	v7 =	vld [tilespmem:s17+$0x0]  }
0x102: {  	(v2sf) =	vpush v9, $0xB;
	v12 =	vld [tilespmem:s18+$0x0]  }
0x103: {  	v15 =	vld [tilespmem:s16+$0x0];
	[tilespmem:s13+$0x100] =	vst v6  }
0x104: {  	v6 =	vadd.f32 v14, v8;
	v8 =	vld [tilespmem:s9+$0x10]  }
0x105: {  	v14 =	vld [tilespmem:s10+$0x10]  }
0x106: {  	(v2sf) =	vpush v2, $0x7;
	v6 =	vadd.f32 v13, v6  }
0x107: {  	s19 =	spop (v2sf);
	(v2sf) =	vpush v1, $0x7;
	v7 =	vadd.f32 v12, v7;
	v12 =	vld [tilespmem:s12+$0x10]  }
0x108: {  	s20 =	spop (v2sf);
	(v2sf) =	vpush v4, $0x7;
	[tilespmem:s15+$0xFFFFFC90] =	vst v6  }
0x109: {  	s21 =	spop (v2sf);
	v6 =	vadd.f32 v15, v7;
	v7 =	vld [tilespmem:s20+$0x0]  }
0x10a: {  	v13 =	vld [tilespmem:s21+$0x0];
	v8 =	vadd.f32 v14, v8  }
0x10b: {  	v14 =	vld [tilespmem:s19+$0x0];
	[tilespmem:s14+$0xFFFFFF00] =	vst v6  }
0x10c: {  	v6 =	vld [tilespmem:s17+$0x10];
	v8 =	vadd.f32 v12, v8  }
0x10d: {  	v12 =	vld [tilespmem:s18+$0x10]  }
0x10e: {  	(v2sf) =	vpush v0, $0x3;
	s22 =	spop (v2sf);
	v15 =	vld [tilespmem:s16+$0x10];
	[tilespmem:s13+$0x110] =	vst v8  }
0x10f: {  	(v2sf) =	vpush v3, $0x3;
	s23 =	spop (v2sf);
	v7 =	vadd.f32 v13, v7;
	v8 =	vld [tilespmem:s22+$0x0]  }
0x110: {  	s24 =	simm.s32 $0x1D130;
	(v2sf) =	vpush v5, $0x3;
	v13 =	vld [tilespmem:s23+$0x0]  }
0x111: {  	v16 =	vld [tilespmem:s24+$0x0];
	s25 =	spop (v2sf);
	v7 =	vadd.f32 v14, v7  }
0x112: {  	s12 =	simm.s32 $0x1D030;
	v6 =	vadd.f32 v12, v6;
	v12 =	vld [tilespmem:s25+$0x0]  }
0x113: {  	v14 =	vld [tilespmem:s12+$0x0];
	[tilespmem:s15+$0xFFFFFD00] =	vst v7  }
0x114: {  	v6 =	vadd.f32 v15, v6;
	v7 =	vld [tilespmem:s20+$0x10]  }
0x115: {  	(v2sf) =	vpush v10, $0xC;
	s26 =	spop (v2sf);
	v15 =	vld [tilespmem:s21+$0x10];
	v8 =	vadd.f32 v13, v8  }
0x116: {  	s28 =	spop (v2sf);
	(v2sf) =	vpush v11, $0xC;
	v13 =	vld [tilespmem:s19+$0x10];
	[tilespmem:s14+$0xFFFFFF10] =	vst v6  }
0x117: {  	s29 =	spop (v2sf);
	v17 =	vld [tilespmem:s26+$0x0];
	v8 =	vadd.f32 v12, v8  }
0x118: {  	(v2sf) =	vpush v9, $0xC;
	v6 =	vshll.u32 v14, $0x5;
	v12 =	vld [tilespmem:s29+$0x0]  }
0x119: {  	(v2sf) =	vpush v6, $0x0;
	v14 =	vld [tilespmem:s28+$0x0];
	[tilespmem:s13+$0x180] =	vst v8  }
0x11a: {  	v7 =	vadd.f32 v15, v7;
	v8 =	vld [tilespmem:s22+$0x10]  }
0x11b: {  	s19 =	simm.s32 $0x1D0B0;
	v15 =	vld [tilespmem:s23+$0x10]  }
0x11c: {  	v18 =	vld [tilespmem:s19+$0x0];
	v7 =	vadd.f32 v13, v7  }
0x11d: {  	s30 =	spop (v2sf);
	(v2sf) =	vpush v2, $0x8;
	v13 =	vld [tilespmem:s25+$0x10];
	v12 =	vadd.f32 v12, v17  }
0x11e: {  	s31 =	spop (v2sf);
	(v2sf) =	vpush v4, $0x8;
	[tilespmem:s15+$0xFFFFFD10] =	vst v7  }
0x11f: {  	s1 =	spop (v2sf);
	(v2sf) =	vpush v1, $0x8;
	v17 =	vld [tilespmem:s30+$0x0];
	v12 =	vadd.f32 v14, v12  }
0x120: {  	v7 =	vshll.u32 v16, $0x5;
	v14 =	vld [tilespmem:s1+$0x0];
	v8 =	vadd.f32 v15, v8  }
0x121: {  	v7 =	vadd.s32 $0x10000, v7;
	v15 =	vld [tilespmem:s31+$0x0];
	[tilespmem:s14+$0xFFFFFF80] =	vst v12  }
0x122: {  	(v2sf) =	vpush v7, $0x0;
	v12 =	vshll.u32 v18, $0x5;
	v16 =	vld [tilespmem:s26+$0x10];
	v13 =	vadd.f32 v13, v8  }
0x123: {  	v8 =	vadd.s32 $0x8000, v12;
	v12 =	vld [tilespmem:s29+$0x10]  }
0x124: {  	s7 =	spop (v2sf);
	v18 =	vld [tilespmem:s28+$0x10];
	(v2sf) =	vpush v8, $0x0;
	[tilespmem:s13+$0x190] =	vst v13  }
0x125: {  	s8 =	spop (v2sf);
	v13 =	vadd.f32 v14, v17;
	(v2sf) =	vpush v0, $0x4;
	v14 =	vld [tilespmem:s7+$0x0]  }
0x126: {  	(v2sf) =	vpush v5, $0x4;
	v17 =	vld [tilespmem:s8+$0x0]  }
0x127: {  	s9 =	spop (v2sf);
	v13 =	vadd.f32 v15, v13;
	(v2sf) =	vpush v3, $0x4  }
0x128: {  	v15 =	vld [tilespmem:s9+$0x0];
	s10 =	spop (v2sf);
	v12 =	vadd.f32 v12, v16  }
0x129: {  	v16 =	vld [tilespmem:s10+$0x0];
	[tilespmem:s15+$0xFFFFFD80] =	vst v13  }
0x12a: {  	v13 =	vld [tilespmem:s30+$0x10];
	v12 =	vadd.f32 v18, v12  }
0x12b: {  	(v2sf) =	vpush v10, $0xD;
	v18 =	vld [tilespmem:s1+$0x10];
	v14 =	vadd.f32 v17, v14  }
0x12c: {  	s16 =	spop (v2sf);
	(v2sf) =	vpush v11, $0xD;
	v17 =	vld [tilespmem:s31+$0x10];
	[tilespmem:s14+$0xFFFFFF90] =	vst v12  }
0x12d: {  	s17 =	spop (v2sf);
	v12 =	vld [tilespmem:s16+$0x0];
	v14 =	vadd.f32 v15, v14  }
0x12e: {  	(v2sf) =	vpush v9, $0xD;
	s18 =	spop (v2sf);
	v15 =	vld [tilespmem:s17+$0x0]  }
0x12f: {  	v19 =	vld [tilespmem:s18+$0x0];
	[tilespmem:s13+$0x200] =	vst v14  }
0x130: {  	v13 =	vadd.f32 v18, v13;
	v14 =	vld [tilespmem:s7+$0x10]  }
0x131: {  	s20 =	spop (v2sf);
	v18 =	vld [tilespmem:s8+$0x10]  }
0x132: {  	v20 =	vld [tilespmem:s20+$0x0];
	v13 =	vadd.f32 v17, v13  }
0x133: {  	(v2sf) =	vpush v2, $0x9;
	v12 =	vadd.f32 v15, v12;
	v15 =	vld [tilespmem:s9+$0x10];
	s21 =	spop (v2sf)  }
0x134: {  	[tilespmem:s15+$0xFFFFFD90] =	vst v13;
	v17 =	vld [tilespmem:s21+$0x0];
	s22 =	spop (v2sf);
	(v2sf) =	vpush v4, $0x9  }
0x135: {  	v12 =	vadd.f32 v19, v12;
	v13 =	vld [tilespmem:s22+$0x0];
	s23 =	spop (v2sf);
	(v2sf) =	vpush v1, $0x9  }
0x136: {  	v14 =	vadd.f32 v18, v14;
	v19 =	vld [tilespmem:s23+$0x0];
	s24 =	spop (v2sf)  }
0x137: {  	[tilespmem:s14+$0x0] =	vst v12;
	v18 =	vld [tilespmem:s24+$0x0]  }
0x138: {  	v12 =	vld [tilespmem:s16+$0x10];
	v14 =	vadd.f32 v15, v14  }
0x139: {  	v15 =	vld [tilespmem:s17+$0x10]  }
0x13a: {  	s25 =	spop (v2sf);
	(v2sf) =	vpush v3, $0x5;
	v16 =	vadd.f32 v17, v16;
	v17 =	vld [tilespmem:s18+$0x10];
	[tilespmem:s13+$0x210] =	vst v14  }
0x13b: {  	s26 =	spop (v2sf);
	(v2sf) =	vpush v0, $0x5;
	v14 =	vld [tilespmem:s25+$0x0];
	v13 =	vadd.f32 v19, v13  }
0x13c: {  	(v2sf) =	vpush v5, $0x5;
	v16 =	vadd.f32 v20, v16;
	v19 =	vld [tilespmem:s26+$0x0]  }
0x13d: {  	s18 =	simm.s32 $0x19C00;
	s28 =	spop (v2sf);
	v13 =	vadd.f32 v18, v13  }
0x13e: {  	v12 =	vadd.f32 v15, v12;
	v15 =	vld [tilespmem:s28+$0x0];
	[tilespmem:s18+$0xFFFFFC00] =	vst v16  }
0x13f: {  	v16 =	vld [tilespmem:s10+$0x10];
	[tilespmem:s15+$0xFFFFFE00] =	vst v13  }
0x140: {  	v12 =	vadd.f32 v17, v12;
	v13 =	vld [tilespmem:s22+$0x10]  }
0x141: {  	(v2sf) =	vpush v10, $0xE;
	v17 =	vld [tilespmem:s23+$0x10];
	v14 =	vadd.f32 v19, v14  }
0x142: {  	(v2sf) =	vpush v11, $0xE;
	s29 =	spop (v2sf);
	v18 =	vld [tilespmem:s24+$0x10];
	[tilespmem:s14+$0x10] =	vst v12  }
0x143: {  	(v2sf) =	vpush v7, $0x1;
	v12 =	vld [tilespmem:s29+$0x0];
	v14 =	vadd.f32 v15, v14;
	s30 =	spop (v2sf)  }
0x144: {  	(v2sf) =	vpush v9, $0xE;
	v15 =	vld [tilespmem:s30+$0x0];
	s31 =	spop (v2sf)  }
0x145: {  	(v2sf) =	vpush v6, $0x1;
	[tilespmem:s13+$0x280] =	vst v14;
	v19 =	vld [tilespmem:s31+$0x0]  }
0x146: {  	(v2sf) =	vpush v8, $0x1;
	v13 =	vadd.f32 v17, v13;
	v14 =	vld [tilespmem:s25+$0x10]  }
0x147: {  	v17 =	vld [tilespmem:s26+$0x10]  }
0x148: {  	v20 =	vld [tilespmem:s21+$0x10];
	v13 =	vadd.f32 v18, v13  }
0x149: {  	s7 =	spop (v2sf);
	v12 =	vadd.f32 v15, v12;
	v15 =	vld [tilespmem:s28+$0x10]  }
0x14a: {  	(v2sf) =	vpush v2, $0xA;
	v18 =	vld [tilespmem:s20+$0x10];
	s8 =	spop (v2sf);
	[tilespmem:s15+$0xFFFFFE10] =	vst v13  }
0x14b: {  	(v2sf) =	vpush v4, $0xA;
	s9 =	spop (v2sf);
	v13 =	vld [tilespmem:s7+$0x0];
	v12 =	vadd.f32 v19, v12  }
0x14c: {  	v14 =	vadd.f32 v17, v14;
	v17 =	vld [tilespmem:s9+$0x0]  }
0x14d: {  	(v2sf) =	vpush v1, $0xA;
	v19 =	vld [tilespmem:s8+$0x0];
	[tilespmem:s14+$0x80] =	vst v12  }
0x14e: {  	v12 =	vadd.f32 v20, v16;
	v16 =	vld [tilespmem:s31+$0x10];
	v14 =	vadd.f32 v15, v14  }
0x14f: {  	v15 =	vld [tilespmem:s29+$0x10]  }
0x150: {  	s10 =	spop (v2sf);
	v12 =	vadd.f32 v18, v12;
	v18 =	vld [tilespmem:s30+$0x10];
	[tilespmem:s13+$0x290] =	vst v14  }
0x151: {  	s16 =	spop (v2sf);
	v14 =	vld [tilespmem:s10+$0x0]  }
0x152: {  	s17 =	spop (v2sf);
	[tilespmem:s18+$0xFFFFFC10] =	vst v12;
	v12 =	vadd.f32 v17, v19;
	v17 =	vld [tilespmem:s16+$0x0]  }
0x153: {  	(v2sf) =	vpush v3, $0x6;
	s20 =	spop (v2sf);
	v19 =	vld [tilespmem:s17+$0x0]  }
0x154: {  	(v2sf) =	vpush v0, $0x6;
	s21 =	spop (v2sf);
	v12 =	vadd.f32 v13, v12;
	v13 =	vld [tilespmem:s20+$0x0]  }
0x155: {  	(v2sf) =	vpush v5, $0x6;
	v20 =	vld [tilespmem:s21+$0x0];
	s22 =	spop (v2sf);
	v15 =	vadd.f32 v18, v15  }
0x156: {  	(v2sf) =	vpush v10, $0xF;
	v18 =	vld [tilespmem:s22+$0x0];
	[tilespmem:s15+$0xFFFFFE80] =	vst v12  }
0x157: {  	v10 =	vld [tilespmem:s7+$0x10];
	v12 =	vadd.f32 v16, v15;
	v14 =	vadd.f32 v17, v14  }
0x158: {  	(v2sf) =	vpush v11, $0xF;
	v15 =	vld [tilespmem:s8+$0x10]  }
0x159: {  	s23 =	spop (v2sf);
	v11 =	vld [tilespmem:s9+$0x10];
	[tilespmem:s14+$0x90] =	vst v12;
	v12 =	vadd.f32 v13, v14  }
0x15a: {  	s24 =	spop (v2sf);
	(v2sf) =	vpush v9, $0xF;
	v13 =	vld [tilespmem:s23+$0x0]  }
0x15b: {  	(v2sf) =	vpush v7, $0x2;
	v14 =	vld [tilespmem:s24+$0x0];
	v9 =	vadd.f32 v18, v20;
	[tilespmem:s13+$0x300] =	vst v12  }
0x15c: {  	s25 =	spop (v2sf);
	(v2sf) =	vpush v6, $0x2;
	v12 =	vld [tilespmem:s10+$0x10]  }
0x15d: {  	v16 =	vld [tilespmem:s16+$0x10];
	v9 =	vadd.f32 v19, v9  }
0x15e: {  	(v2sf) =	vpush v8, $0x2;
	v11 =	vadd.f32 v11, v15;
	v15 =	vld [tilespmem:s25+$0x0]  }
0x15f: {  	[tilespmem:s18+$0xFFFFFC80] =	vst v9;
	v9 =	vld [tilespmem:s20+$0x10]  }
0x160: {  	v10 =	vadd.f32 v10, v11;
	v17 =	vld [tilespmem:s21+$0x10]  }
0x161: {  	v13 =	vadd.f32 v14, v13;
	v11 =	vld [tilespmem:s22+$0x10]  }
0x162: {  	s26 =	spop (v2sf);
	v14 =	vld [tilespmem:s17+$0x10];
	[tilespmem:s15+$0xFFFFFE90] =	vst v10;
	v10 =	vadd.f32 v16, v12  }
0x163: {  	s28 =	spop (v2sf);
	v12 =	vld [tilespmem:s26+$0x0];
	v13 =	vadd.f32 v15, v13  }
0x164: {  	s29 =	spop (v2sf);
	v15 =	vld [tilespmem:s28+$0x0];
	v9 =	vadd.f32 v9, v10  }
0x165: {  	(v2sf) =	vpush v2, $0xB;
	[tilespmem:s14+$0x100] =	vst v13;
	v10 =	vld [tilespmem:s29+$0x0]  }
0x166: {  	s9 =	spop (v2sf);
	v13 =	vld [tilespmem:s23+$0x10];
	v11 =	vadd.f32 v11, v17;
	[tilespmem:s13+$0x310] =	vst v9  }
0x167: {  	(v2sf) =	vpush v4, $0xB;
	s10 =	spop (v2sf);
	v9 =	vld [tilespmem:s9+$0x0]  }
0x168: {  	v11 =	vadd.f32 v14, v11;
	v14 =	vld [tilespmem:s10+$0x0]  }
0x169: {  	v16 =	vld [tilespmem:s24+$0x10];
	(v2sf) =	vpush v1, $0xB;
	s30 =	spop (v2sf)  }
0x16a: {  	s3 =	spop (v2sf);
	[tilespmem:s18+$0xFFFFFC90] =	vst v11;
	v10 =	vadd.f32 v10, v15;
	v11 =	vld [tilespmem:s30+$0x0]  }
0x16b: {  	s4 =	spop (v2sf);
	v17 =	vld [tilespmem:s3+$0x0]  }
0x16c: {  	v18 =	vld [tilespmem:s4+$0x0];
	v10 =	vadd.f32 v12, v10  }
0x16d: {  	(v2sf) =	vpush v0, $0x7;
	s5 =	spop (v2sf);
	v12 =	vld [tilespmem:s25+$0x10];
	v9 =	vadd.f32 v14, v9  }
0x16e: {  	(v2sf) =	vpush v3, $0x7;
	v19 =	vld [tilespmem:s5+$0x0];
	[tilespmem:s15+$0xFFFFFF00] =	vst v10  }
0x16f: {  	(v2sf) =	vpush v5, $0x7;
	v14 =	vld [tilespmem:s26+$0x10];
	v9 =	vadd.f32 v11, v9  }
0x170: {  	v10 =	vadd.f32 v16, v13;
	v15 =	vld [tilespmem:s28+$0x10]  }
0x171: {  	v16 =	vld [tilespmem:s29+$0x10];
	[tilespmem:s13+$0x380] =	vst v9  }
0x172: {  	v10 =	vadd.f32 v12, v10;
	v9 =	vld [tilespmem:s9+$0x10]  }
0x173: {  	v11 =	vld [tilespmem:s30+$0x10]  }
0x174: {  	s0 =	spop (v2sf);
	[tilespmem:s14+$0x110] =	vst v10;
	v10 =	vld [tilespmem:s10+$0x10]  }
0x175: {  	s31 =	sshll.u32 s11, $0x1;
	(v2sf) =	vpush v6, $0x3;
	v12 =	vld [tilespmem:s0+$0x0];
	[dreg:$0x13] =	wrdreg s11  }
0x176: {  	(v2sf) =	vpush v7, $0x3;
	v18 =	vadd.f32 v19, v18;
	s1 =	spop (v2sf);
	[dreg:$0x14] =	wrdreg s31  }
0x177: {  	s2 =	simm.s32 $0x1D140;
	s20 =	simm.s32 $0x30;
	(v2sf) =	vpush v8, $0x3;
	v13 =	vld [tilespmem:s1+$0x0]  }
.LBB2_3:
0x178: {  	v19 =	vld [tilespmem:s2+$0x0];
	v17 =	vadd.f32 v17, v18;
	v15 =	vadd.f32 v16, v15;
	s6 =	spop (v2sf)  }
0x179: {  	s12 =	sadd.s32 $0x10, s12;
	v16 =	vld [tilespmem:s6+$0x0];
	v9 =	vadd.f32 v10, v9  }
0x17a: {  	v10 =	vld [tilespmem:s12+$0x0];
	[tilespmem:s18+$0xFFFFFD00] =	vst v17;
	v14 =	vadd.f32 v14, v15  }
0x17b: {  	v15 =	vld [tilespmem:s4+$0x10];
	v9 =	vadd.f32 v11, v9  }
0x17c: {  	v11 =	vld [tilespmem:s5+$0x10];
	[tilespmem:s15+$0xFFFFFF10] =	vst v14;
	s4 =	spop (v2sf);
	v12 =	vadd.f32 v13, v12;
	(v2sf) =	vpush v2, $0xC  }
0x17d: {  	v13 =	vld [tilespmem:s3+$0x10];
	s3 =	spop (v2sf);
	(v2sf) =	vpush v4, $0xC;
	[tilespmem:s13+$0x390] =	vst v9;
	s13 =	smov.u32 s14;
	s14 =	smov.u32 s15  }
0x17e: {  	s15 =	smov.u32 s18;
	v14 =	vld [tilespmem:s4+$0x0];
	s5 =	spop (v2sf);
	v12 =	vadd.f32 v16, v12  }
0x17f: {  	v9 =	vshll.u32 v10, $0x5;
	v10 =	vld [tilespmem:s5+$0x0];
	(v2sf) =	vpush v1, $0xC  }
0x180: {  	(v2sf) =	vpush v9, $0x0;
	v16 =	vld [tilespmem:s3+$0x0];
	[tilespmem:s13+$0x180] =	vst v12  }
0x181: {  	v11 =	vadd.f32 v11, v15;
	v12 =	vld [tilespmem:s0+$0x10]  }
0x182: {  	s19 =	sadd.s32 $0x10, s19;
	v15 =	vld [tilespmem:s1+$0x10]  }
0x183: {  	v17 =	vld [tilespmem:s19+$0x0];
	v11 =	vadd.f32 v13, v11  }
0x184: {  	s0 =	spop (v2sf);
	v10 =	vadd.f32 v10, v14;
	(v2sf) =	vpush v0, $0x8;
	v13 =	vld [tilespmem:s6+$0x10]  }
0x185: {  	[tilespmem:s18+$0xFFFFFD10] =	vst v11;
	s6 =	spop (v2sf);
	(v2sf) =	vpush v5, $0x8  }
0x186: {  	v14 =	vld [tilespmem:s0+$0x0];
	s7 =	spop (v2sf);
	v11 =	vadd.f32 v16, v10;
	(v2sf) =	vpush v3, $0x8  }
0x187: {  	v10 =	vshll.u32 v19, $0x5;
	v16 =	vld [tilespmem:s7+$0x0];
	v12 =	vadd.f32 v15, v12  }
0x188: {  	v10 =	vadd.s32 $0x10000, v10;
	v15 =	vld [tilespmem:s6+$0x0];
	[tilespmem:s14+$0xFFFFFF80] =	vst v11  }
0x189: {  	v11 =	vshll.u32 v17, $0x5;
	(v2sf) =	vpush v10, $0x0;
	v17 =	vld [tilespmem:s4+$0x10];
	v12 =	vadd.f32 v13, v12  }
0x18a: {  	v11 =	vadd.s32 $0x8000, v11;
	v13 =	vld [tilespmem:s5+$0x10]  }
0x18b: {  	(v2sf) =	vpush v11, $0x0;
	v18 =	vld [tilespmem:s3+$0x10];
	[tilespmem:s13+$0x190] =	vst v12;
	s3 =	spop (v2sf)  }
0x18c: {  	v12 =	vadd.f32 v16, v14;
	(v2sf) =	vpush v6, $0x4;
	v14 =	vld [tilespmem:s3+$0x0];
	s4 =	spop (v2sf)  }
0x18d: {  	(v2sf) =	vpush v8, $0x4;
	v16 =	vld [tilespmem:s4+$0x0]  }
0x18e: {  	v12 =	vadd.f32 v15, v12;
	(v2sf) =	vpush v7, $0x4;
	s5 =	spop (v2sf)  }
0x18f: {  	s1 =	spop (v2sf);
	v13 =	vadd.f32 v13, v17;
	v15 =	vld [tilespmem:s5+$0x0]  }
0x190: {  	v17 =	vld [tilespmem:s1+$0x0];
	[tilespmem:s18+$0xFFFFFD80] =	vst v12  }
0x191: {  	v12 =	vld [tilespmem:s0+$0x10];
	v13 =	vadd.f32 v18, v13  }
0x192: {  	v18 =	vld [tilespmem:s7+$0x10];
	v14 =	vadd.f32 v16, v14;
	(v2sf) =	vpush v2, $0xD  }
0x193: {  	v16 =	vld [tilespmem:s6+$0x10];
	[tilespmem:s14+$0xFFFFFF90] =	vst v13;
	s6 =	spop (v2sf);
	(v2sf) =	vpush v4, $0xD  }
0x194: {  	v13 =	vld [tilespmem:s6+$0x0];
	s7 =	spop (v2sf);
	v14 =	vadd.f32 v15, v14  }
0x195: {  	v15 =	vld [tilespmem:s7+$0x0];
	s8 =	spop (v2sf);
	(v2sf) =	vpush v1, $0xD  }
0x196: {  	v19 =	vld [tilespmem:s8+$0x0];
	[tilespmem:s13+$0x200] =	vst v14  }
0x197: {  	v12 =	vadd.f32 v18, v12;
	v14 =	vld [tilespmem:s3+$0x10]  }
0x198: {  	s0 =	spop (v2sf);
	v18 =	vld [tilespmem:s4+$0x10]  }
0x199: {  	v20 =	vld [tilespmem:s0+$0x0];
	v12 =	vadd.f32 v16, v12  }
0x19a: {  	s3 =	spop (v2sf);
	v13 =	vadd.f32 v15, v13;
	(v2sf) =	vpush v0, $0x9;
	v15 =	vld [tilespmem:s5+$0x10]  }
0x19b: {  	v16 =	vld [tilespmem:s3+$0x0];
	[tilespmem:s18+$0xFFFFFD90] =	vst v12;
	s4 =	spop (v2sf);
	(v2sf) =	vpush v5, $0x9  }
0x19c: {  	v12 =	vld [tilespmem:s4+$0x0];
	s5 =	spop (v2sf);
	v13 =	vadd.f32 v19, v13;
	(v2sf) =	vpush v3, $0x9  }
0x19d: {  	v19 =	vld [tilespmem:s5+$0x0];
	s9 =	spop (v2sf);
	v14 =	vadd.f32 v18, v14  }
0x19e: {  	v18 =	vld [tilespmem:s9+$0x0];
	[tilespmem:s14+$0x0] =	vst v13  }
0x19f: {  	v13 =	vld [tilespmem:s6+$0x10];
	v14 =	vadd.f32 v15, v14  }
0x1a0: {  	v15 =	vld [tilespmem:s7+$0x10]  }
0x1a1: {  	v16 =	vadd.f32 v16, v17;
	v17 =	vld [tilespmem:s8+$0x10];
	[tilespmem:s13+$0x210] =	vst v14;
	s6 =	spop (v2sf)  }
0x1a2: {  	v12 =	vadd.f32 v19, v12;
	(v2sf) =	vpush v7, $0x5;
	v14 =	vld [tilespmem:s6+$0x0];
	s7 =	spop (v2sf)  }
0x1a3: {  	v16 =	vadd.f32 v20, v16;
	(v2sf) =	vpush v6, $0x5;
	v19 =	vld [tilespmem:s7+$0x0]  }
0x1a4: {  	s18 =	sadd.s32 $0x800, s18;
	v12 =	vadd.f32 v18, v12;
	(v2sf) =	vpush v8, $0x5;
	s8 =	spop (v2sf)  }
0x1a5: {  	[tilespmem:s18+$0xFFFFFC00] =	vst v16;
	v13 =	vadd.f32 v15, v13;
	v15 =	vld [tilespmem:s8+$0x0]  }
0x1a6: {  	v16 =	vld [tilespmem:s1+$0x10];
	[tilespmem:s15+$0xFFFFFE00] =	vst v12  }
0x1a7: {  	v12 =	vld [tilespmem:s4+$0x10];
	v13 =	vadd.f32 v17, v13  }
0x1a8: {  	v17 =	vld [tilespmem:s5+$0x10];
	v14 =	vadd.f32 v19, v14;
	(v2sf) =	vpush v2, $0xE  }
0x1a9: {  	v18 =	vld [tilespmem:s9+$0x10];
	[tilespmem:s14+$0x10] =	vst v13;
	s1 =	spop (v2sf);
	(v2sf) =	vpush v4, $0xE  }
0x1aa: {  	(v2sf) =	vpush v10, $0x1;
	v13 =	vld [tilespmem:s1+$0x0];
	s4 =	spop (v2sf);
	v14 =	vadd.f32 v15, v14  }
0x1ab: {  	v15 =	vld [tilespmem:s4+$0x0];
	s5 =	spop (v2sf);
	(v2sf) =	vpush v1, $0xE  }
0x1ac: {  	(v2sf) =	vpush v9, $0x1;
	v19 =	vld [tilespmem:s5+$0x0];
	[tilespmem:s13+$0x280] =	vst v14  }
0x1ad: {  	(v2sf) =	vpush v11, $0x1;
	v12 =	vadd.f32 v17, v12;
	v14 =	vld [tilespmem:s6+$0x10]  }
0x1ae: {  	v17 =	vld [tilespmem:s7+$0x10]  }
0x1af: {  	v20 =	vld [tilespmem:s3+$0x10];
	v12 =	vadd.f32 v18, v12  }
0x1b0: {  	v13 =	vadd.f32 v15, v13;
	v15 =	vld [tilespmem:s8+$0x10]  }
0x1b1: {  	v18 =	vld [tilespmem:s0+$0x10];
	[tilespmem:s15+$0xFFFFFE10] =	vst v12;
	s3 =	spop (v2sf);
	(v2sf) =	vpush v0, $0xA  }
0x1b2: {  	v12 =	vld [tilespmem:s3+$0x0];
	s6 =	spop (v2sf);
	v13 =	vadd.f32 v19, v13;
	(v2sf) =	vpush v5, $0xA  }
0x1b3: {  	v19 =	vld [tilespmem:s6+$0x0];
	s7 =	spop (v2sf);
	v14 =	vadd.f32 v17, v14  }
0x1b4: {  	v17 =	vld [tilespmem:s7+$0x0];
	[tilespmem:s14+$0x80] =	vst v13;
	(v2sf) =	vpush v3, $0xA  }
0x1b5: {  	v13 =	vadd.f32 v20, v16;
	v16 =	vld [tilespmem:s5+$0x10];
	v14 =	vadd.f32 v15, v14  }
0x1b6: {  	v15 =	vld [tilespmem:s1+$0x10]  }
0x1b7: {  	v13 =	vadd.f32 v18, v13;
	v18 =	vld [tilespmem:s4+$0x10];
	[tilespmem:s13+$0x290] =	vst v14;
	s4 =	spop (v2sf)  }
0x1b8: {  	v14 =	vld [tilespmem:s4+$0x0];
	s5 =	spop (v2sf)  }
0x1b9: {  	[tilespmem:s18+$0xFFFFFC10] =	vst v13;
	s0 =	spop (v2sf);
	v13 =	vadd.f32 v17, v19;
	v17 =	vld [tilespmem:s5+$0x0]  }
0x1ba: {  	v19 =	vld [tilespmem:s0+$0x0];
	(v2sf) =	vpush v7, $0x6;
	s8 =	spop (v2sf)  }
0x1bb: {  	s9 =	spop (v2sf);
	v12 =	vadd.f32 v12, v13;
	(v2sf) =	vpush v6, $0x6;
	v13 =	vld [tilespmem:s8+$0x0]  }
0x1bc: {  	v20 =	vld [tilespmem:s9+$0x0];
	s10 =	spop (v2sf);
	(v2sf) =	vpush v8, $0x6;
	v15 =	vadd.f32 v18, v15  }
0x1bd: {  	v18 =	vld [tilespmem:s10+$0x0];
	[tilespmem:s15+$0xFFFFFE80] =	vst v12;
	(v2sf) =	vpush v2, $0xF;
	v2 =	vmovc v0;
	v0 =	vmov v6;
	v6 =	vmov v9  }
0x1be: {  	v9 =	vld [tilespmem:s3+$0x10];
	v12 =	vadd.f32 v16, v15;
	v14 =	vadd.f32 v17, v14  }
0x1bf: {  	s20 =	sadd.s32 $0x10, s20;
	v15 =	vld [tilespmem:s6+$0x10];
	(v2sf) =	vpush v4, $0xF;
	v4 =	vmovc v5;
	v5 =	vmov v8;
	v8 =	vmov v11  }
0x1c0: {  	p1 =	slt.u32 s20, $0x40;
	v11 =	vld [tilespmem:s7+$0x10];
	[tilespmem:s14+$0x90] =	vst v12;
	s3 =	spop (v2sf);
	v12 =	vadd.f32 v13, v14  }
0x1c1: {  	v13 =	vld [tilespmem:s3+$0x0];
	s6 =	spop (v2sf);
	(v2sf) =	vpush v1, $0xF;
	v1 =	vmovc v3;
	v3 =	vmov v7;
	v7 =	vmov v10  }
0x1c2: {  	v10 =	vadd.f32 v18, v20;
	(v2sf) =	vpush v7, $0x2;
	v14 =	vld [tilespmem:s6+$0x0];
	[tilespmem:s13+$0x300] =	vst v12  }
0x1c3: {  	s1 =	spop (v2sf);
	v12 =	vld [tilespmem:s4+$0x10]  }
0x1c4: {  	v10 =	vadd.f32 v19, v10;
	(v2sf) =	vpush v6, $0x2;
	v16 =	vld [tilespmem:s5+$0x10]  }
0x1c5: {  	(v2sf) =	vpush v8, $0x2;
	v11 =	vadd.f32 v11, v15;
	v15 =	vld [tilespmem:s1+$0x0]  }
0x1c6: {  	[tilespmem:s18+$0xFFFFFC80] =	vst v10;
	v10 =	vld [tilespmem:s8+$0x10]  }
0x1c7: {  	v17 =	vld [tilespmem:s9+$0x10];
	v9 =	vadd.f32 v9, v11  }
0x1c8: {  	v13 =	vadd.f32 v14, v13;
	v11 =	vld [tilespmem:s10+$0x10]  }
0x1c9: {  	v14 =	vld [tilespmem:s0+$0x10];
	[tilespmem:s15+$0xFFFFFE90] =	vst v9;
	s0 =	spop (v2sf);
	v9 =	vadd.f32 v16, v12  }
0x1ca: {  	v12 =	vld [tilespmem:s0+$0x0];
	s7 =	spop (v2sf);
	v13 =	vadd.f32 v15, v13  }
0x1cb: {  	v15 =	vld [tilespmem:s7+$0x0];
	s8 =	spop (v2sf);
	(v2sf) =	vpush v2, $0xB;
	v9 =	vadd.f32 v10, v9  }
0x1cc: {  	v10 =	vld [tilespmem:s8+$0x0];
	[tilespmem:s14+$0x100] =	vst v13;
	s9 =	spop (v2sf)  }
0x1cd: {  	v11 =	vadd.f32 v11, v17;
	v13 =	vld [tilespmem:s3+$0x10];
	(v2sf) =	vpush v4, $0xB;
	[tilespmem:s13+$0x310] =	vst v9  }
0x1ce: {  	v9 =	vld [tilespmem:s9+$0x0];
	s10 =	spop (v2sf)  }
0x1cf: {  	v11 =	vadd.f32 v14, v11;
	(v2sf) =	vpush v1, $0xB;
	v14 =	vld [tilespmem:s10+$0x0]  }
0x1d0: {  	v16 =	vld [tilespmem:s6+$0x10];
	s6 =	spop (v2sf)  }
0x1d1: {  	[tilespmem:s18+$0xFFFFFC90] =	vst v11;
	s3 =	spop (v2sf);
	v10 =	vadd.f32 v10, v15;
	v11 =	vld [tilespmem:s6+$0x0]  }
0x1d2: {  	v17 =	vld [tilespmem:s3+$0x0]  }
0x1d3: {  	s4 =	spop (v2sf);
	v10 =	vadd.f32 v12, v10;
	(v2sf) =	vpush v0, $0x7;
	v12 =	vld [tilespmem:s1+$0x10]  }
0x1d4: {  	v18 =	vld [tilespmem:s4+$0x0];
	s5 =	spop (v2sf);
	(v2sf) =	vpush v3, $0x7;
	v9 =	vadd.f32 v14, v9  }
0x1d5: {  	v19 =	vld [tilespmem:s5+$0x0];
	[tilespmem:s15+$0xFFFFFF00] =	vst v10;
	(v2sf) =	vpush v5, $0x7  }
0x1d6: {  	v10 =	vadd.f32 v16, v13;
	v14 =	vld [tilespmem:s0+$0x10];
	v9 =	vadd.f32 v11, v9  }
0x1d7: {  	v15 =	vld [tilespmem:s7+$0x10]  }
0x1d8: {  	v16 =	vld [tilespmem:s8+$0x10];
	v10 =	vadd.f32 v12, v10;
	[tilespmem:s13+$0x380] =	vst v9  }
.Ltmp0:
0x1d9: {  	v9 =	vld [tilespmem:s9+$0x10];
	(pc) =	sbr.rel @p1 .LBB2_3-.Ltmp0, $4  }
0x1da: {  	[tilespmem:s14+$0x110] =	vst v10;
	s0 =	spop (v2sf);
	v10 =	vld [tilespmem:s10+$0x10]  }
0x1db: {  	(v2sf) =	vpush v6, $0x3;
	v12 =	vld [tilespmem:s0+$0x0]  }
0x1dc: {  	v18 =	vadd.f32 v19, v18;
	(v2sf) =	vpush v7, $0x3;
	s1 =	spop (v2sf);
	v11 =	vld [tilespmem:s6+$0x10]  }
0x1dd: {  	s2 =	sadd.s32 $0x10, s2;
	(v2sf) =	vpush v8, $0x3;
	v13 =	vld [tilespmem:s1+$0x0]  }
0x1de: {  	v17 =	vadd.f32 v17, v18;
	_ =	sdelay $0x1  }
0x1df: {  	[tilespmem:s18+$0xFFFFFD00] =	vst v17  }
0x1e0: {  	v17 =	vld [tilespmem:s4+$0x10]  }
0x1e1: {  	v18 =	vld [tilespmem:s5+$0x10];
	_ =	sdelay $0x1  }
0x1e2: {  	v19 =	vld [tilespmem:s3+$0x10];
	_ =	sdelay $0x1  }
0x1e3: {  	s22 =	spop (v2sf)  }
0x1e4: {  	s28 =	spop (v2sf);
	v17 =	vadd.f32 v18, v17  }
0x1e5: {  	s10 =	spop (v2sf)  }
0x1e6: {  	s30 =	spop (v2sf);
	v17 =	vadd.f32 v19, v17  }
0x1e7: {  	s2 =	spop (v2sf)  }
0x1e8: {  	[tilespmem:s18+$0xFFFFFD10] =	vst v17;
	s9 =	spop (v2sf)  }
0x1e9: {  	(v2sf) =	vpush v2, $0xC;
	v17 =	vld [tilespmem:s2+$0x0];
	s11 =	spop (v2sf)  }
0x1ea: {  	(v2sf) =	vpush v4, $0xC;
	v18 =	vld [tilespmem:s11+$0x0]  }
0x1eb: {  	(v2sf) =	vpush v1, $0xC  }
0x1ec: {  	(v2sf) =	vpush v0, $0x8;
	v19 =	vld [tilespmem:s9+$0x0]  }
0x1ed: {  	(v2sf) =	vpush v5, $0x8  }
0x1ee: {  	(v2sf) =	vpush v3, $0x8  }
0x1ef: {  	(v2sf) =	vpush v6, $0x4;
	v17 =	vadd.f32 v18, v17  }
0x1f0: {  	(v2sf) =	vpush v8, $0x4  }
0x1f1: {  	v17 =	vadd.f32 v19, v17  }
0x1f2: {  	(v2sf) =	vpush v7, $0x4  }
0x1f3: {  	[tilespmem:s18+$0xFFFFFD80] =	vst v17  }
0x1f4: {  	v17 =	vld [tilespmem:s2+$0x10]  }
0x1f5: {  	v18 =	vld [tilespmem:s11+$0x10];
	_ =	sdelay $0x1  }
0x1f6: {  	v19 =	vld [tilespmem:s9+$0x10]  }
0x1f7: {  	s29 =	spop (v2sf)  }
0x1f8: {  	s26 =	spop (v2sf)  }
0x1f9: {  	s25 =	spop (v2sf);
	v17 =	vadd.f32 v18, v17  }
0x1fa: {  	s11 =	spop (v2sf)  }
0x1fb: {  	s5 =	spop (v2sf);
	v17 =	vadd.f32 v19, v17  }
0x1fc: {  	s7 =	spop (v2sf)  }
0x1fd: {  	(v2sf) =	vpush v2, $0xD;
	s12 =	spop (v2sf);
	[tilespmem:s18+$0xFFFFFD90] =	vst v17  }
0x1fe: {  	(v2sf) =	vpush v4, $0xD;
	s16 =	spop (v2sf);
	v17 =	vld [tilespmem:s12+$0x0]  }
0x1ff: {  	(v2sf) =	vpush v1, $0xD;
	v18 =	vld [tilespmem:s16+$0x0]  }
0x200: {  	(v2sf) =	vpush v0, $0x9;
	s17 =	spop (v2sf)  }
0x201: {  	(v2sf) =	vpush v5, $0x9;
	v19 =	vld [tilespmem:s17+$0x0]  }
0x202: {  	(v2sf) =	vpush v3, $0x9  }
0x203: {  	(v2sf) =	vpush v7, $0x5  }
0x204: {  	(v2sf) =	vpush v6, $0x5;
	v17 =	vadd.f32 v18, v17  }
0x205: {  	(v2sf) =	vpush v8, $0x5  }
0x206: {  	v17 =	vadd.f32 v19, v17;
	_ =	sdelay $0x1  }
0x207: {  	[tilespmem:s18+$0xFFFFFE00] =	vst v17  }
0x208: {  	v17 =	vld [tilespmem:s12+$0x10]  }
0x209: {  	v18 =	vld [tilespmem:s16+$0x10];
	_ =	sdelay $0x1  }
0x20a: {  	s23 =	spop (v2sf);
	v19 =	vld [tilespmem:s17+$0x10]  }
0x20b: {  	s24 =	spop (v2sf)  }
0x20c: {  	s31 =	spop (v2sf)  }
0x20d: {  	s8 =	spop (v2sf);
	v17 =	vadd.f32 v18, v17  }
0x20e: {  	s9 =	spop (v2sf)  }
0x20f: {  	(v2sf) =	vpush v2, $0xE;
	s6 =	spop (v2sf);
	v17 =	vadd.f32 v19, v17  }
0x210: {  	s19 =	spop (v2sf)  }
0x211: {  	s20 =	spop (v2sf);
	[tilespmem:s18+$0xFFFFFE10] =	vst v17  }
0x212: {  	(v2sf) =	vpush v4, $0xE;
	s21 =	spop (v2sf);
	v17 =	vld [tilespmem:s20+$0x0]  }
0x213: {  	(v2sf) =	vpush v1, $0xE;
	v18 =	vld [tilespmem:s21+$0x0]  }
0x214: {  	(v2sf) =	vpush v0, $0xA  }
0x215: {  	(v2sf) =	vpush v5, $0xA;
	v19 =	vld [tilespmem:s19+$0x0]  }
0x216: {  	(v2sf) =	vpush v3, $0xA  }
0x217: {  	(v2sf) =	vpush v7, $0x6  }
0x218: {  	(v2sf) =	vpush v6, $0x6;
	v17 =	vadd.f32 v18, v17  }
0x219: {  	(v2sf) =	vpush v8, $0x6  }
0x21a: {  	v17 =	vadd.f32 v19, v17;
	_ =	sdelay $0x1  }
0x21b: {  	[tilespmem:s18+$0xFFFFFE80] =	vst v17  }
0x21c: {  	v17 =	vld [tilespmem:s20+$0x10]  }
0x21d: {  	s12 =	spop (v2sf);
	v18 =	vld [tilespmem:s21+$0x10]  }
0x21e: {  	[smem:$0x7FC] =	sst s12  }
0x21f: {  	v19 =	vld [tilespmem:s19+$0x10]  }
0x220: {  	s16 =	spop (v2sf)  }
0x221: {  	s17 =	spop (v2sf)  }
0x222: {  	s12 =	spop (v2sf);
	v17 =	vadd.f32 v18, v17  }
0x223: {  	[smem:$0x7FD] =	sst s16;
	s16 =	spop (v2sf)  }
0x224: {  	[dreg:$0x1f] =	wrdreg s17;
	s17 =	spop (v2sf);
	v17 =	vadd.f32 v19, v17  }
0x225: {  	s19 =	spop (v2sf)  }
0x226: {  	(v2sf) =	vpush v2, $0xF;
	s20 =	spop (v2sf);
	[tilespmem:s18+$0xFFFFFE90] =	vst v17  }
0x227: {  	(v2sf) =	vpush v4, $0xF;
	s21 =	spop (v2sf);
	v2 =	vld [tilespmem:s20+$0x0]  }
0x228: {  	(v2sf) =	vpush v1, $0xF;
	v1 =	vld [tilespmem:s21+$0x0]  }
0x229: {  	(v2sf) =	vpush v0, $0xB  }
0x22a: {  	(v2sf) =	vpush v5, $0xB;
	v4 =	vld [tilespmem:s19+$0x0]  }
0x22b: {  	(v2sf) =	vpush v3, $0xB  }
0x22c: {  	(v2sf) =	vpush v6, $0x7  }
0x22d: {  	(v2sf) =	vpush v7, $0x7;
	v1 =	vadd.f32 v1, v2  }
0x22e: {  	(v2sf) =	vpush v8, $0x7  }
0x22f: {  	v1 =	vadd.f32 v4, v1;
	_ =	sdelay $0x1  }
0x230: {  	[tilespmem:s18+$0xFFFFFF00] =	vst v1  }
0x231: {  	v1 =	vld [tilespmem:s20+$0x10]  }
0x232: {  	v2 =	vld [tilespmem:s21+$0x10];
	_ =	sdelay $0x1  }
0x233: {  	v15 =	vadd.f32 v16, v15;
	s3 =	spop (v2sf);
	v4 =	vld [tilespmem:s19+$0x10]  }
0x234: {  	s4 =	spop (v2sf);
	[dreg:$0x1c] =	wrdreg s3  }
0x235: {  	v14 =	vadd.f32 v14, v15;
	[dreg:$0x16] =	wrdreg s4;
	s19 =	spop (v2sf)  }
0x236: {  	[dreg:$0x19] =	wrdreg s19;
	s20 =	spop (v2sf);
	v1 =	vadd.f32 v2, v1  }
0x237: {  	[tilespmem:s15+$0xFFFFFF10] =	vst v14;
	s21 =	spop (v2sf)  }
0x238: {  	s19 =	spop (v2sf);
	v2 =	vld [tilespmem:s28+$0x0];
	v1 =	vadd.f32 v4, v1  }
0x239: {  	s4 =	spop (v2sf);
	v4 =	vld [tilespmem:s30+$0x0]  }
0x23a: {  	v14 =	vld [tilespmem:s10+$0x0];
	s3 =	spop (v2sf);
	[tilespmem:s18+$0xFFFFFF10] =	vst v1  }
0x23b: {  	s2 =	spop (v2sf);
	v1 =	vld [tilespmem:s4+$0x0]  }
0x23c: {  	v15 =	vld [tilespmem:s2+$0x0];
	_ =	sdelay $0x1  }
0x23d: {  	(v2sf) =	vpush v0, $0xC;
	v2 =	vadd.f32 v4, v2;
	v4 =	vld [tilespmem:s3+$0x0]  }
0x23e: {  	(v2sf) =	vpush v5, $0xC  }
0x23f: {  	(v2sf) =	vpush v3, $0xC;
	v2 =	vadd.f32 v14, v2  }
0x240: {  	(v2sf) =	vpush v6, $0x8;
	v1 =	vadd.f32 v15, v1  }
0x241: {  	(v2sf) =	vpush v8, $0x8;
	[tilespmem:s15+$0xFFFFFF80] =	vst v2  }
0x242: {  	v2 =	vld [tilespmem:s28+$0x10];
	v1 =	vadd.f32 v4, v1  }
0x243: {  	(v2sf) =	vpush v7, $0x8;
	v4 =	vld [tilespmem:s30+$0x10]  }
0x244: {  	v14 =	vld [tilespmem:s10+$0x10];
	[tilespmem:s18+$0xFFFFFF80] =	vst v1  }
0x245: {  	v1 =	vld [tilespmem:s4+$0x10]  }
0x246: {  	v15 =	vld [tilespmem:s2+$0x10];
	_ =	sdelay $0x1  }
0x247: {  	v16 =	vld [tilespmem:s3+$0x10];
	v2 =	vadd.f32 v4, v2;
	_ =	sdelay $0x1  }
0x248: {  	v2 =	vadd.f32 v14, v2  }
0x249: {  	v1 =	vadd.f32 v15, v1  }
0x24a: {  	s28 =	spop (v2sf);
	[tilespmem:s15+$0xFFFFFF90] =	vst v2  }
0x24b: {  	s30 =	spop (v2sf);
	v2 =	vld [tilespmem:s11+$0x0];
	v1 =	vadd.f32 v16, v1  }
0x24c: {  	s10 =	spop (v2sf);
	v4 =	vld [tilespmem:s5+$0x0]  }
0x24d: {  	s2 =	spop (v2sf);
	v14 =	vld [tilespmem:s7+$0x0];
	[tilespmem:s18+$0xFFFFFF90] =	vst v1  }
0x24e: {  	s3 =	spop (v2sf);
	v1 =	vld [tilespmem:s2+$0x0]  }
0x24f: {  	v15 =	vld [tilespmem:s3+$0x0]  }
0x250: {  	s4 =	spop (v2sf)  }
0x251: {  	(v2sf) =	vpush v0, $0xD;
	v2 =	vadd.f32 v4, v2;
	v4 =	vld [tilespmem:s4+$0x0]  }
0x252: {  	(v2sf) =	vpush v5, $0xD  }
0x253: {  	(v2sf) =	vpush v3, $0xD;
	v2 =	vadd.f32 v14, v2  }
0x254: {  	(v2sf) =	vpush v6, $0x9;
	v1 =	vadd.f32 v15, v1  }
0x255: {  	(v2sf) =	vpush v8, $0x9;
	[tilespmem:s15+$0x0] =	vst v2  }
0x256: {  	v2 =	vld [tilespmem:s11+$0x10];
	v1 =	vadd.f32 v4, v1  }
0x257: {  	(v2sf) =	vpush v7, $0x9;
	v4 =	vld [tilespmem:s5+$0x10]  }
0x258: {  	v14 =	vld [tilespmem:s7+$0x10];
	[tilespmem:s18+$0x0] =	vst v1  }
0x259: {  	v1 =	vld [tilespmem:s2+$0x10]  }
0x25a: {  	v15 =	vld [tilespmem:s3+$0x10];
	_ =	sdelay $0x1  }
0x25b: {  	v16 =	vld [tilespmem:s4+$0x10];
	v2 =	vadd.f32 v4, v2;
	_ =	sdelay $0x1  }
0x25c: {  	v2 =	vadd.f32 v14, v2  }
0x25d: {  	v1 =	vadd.f32 v15, v1  }
0x25e: {  	s7 =	spop (v2sf);
	[tilespmem:s15+$0x10] =	vst v2  }
0x25f: {  	s11 =	spop (v2sf);
	v2 =	vld [tilespmem:s8+$0x0];
	v1 =	vadd.f32 v16, v1  }
0x260: {  	s5 =	spop (v2sf);
	v4 =	vld [tilespmem:s9+$0x0]  }
0x261: {  	s2 =	spop (v2sf);
	v14 =	vld [tilespmem:s6+$0x0];
	[tilespmem:s18+$0x10] =	vst v1  }
0x262: {  	s3 =	spop (v2sf);
	v1 =	vld [tilespmem:s2+$0x0]  }
0x263: {  	v15 =	vld [tilespmem:s3+$0x0]  }
0x264: {  	s4 =	spop (v2sf)  }
0x265: {  	(v2sf) =	vpush v0, $0xE;
	v2 =	vadd.f32 v4, v2;
	v4 =	vld [tilespmem:s4+$0x0]  }
0x266: {  	(v2sf) =	vpush v5, $0xE  }
0x267: {  	(v2sf) =	vpush v3, $0xE;
	v2 =	vadd.f32 v14, v2  }
0x268: {  	(v2sf) =	vpush v6, $0xA;
	v1 =	vadd.f32 v15, v1  }
0x269: {  	(v2sf) =	vpush v8, $0xA;
	[tilespmem:s15+$0x80] =	vst v2  }
0x26a: {  	v2 =	vld [tilespmem:s8+$0x10];
	v1 =	vadd.f32 v4, v1  }
0x26b: {  	(v2sf) =	vpush v7, $0xA;
	v4 =	vld [tilespmem:s9+$0x10]  }
0x26c: {  	v14 =	vld [tilespmem:s6+$0x10];
	[tilespmem:s18+$0x80] =	vst v1  }
0x26d: {  	v1 =	vld [tilespmem:s2+$0x10]  }
0x26e: {  	v15 =	vld [tilespmem:s3+$0x10];
	_ =	sdelay $0x1  }
0x26f: {  	v16 =	vld [tilespmem:s4+$0x10];
	v2 =	vadd.f32 v4, v2;
	_ =	sdelay $0x1  }
0x270: {  	v2 =	vadd.f32 v14, v2  }
0x271: {  	v1 =	vadd.f32 v15, v1  }
0x272: {  	s9 =	spop (v2sf);
	[tilespmem:s15+$0x90] =	vst v2  }
0x273: {  	s6 =	spop (v2sf);
	v2 =	vld [tilespmem:s12+$0x0];
	v1 =	vadd.f32 v16, v1  }
0x274: {  	s8 =	spop (v2sf);
	v4 =	vld [tilespmem:s16+$0x0]  }
0x275: {  	s2 =	spop (v2sf);
	v14 =	vld [tilespmem:s17+$0x0];
	[tilespmem:s18+$0x90] =	vst v1  }
0x276: {  	s3 =	spop (v2sf);
	v1 =	vld [tilespmem:s2+$0x0]  }
0x277: {  	v15 =	vld [tilespmem:s3+$0x0]  }
0x278: {  	s4 =	spop (v2sf)  }
0x279: {  	(v2sf) =	vpush v0, $0xF;
	v0 =	vld [tilespmem:s4+$0x0];
	v2 =	vadd.f32 v4, v2;
	_ =	sdelay $0x1  }
0x27a: {  	(v2sf) =	vpush v5, $0xF;
	v2 =	vadd.f32 v14, v2  }
0x27b: {  	(v2sf) =	vpush v3, $0xF;
	v1 =	vadd.f32 v15, v1  }
0x27c: {  	(v2sf) =	vpush v6, $0xB;
	[tilespmem:s15+$0x100] =	vst v2  }
0x27d: {  	(v2sf) =	vpush v8, $0xB;
	v2 =	vld [tilespmem:s12+$0x10];
	v0 =	vadd.f32 v0, v1  }
0x27e: {  	(v2sf) =	vpush v7, $0xB;
	v1 =	vld [tilespmem:s16+$0x10]  }
0x27f: {  	v3 =	vld [tilespmem:s17+$0x10];
	[tilespmem:s18+$0x100] =	vst v0  }
0x280: {  	v0 =	vld [tilespmem:s2+$0x10]  }
0x281: {  	v4 =	vld [tilespmem:s3+$0x10];
	_ =	sdelay $0x1  }
0x282: {  	v5 =	vld [tilespmem:s4+$0x10];
	v1 =	vadd.f32 v1, v2;
	_ =	sdelay $0x1  }
0x283: {  	v1 =	vadd.f32 v3, v1  }
0x284: {  	v0 =	vadd.f32 v4, v0  }
0x285: {  	v2 =	vld [tilespmem:s22+$0x0];
	[tilespmem:s15+$0x110] =	vst v1  }
0x286: {  	s12 =	spop (v2sf);
	v1 =	vld [tilespmem:s20+$0x0];
	v0 =	vadd.f32 v5, v0  }
0x287: {  	s17 =	spop (v2sf);
	v3 =	vld [tilespmem:s21+$0x0]  }
0x288: {  	s16 =	spop (v2sf);
	[tilespmem:s18+$0x110] =	vst v0;
	v0 =	vadd.f32 v13, v12  }
0x289: {  	s2 =	spop (v2sf);
	v4 =	vld [tilespmem:s19+$0x0]  }
0x28a: {  	s3 =	spop (v2sf);
	v5 =	vld [tilespmem:s2+$0x0];
	v0 =	vadd.f32 v2, v0  }
0x28b: {  	s4 =	spop (v2sf);
	v12 =	vld [tilespmem:s3+$0x0]  }
0x28c: {  	v2 =	vld [tilespmem:s4+$0x0];
	v1 =	vadd.f32 v3, v1;
	[tilespmem:s14+$0x180] =	vst v0  }
0x28d: {  	v0 =	vld [tilespmem:s0+$0x10]  }
0x28e: {  	v1 =	vadd.f32 v4, v1;
	v3 =	vld [tilespmem:s1+$0x10];
	_ =	sdelay $0x1  }
0x28f: {  	(v2sf) =	vpush v6, $0xC;
	v4 =	vadd.f32 v12, v5;
	v5 =	vld [tilespmem:s22+$0x10];
	[tilespmem:s15+$0x180] =	vst v1  }
0x290: {  	(v2sf) =	vpush v8, $0xC;
	v1 =	vld [tilespmem:s20+$0x10]  }
0x291: {  	(v2sf) =	vpush v7, $0xC;
	v2 =	vadd.f32 v2, v4;
	v4 =	vld [tilespmem:s21+$0x10]  }
0x292: {  	v0 =	vadd.f32 v3, v0  }
0x293: {  	v12 =	vld [tilespmem:s19+$0x10];
	[tilespmem:s18+$0x180] =	vst v2  }
0x294: {  	v2 =	vld [tilespmem:s2+$0x10];
	v0 =	vadd.f32 v5, v0  }
0x295: {  	v3 =	vld [tilespmem:s3+$0x10]  }
0x296: {  	v5 =	vld [tilespmem:s4+$0x10];
	v1 =	vadd.f32 v4, v1;
	[tilespmem:s14+$0x190] =	vst v0  }
0x297: {  	v0 =	vld [tilespmem:s29+$0x0]  }
0x298: {  	v1 =	vadd.f32 v12, v1;
	v4 =	vld [tilespmem:s26+$0x0];
	_ =	sdelay $0x1  }
0x299: {  	v2 =	vadd.f32 v3, v2;
	v3 =	vld [tilespmem:s25+$0x0];
	[tilespmem:s15+$0x190] =	vst v1  }
0x29a: {  	v1 =	vld [tilespmem:s28+$0x0]  }
0x29b: {  	v2 =	vadd.f32 v5, v2;
	v5 =	vld [tilespmem:s30+$0x0]  }
0x29c: {  	v0 =	vadd.f32 v4, v0  }
0x29d: {  	s20 =	spop (v2sf);
	v12 =	vld [tilespmem:s10+$0x0];
	[tilespmem:s18+$0x190] =	vst v2  }
0x29e: {  	s21 =	spop (v2sf);
	v2 =	vld [tilespmem:s20+$0x0];
	v0 =	vadd.f32 v3, v0  }
0x29f: {  	s22 =	spop (v2sf);
	v4 =	vld [tilespmem:s21+$0x0]  }
0x2a0: {  	v3 =	vld [tilespmem:s22+$0x0];
	v1 =	vadd.f32 v5, v1;
	[tilespmem:s14+$0x200] =	vst v0  }
0x2a1: {  	v0 =	vld [tilespmem:s29+$0x10]  }
0x2a2: {  	v1 =	vadd.f32 v12, v1;
	v5 =	vld [tilespmem:s26+$0x10];
	_ =	sdelay $0x1  }
0x2a3: {  	(v2sf) =	vpush v6, $0xD;
	v2 =	vadd.f32 v4, v2;
	v4 =	vld [tilespmem:s25+$0x10];
	[tilespmem:s15+$0x200] =	vst v1  }
0x2a4: {  	(v2sf) =	vpush v8, $0xD;
	v1 =	vld [tilespmem:s28+$0x10]  }
0x2a5: {  	v2 =	vadd.f32 v3, v2;
	v3 =	vld [tilespmem:s30+$0x10]  }
0x2a6: {  	v0 =	vadd.f32 v5, v0  }
0x2a7: {  	v12 =	vld [tilespmem:s10+$0x10];
	[tilespmem:s18+$0x200] =	vst v2  }
0x2a8: {  	(v2sf) =	vpush v7, $0xD;
	v2 =	vld [tilespmem:s20+$0x10];
	v0 =	vadd.f32 v4, v0  }
0x2a9: {  	v5 =	vld [tilespmem:s21+$0x10]  }
0x2aa: {  	v1 =	vadd.f32 v3, v1;
	v3 =	vld [tilespmem:s22+$0x10];
	[tilespmem:s14+$0x210] =	vst v0  }
0x2ab: {  	v0 =	vld [tilespmem:s23+$0x0]  }
0x2ac: {  	v4 =	vld [tilespmem:s24+$0x0];
	_ =	sdelay $0x1  }
0x2ad: {  	v1 =	vadd.f32 v12, v1;
	v2 =	vadd.f32 v5, v2;
	v5 =	vld [tilespmem:s31+$0x0];
	_ =	sdelay $0x1  }
0x2ae: {  	[tilespmem:s15+$0x210] =	vst v1;
	v2 =	vadd.f32 v3, v2  }
0x2af: {  	v1 =	vld [tilespmem:s7+$0x0];
	v0 =	vadd.f32 v4, v0  }
0x2b0: {  	s3 =	spop (v2sf);
	v3 =	vld [tilespmem:s11+$0x0];
	[tilespmem:s18+$0x210] =	vst v2  }
0x2b1: {  	s4 =	spop (v2sf);
	v2 =	vld [tilespmem:s3+$0x0];
	v0 =	vadd.f32 v5, v0  }
0x2b2: {  	v4 =	vld [tilespmem:s4+$0x0]  }
0x2b3: {  	v12 =	vld [tilespmem:s5+$0x0];
	[tilespmem:s14+$0x280] =	vst v0  }
0x2b4: {  	v0 =	vld [tilespmem:s23+$0x10]  }
0x2b5: {  	s10 =	spop (v2sf);
	v5 =	vld [tilespmem:s24+$0x10]  }
0x2b6: {  	v1 =	vadd.f32 v3, v1;
	v3 =	vld [tilespmem:s10+$0x0]  }
0x2b7: {  	v2 =	vadd.f32 v4, v2;
	v4 =	vld [tilespmem:s31+$0x10]  }
0x2b8: {  	v1 =	vadd.f32 v12, v1  }
0x2b9: {  	(v2sf) =	vpush v6, $0xE  }
0x2ba: {  	(v2sf) =	vpush v8, $0xE;
	[tilespmem:s15+$0x280] =	vst v1;
	v0 =	vadd.f32 v5, v0  }
0x2bb: {  	v1 =	vld [tilespmem:s7+$0x10];
	v2 =	vadd.f32 v3, v2  }
0x2bc: {  	(v2sf) =	vpush v7, $0xE;
	v3 =	vld [tilespmem:s11+$0x10];
	v0 =	vadd.f32 v4, v0  }
0x2bd: {  	v12 =	vld [tilespmem:s5+$0x10];
	[tilespmem:s18+$0x280] =	vst v2  }
0x2be: {  	v2 =	vld [tilespmem:s3+$0x10];
	[tilespmem:s14+$0x290] =	vst v0  }
0x2bf: {  	v5 =	vld [tilespmem:s4+$0x10];
	s11 =	sld [smem:$0x7FC]  }
0x2c0: {  	s19 =	sld [smem:$0x7FD]  }
0x2c1: {  	v1 =	vadd.f32 v3, v1;
	v3 =	vld [tilespmem:s10+$0x10]  }
0x2c2: {  	v0 =	vld [tilespmem:s11+$0x0]  }
0x2c3: {  	v1 =	vadd.f32 v12, v1;
	v4 =	vld [tilespmem:s19+$0x0]  }
0x2c4: {  	s20 =	rddreg [dreg:$0x1f];
	v2 =	vadd.f32 v5, v2  }
0x2c5: {  	v5 =	vld [tilespmem:s20+$0x0];
	[tilespmem:s15+$0x290] =	vst v1  }
0x2c6: {  	v1 =	vld [tilespmem:s9+$0x0];
	v2 =	vadd.f32 v3, v2  }
0x2c7: {  	v3 =	vld [tilespmem:s6+$0x0]  }
0x2c8: {  	s21 =	spop (v2sf);
	v12 =	vld [tilespmem:s8+$0x0];
	[tilespmem:s18+$0x290] =	vst v2;
	v0 =	vadd.f32 v4, v0  }
0x2c9: {  	s22 =	spop (v2sf);
	v2 =	vld [tilespmem:s21+$0x0]  }
0x2ca: {  	v4 =	vld [tilespmem:s22+$0x0];
	v0 =	vadd.f32 v5, v0  }
0x2cb: {  	s23 =	spop (v2sf)  }
0x2cc: {  	v1 =	vadd.f32 v3, v1;
	v3 =	vld [tilespmem:s23+$0x0];
	[tilespmem:s14+$0x300] =	vst v0  }
0x2cd: {  	v0 =	vld [tilespmem:s11+$0x10]  }
0x2ce: {  	v1 =	vadd.f32 v12, v1;
	v5 =	vld [tilespmem:s19+$0x10]  }
0x2cf: {  	(v2sf) =	vpush v6, $0xF;
	v2 =	vadd.f32 v4, v2  }
0x2d0: {  	(v2sf) =	vpush v8, $0xF;
	[tilespmem:s15+$0x300] =	vst v1;
	v4 =	vld [tilespmem:s20+$0x10]  }
0x2d1: {  	v1 =	vld [tilespmem:s9+$0x10];
	v2 =	vadd.f32 v3, v2  }
0x2d2: {  	(v2sf) =	vpush v7, $0xF;
	v3 =	vld [tilespmem:s6+$0x10]  }
0x2d3: {  	v6 =	vld [tilespmem:s8+$0x10];
	[tilespmem:s18+$0x300] =	vst v2;
	v0 =	vadd.f32 v5, v0  }
0x2d4: {  	v2 =	vld [tilespmem:s21+$0x10]  }
0x2d5: {  	v5 =	vld [tilespmem:s22+$0x10];
	v0 =	vadd.f32 v4, v0;
	_ =	sdelay $0x1  }
0x2d6: {  	v1 =	vadd.f32 v3, v1;
	v3 =	vld [tilespmem:s23+$0x10];
	[tilespmem:s14+$0x310] =	vst v0  }
0x2d7: {  	s24 =	rddreg [dreg:$0x1c]  }
0x2d8: {  	v1 =	vadd.f32 v6, v1;
	s25 =	rddreg [dreg:$0x16];
	v0 =	vld [tilespmem:s24+$0x0]  }
0x2d9: {  	v2 =	vadd.f32 v5, v2;
	s26 =	rddreg [dreg:$0x19];
	v4 =	vld [tilespmem:s25+$0x0]  }
0x2da: {  	v5 =	vld [tilespmem:s26+$0x0];
	[tilespmem:s15+$0x310] =	vst v1  }
0x2db: {  	v1 =	vld [tilespmem:s12+$0x0];
	v2 =	vadd.f32 v3, v2  }
0x2dc: {  	v3 =	vld [tilespmem:s17+$0x0]  }
0x2dd: {  	s28 =	spop (v2sf);
	v6 =	vld [tilespmem:s16+$0x0];
	[tilespmem:s18+$0x310] =	vst v2  }
0x2de: {  	s29 =	spop (v2sf);
	v2 =	vld [tilespmem:s28+$0x0]  }
0x2df: {  	v0 =	vadd.f32 v4, v0;
	v4 =	vld [tilespmem:s29+$0x0]  }
0x2e0: {  	s30 =	spop (v2sf)  }
0x2e1: {  	v0 =	vadd.f32 v5, v0;
	v5 =	vld [tilespmem:s30+$0x0]  }
0x2e2: {  	v1 =	vadd.f32 v3, v1  }
0x2e3: {  	[tilespmem:s14+$0x380] =	vst v0  }
0x2e4: {  	v1 =	vadd.f32 v6, v1;
	v0 =	vld [tilespmem:s24+$0x10];
	v2 =	vadd.f32 v4, v2  }
0x2e5: {  	v3 =	vld [tilespmem:s25+$0x10]  }
0x2e6: {  	v4 =	vld [tilespmem:s26+$0x10];
	[tilespmem:s15+$0x380] =	vst v1;
	v1 =	vadd.f32 v5, v2  }
0x2e7: {  	v2 =	vld [tilespmem:s12+$0x10]  }
0x2e8: {  	v5 =	vld [tilespmem:s17+$0x10];
	[tilespmem:s18+$0x380] =	vst v1  }
0x2e9: {  	v1 =	vld [tilespmem:s28+$0x10]  }
0x2ea: {  	v6 =	vld [tilespmem:s29+$0x10]  }
0x2eb: {  	v7 =	vld [tilespmem:s16+$0x10]  }
0x2ec: {  	v8 =	vadd.f32 v10, v9;
	v9 =	vld [tilespmem:s30+$0x10]  }
0x2ed: {  	v0 =	vadd.f32 v3, v0  }
0x2ee: {  	v3 =	vadd.f32 v11, v8;
	v2 =	vadd.f32 v5, v2  }
0x2ef: {  	v0 =	vadd.f32 v4, v0;
	v1 =	vadd.f32 v6, v1  }
0x2f0: {  	s6 =	rddreg [dreg:$0x13];
	[tilespmem:s13+$0x390] =	vst v3;
	v2 =	vadd.f32 v7, v2  }
0x2f1: {  	s7 =	smul.u32 $0xA0, s6;
	[tilespmem:s14+$0x390] =	vst v0;
	v0 =	vadd.f32 v9, v1  }
0x2f2: {  	s8 =	rddreg [dreg:$0x4];
	[tilespmem:s15+$0x390] =	vst v2  }
0x2f3: {  	s0 =	sadd.s32 s8, s7;
	[tilespmem:s18+$0x390] =	vst v0  }
0x2f4: {  	s10 =	simm.s32 $0x0;
	s0 =	sshll.u32 s0, $0x4;
	s9 =	rddreg [dreg:$0x6]  }
0x2f5: {  	s11 =	simm.s32 $0x18000;
	s12 =	rddreg [dreg:$0xe];
	s0 =	sadd.s32 s9, s0  }
0x2f6: {  	[hbm4b:s0+s10] =	stream.linear.scatter [tilespmem:s11], [sflag:$0x3], $0x2800, $0x38;
	[tilespmem:$0x1D300] =	vst v63  }
0x2f7: {  	s0 =	sadd.s32 s7, s12  }
0x2f8: {  	s19 =	simm.s32 $0x2;
	s13 =	rddreg [dreg:$0x3];
	s0 =	sshrl.u32 s0, $0x3  }
0x2f9: {  	s14 =	simm.s32 $0x1D000;
	s15 =	rddreg [dreg:$0x5];
	s1 =	sadd.s32 s13, s0  }
0x2fa: {  	[tilespmem:s14], [sflag:$0x1] =	stream.linear.gather [hbm4b:s1+s10], $0x50, $0x38;
	[tilespmem:$0x1D300] =	vst v63  }
0x2fb: {  	s16 =	simm.s32 $0x1D080;
	s17 =	rddreg [dreg:$0x1];
	s1 =	sadd.s32 s15, s0  }
0x2fc: {  	[tilespmem:s16], [sflag:$0x1] =	stream.linear.gather [hbm4b:s1+s10], $0x50, $0x38;
	[tilespmem:$0x1D300] =	vst v63  }
0x2fd: {  	s18 =	simm.s32 $0x1D100;
	[dreg:$0x15] =	wrdreg s7;
	s0 =	sadd.s32 s17, s0  }
0x2fe: {  	[tilespmem:s18], [sflag:$0x1] =	stream.linear.gather [hbm4b:s0+s10], $0x50, $0x38;
	[tilespmem:$0x1D300] =	vst v63  }
0x2ff: {  	_ =	swait.ge [sflag:s19], $0x50  }
0x300: {  	[sflag:s19] =	ssyncset.done $0x0  }
0x301: {  	[sflag:s19] =	ssyncadd.s32 $0xFFFFFFB0  }
0x302: {  	_ =	swait.ge [sflag:s19], $0x50  }
0x303: {  	[sflag:s19] =	ssyncset.done $0x0  }
0x304: {  	[sflag:s19] =	ssyncadd.s32 $0xFFFFFFB0  }
0x305: {  	_ =	swait.ge [sflag:s19], $0x50  }
0x306: {  	[sflag:s19] =	ssyncset.done $0x0  }
0x307: {  	s0 =	simm.s32 @!p0 $0x4;
	[sflag:s19] =	ssyncadd.s32 $0xFFFFFFB0  }
0x308: {  	_ =	swait.ge @!p0 [sflag:s0], $0x2800  }
0x309: {  	[sflag:s0] =	ssyncset.done @!p0 $0x0  }
0x30a: {  	s20 =	simm.s32 $0x1D280;
	[sflag:s0] =	ssyncadd.s32 @!p0 $0xFFFFD800  }
0x30b: {  	s21 =	simm.s32 $0x1D180;
	v0 =	vld [tilespmem:s20+$0x0]  }
0x30c: {  	s22 =	simm.s32 $0x1D200;
	v1 =	vld [tilespmem:s21+$0x0]  }
0x30d: {  	v2 =	vld [tilespmem:s22+$0x0];
	_ =	sdelay $0x3  }
0x30e: {  	v10 =	vshll.u32 v1, $0x5;
	v0 =	vshll.u32 v0, $0x5  }
0x30f: {  	(v2sf) =	vpush v10, $0x0;
	v9 =	vadd.s32 $0x10000, v0;
	v0 =	vshll.u32 v2, $0x5  }
0x310: {  	(v2sf) =	vpush v9, $0x0;
	v11 =	vadd.s32 $0x8000, v0  }
0x311: {  	(v2sf) =	vpush v11, $0x0;
	_ =	sdelay $0xc  }
0x312: {  	s23 =	spop (v2sf)  }
0x313: {  	s24 =	spop (v2sf)  }
0x314: {  	v0 =	vld [tilespmem:s23+$0x0];
	s25 =	spop (v2sf)  }
0x315: {  	v1 =	vld [tilespmem:s25+$0x0];
	_ =	sdelay $0x1  }
0x316: {  	v2 =	vld [tilespmem:s24+$0x0];
	_ =	sdelay $0x1  }
0x317: {  	(v2sf) =	vpush v9, $0x1  }
0x318: {  	(v2sf) =	vpush v10, $0x1;
	v0 =	vadd.f32 v1, v0  }
0x319: {  	(v2sf) =	vpush v11, $0x1  }
0x31a: {  	v0 =	vadd.f32 v2, v0  }
0x31b: {  	s13 =	simm.s32 $0x1AC00  }
0x31c: {  	[tilespmem:s13+$0xFFFFFC00] =	vst v0  }
0x31d: {  	v0 =	vld [tilespmem:s23+$0x10]  }
0x31e: {  	v1 =	vld [tilespmem:s25+$0x10];
	_ =	sdelay $0x1  }
0x31f: {  	v2 =	vld [tilespmem:s24+$0x10];
	_ =	sdelay $0x2  }
0x320: {  	v0 =	vadd.f32 v1, v0;
	_ =	sdelay $0x1  }
0x321: {  	v0 =	vadd.f32 v2, v0  }
0x322: {  	s26 =	spop (v2sf)  }
0x323: {  	s28 =	spop (v2sf);
	[tilespmem:s13+$0xFFFFFC10] =	vst v0  }
0x324: {  	s29 =	spop (v2sf);
	v0 =	vld [tilespmem:s28+$0x0]  }
0x325: {  	v1 =	vld [tilespmem:s29+$0x0];
	_ =	sdelay $0x1  }
0x326: {  	v2 =	vld [tilespmem:s26+$0x0];
	_ =	sdelay $0x2  }
0x327: {  	(v2sf) =	vpush v9, $0x2;
	v0 =	vadd.f32 v1, v0  }
0x328: {  	(v2sf) =	vpush v10, $0x2  }
0x329: {  	(v2sf) =	vpush v11, $0x2;
	v0 =	vadd.f32 v2, v0;
	_ =	sdelay $0x1  }
0x32a: {  	[tilespmem:s13+$0xFFFFFC80] =	vst v0  }
0x32b: {  	v0 =	vld [tilespmem:s28+$0x10]  }
0x32c: {  	v1 =	vld [tilespmem:s29+$0x10];
	_ =	sdelay $0x1  }
0x32d: {  	v2 =	vld [tilespmem:s26+$0x10];
	_ =	sdelay $0x2  }
0x32e: {  	v0 =	vadd.f32 v1, v0;
	_ =	sdelay $0x1  }
0x32f: {  	v0 =	vadd.f32 v2, v0;
	_ =	sdelay $0x1  }
0x330: {  	s30 =	spop (v2sf);
	[tilespmem:s13+$0xFFFFFC90] =	vst v0  }
0x331: {  	v0 =	vld [tilespmem:s30+$0x0];
	s1 =	spop (v2sf)  }
0x332: {  	v1 =	vld [tilespmem:s1+$0x0];
	s3 =	spop (v2sf)  }
0x333: {  	v2 =	vld [tilespmem:s3+$0x0];
	_ =	sdelay $0x3  }
0x334: {  	(v2sf) =	vpush v10, $0x3  }
0x335: {  	(v2sf) =	vpush v9, $0x3;
	v1 =	vadd.f32 v2, v1  }
0x336: {  	(v2sf) =	vpush v11, $0x3  }
0x337: {  	v0 =	vadd.f32 v0, v1;
	_ =	sdelay $0x1  }
0x338: {  	[tilespmem:s13+$0xFFFFFD00] =	vst v0  }
0x339: {  	v0 =	vld [tilespmem:s1+$0x10]  }
0x33a: {  	v1 =	vld [tilespmem:s3+$0x10];
	_ =	sdelay $0x1  }
0x33b: {  	v2 =	vld [tilespmem:s30+$0x10];
	_ =	sdelay $0x2  }
0x33c: {  	s5 =	simm.s32 $0x1D190;
	v0 =	vadd.f32 v1, v0  }
0x33d: {  	s4 =	simm.s32 $0x1D290;
	v3 =	vld [tilespmem:s5+$0x0]  }
0x33e: {  	s6 =	simm.s32 $0x1D210;
	v1 =	vld [tilespmem:s4+$0x0];
	v0 =	vadd.f32 v2, v0  }
0x33f: {  	v4 =	vld [tilespmem:s6+$0x0];
	s7 =	spop (v2sf)  }
0x340: {  	s8 =	spop (v2sf);
	[tilespmem:s13+$0xFFFFFD10] =	vst v0  }
0x341: {  	s9 =	spop (v2sf);
	v0 =	vld [tilespmem:s7+$0x0]  }
0x342: {  	v5 =	vld [tilespmem:s9+$0x0]  }
0x343: {  	v2 =	vshll.u32 v3, $0x5;
	v1 =	vshll.u32 v1, $0x5  }
0x344: {  	v4 =	vshll.u32 v4, $0x5;
	(v2sf) =	vpush v2, $0x0;
	v3 =	vld [tilespmem:s8+$0x0];
	v1 =	vadd.s32 $0x10000, v1  }
0x345: {  	v4 =	vadd.s32 $0x8000, v4;
	(v2sf) =	vpush v1, $0x0  }
0x346: {  	(v2sf) =	vpush v4, $0x0  }
0x347: {  	(v2sf) =	vpush v10, $0x4;
	v0 =	vadd.f32 v5, v0  }
0x348: {  	(v2sf) =	vpush v11, $0x4  }
0x349: {  	v0 =	vadd.f32 v3, v0  }
0x34a: {  	(v2sf) =	vpush v9, $0x4  }
0x34b: {  	[tilespmem:s13+$0xFFFFFD80] =	vst v0  }
0x34c: {  	v0 =	vld [tilespmem:s7+$0x10]  }
0x34d: {  	v3 =	vld [tilespmem:s9+$0x10];
	_ =	sdelay $0x1  }
0x34e: {  	v5 =	vld [tilespmem:s8+$0x10];
	_ =	sdelay $0x2  }
0x34f: {  	v0 =	vadd.f32 v3, v0  }
0x350: {  	s10 =	spop (v2sf)  }
0x351: {  	s11 =	spop (v2sf);
	v0 =	vadd.f32 v5, v0  }
0x352: {  	s12 =	spop (v2sf)  }
0x353: {  	[tilespmem:s13+$0xFFFFFD90] =	vst v0;
	s15 =	spop (v2sf)  }
0x354: {  	v0 =	vld [tilespmem:s15+$0x0];
	s16 =	spop (v2sf)  }
0x355: {  	v3 =	vld [tilespmem:s16+$0x0]  }
0x356: {  	s17 =	spop (v2sf)  }
0x357: {  	v5 =	vld [tilespmem:s17+$0x0];
	_ =	sdelay $0x1  }
0x358: {  	(v2sf) =	vpush v9, $0x5  }
0x359: {  	(v2sf) =	vpush v10, $0x5;
	v0 =	vadd.f32 v3, v0  }
0x35a: {  	(v2sf) =	vpush v11, $0x5  }
0x35b: {  	v3 =	vld [tilespmem:s10+$0x0];
	v0 =	vadd.f32 v5, v0  }
0x35c: {  	v5 =	vld [tilespmem:s12+$0x0]  }
0x35d: {  	v6 =	vld [tilespmem:s11+$0x0];
	[tilespmem:s13+$0xFFFFFE00] =	vst v0  }
0x35e: {  	v0 =	vld [tilespmem:s15+$0x10]  }
0x35f: {  	v7 =	vld [tilespmem:s16+$0x10]  }
0x360: {  	(v2sf) =	vpush v1, $0x1  }
0x361: {  	(v2sf) =	vpush v2, $0x1;
	v3 =	vadd.f32 v5, v3;
	v5 =	vld [tilespmem:s17+$0x10]  }
0x362: {  	(v2sf) =	vpush v4, $0x1  }
0x363: {  	v3 =	vadd.f32 v6, v3  }
0x364: {  	s14 =	simm.s32 $0x1B400;
	v0 =	vadd.f32 v7, v0  }
0x365: {  	[tilespmem:s14+$0xFFFFFC00] =	vst v3  }
0x366: {  	v3 =	vld [tilespmem:s10+$0x10];
	v0 =	vadd.f32 v5, v0  }
0x367: {  	s18 =	spop (v2sf);
	v5 =	vld [tilespmem:s12+$0x10]  }
0x368: {  	s19 =	spop (v2sf);
	v6 =	vld [tilespmem:s11+$0x10];
	[tilespmem:s13+$0xFFFFFE10] =	vst v0  }
0x369: {  	s20 =	spop (v2sf);
	v0 =	vld [tilespmem:s19+$0x0]  }
0x36a: {  	v7 =	vld [tilespmem:s20+$0x0];
	_ =	sdelay $0x1  }
0x36b: {  	v8 =	vld [tilespmem:s18+$0x0];
	v3 =	vadd.f32 v5, v3;
	_ =	sdelay $0x1  }
0x36c: {  	(v2sf) =	vpush v9, $0x6;
	v3 =	vadd.f32 v6, v3  }
0x36d: {  	(v2sf) =	vpush v10, $0x6;
	s21 =	spop (v2sf);
	v0 =	vadd.f32 v7, v0  }
0x36e: {  	(v2sf) =	vpush v11, $0x6;
	s22 =	spop (v2sf);
	[tilespmem:s14+$0xFFFFFC10] =	vst v3  }
0x36f: {  	s23 =	spop (v2sf);
	v0 =	vadd.f32 v8, v0;
	v3 =	vld [tilespmem:s22+$0x0]  }
0x370: {  	v5 =	vld [tilespmem:s23+$0x0]  }
0x371: {  	v6 =	vld [tilespmem:s21+$0x0];
	[tilespmem:s13+$0xFFFFFE80] =	vst v0  }
0x372: {  	v0 =	vld [tilespmem:s19+$0x10]  }
0x373: {  	v7 =	vld [tilespmem:s20+$0x10]  }
0x374: {  	(v2sf) =	vpush v1, $0x2  }
0x375: {  	(v2sf) =	vpush v2, $0x2;
	v8 =	vld [tilespmem:s18+$0x10];
	v3 =	vadd.f32 v5, v3  }
0x376: {  	(v2sf) =	vpush v4, $0x2  }
0x377: {  	v3 =	vadd.f32 v6, v3  }
0x378: {  	v0 =	vadd.f32 v7, v0  }
0x379: {  	[tilespmem:s14+$0xFFFFFC80] =	vst v3  }
0x37a: {  	v3 =	vld [tilespmem:s22+$0x10];
	v0 =	vadd.f32 v8, v0  }
0x37b: {  	s24 =	spop (v2sf);
	v5 =	vld [tilespmem:s23+$0x10]  }
0x37c: {  	s25 =	spop (v2sf);
	v6 =	vld [tilespmem:s21+$0x10];
	[tilespmem:s13+$0xFFFFFE90] =	vst v0  }
0x37d: {  	s26 =	spop (v2sf);
	v0 =	vld [tilespmem:s25+$0x0]  }
0x37e: {  	v7 =	vld [tilespmem:s26+$0x0];
	_ =	sdelay $0x1  }
0x37f: {  	v8 =	vld [tilespmem:s24+$0x0];
	v3 =	vadd.f32 v5, v3;
	_ =	sdelay $0x1  }
0x380: {  	(v2sf) =	vpush v10, $0x7;
	v3 =	vadd.f32 v6, v3  }
0x381: {  	(v2sf) =	vpush v9, $0x7;
	s28 =	spop (v2sf);
	v0 =	vadd.f32 v7, v0  }
0x382: {  	(v2sf) =	vpush v11, $0x7;
	s29 =	spop (v2sf);
	[tilespmem:s14+$0xFFFFFC90] =	vst v3  }
0x383: {  	s30 =	spop (v2sf);
	v0 =	vadd.f32 v8, v0;
	v3 =	vld [tilespmem:s29+$0x0]  }
0x384: {  	v5 =	vld [tilespmem:s30+$0x0]  }
0x385: {  	v6 =	vld [tilespmem:s28+$0x0];
	[tilespmem:s13+$0xFFFFFF00] =	vst v0  }
0x386: {  	v0 =	vld [tilespmem:s25+$0x10]  }
0x387: {  	v7 =	vld [tilespmem:s26+$0x10]  }
0x388: {  	(v2sf) =	vpush v2, $0x3  }
0x389: {  	(v2sf) =	vpush v1, $0x3;
	v8 =	vld [tilespmem:s24+$0x10];
	v3 =	vadd.f32 v5, v3  }
0x38a: {  	(v2sf) =	vpush v4, $0x3  }
0x38b: {  	v3 =	vadd.f32 v6, v3  }
0x38c: {  	s2 =	simm.s32 $0x1D1A0;
	v0 =	vadd.f32 v7, v0  }
0x38d: {  	v5 =	vld [tilespmem:s2+$0x0];
	[tilespmem:s14+$0xFFFFFD00] =	vst v3  }
0x38e: {  	v0 =	vadd.f32 v8, v0;
	v3 =	vld [tilespmem:s29+$0x10]  }
0x38f: {  	s4 =	spop (v2sf);
	v6 =	vld [tilespmem:s30+$0x10]  }
0x390: {  	s5 =	spop (v2sf);
	v7 =	vld [tilespmem:s28+$0x10];
	[tilespmem:s13+$0xFFFFFF10] =	vst v0  }
0x391: {  	s6 =	spop (v2sf);
	v8 =	vld [tilespmem:s4+$0x0]  }
0x392: {  	v12 =	vld [tilespmem:s6+$0x0];
	_ =	sdelay $0x1  }
0x393: {  	v13 =	vld [tilespmem:s5+$0x0];
	v3 =	vadd.f32 v6, v3  }
0x394: {  	s7 =	simm.s32 $0x1D2A0;
	v0 =	vshll.u32 v5, $0x5  }
0x395: {  	s8 =	simm.s32 $0x1D220;
	v5 =	vld [tilespmem:s7+$0x0];
	(v2sf) =	vpush v0, $0x0;
	v3 =	vadd.f32 v7, v3  }
0x396: {  	s9 =	spop (v2sf);
	(v2sf) =	vpush v10, $0x8;
	v6 =	vld [tilespmem:s8+$0x0];
	v7 =	vadd.f32 v12, v8  }
0x397: {  	s10 =	spop (v2sf);
	(v2sf) =	vpush v11, $0x8;
	[tilespmem:s14+$0xFFFFFD10] =	vst v3  }
0x398: {  	s11 =	spop (v2sf);
	v8 =	vld [tilespmem:s9+$0x0];
	v3 =	vadd.f32 v13, v7  }
0x399: {  	(v2sf) =	vpush v9, $0x8;
	v7 =	vld [tilespmem:s11+$0x0]  }
0x39a: {  	v5 =	vshll.u32 v5, $0x5;
	v12 =	vld [tilespmem:s10+$0x0];
	[tilespmem:s13+$0xFFFFFF80] =	vst v3  }
0x39b: {  	v3 =	vadd.s32 $0x10000, v5;
	v5 =	vshll.u32 v6, $0x5;
	v6 =	vld [tilespmem:s4+$0x10]  }
0x39c: {  	(v2sf) =	vpush v3, $0x0;
	v5 =	vadd.s32 $0x8000, v5;
	v13 =	vld [tilespmem:s6+$0x10]  }
0x39d: {  	(v2sf) =	vpush v5, $0x0  }
0x39e: {  	v14 =	vld [tilespmem:s5+$0x10];
	v7 =	vadd.f32 v7, v8;
	(v2sf) =	vpush v2, $0x4  }
0x39f: {  	(v2sf) =	vpush v4, $0x4  }
0x3a0: {  	v7 =	vadd.f32 v12, v7;
	(v2sf) =	vpush v1, $0x4  }
0x3a1: {  	v6 =	vadd.f32 v13, v6  }
0x3a2: {  	[tilespmem:s14+$0xFFFFFD80] =	vst v7  }
0x3a3: {  	v7 =	vld [tilespmem:s9+$0x10];
	v6 =	vadd.f32 v14, v6  }
0x3a4: {  	s12 =	spop (v2sf);
	v8 =	vld [tilespmem:s11+$0x10]  }
0x3a5: {  	s15 =	spop (v2sf);
	v12 =	vld [tilespmem:s10+$0x10];
	[tilespmem:s13+$0xFFFFFF90] =	vst v6  }
0x3a6: {  	s16 =	spop (v2sf);
	v6 =	vld [tilespmem:s15+$0x0]  }
0x3a7: {  	v13 =	vld [tilespmem:s16+$0x0]  }
0x3a8: {  	s17 =	spop (v2sf)  }
0x3a9: {  	v14 =	vld [tilespmem:s17+$0x0];
	v7 =	vadd.f32 v8, v7;
	_ =	sdelay $0x1  }
0x3aa: {  	v7 =	vadd.f32 v12, v7;
	s18 =	spop (v2sf)  }
0x3ab: {  	(v2sf) =	vpush v10, $0x9;
	v6 =	vadd.f32 v13, v6;
	s19 =	spop (v2sf)  }
0x3ac: {  	(v2sf) =	vpush v11, $0x9;
	[tilespmem:s14+$0xFFFFFD90] =	vst v7;
	s20 =	spop (v2sf)  }
0x3ad: {  	v6 =	vadd.f32 v14, v6;
	v7 =	vld [tilespmem:s20+$0x0];
	s21 =	spop (v2sf)  }
0x3ae: {  	(v2sf) =	vpush v9, $0x9;
	v8 =	vld [tilespmem:s21+$0x0];
	s22 =	spop (v2sf)  }
0x3af: {  	[tilespmem:s13+$0x0] =	vst v6;
	v12 =	vld [tilespmem:s22+$0x0]  }
0x3b0: {  	v6 =	vld [tilespmem:s15+$0x10]  }
0x3b1: {  	v13 =	vld [tilespmem:s16+$0x10]  }
0x3b2: {  	(v2sf) =	vpush v1, $0x5  }
0x3b3: {  	(v2sf) =	vpush v2, $0x5;
	v14 =	vld [tilespmem:s17+$0x10];
	v7 =	vadd.f32 v8, v7  }
0x3b4: {  	(v2sf) =	vpush v4, $0x5  }
0x3b5: {  	v8 =	vld [tilespmem:s12+$0x0];
	v7 =	vadd.f32 v12, v7  }
0x3b6: {  	v6 =	vadd.f32 v13, v6;
	v12 =	vld [tilespmem:s19+$0x0]  }
0x3b7: {  	v13 =	vld [tilespmem:s18+$0x0];
	[tilespmem:s14+$0xFFFFFE00] =	vst v7  }
0x3b8: {  	v6 =	vadd.f32 v14, v6;
	v7 =	vld [tilespmem:s20+$0x10]  }
0x3b9: {  	v14 =	vld [tilespmem:s21+$0x10]  }
0x3ba: {  	(v2sf) =	vpush v3, $0x1;
	s23 =	spop (v2sf);
	v15 =	vld [tilespmem:s22+$0x10];
	[tilespmem:s13+$0x10] =	vst v6  }
0x3bb: {  	(v2sf) =	vpush v0, $0x1;
	s24 =	spop (v2sf);
	v6 =	vadd.f32 v12, v8;
	v8 =	vld [tilespmem:s23+$0x0]  }
0x3bc: {  	(v2sf) =	vpush v5, $0x1;
	v12 =	vld [tilespmem:s24+$0x0]  }
0x3bd: {  	s25 =	spop (v2sf);
	v6 =	vadd.f32 v13, v6  }
0x3be: {  	s15 =	simm.s32 $0x1BC00;
	v13 =	vld [tilespmem:s25+$0x0];
	v7 =	vadd.f32 v14, v7  }
0x3bf: {  	[tilespmem:s15+$0xFFFFFC00] =	vst v6  }
0x3c0: {  	v6 =	vld [tilespmem:s12+$0x10];
	v7 =	vadd.f32 v15, v7  }
0x3c1: {  	(v2sf) =	vpush v10, $0xA;
	s26 =	spop (v2sf);
	v14 =	vld [tilespmem:s19+$0x10];
	v8 =	vadd.f32 v12, v8  }
0x3c2: {  	(v2sf) =	vpush v11, $0xA;
	s28 =	spop (v2sf);
	v12 =	vld [tilespmem:s18+$0x10];
	[tilespmem:s14+$0xFFFFFE10] =	vst v7  }
0x3c3: {  	s29 =	spop (v2sf);
	v7 =	vadd.f32 v13, v8;
	v8 =	vld [tilespmem:s28+$0x0]  }
0x3c4: {  	(v2sf) =	vpush v9, $0xA;
	v13 =	vld [tilespmem:s29+$0x0]  }
0x3c5: {  	v15 =	vld [tilespmem:s26+$0x0];
	[tilespmem:s13+$0x80] =	vst v7  }
0x3c6: {  	v6 =	vadd.f32 v14, v6;
	v7 =	vld [tilespmem:s23+$0x10]  }
0x3c7: {  	v14 =	vld [tilespmem:s24+$0x10]  }
0x3c8: {  	(v2sf) =	vpush v1, $0x6;
	v6 =	vadd.f32 v12, v6  }
0x3c9: {  	s30 =	spop (v2sf);
	(v2sf) =	vpush v2, $0x6;
	v12 =	vld [tilespmem:s25+$0x10];
	v8 =	vadd.f32 v13, v8  }
0x3ca: {  	s3 =	spop (v2sf);
	(v2sf) =	vpush v4, $0x6;
	[tilespmem:s15+$0xFFFFFC10] =	vst v6  }
0x3cb: {  	s6 =	spop (v2sf);
	v6 =	vadd.f32 v15, v8;
	v8 =	vld [tilespmem:s3+$0x0]  }
0x3cc: {  	v7 =	vadd.f32 v14, v7;
	v13 =	vld [tilespmem:s6+$0x0]  }
0x3cd: {  	v14 =	vld [tilespmem:s30+$0x0];
	[tilespmem:s14+$0xFFFFFE80] =	vst v6  }
0x3ce: {  	v6 =	vadd.f32 v12, v7;
	v7 =	vld [tilespmem:s28+$0x10]  }
0x3cf: {  	v12 =	vld [tilespmem:s29+$0x10]  }
0x3d0: {  	(v2sf) =	vpush v3, $0x2;
	s7 =	spop (v2sf);
	v15 =	vld [tilespmem:s26+$0x10];
	[tilespmem:s13+$0x90] =	vst v6  }
0x3d1: {  	(v2sf) =	vpush v0, $0x2;
	s8 =	spop (v2sf);
	v6 =	vld [tilespmem:s7+$0x0];
	v8 =	vadd.f32 v13, v8  }
0x3d2: {  	(v2sf) =	vpush v5, $0x2;
	v13 =	vld [tilespmem:s8+$0x0]  }
0x3d3: {  	s9 =	spop (v2sf);
	v8 =	vadd.f32 v14, v8  }
0x3d4: {  	v7 =	vadd.f32 v12, v7;
	v12 =	vld [tilespmem:s9+$0x0]  }
0x3d5: {  	[tilespmem:s15+$0xFFFFFC80] =	vst v8  }
0x3d6: {  	v8 =	vld [tilespmem:s3+$0x10];
	v7 =	vadd.f32 v15, v7  }
0x3d7: {  	s10 =	spop (v2sf);
	(v2sf) =	vpush v10, $0xB;
	v14 =	vld [tilespmem:s6+$0x10];
	v6 =	vadd.f32 v13, v6  }
0x3d8: {  	s11 =	spop (v2sf);
	(v2sf) =	vpush v11, $0xB;
	v13 =	vld [tilespmem:s30+$0x10];
	[tilespmem:s14+$0xFFFFFE90] =	vst v7  }
0x3d9: {  	s12 =	spop (v2sf);
	v6 =	vadd.f32 v12, v6;
	v7 =	vld [tilespmem:s11+$0x0]  }
0x3da: {  	(v2sf) =	vpush v9, $0xB;
	v12 =	vld [tilespmem:s12+$0x0]  }
0x3db: {  	v15 =	vld [tilespmem:s10+$0x0];
	[tilespmem:s13+$0x100] =	vst v6  }
0x3dc: {  	v6 =	vadd.f32 v14, v8;
	v8 =	vld [tilespmem:s7+$0x10]  }
0x3dd: {  	v14 =	vld [tilespmem:s8+$0x10]  }
0x3de: {  	(v2sf) =	vpush v2, $0x7;
	v6 =	vadd.f32 v13, v6  }
0x3df: {  	s16 =	spop (v2sf);
	(v2sf) =	vpush v1, $0x7;
	v7 =	vadd.f32 v12, v7;
	v12 =	vld [tilespmem:s9+$0x10]  }
0x3e0: {  	s17 =	spop (v2sf);
	(v2sf) =	vpush v4, $0x7;
	[tilespmem:s15+$0xFFFFFC90] =	vst v6  }
0x3e1: {  	s18 =	spop (v2sf);
	v6 =	vadd.f32 v15, v7;
	v7 =	vld [tilespmem:s17+$0x0]  }
0x3e2: {  	v13 =	vld [tilespmem:s18+$0x0];
	v8 =	vadd.f32 v14, v8  }
0x3e3: {  	v14 =	vld [tilespmem:s16+$0x0];
	[tilespmem:s14+$0xFFFFFF00] =	vst v6  }
0x3e4: {  	v6 =	vld [tilespmem:s11+$0x10];
	v8 =	vadd.f32 v12, v8  }
0x3e5: {  	v12 =	vld [tilespmem:s12+$0x10]  }
0x3e6: {  	(v2sf) =	vpush v0, $0x3;
	s20 =	spop (v2sf);
	v15 =	vld [tilespmem:s10+$0x10];
	[tilespmem:s13+$0x110] =	vst v8  }
0x3e7: {  	(v2sf) =	vpush v3, $0x3;
	s21 =	spop (v2sf);
	v7 =	vadd.f32 v13, v7;
	v8 =	vld [tilespmem:s20+$0x0]  }
0x3e8: {  	s22 =	simm.s32 $0x1D2B0;
	(v2sf) =	vpush v5, $0x3;
	v13 =	vld [tilespmem:s21+$0x0]  }
0x3e9: {  	v16 =	vld [tilespmem:s22+$0x0];
	s23 =	spop (v2sf);
	v7 =	vadd.f32 v14, v7  }
0x3ea: {  	s19 =	simm.s32 $0x1D1B0;
	v6 =	vadd.f32 v12, v6;
	v12 =	vld [tilespmem:s23+$0x0]  }
0x3eb: {  	v14 =	vld [tilespmem:s19+$0x0];
	[tilespmem:s15+$0xFFFFFD00] =	vst v7  }
0x3ec: {  	v6 =	vadd.f32 v15, v6;
	v7 =	vld [tilespmem:s17+$0x10]  }
0x3ed: {  	(v2sf) =	vpush v10, $0xC;
	s24 =	spop (v2sf);
	v15 =	vld [tilespmem:s18+$0x10];
	v8 =	vadd.f32 v13, v8  }
0x3ee: {  	s25 =	spop (v2sf);
	(v2sf) =	vpush v11, $0xC;
	v13 =	vld [tilespmem:s16+$0x10];
	[tilespmem:s14+$0xFFFFFF10] =	vst v6  }
0x3ef: {  	s26 =	spop (v2sf);
	v17 =	vld [tilespmem:s24+$0x0];
	v6 =	vadd.f32 v12, v8  }
0x3f0: {  	(v2sf) =	vpush v9, $0xC;
	v8 =	vld [tilespmem:s26+$0x0]  }
0x3f1: {  	v12 =	vld [tilespmem:s25+$0x0];
	[tilespmem:s13+$0x180] =	vst v6  }
0x3f2: {  	v7 =	vadd.f32 v15, v7;
	v15 =	vld [tilespmem:s20+$0x10]  }
0x3f3: {  	v6 =	vshll.u32 v14, $0x5;
	s20 =	simm.s32 $0x1D230;
	v14 =	vld [tilespmem:s21+$0x10]  }
0x3f4: {  	(v2sf) =	vpush v6, $0x0;
	v18 =	vld [tilespmem:s20+$0x0];
	v7 =	vadd.f32 v13, v7  }
0x3f5: {  	s28 =	spop (v2sf);
	(v2sf) =	vpush v2, $0x8;
	v13 =	vld [tilespmem:s23+$0x10];
	v8 =	vadd.f32 v8, v17  }
0x3f6: {  	s29 =	spop (v2sf);
	(v2sf) =	vpush v4, $0x8;
	[tilespmem:s15+$0xFFFFFD10] =	vst v7  }
0x3f7: {  	s30 =	spop (v2sf);
	(v2sf) =	vpush v1, $0x8;
	v17 =	vld [tilespmem:s28+$0x0];
	v7 =	vadd.f32 v12, v8  }
0x3f8: {  	v12 =	vld [tilespmem:s30+$0x0];
	v8 =	vadd.f32 v14, v15  }
0x3f9: {  	v14 =	vshll.u32 v16, $0x5;
	v15 =	vld [tilespmem:s29+$0x0];
	[tilespmem:s14+$0xFFFFFF80] =	vst v7  }
0x3fa: {  	v7 =	vadd.s32 $0x10000, v14;
	v14 =	vshll.u32 v18, $0x5;
	v16 =	vld [tilespmem:s24+$0x10];
	v13 =	vadd.f32 v13, v8  }
0x3fb: {  	(v2sf) =	vpush v7, $0x0;
	v8 =	vadd.s32 $0x8000, v14;
	v14 =	vld [tilespmem:s26+$0x10]  }
0x3fc: {  	s6 =	spop (v2sf);
	v18 =	vld [tilespmem:s25+$0x10];
	(v2sf) =	vpush v8, $0x0;
	[tilespmem:s13+$0x190] =	vst v13  }
0x3fd: {  	s7 =	spop (v2sf);
	v12 =	vadd.f32 v12, v17;
	(v2sf) =	vpush v0, $0x4;
	v13 =	vld [tilespmem:s6+$0x0]  }
0x3fe: {  	(v2sf) =	vpush v5, $0x4;
	v17 =	vld [tilespmem:s7+$0x0]  }
0x3ff: {  	s8 =	spop (v2sf);
	v12 =	vadd.f32 v15, v12;
	(v2sf) =	vpush v3, $0x4  }
0x400: {  	v15 =	vld [tilespmem:s8+$0x0];
	v14 =	vadd.f32 v14, v16  }
0x401: {  	[tilespmem:s15+$0xFFFFFD80] =	vst v12  }
0x402: {  	v12 =	vld [tilespmem:s28+$0x10];
	v14 =	vadd.f32 v18, v14  }
0x403: {  	(v2sf) =	vpush v10, $0xD;
	v16 =	vld [tilespmem:s30+$0x10];
	s9 =	spop (v2sf);
	v13 =	vadd.f32 v17, v13  }
0x404: {  	v17 =	vld [tilespmem:s29+$0x10];
	[tilespmem:s14+$0xFFFFFF90] =	vst v14;
	s10 =	spop (v2sf);
	(v2sf) =	vpush v11, $0xD  }
0x405: {  	v14 =	vld [tilespmem:s10+$0x0];
	s11 =	spop (v2sf);
	v13 =	vadd.f32 v15, v13  }
0x406: {  	(v2sf) =	vpush v9, $0xD;
	v15 =	vld [tilespmem:s11+$0x0];
	s12 =	spop (v2sf)  }
0x407: {  	v18 =	vld [tilespmem:s12+$0x0];
	[tilespmem:s13+$0x200] =	vst v13  }
0x408: {  	v12 =	vadd.f32 v16, v12;
	v13 =	vld [tilespmem:s6+$0x10]  }
0x409: {  	v16 =	vld [tilespmem:s7+$0x10]  }
0x40a: {  	v12 =	vadd.f32 v17, v12;
	s16 =	spop (v2sf)  }
0x40b: {  	s17 =	spop (v2sf);
	v14 =	vadd.f32 v15, v14;
	v15 =	vld [tilespmem:s8+$0x10]  }
0x40c: {  	(v2sf) =	vpush v2, $0x9;
	[tilespmem:s15+$0xFFFFFD90] =	vst v12;
	s18 =	spop (v2sf)  }
0x40d: {  	(v2sf) =	vpush v4, $0x9;
	v12 =	vld [tilespmem:s18+$0x0];
	s21 =	spop (v2sf);
	v14 =	vadd.f32 v18, v14  }
0x40e: {  	v13 =	vadd.f32 v16, v13;
	v17 =	vld [tilespmem:s21+$0x0];
	s22 =	spop (v2sf)  }
0x40f: {  	(v2sf) =	vpush v1, $0x9;
	v16 =	vld [tilespmem:s22+$0x0];
	[tilespmem:s14+$0x0] =	vst v14  }
0x410: {  	v14 =	vld [tilespmem:s10+$0x10];
	v13 =	vadd.f32 v15, v13  }
0x411: {  	v15 =	vld [tilespmem:s11+$0x10]  }
0x412: {  	s23 =	spop (v2sf);
	v18 =	vld [tilespmem:s12+$0x10];
	[tilespmem:s13+$0x210] =	vst v13  }
0x413: {  	(v2sf) =	vpush v3, $0x5;
	v13 =	vld [tilespmem:s23+$0x0];
	s24 =	spop (v2sf)  }
0x414: {  	v12 =	vadd.f32 v17, v12;
	(v2sf) =	vpush v0, $0x5;
	v17 =	vld [tilespmem:s24+$0x0]  }
0x415: {  	v19 =	vld [tilespmem:s9+$0x0];
	s25 =	spop (v2sf)  }
0x416: {  	(v2sf) =	vpush v5, $0x5;
	v12 =	vadd.f32 v16, v12;
	v16 =	vld [tilespmem:s25+$0x0]  }
0x417: {  	v20 =	vld [tilespmem:s17+$0x0];
	v14 =	vadd.f32 v15, v14  }
0x418: {  	v15 =	vld [tilespmem:s16+$0x0];
	[tilespmem:s15+$0xFFFFFE00] =	vst v12  }
0x419: {  	v14 =	vadd.f32 v18, v14;
	v12 =	vld [tilespmem:s18+$0x10];
	v13 =	vadd.f32 v17, v13  }
0x41a: {  	(v2sf) =	vpush v10, $0xE;
	v17 =	vld [tilespmem:s21+$0x10]  }
0x41b: {  	(v2sf) =	vpush v11, $0xE;
	v18 =	vld [tilespmem:s22+$0x10];
	[tilespmem:s14+$0x10] =	vst v14;
	s26 =	spop (v2sf);
	v13 =	vadd.f32 v16, v13  }
0x41c: {  	v14 =	vadd.f32 v20, v19;
	(v2sf) =	vpush v7, $0x1;
	s28 =	spop (v2sf);
	v16 =	vld [tilespmem:s26+$0x0]  }
0x41d: {  	(v2sf) =	vpush v9, $0xE;
	v19 =	vld [tilespmem:s28+$0x0];
	[tilespmem:s13+$0x280] =	vst v13  }
0x41e: {  	(v2sf) =	vpush v6, $0x1;
	v13 =	vadd.f32 v15, v14;
	s29 =	spop (v2sf);
	v14 =	vld [tilespmem:s23+$0x10]  }
0x41f: {  	s18 =	simm.s32 $0x1C400;
	(v2sf) =	vpush v8, $0x1;
	v15 =	vld [tilespmem:s29+$0x0];
	v12 =	vadd.f32 v17, v12  }
0x420: {  	[tilespmem:s18+$0xFFFFFC00] =	vst v13;
	v13 =	vld [tilespmem:s24+$0x10]  }
0x421: {  	v17 =	vld [tilespmem:s9+$0x10];
	v12 =	vadd.f32 v18, v12  }
0x422: {  	s30 =	spop (v2sf);
	v18 =	vld [tilespmem:s25+$0x10]  }
0x423: {  	(v2sf) =	vpush v2, $0xA;
	v20 =	vld [tilespmem:s17+$0x10];
	v16 =	vadd.f32 v19, v16;
	[tilespmem:s15+$0xFFFFFE10] =	vst v12;
	s7 =	spop (v2sf)  }
0x424: {  	(v2sf) =	vpush v4, $0xA;
	v12 =	vld [tilespmem:s7+$0x0]  }
0x425: {  	s8 =	spop (v2sf);
	v15 =	vadd.f32 v15, v16;
	v16 =	vld [tilespmem:s16+$0x10];
	v13 =	vadd.f32 v13, v14  }
0x426: {  	v14 =	vld [tilespmem:s8+$0x0]  }
0x427: {  	v19 =	vld [tilespmem:s30+$0x0];
	(v2sf) =	vpush v1, $0xA;
	[tilespmem:s14+$0x80] =	vst v15;
	v13 =	vadd.f32 v18, v13  }
0x428: {  	v15 =	vld [tilespmem:s26+$0x10]  }
0x429: {  	s9 =	spop (v2sf);
	v17 =	vadd.f32 v20, v17;
	v18 =	vld [tilespmem:s28+$0x10];
	[tilespmem:s13+$0x290] =	vst v13  }
0x42a: {  	(v2sf) =	vpush v3, $0x6;
	s10 =	spop (v2sf);
	v13 =	vld [tilespmem:s9+$0x0]  }
0x42b: {  	s11 =	spop (v2sf);
	v12 =	vadd.f32 v14, v12;
	v14 =	vadd.f32 v16, v17;
	v16 =	vld [tilespmem:s10+$0x0]  }
0x42c: {  	v17 =	vld [tilespmem:s29+$0x10];
	s12 =	spop (v2sf);
	(v2sf) =	vpush v0, $0x6  }
0x42d: {  	s16 =	spop (v2sf);
	v12 =	vadd.f32 v19, v12;
	[tilespmem:s18+$0xFFFFFC10] =	vst v14;
	v14 =	vld [tilespmem:s12+$0x0]  }
0x42e: {  	(v2sf) =	vpush v5, $0x6;
	v19 =	vld [tilespmem:s16+$0x0];
	s17 =	spop (v2sf)  }
0x42f: {  	v15 =	vadd.f32 v18, v15;
	[tilespmem:s15+$0xFFFFFE80] =	vst v12;
	v18 =	vld [tilespmem:s17+$0x0]  }
0x430: {  	(v2sf) =	vpush v10, $0xF;
	v12 =	vld [tilespmem:s7+$0x10]  }
0x431: {  	v13 =	vadd.f32 v16, v13;
	v16 =	vld [tilespmem:s8+$0x10];
	v10 =	vadd.f32 v17, v15  }
0x432: {  	(v2sf) =	vpush v11, $0xF;
	v15 =	vld [tilespmem:s11+$0x0]  }
0x433: {  	s21 =	spop (v2sf);
	v11 =	vadd.f32 v14, v13;
	v13 =	vld [tilespmem:s30+$0x10];
	[tilespmem:s14+$0x90] =	vst v10  }
0x434: {  	(v2sf) =	vpush v9, $0xF;
	v10 =	vld [tilespmem:s21+$0x0];
	s22 =	spop (v2sf)  }
0x435: {  	(v2sf) =	vpush v7, $0x2;
	[tilespmem:s13+$0x300] =	vst v11;
	v11 =	vadd.f32 v18, v19;
	v14 =	vld [tilespmem:s22+$0x0]  }
0x436: {  	s23 =	spop (v2sf);
	(v2sf) =	vpush v6, $0x2;
	v9 =	vld [tilespmem:s9+$0x10]  }
0x437: {  	v17 =	vld [tilespmem:s10+$0x10];
	v12 =	vadd.f32 v16, v12;
	v11 =	vadd.f32 v15, v11  }
0x438: {  	(v2sf) =	vpush v8, $0x2;
	v15 =	vld [tilespmem:s23+$0x0]  }
0x439: {  	v12 =	vadd.f32 v13, v12;
	[tilespmem:s18+$0xFFFFFC80] =	vst v11;
	v11 =	vld [tilespmem:s12+$0x10]  }
0x43a: {  	s24 =	spop (v2sf);
	v13 =	vld [tilespmem:s16+$0x10]  }
0x43b: {  	v16 =	vld [tilespmem:s17+$0x10];
	v10 =	vadd.f32 v14, v10;
	[tilespmem:s15+$0xFFFFFE90] =	vst v12;
	s25 =	spop (v2sf)  }
0x43c: {  	v9 =	vadd.f32 v17, v9;
	v12 =	vld [tilespmem:s25+$0x0]  }
0x43d: {  	s26 =	spop (v2sf);
	v10 =	vadd.f32 v15, v10;
	v15 =	vld [tilespmem:s11+$0x10]  }
0x43e: {  	v14 =	vld [tilespmem:s26+$0x0];
	v9 =	vadd.f32 v11, v9  }
0x43f: {  	(v2sf) =	vpush v2, $0xB;
	v11 =	vld [tilespmem:s24+$0x0];
	[tilespmem:s14+$0x100] =	vst v10  }
0x440: {  	s28 =	spop (v2sf);
	(v2sf) =	vpush v4, $0xB;
	v10 =	vld [tilespmem:s21+$0x10];
	[tilespmem:s13+$0x310] =	vst v9  }
0x441: {  	s29 =	spop (v2sf);
	v9 =	vadd.f32 v16, v13;
	v13 =	vld [tilespmem:s28+$0x0]  }
0x442: {  	(v2sf) =	vpush v1, $0xB;
	v16 =	vld [tilespmem:s29+$0x0]  }
0x443: {  	v18 =	vld [tilespmem:s22+$0x10];
	s30 =	spop (v2sf);
	v12 =	vadd.f32 v14, v12;
	v9 =	vadd.f32 v15, v9  }
0x444: {  	v19 =	vld [tilespmem:s30+$0x0]  }
0x445: {  	s3 =	spop (v2sf);
	v11 =	vadd.f32 v11, v12;
	[tilespmem:s18+$0xFFFFFC90] =	vst v9;
	v9 =	vld [tilespmem:s23+$0x10]  }
0x446: {  	(v2sf) =	vpush v0, $0x7;
	s4 =	spop (v2sf);
	v17 =	vld [tilespmem:s3+$0x0]  }
0x447: {  	(v2sf) =	vpush v3, $0x7;
	s5 =	spop (v2sf);
	[tilespmem:s15+$0xFFFFFF00] =	vst v11;
	v11 =	vadd.f32 v16, v13;
	v13 =	vld [tilespmem:s4+$0x0]  }
0x448: {  	(v2sf) =	vpush v5, $0x7;
	v10 =	vadd.f32 v18, v10;
	v18 =	vld [tilespmem:s5+$0x0]  }
0x449: {  	v14 =	vld [tilespmem:s24+$0x10];
	v11 =	vadd.f32 v19, v11  }
0x44a: {  	v15 =	vld [tilespmem:s25+$0x10]  }
0x44b: {  	v16 =	vld [tilespmem:s26+$0x10];
	v10 =	vadd.f32 v9, v10;
	[tilespmem:s13+$0x380] =	vst v11  }
0x44c: {  	v9 =	vld [tilespmem:s28+$0x10]  }
0x44d: {  	[tilespmem:s14+$0x110] =	vst v10;
	v10 =	vld [tilespmem:s29+$0x10]  }
0x44e: {  	(v2sf) =	vpush v6, $0x3;
	s1 =	spop (v2sf);
	v11 =	vld [tilespmem:s30+$0x10]  }
0x44f: {  	(v2sf) =	vpush v7, $0x3;
	v18 =	vadd.f32 v18, v13;
	v12 =	vld [tilespmem:s1+$0x0];
	s31 =	spop (v2sf)  }
0x450: {  	s0 =	simm.s32 $0x1D2C0;
	s2 =	simm.s32 $0x30;
	(v2sf) =	vpush v8, $0x3;
	v13 =	vld [tilespmem:s31+$0x0]  }
.LBB2_5:
0x451: {  	v19 =	vld [tilespmem:s0+$0x0];
	v17 =	vadd.f32 v17, v18;
	v15 =	vadd.f32 v16, v15;
	s6 =	spop (v2sf)  }
0x452: {  	s19 =	sadd.s32 $0x10, s19;
	v16 =	vld [tilespmem:s6+$0x0];
	v9 =	vadd.f32 v10, v9  }
0x453: {  	v10 =	vld [tilespmem:s19+$0x0];
	[tilespmem:s18+$0xFFFFFD00] =	vst v17;
	v14 =	vadd.f32 v14, v15  }
0x454: {  	v15 =	vld [tilespmem:s4+$0x10];
	v9 =	vadd.f32 v11, v9  }
0x455: {  	v11 =	vld [tilespmem:s5+$0x10];
	[tilespmem:s15+$0xFFFFFF10] =	vst v14;
	s4 =	spop (v2sf);
	v12 =	vadd.f32 v13, v12;
	(v2sf) =	vpush v2, $0xC  }
0x456: {  	v13 =	vld [tilespmem:s3+$0x10];
	s3 =	spop (v2sf);
	(v2sf) =	vpush v4, $0xC;
	[tilespmem:s13+$0x390] =	vst v9;
	s13 =	smov.u32 s14;
	s14 =	smov.u32 s15  }
0x457: {  	s15 =	smov.u32 s18;
	v14 =	vld [tilespmem:s4+$0x0];
	s5 =	spop (v2sf);
	v12 =	vadd.f32 v16, v12  }
0x458: {  	v9 =	vshll.u32 v10, $0x5;
	v10 =	vld [tilespmem:s5+$0x0];
	(v2sf) =	vpush v1, $0xC  }
0x459: {  	(v2sf) =	vpush v9, $0x0;
	v16 =	vld [tilespmem:s3+$0x0];
	[tilespmem:s13+$0x180] =	vst v12  }
0x45a: {  	v11 =	vadd.f32 v11, v15;
	v12 =	vld [tilespmem:s1+$0x10]  }
0x45b: {  	s20 =	sadd.s32 $0x10, s20;
	v15 =	vld [tilespmem:s31+$0x10]  }
0x45c: {  	v17 =	vld [tilespmem:s20+$0x0];
	v11 =	vadd.f32 v13, v11  }
0x45d: {  	s1 =	spop (v2sf);
	v10 =	vadd.f32 v10, v14;
	(v2sf) =	vpush v0, $0x8;
	v13 =	vld [tilespmem:s6+$0x10]  }
0x45e: {  	[tilespmem:s18+$0xFFFFFD10] =	vst v11;
	s6 =	spop (v2sf);
	(v2sf) =	vpush v5, $0x8  }
0x45f: {  	v14 =	vld [tilespmem:s1+$0x0];
	s7 =	spop (v2sf);
	v11 =	vadd.f32 v16, v10;
	(v2sf) =	vpush v3, $0x8  }
0x460: {  	v10 =	vshll.u32 v19, $0x5;
	v16 =	vld [tilespmem:s7+$0x0];
	v12 =	vadd.f32 v15, v12  }
0x461: {  	v10 =	vadd.s32 $0x10000, v10;
	v15 =	vld [tilespmem:s6+$0x0];
	[tilespmem:s14+$0xFFFFFF80] =	vst v11  }
0x462: {  	v11 =	vshll.u32 v17, $0x5;
	(v2sf) =	vpush v10, $0x0;
	v17 =	vld [tilespmem:s4+$0x10];
	v12 =	vadd.f32 v13, v12  }
0x463: {  	v11 =	vadd.s32 $0x8000, v11;
	v13 =	vld [tilespmem:s5+$0x10]  }
0x464: {  	(v2sf) =	vpush v11, $0x0;
	v18 =	vld [tilespmem:s3+$0x10];
	[tilespmem:s13+$0x190] =	vst v12;
	s4 =	spop (v2sf)  }
0x465: {  	v12 =	vadd.f32 v16, v14;
	(v2sf) =	vpush v6, $0x4;
	v14 =	vld [tilespmem:s4+$0x0];
	s5 =	spop (v2sf)  }
0x466: {  	(v2sf) =	vpush v8, $0x4;
	v16 =	vld [tilespmem:s5+$0x0]  }
0x467: {  	v12 =	vadd.f32 v15, v12;
	(v2sf) =	vpush v7, $0x4;
	s8 =	spop (v2sf)  }
0x468: {  	s3 =	spop (v2sf);
	v13 =	vadd.f32 v13, v17;
	v15 =	vld [tilespmem:s8+$0x0]  }
0x469: {  	v17 =	vld [tilespmem:s3+$0x0];
	[tilespmem:s18+$0xFFFFFD80] =	vst v12  }
0x46a: {  	v12 =	vld [tilespmem:s1+$0x10];
	v13 =	vadd.f32 v18, v13  }
0x46b: {  	v18 =	vld [tilespmem:s7+$0x10];
	v14 =	vadd.f32 v16, v14;
	(v2sf) =	vpush v2, $0xD  }
0x46c: {  	v16 =	vld [tilespmem:s6+$0x10];
	[tilespmem:s14+$0xFFFFFF90] =	vst v13;
	s6 =	spop (v2sf);
	(v2sf) =	vpush v4, $0xD  }
0x46d: {  	v13 =	vld [tilespmem:s6+$0x0];
	s7 =	spop (v2sf);
	v14 =	vadd.f32 v15, v14  }
0x46e: {  	v15 =	vld [tilespmem:s7+$0x0];
	s9 =	spop (v2sf);
	(v2sf) =	vpush v1, $0xD  }
0x46f: {  	v19 =	vld [tilespmem:s9+$0x0];
	[tilespmem:s13+$0x200] =	vst v14  }
0x470: {  	v12 =	vadd.f32 v18, v12;
	v14 =	vld [tilespmem:s4+$0x10]  }
0x471: {  	s1 =	spop (v2sf);
	v18 =	vld [tilespmem:s5+$0x10]  }
0x472: {  	v20 =	vld [tilespmem:s1+$0x0];
	v12 =	vadd.f32 v16, v12  }
0x473: {  	s4 =	spop (v2sf);
	v13 =	vadd.f32 v15, v13;
	(v2sf) =	vpush v0, $0x9;
	v15 =	vld [tilespmem:s8+$0x10]  }
0x474: {  	v16 =	vld [tilespmem:s4+$0x0];
	[tilespmem:s18+$0xFFFFFD90] =	vst v12;
	s5 =	spop (v2sf);
	(v2sf) =	vpush v5, $0x9  }
0x475: {  	v12 =	vld [tilespmem:s5+$0x0];
	s8 =	spop (v2sf);
	v13 =	vadd.f32 v19, v13;
	(v2sf) =	vpush v3, $0x9  }
0x476: {  	v19 =	vld [tilespmem:s8+$0x0];
	s10 =	spop (v2sf);
	v14 =	vadd.f32 v18, v14  }
0x477: {  	v18 =	vld [tilespmem:s10+$0x0];
	[tilespmem:s14+$0x0] =	vst v13  }
0x478: {  	v13 =	vld [tilespmem:s6+$0x10];
	v14 =	vadd.f32 v15, v14  }
0x479: {  	v15 =	vld [tilespmem:s7+$0x10]  }
0x47a: {  	v16 =	vadd.f32 v16, v17;
	v17 =	vld [tilespmem:s9+$0x10];
	[tilespmem:s13+$0x210] =	vst v14;
	s6 =	spop (v2sf)  }
0x47b: {  	v12 =	vadd.f32 v19, v12;
	(v2sf) =	vpush v7, $0x5;
	v14 =	vld [tilespmem:s6+$0x0];
	s7 =	spop (v2sf)  }
0x47c: {  	v16 =	vadd.f32 v20, v16;
	(v2sf) =	vpush v6, $0x5;
	v19 =	vld [tilespmem:s7+$0x0]  }
0x47d: {  	s18 =	sadd.s32 $0x800, s18;
	v12 =	vadd.f32 v18, v12;
	(v2sf) =	vpush v8, $0x5;
	s9 =	spop (v2sf)  }
0x47e: {  	[tilespmem:s18+$0xFFFFFC00] =	vst v16;
	v13 =	vadd.f32 v15, v13;
	v15 =	vld [tilespmem:s9+$0x0]  }
0x47f: {  	v16 =	vld [tilespmem:s3+$0x10];
	[tilespmem:s15+$0xFFFFFE00] =	vst v12  }
0x480: {  	v12 =	vld [tilespmem:s5+$0x10];
	v13 =	vadd.f32 v17, v13  }
0x481: {  	v17 =	vld [tilespmem:s8+$0x10];
	v14 =	vadd.f32 v19, v14;
	(v2sf) =	vpush v2, $0xE  }
0x482: {  	v18 =	vld [tilespmem:s10+$0x10];
	[tilespmem:s14+$0x10] =	vst v13;
	s3 =	spop (v2sf);
	(v2sf) =	vpush v4, $0xE  }
0x483: {  	(v2sf) =	vpush v10, $0x1;
	v13 =	vld [tilespmem:s3+$0x0];
	s5 =	spop (v2sf);
	v14 =	vadd.f32 v15, v14  }
0x484: {  	v15 =	vld [tilespmem:s5+$0x0];
	s8 =	spop (v2sf);
	(v2sf) =	vpush v1, $0xE  }
0x485: {  	(v2sf) =	vpush v9, $0x1;
	v19 =	vld [tilespmem:s8+$0x0];
	[tilespmem:s13+$0x280] =	vst v14  }
0x486: {  	(v2sf) =	vpush v11, $0x1;
	v12 =	vadd.f32 v17, v12;
	v14 =	vld [tilespmem:s6+$0x10]  }
0x487: {  	v17 =	vld [tilespmem:s7+$0x10]  }
0x488: {  	v20 =	vld [tilespmem:s4+$0x10];
	v12 =	vadd.f32 v18, v12  }
0x489: {  	v13 =	vadd.f32 v15, v13;
	v15 =	vld [tilespmem:s9+$0x10]  }
0x48a: {  	v18 =	vld [tilespmem:s1+$0x10];
	[tilespmem:s15+$0xFFFFFE10] =	vst v12;
	s4 =	spop (v2sf);
	(v2sf) =	vpush v0, $0xA  }
0x48b: {  	v12 =	vld [tilespmem:s4+$0x0];
	s6 =	spop (v2sf);
	v13 =	vadd.f32 v19, v13;
	(v2sf) =	vpush v5, $0xA  }
0x48c: {  	v19 =	vld [tilespmem:s6+$0x0];
	s7 =	spop (v2sf);
	v14 =	vadd.f32 v17, v14  }
0x48d: {  	v17 =	vld [tilespmem:s7+$0x0];
	[tilespmem:s14+$0x80] =	vst v13;
	(v2sf) =	vpush v3, $0xA  }
0x48e: {  	v13 =	vadd.f32 v20, v16;
	v16 =	vld [tilespmem:s8+$0x10];
	v14 =	vadd.f32 v15, v14  }
0x48f: {  	v15 =	vld [tilespmem:s3+$0x10]  }
0x490: {  	v13 =	vadd.f32 v18, v13;
	v18 =	vld [tilespmem:s5+$0x10];
	[tilespmem:s13+$0x290] =	vst v14;
	s3 =	spop (v2sf)  }
0x491: {  	v14 =	vld [tilespmem:s3+$0x0];
	s8 =	spop (v2sf)  }
0x492: {  	[tilespmem:s18+$0xFFFFFC10] =	vst v13;
	s1 =	spop (v2sf);
	v13 =	vadd.f32 v17, v19;
	v17 =	vld [tilespmem:s8+$0x0]  }
0x493: {  	v19 =	vld [tilespmem:s1+$0x0];
	(v2sf) =	vpush v7, $0x6;
	s9 =	spop (v2sf)  }
0x494: {  	s10 =	spop (v2sf);
	v12 =	vadd.f32 v12, v13;
	(v2sf) =	vpush v6, $0x6;
	v13 =	vld [tilespmem:s9+$0x0]  }
0x495: {  	v20 =	vld [tilespmem:s10+$0x0];
	s11 =	spop (v2sf);
	(v2sf) =	vpush v8, $0x6;
	v15 =	vadd.f32 v18, v15  }
0x496: {  	v18 =	vld [tilespmem:s11+$0x0];
	[tilespmem:s15+$0xFFFFFE80] =	vst v12;
	(v2sf) =	vpush v2, $0xF;
	v2 =	vmovc v0;
	v0 =	vmov v6;
	v6 =	vmov v9  }
0x497: {  	v9 =	vld [tilespmem:s4+$0x10];
	v12 =	vadd.f32 v16, v15;
	v14 =	vadd.f32 v17, v14  }
0x498: {  	s2 =	sadd.s32 $0x10, s2;
	v15 =	vld [tilespmem:s6+$0x10];
	(v2sf) =	vpush v4, $0xF;
	v4 =	vmovc v5;
	v5 =	vmov v8;
	v8 =	vmov v11  }
0x499: {  	p0 =	slt.u32 s2, $0x40;
	v11 =	vld [tilespmem:s7+$0x10];
	[tilespmem:s14+$0x90] =	vst v12;
	s4 =	spop (v2sf);
	v12 =	vadd.f32 v13, v14  }
0x49a: {  	v13 =	vld [tilespmem:s4+$0x0];
	s6 =	spop (v2sf);
	(v2sf) =	vpush v1, $0xF;
	v1 =	vmovc v3;
	v3 =	vmov v7;
	v7 =	vmov v10  }
0x49b: {  	v10 =	vadd.f32 v18, v20;
	(v2sf) =	vpush v7, $0x2;
	v14 =	vld [tilespmem:s6+$0x0];
	[tilespmem:s13+$0x300] =	vst v12  }
0x49c: {  	s5 =	spop (v2sf);
	v12 =	vld [tilespmem:s3+$0x10]  }
0x49d: {  	v10 =	vadd.f32 v19, v10;
	(v2sf) =	vpush v6, $0x2;
	v16 =	vld [tilespmem:s8+$0x10]  }
0x49e: {  	(v2sf) =	vpush v8, $0x2;
	v11 =	vadd.f32 v11, v15;
	v15 =	vld [tilespmem:s5+$0x0]  }
0x49f: {  	[tilespmem:s18+$0xFFFFFC80] =	vst v10;
	v10 =	vld [tilespmem:s9+$0x10]  }
0x4a0: {  	v17 =	vld [tilespmem:s10+$0x10];
	v9 =	vadd.f32 v9, v11  }
0x4a1: {  	v13 =	vadd.f32 v14, v13;
	v11 =	vld [tilespmem:s11+$0x10]  }
0x4a2: {  	v14 =	vld [tilespmem:s1+$0x10];
	[tilespmem:s15+$0xFFFFFE90] =	vst v9;
	s1 =	spop (v2sf);
	v9 =	vadd.f32 v16, v12  }
0x4a3: {  	v12 =	vld [tilespmem:s1+$0x0];
	s7 =	spop (v2sf);
	v13 =	vadd.f32 v15, v13  }
0x4a4: {  	v15 =	vld [tilespmem:s7+$0x0];
	s8 =	spop (v2sf);
	(v2sf) =	vpush v2, $0xB;
	v9 =	vadd.f32 v10, v9  }
0x4a5: {  	v10 =	vld [tilespmem:s8+$0x0];
	[tilespmem:s14+$0x100] =	vst v13;
	s9 =	spop (v2sf)  }
0x4a6: {  	v11 =	vadd.f32 v11, v17;
	v13 =	vld [tilespmem:s4+$0x10];
	(v2sf) =	vpush v4, $0xB;
	[tilespmem:s13+$0x310] =	vst v9  }
0x4a7: {  	v9 =	vld [tilespmem:s9+$0x0];
	s10 =	spop (v2sf)  }
0x4a8: {  	v11 =	vadd.f32 v14, v11;
	(v2sf) =	vpush v1, $0xB;
	v14 =	vld [tilespmem:s10+$0x0]  }
0x4a9: {  	v16 =	vld [tilespmem:s6+$0x10];
	s6 =	spop (v2sf)  }
0x4aa: {  	[tilespmem:s18+$0xFFFFFC90] =	vst v11;
	s3 =	spop (v2sf);
	v10 =	vadd.f32 v10, v15;
	v11 =	vld [tilespmem:s6+$0x0]  }
0x4ab: {  	v17 =	vld [tilespmem:s3+$0x0]  }
0x4ac: {  	s4 =	spop (v2sf);
	v10 =	vadd.f32 v12, v10;
	(v2sf) =	vpush v0, $0x7;
	v12 =	vld [tilespmem:s5+$0x10]  }
0x4ad: {  	v18 =	vld [tilespmem:s4+$0x0];
	s5 =	spop (v2sf);
	(v2sf) =	vpush v3, $0x7;
	v9 =	vadd.f32 v14, v9  }
0x4ae: {  	v19 =	vld [tilespmem:s5+$0x0];
	[tilespmem:s15+$0xFFFFFF00] =	vst v10;
	(v2sf) =	vpush v5, $0x7  }
0x4af: {  	v10 =	vadd.f32 v16, v13;
	v14 =	vld [tilespmem:s1+$0x10];
	v9 =	vadd.f32 v11, v9  }
0x4b0: {  	v15 =	vld [tilespmem:s7+$0x10]  }
0x4b1: {  	v16 =	vld [tilespmem:s8+$0x10];
	v10 =	vadd.f32 v12, v10;
	[tilespmem:s13+$0x380] =	vst v9  }
.Ltmp1:
0x4b2: {  	v9 =	vld [tilespmem:s9+$0x10];
	(pc) =	sbr.rel @p0 .LBB2_5-.Ltmp1, $4  }
0x4b3: {  	[tilespmem:s14+$0x110] =	vst v10;
	s1 =	spop (v2sf);
	v10 =	vld [tilespmem:s10+$0x10]  }
0x4b4: {  	(v2sf) =	vpush v6, $0x3;
	v12 =	vld [tilespmem:s1+$0x0]  }
0x4b5: {  	v18 =	vadd.f32 v19, v18;
	(v2sf) =	vpush v7, $0x3;
	s31 =	spop (v2sf);
	v11 =	vld [tilespmem:s6+$0x10]  }
0x4b6: {  	s0 =	sadd.s32 $0x10, s0;
	(v2sf) =	vpush v8, $0x3;
	v13 =	vld [tilespmem:s31+$0x0]  }
0x4b7: {  	v17 =	vadd.f32 v17, v18;
	_ =	sdelay $0x1  }
0x4b8: {  	[tilespmem:s18+$0xFFFFFD00] =	vst v17  }
0x4b9: {  	v17 =	vld [tilespmem:s4+$0x10]  }
0x4ba: {  	v40 =	vld [tilespmem:s5+$0x10];
	_ =	sdelay $0x1  }
0x4bb: {  	v19 =	vld [tilespmem:s3+$0x10];
	_ =	sdelay $0x1  }
0x4bc: {  	s21 =	spop (v2sf)  }
0x4bd: {  	s12 =	spop (v2sf);
	v17 =	vadd.f32 v40, v17  }
0x4be: {  	s10 =	spop (v2sf)  }
0x4bf: {  	s30 =	spop (v2sf);
	v17 =	vadd.f32 v19, v17  }
0x4c0: {  	s0 =	spop (v2sf)  }
0x4c1: {  	[tilespmem:s18+$0xFFFFFD10] =	vst v17;
	s2 =	spop (v2sf)  }
0x4c2: {  	(v2sf) =	vpush v2, $0xC;
	v17 =	vld [tilespmem:s0+$0x0];
	s11 =	spop (v2sf)  }
0x4c3: {  	(v2sf) =	vpush v4, $0xC;
	v41 =	vld [tilespmem:s11+$0x0]  }
0x4c4: {  	(v2sf) =	vpush v1, $0xC  }
0x4c5: {  	v42 =	vld [tilespmem:s2+$0x0];
	(v2sf) =	vpush v0, $0x8  }
0x4c6: {  	(v2sf) =	vpush v5, $0x8  }
0x4c7: {  	(v2sf) =	vpush v3, $0x8  }
0x4c8: {  	(v2sf) =	vpush v6, $0x4;
	v17 =	vadd.f32 v41, v17  }
0x4c9: {  	(v2sf) =	vpush v8, $0x4  }
0x4ca: {  	v17 =	vadd.f32 v42, v17  }
0x4cb: {  	(v2sf) =	vpush v7, $0x4  }
0x4cc: {  	[tilespmem:s18+$0xFFFFFD80] =	vst v17  }
0x4cd: {  	v17 =	vld [tilespmem:s0+$0x10]  }
0x4ce: {  	v43 =	vld [tilespmem:s11+$0x10];
	_ =	sdelay $0x1  }
0x4cf: {  	v44 =	vld [tilespmem:s2+$0x10]  }
0x4d0: {  	s22 =	spop (v2sf)  }
0x4d1: {  	s29 =	spop (v2sf)  }
0x4d2: {  	s26 =	spop (v2sf);
	v17 =	vadd.f32 v43, v17  }
0x4d3: {  	s28 =	spop (v2sf)  }
0x4d4: {  	s4 =	spop (v2sf);
	v17 =	vadd.f32 v44, v17  }
0x4d5: {  	s11 =	spop (v2sf)  }
0x4d6: {  	(v2sf) =	vpush v2, $0xD;
	[tilespmem:s18+$0xFFFFFD90] =	vst v17;
	s16 =	spop (v2sf)  }
0x4d7: {  	(v2sf) =	vpush v4, $0xD;
	v17 =	vld [tilespmem:s16+$0x0];
	s17 =	spop (v2sf)  }
0x4d8: {  	(v2sf) =	vpush v1, $0xD;
	v45 =	vld [tilespmem:s17+$0x0]  }
0x4d9: {  	(v2sf) =	vpush v0, $0x9;
	s19 =	spop (v2sf)  }
0x4da: {  	(v2sf) =	vpush v5, $0x9;
	v46 =	vld [tilespmem:s19+$0x0]  }
0x4db: {  	(v2sf) =	vpush v3, $0x9  }
0x4dc: {  	(v2sf) =	vpush v7, $0x5  }
0x4dd: {  	(v2sf) =	vpush v6, $0x5;
	v17 =	vadd.f32 v45, v17  }
0x4de: {  	(v2sf) =	vpush v8, $0x5  }
0x4df: {  	v17 =	vadd.f32 v46, v17;
	_ =	sdelay $0x1  }
0x4e0: {  	[tilespmem:s18+$0xFFFFFE00] =	vst v17  }
0x4e1: {  	v17 =	vld [tilespmem:s16+$0x10]  }
0x4e2: {  	v47 =	vld [tilespmem:s17+$0x10];
	_ =	sdelay $0x1  }
0x4e3: {  	s24 =	spop (v2sf);
	v48 =	vld [tilespmem:s19+$0x10]  }
0x4e4: {  	s25 =	spop (v2sf)  }
0x4e5: {  	s23 =	spop (v2sf)  }
0x4e6: {  	s7 =	spop (v2sf);
	v17 =	vadd.f32 v47, v17  }
0x4e7: {  	s8 =	spop (v2sf)  }
0x4e8: {  	(v2sf) =	vpush v2, $0xE;
	s5 =	spop (v2sf);
	v17 =	vadd.f32 v48, v17  }
0x4e9: {  	s20 =	spop (v2sf)  }
0x4ea: {  	s6 =	spop (v2sf);
	[tilespmem:s18+$0xFFFFFE10] =	vst v17  }
0x4eb: {  	(v2sf) =	vpush v4, $0xE;
	s9 =	spop (v2sf);
	v17 =	vld [tilespmem:s6+$0x0]  }
0x4ec: {  	(v2sf) =	vpush v1, $0xE;
	v49 =	vld [tilespmem:s9+$0x0]  }
0x4ed: {  	(v2sf) =	vpush v0, $0xA  }
0x4ee: {  	(v2sf) =	vpush v5, $0xA;
	v50 =	vld [tilespmem:s20+$0x0]  }
0x4ef: {  	(v2sf) =	vpush v3, $0xA  }
0x4f0: {  	(v2sf) =	vpush v7, $0x6  }
0x4f1: {  	(v2sf) =	vpush v6, $0x6;
	v17 =	vadd.f32 v49, v17  }
0x4f2: {  	(v2sf) =	vpush v8, $0x6  }
0x4f3: {  	v17 =	vadd.f32 v50, v17;
	_ =	sdelay $0x1  }
0x4f4: {  	[tilespmem:s18+$0xFFFFFE80] =	vst v17  }
0x4f5: {  	v17 =	vld [tilespmem:s6+$0x10]  }
0x4f6: {  	s16 =	spop (v2sf);
	v51 =	vld [tilespmem:s9+$0x10]  }
0x4f7: {  	[smem:$0x7F9] =	sst s16  }
0x4f8: {  	v52 =	vld [tilespmem:s20+$0x10]  }
0x4f9: {  	s17 =	spop (v2sf)  }
0x4fa: {  	s19 =	spop (v2sf)  }
0x4fb: {  	[smem:$0x7FA] =	sst s17;
	s17 =	spop (v2sf);
	v17 =	vadd.f32 v51, v17  }
0x4fc: {  	s6 =	spop (v2sf)  }
0x4fd: {  	s16 =	spop (v2sf);
	v17 =	vadd.f32 v52, v17  }
0x4fe: {  	[smem:$0x7FB] =	sst s19;
	s20 =	spop (v2sf)  }
0x4ff: {  	(v2sf) =	vpush v2, $0xF;
	s3 =	spop (v2sf);
	[tilespmem:s18+$0xFFFFFE90] =	vst v17  }
0x500: {  	(v2sf) =	vpush v4, $0xF;
	s9 =	spop (v2sf);
	v53 =	vld [tilespmem:s3+$0x0]  }
0x501: {  	(v2sf) =	vpush v1, $0xF;
	v54 =	vld [tilespmem:s9+$0x0]  }
0x502: {  	(v2sf) =	vpush v0, $0xB  }
0x503: {  	(v2sf) =	vpush v5, $0xB;
	v55 =	vld [tilespmem:s20+$0x0]  }
0x504: {  	(v2sf) =	vpush v3, $0xB  }
0x505: {  	(v2sf) =	vpush v6, $0x7  }
0x506: {  	(v2sf) =	vpush v7, $0x7;
	v1 =	vadd.f32 v54, v53  }
0x507: {  	(v2sf) =	vpush v8, $0x7  }
0x508: {  	v1 =	vadd.f32 v55, v1;
	_ =	sdelay $0x1  }
0x509: {  	[tilespmem:s18+$0xFFFFFF00] =	vst v1  }
0x50a: {  	v1 =	vld [tilespmem:s3+$0x10]  }
0x50b: {  	v56 =	vld [tilespmem:s9+$0x10];
	_ =	sdelay $0x1  }
0x50c: {  	v15 =	vadd.f32 v16, v15;
	s19 =	spop (v2sf);
	v57 =	vld [tilespmem:s20+$0x10]  }
0x50d: {  	[dreg:$0x1d] =	wrdreg s19;
	s20 =	spop (v2sf)  }
0x50e: {  	v14 =	vadd.f32 v14, v15;
	[dreg:$0x17] =	wrdreg s20;
	s2 =	spop (v2sf)  }
0x50f: {  	[dreg:$0x1a] =	wrdreg s2;
	s19 =	spop (v2sf);
	v1 =	vadd.f32 v56, v1  }
0x510: {  	[tilespmem:s15+$0xFFFFFF10] =	vst v14;
	s20 =	spop (v2sf)  }
0x511: {  	v58 =	vld [tilespmem:s12+$0x0];
	s9 =	spop (v2sf);
	v1 =	vadd.f32 v57, v1  }
0x512: {  	v59 =	vld [tilespmem:s30+$0x0];
	s3 =	spop (v2sf)  }
0x513: {  	v14 =	vld [tilespmem:s10+$0x0];
	s2 =	spop (v2sf);
	[tilespmem:s18+$0xFFFFFF10] =	vst v1  }
0x514: {  	s0 =	spop (v2sf);
	v1 =	vld [tilespmem:s3+$0x0]  }
0x515: {  	v60 =	vld [tilespmem:s0+$0x0];
	_ =	sdelay $0x1  }
0x516: {  	(v2sf) =	vpush v0, $0xC;
	v2 =	vadd.f32 v59, v58;
	v61 =	vld [tilespmem:s2+$0x0]  }
0x517: {  	(v2sf) =	vpush v5, $0xC  }
0x518: {  	(v2sf) =	vpush v3, $0xC;
	v2 =	vadd.f32 v14, v2  }
0x519: {  	(v2sf) =	vpush v6, $0x8;
	v1 =	vadd.f32 v60, v1  }
0x51a: {  	(v2sf) =	vpush v8, $0x8;
	[tilespmem:s15+$0xFFFFFF80] =	vst v2  }
0x51b: {  	v2 =	vld [tilespmem:s12+$0x10];
	v1 =	vadd.f32 v61, v1  }
0x51c: {  	(v2sf) =	vpush v7, $0x8;
	v62 =	vld [tilespmem:s30+$0x10]  }
0x51d: {  	v63 =	vld [tilespmem:s10+$0x10];
	[tilespmem:s18+$0xFFFFFF80] =	vst v1  }
0x51e: {  	v1 =	vld [tilespmem:s3+$0x10]  }
0x51f: {  	v20 =	vld [tilespmem:s0+$0x10];
	_ =	sdelay $0x1  }
0x520: {  	v2 =	vadd.f32 v62, v2;
	v21 =	vld [tilespmem:s2+$0x10];
	_ =	sdelay $0x1  }
0x521: {  	v2 =	vadd.f32 v63, v2  }
0x522: {  	v1 =	vadd.f32 v20, v1  }
0x523: {  	s30 =	spop (v2sf);
	[tilespmem:s15+$0xFFFFFF90] =	vst v2  }
0x524: {  	s10 =	spop (v2sf);
	v2 =	vld [tilespmem:s28+$0x0];
	v1 =	vadd.f32 v21, v1  }
0x525: {  	s12 =	spop (v2sf);
	v22 =	vld [tilespmem:s4+$0x0]  }
0x526: {  	s0 =	spop (v2sf);
	v23 =	vld [tilespmem:s11+$0x0];
	[tilespmem:s18+$0xFFFFFF90] =	vst v1  }
0x527: {  	s2 =	spop (v2sf);
	v1 =	vld [tilespmem:s0+$0x0]  }
0x528: {  	v24 =	vld [tilespmem:s2+$0x0]  }
0x529: {  	s3 =	spop (v2sf)  }
0x52a: {  	(v2sf) =	vpush v0, $0xD;
	v2 =	vadd.f32 v22, v2;
	v25 =	vld [tilespmem:s3+$0x0]  }
0x52b: {  	(v2sf) =	vpush v5, $0xD  }
0x52c: {  	(v2sf) =	vpush v3, $0xD;
	v2 =	vadd.f32 v23, v2  }
0x52d: {  	(v2sf) =	vpush v6, $0x9;
	v1 =	vadd.f32 v24, v1  }
0x52e: {  	(v2sf) =	vpush v8, $0x9;
	[tilespmem:s15+$0x0] =	vst v2  }
0x52f: {  	v2 =	vld [tilespmem:s28+$0x10];
	v1 =	vadd.f32 v25, v1  }
0x530: {  	(v2sf) =	vpush v7, $0x9;
	v26 =	vld [tilespmem:s4+$0x10]  }
0x531: {  	v27 =	vld [tilespmem:s11+$0x10];
	[tilespmem:s18+$0x0] =	vst v1  }
0x532: {  	v1 =	vld [tilespmem:s0+$0x10]  }
0x533: {  	v28 =	vld [tilespmem:s2+$0x10];
	_ =	sdelay $0x1  }
0x534: {  	v2 =	vadd.f32 v26, v2;
	v29 =	vld [tilespmem:s3+$0x10];
	_ =	sdelay $0x1  }
0x535: {  	v2 =	vadd.f32 v27, v2  }
0x536: {  	v1 =	vadd.f32 v28, v1  }
0x537: {  	s11 =	spop (v2sf);
	[tilespmem:s15+$0x10] =	vst v2  }
0x538: {  	s4 =	spop (v2sf);
	v2 =	vld [tilespmem:s7+$0x0];
	v1 =	vadd.f32 v29, v1  }
0x539: {  	s28 =	spop (v2sf);
	v30 =	vld [tilespmem:s8+$0x0]  }
0x53a: {  	s0 =	spop (v2sf);
	v31 =	vld [tilespmem:s5+$0x0];
	[tilespmem:s18+$0x10] =	vst v1  }
0x53b: {  	s2 =	spop (v2sf);
	v1 =	vld [tilespmem:s0+$0x0]  }
0x53c: {  	v32 =	vld [tilespmem:s2+$0x0]  }
0x53d: {  	s3 =	spop (v2sf)  }
0x53e: {  	(v2sf) =	vpush v0, $0xE;
	v2 =	vadd.f32 v30, v2;
	v33 =	vld [tilespmem:s3+$0x0]  }
0x53f: {  	(v2sf) =	vpush v5, $0xE  }
0x540: {  	(v2sf) =	vpush v3, $0xE;
	v2 =	vadd.f32 v31, v2  }
0x541: {  	(v2sf) =	vpush v6, $0xA;
	v1 =	vadd.f32 v32, v1  }
0x542: {  	(v2sf) =	vpush v8, $0xA;
	[tilespmem:s15+$0x80] =	vst v2  }
0x543: {  	v2 =	vld [tilespmem:s7+$0x10];
	v1 =	vadd.f32 v33, v1  }
0x544: {  	(v2sf) =	vpush v7, $0xA;
	v34 =	vld [tilespmem:s8+$0x10]  }
0x545: {  	v35 =	vld [tilespmem:s5+$0x10];
	[tilespmem:s18+$0x80] =	vst v1  }
0x546: {  	v1 =	vld [tilespmem:s0+$0x10]  }
0x547: {  	v36 =	vld [tilespmem:s2+$0x10];
	_ =	sdelay $0x1  }
0x548: {  	v2 =	vadd.f32 v34, v2;
	v37 =	vld [tilespmem:s3+$0x10];
	_ =	sdelay $0x1  }
0x549: {  	v2 =	vadd.f32 v35, v2  }
0x54a: {  	v1 =	vadd.f32 v36, v1  }
0x54b: {  	s5 =	spop (v2sf);
	[tilespmem:s15+$0x90] =	vst v2  }
0x54c: {  	s8 =	spop (v2sf);
	v2 =	vld [tilespmem:s17+$0x0];
	v1 =	vadd.f32 v37, v1  }
0x54d: {  	s7 =	spop (v2sf);
	v38 =	vld [tilespmem:s6+$0x0]  }
0x54e: {  	s0 =	spop (v2sf);
	v39 =	vld [tilespmem:s16+$0x0];
	[tilespmem:s18+$0x90] =	vst v1  }
0x54f: {  	s2 =	spop (v2sf);
	v1 =	vld [tilespmem:s0+$0x0]  }
0x550: {  	v40 =	vld [tilespmem:s2+$0x0]  }
0x551: {  	s3 =	spop (v2sf)  }
0x552: {  	(v2sf) =	vpush v0, $0xF;
	v2 =	vadd.f32 v38, v2;
	v41 =	vld [tilespmem:s3+$0x0]  }
0x553: {  	(v2sf) =	vpush v5, $0xF  }
0x554: {  	(v2sf) =	vpush v3, $0xF;
	v2 =	vadd.f32 v39, v2  }
0x555: {  	(v2sf) =	vpush v6, $0xB;
	v1 =	vadd.f32 v40, v1  }
0x556: {  	(v2sf) =	vpush v8, $0xB;
	[tilespmem:s15+$0x100] =	vst v2  }
0x557: {  	(v2sf) =	vpush v7, $0xB;
	v2 =	vld [tilespmem:s17+$0x10];
	v0 =	vadd.f32 v41, v1  }
0x558: {  	v42 =	vld [tilespmem:s6+$0x10]  }
0x559: {  	v43 =	vld [tilespmem:s16+$0x10];
	[tilespmem:s18+$0x100] =	vst v0  }
0x55a: {  	v0 =	vld [tilespmem:s0+$0x10]  }
0x55b: {  	v44 =	vld [tilespmem:s2+$0x10];
	_ =	sdelay $0x1  }
0x55c: {  	v1 =	vadd.f32 v42, v2;
	v45 =	vld [tilespmem:s3+$0x10];
	_ =	sdelay $0x1  }
0x55d: {  	v1 =	vadd.f32 v43, v1  }
0x55e: {  	v46 =	vld [tilespmem:s21+$0x0];
	v0 =	vadd.f32 v44, v0  }
0x55f: {  	s16 =	spop (v2sf);
	[tilespmem:s15+$0x110] =	vst v1  }
0x560: {  	s6 =	spop (v2sf);
	v1 =	vld [tilespmem:s19+$0x0];
	v0 =	vadd.f32 v45, v0  }
0x561: {  	v49 =	vadd.f32 v13, v12;
	s17 =	spop (v2sf);
	v47 =	vld [tilespmem:s20+$0x0]  }
0x562: {  	s0 =	spop (v2sf);
	v48 =	vld [tilespmem:s9+$0x0];
	[tilespmem:s18+$0x110] =	vst v0  }
0x563: {  	s2 =	spop (v2sf);
	v0 =	vadd.f32 v46, v49;
	v50 =	vld [tilespmem:s0+$0x0]  }
0x564: {  	s3 =	spop (v2sf);
	v51 =	vld [tilespmem:s2+$0x0]  }
0x565: {  	v52 =	vld [tilespmem:s3+$0x0];
	[tilespmem:s14+$0x180] =	vst v0  }
0x566: {  	v1 =	vadd.f32 v47, v1;
	v0 =	vld [tilespmem:s1+$0x10]  }
0x567: {  	v53 =	vld [tilespmem:s31+$0x10]  }
0x568: {  	v1 =	vadd.f32 v48, v1  }
0x569: {  	(v2sf) =	vpush v6, $0xC;
	v55 =	vld [tilespmem:s21+$0x10];
	v54 =	vadd.f32 v51, v50  }
0x56a: {  	(v2sf) =	vpush v8, $0xC;
	[tilespmem:s15+$0x180] =	vst v1  }
0x56b: {  	(v2sf) =	vpush v7, $0xC;
	v1 =	vld [tilespmem:s19+$0x10];
	v2 =	vadd.f32 v52, v54  }
0x56c: {  	v56 =	vld [tilespmem:s20+$0x10];
	v0 =	vadd.f32 v53, v0  }
0x56d: {  	v57 =	vld [tilespmem:s9+$0x10];
	[tilespmem:s18+$0x180] =	vst v2  }
0x56e: {  	v0 =	vadd.f32 v55, v0;
	v2 =	vld [tilespmem:s0+$0x10]  }
0x56f: {  	v58 =	vld [tilespmem:s2+$0x10]  }
0x570: {  	v59 =	vld [tilespmem:s3+$0x10];
	[tilespmem:s14+$0x190] =	vst v0  }
0x571: {  	v1 =	vadd.f32 v56, v1;
	v0 =	vld [tilespmem:s22+$0x0]  }
0x572: {  	v60 =	vld [tilespmem:s29+$0x0]  }
0x573: {  	v1 =	vadd.f32 v57, v1  }
0x574: {  	v61 =	vld [tilespmem:s26+$0x0];
	v2 =	vadd.f32 v58, v2  }
0x575: {  	[tilespmem:s15+$0x190] =	vst v1  }
0x576: {  	v1 =	vld [tilespmem:s30+$0x0];
	v2 =	vadd.f32 v59, v2  }
0x577: {  	v62 =	vld [tilespmem:s10+$0x0];
	v0 =	vadd.f32 v60, v0  }
0x578: {  	s3 =	spop (v2sf);
	v63 =	vld [tilespmem:s12+$0x0];
	[tilespmem:s18+$0x190] =	vst v2  }
0x579: {  	s9 =	spop (v2sf);
	v0 =	vadd.f32 v61, v0;
	v2 =	vld [tilespmem:s3+$0x0]  }
0x57a: {  	s19 =	spop (v2sf);
	v15 =	vld [tilespmem:s9+$0x0]  }
0x57b: {  	v16 =	vld [tilespmem:s19+$0x0];
	[tilespmem:s14+$0x200] =	vst v0  }
0x57c: {  	v1 =	vadd.f32 v62, v1;
	v0 =	vld [tilespmem:s22+$0x10]  }
0x57d: {  	v17 =	vld [tilespmem:s29+$0x10]  }
0x57e: {  	v1 =	vadd.f32 v63, v1  }
0x57f: {  	v18 =	vld [tilespmem:s26+$0x10];
	v2 =	vadd.f32 v15, v2  }
0x580: {  	(v2sf) =	vpush v6, $0xD;
	[tilespmem:s15+$0x200] =	vst v1  }
0x581: {  	(v2sf) =	vpush v8, $0xD;
	v1 =	vld [tilespmem:s30+$0x10];
	v2 =	vadd.f32 v16, v2  }
0x582: {  	v19 =	vld [tilespmem:s10+$0x10];
	v0 =	vadd.f32 v17, v0  }
0x583: {  	v20 =	vld [tilespmem:s12+$0x10];
	[tilespmem:s18+$0x200] =	vst v2  }
0x584: {  	(v2sf) =	vpush v7, $0xD;
	v0 =	vadd.f32 v18, v0;
	v2 =	vld [tilespmem:s3+$0x10]  }
0x585: {  	v21 =	vld [tilespmem:s9+$0x10]  }
0x586: {  	v22 =	vld [tilespmem:s19+$0x10];
	[tilespmem:s14+$0x210] =	vst v0  }
0x587: {  	v0 =	vld [tilespmem:s24+$0x0]  }
0x588: {  	v1 =	vadd.f32 v19, v1;
	v23 =	vld [tilespmem:s25+$0x0];
	_ =	sdelay $0x1  }
0x589: {  	v1 =	vadd.f32 v20, v1;
	v24 =	vld [tilespmem:s23+$0x0]  }
0x58a: {  	v2 =	vadd.f32 v21, v2  }
0x58b: {  	[tilespmem:s15+$0x210] =	vst v1  }
0x58c: {  	v1 =	vld [tilespmem:s11+$0x0];
	v2 =	vadd.f32 v22, v2;
	v0 =	vadd.f32 v23, v0  }
0x58d: {  	v25 =	vld [tilespmem:s4+$0x0]  }
0x58e: {  	s20 =	spop (v2sf);
	v26 =	vld [tilespmem:s28+$0x0];
	[tilespmem:s18+$0x210] =	vst v2;
	v0 =	vadd.f32 v24, v0  }
0x58f: {  	s21 =	spop (v2sf);
	v2 =	vld [tilespmem:s20+$0x0]  }
0x590: {  	v27 =	vld [tilespmem:s21+$0x0];
	[tilespmem:s14+$0x280] =	vst v0  }
0x591: {  	v0 =	vld [tilespmem:s24+$0x10]  }
0x592: {  	s22 =	spop (v2sf);
	v29 =	vld [tilespmem:s25+$0x10]  }
0x593: {  	v1 =	vadd.f32 v25, v1;
	v28 =	vld [tilespmem:s22+$0x0]  }
0x594: {  	v30 =	vld [tilespmem:s23+$0x10]  }
0x595: {  	v1 =	vadd.f32 v26, v1  }
0x596: {  	(v2sf) =	vpush v6, $0xE;
	v2 =	vadd.f32 v27, v2  }
0x597: {  	(v2sf) =	vpush v8, $0xE;
	[tilespmem:s15+$0x280] =	vst v1;
	v0 =	vadd.f32 v29, v0  }
0x598: {  	v1 =	vld [tilespmem:s11+$0x10];
	v2 =	vadd.f32 v28, v2  }
0x599: {  	(v2sf) =	vpush v7, $0xE;
	v31 =	vld [tilespmem:s4+$0x10];
	v0 =	vadd.f32 v30, v0  }
0x59a: {  	v32 =	vld [tilespmem:s28+$0x10];
	[tilespmem:s18+$0x280] =	vst v2  }
0x59b: {  	v2 =	vld [tilespmem:s20+$0x10];
	[tilespmem:s14+$0x290] =	vst v0  }
0x59c: {  	v33 =	vld [tilespmem:s21+$0x10];
	s25 =	sld [smem:$0x7F9]  }
0x59d: {  	s26 =	sld [smem:$0x7FA]  }
0x59e: {  	v1 =	vadd.f32 v31, v1;
	v34 =	vld [tilespmem:s22+$0x10]  }
0x59f: {  	s28 =	sld [smem:$0x7FB];
	v0 =	vld [tilespmem:s25+$0x0]  }
0x5a0: {  	v1 =	vadd.f32 v32, v1;
	v35 =	vld [tilespmem:s26+$0x0]  }
0x5a1: {  	v2 =	vadd.f32 v33, v2  }
0x5a2: {  	[tilespmem:s15+$0x290] =	vst v1;
	v36 =	vld [tilespmem:s28+$0x0]  }
0x5a3: {  	v1 =	vld [tilespmem:s5+$0x0];
	v2 =	vadd.f32 v34, v2  }
0x5a4: {  	v37 =	vld [tilespmem:s8+$0x0]  }
0x5a5: {  	s29 =	spop (v2sf);
	v38 =	vld [tilespmem:s7+$0x0];
	[tilespmem:s18+$0x290] =	vst v2;
	v0 =	vadd.f32 v35, v0  }
0x5a6: {  	s30 =	spop (v2sf);
	v2 =	vld [tilespmem:s29+$0x0]  }
0x5a7: {  	v39 =	vld [tilespmem:s30+$0x0];
	v0 =	vadd.f32 v36, v0  }
0x5a8: {  	s31 =	spop (v2sf)  }
0x5a9: {  	v1 =	vadd.f32 v37, v1;
	v40 =	vld [tilespmem:s31+$0x0];
	[tilespmem:s14+$0x300] =	vst v0  }
0x5aa: {  	v0 =	vld [tilespmem:s25+$0x10]  }
0x5ab: {  	v1 =	vadd.f32 v38, v1;
	v41 =	vld [tilespmem:s26+$0x10]  }
0x5ac: {  	(v2sf) =	vpush v6, $0xF;
	v2 =	vadd.f32 v39, v2  }
0x5ad: {  	(v2sf) =	vpush v8, $0xF;
	[tilespmem:s15+$0x300] =	vst v1;
	v42 =	vld [tilespmem:s28+$0x10]  }
0x5ae: {  	v1 =	vld [tilespmem:s5+$0x10];
	v2 =	vadd.f32 v40, v2  }
0x5af: {  	(v2sf) =	vpush v7, $0xF;
	v43 =	vld [tilespmem:s8+$0x10]  }
0x5b0: {  	v44 =	vld [tilespmem:s7+$0x10];
	[tilespmem:s18+$0x300] =	vst v2;
	v0 =	vadd.f32 v41, v0  }
0x5b1: {  	v2 =	vld [tilespmem:s29+$0x10]  }
0x5b2: {  	v45 =	vld [tilespmem:s30+$0x10];
	v0 =	vadd.f32 v42, v0;
	_ =	sdelay $0x1  }
0x5b3: {  	v1 =	vadd.f32 v43, v1;
	v46 =	vld [tilespmem:s31+$0x10];
	[tilespmem:s14+$0x310] =	vst v0  }
0x5b4: {  	s7 =	rddreg [dreg:$0x1d]  }
0x5b5: {  	v1 =	vadd.f32 v44, v1;
	s8 =	rddreg [dreg:$0x17];
	v0 =	vld [tilespmem:s7+$0x0]  }
0x5b6: {  	v2 =	vadd.f32 v45, v2;
	s9 =	rddreg [dreg:$0x1a];
	v47 =	vld [tilespmem:s8+$0x0]  }
0x5b7: {  	[tilespmem:s15+$0x310] =	vst v1;
	v48 =	vld [tilespmem:s9+$0x0]  }
0x5b8: {  	v1 =	vld [tilespmem:s16+$0x0];
	v2 =	vadd.f32 v46, v2  }
0x5b9: {  	v49 =	vld [tilespmem:s6+$0x0]  }
0x5ba: {  	s10 =	spop (v2sf);
	v50 =	vld [tilespmem:s17+$0x0];
	[tilespmem:s18+$0x310] =	vst v2  }
0x5bb: {  	s11 =	spop (v2sf);
	v2 =	vld [tilespmem:s10+$0x0]  }
0x5bc: {  	v51 =	vld [tilespmem:s11+$0x0];
	v0 =	vadd.f32 v47, v0  }
0x5bd: {  	s12 =	spop (v2sf)  }
0x5be: {  	v52 =	vld [tilespmem:s12+$0x0];
	v0 =	vadd.f32 v48, v0  }
0x5bf: {  	v1 =	vadd.f32 v49, v1  }
0x5c0: {  	[tilespmem:s14+$0x380] =	vst v0  }
0x5c1: {  	v1 =	vadd.f32 v50, v1;
	v2 =	vadd.f32 v51, v2;
	v0 =	vld [tilespmem:s7+$0x10]  }
0x5c2: {  	v53 =	vld [tilespmem:s8+$0x10]  }
0x5c3: {  	[tilespmem:s15+$0x380] =	vst v1;
	v54 =	vld [tilespmem:s9+$0x10];
	v55 =	vadd.f32 v52, v2  }
0x5c4: {  	v56 =	vld [tilespmem:s16+$0x10]  }
0x5c5: {  	v57 =	vld [tilespmem:s6+$0x10];
	[tilespmem:s18+$0x380] =	vst v55  }
0x5c6: {  	v1 =	vld [tilespmem:s10+$0x10]  }
0x5c7: {  	v58 =	vld [tilespmem:s11+$0x10]  }
0x5c8: {  	v60 =	vadd.f32 v10, v9;
	v59 =	vld [tilespmem:s17+$0x10]  }
0x5c9: {  	v61 =	vld [tilespmem:s12+$0x10];
	v0 =	vadd.f32 v53, v0  }
0x5ca: {  	v62 =	vadd.f32 v11, v60  }
0x5cb: {  	v2 =	vadd.f32 v57, v56;
	v0 =	vadd.f32 v54, v0  }
0x5cc: {  	[tilespmem:s13+$0x390] =	vst v62;
	v1 =	vadd.f32 v58, v1  }
0x5cd: {  	v2 =	vadd.f32 v59, v2;
	[tilespmem:s14+$0x390] =	vst v0  }
0x5ce: {  	s16 =	rddreg [dreg:$0x7];
	v63 =	vadd.f32 v61, v1  }
0x5cf: {  	s21 =	simm.s32 $0x0;
	s17 =	rddreg [dreg:$0x15];
	[tilespmem:s15+$0x390] =	vst v2  }
0x5d0: {  	s22 =	simm.s32 $0x1A800;
	s0 =	sadd.s32 s16, s17;
	s19 =	rddreg [dreg:$0x14];
	[tilespmem:s18+$0x390] =	vst v63  }
0x5d1: {  	s0 =	sshll.u32 s0, $0x4;
	s1 =	smin.u32 s19, $0x26D;
	s20 =	rddreg [dreg:$0x6]  }
0x5d2: {  	s1 =	smul.u32 $0x50, s1;
	s23 =	rddreg [dreg:$0xf];
	s0 =	sadd.s32 s20, s0  }
0x5d3: {  	[hbm4b:s0+s21] =	stream.linear.scatter [tilespmem:s22], [sflag:$0x4], $0x2800, $0x38;
	[tilespmem:$0x1D300] =	vst v63  }
0x5d4: {  	s31 =	rddreg [dreg:$0x13];
	s0 =	sadd.s32 s1, s23  }
0x5d5: {  	s24 =	rddreg [dreg:$0x3];
	s11 =	sadd.s32 $0x1, s31;
	s0 =	sshrl.u32 s0, $0x3  }
0x5d6: {  	s25 =	simm.s32 $0x1D180;
	p0 =	sne.s32 s11, $0x138;
	s1 =	sadd.s32 s24, s0  }
0x5d7: {  	[tilespmem:s25], [sflag:$0x2] =	stream.linear.gather [hbm4b:s1+s21], $0x50, $0x38;
	[tilespmem:$0x1D300] =	vst v63  }
.Ltmp2:
0x5d8: {  	s26 =	rddreg [dreg:$0x5];
	(pc) =	sbr.rel @p0 .LBB2_2-.Ltmp2, $4  }
0x5d9: {  	s28 =	simm.s32 $0x1D200;
	s29 =	rddreg [dreg:$0x1];
	s1 =	sadd.s32 s26, s0  }
0x5da: {  	[tilespmem:s28], [sflag:$0x2] =	stream.linear.gather [hbm4b:s1+s21], $0x50, $0x38;
	[tilespmem:$0x1D300] =	vst v63  }
0x5db: {  	s30 =	simm.s32 $0x1D280;
	s0 =	sadd.s32 s29, s0  }
0x5dc: {  	[tilespmem:s30], [sflag:$0x2] =	stream.linear.gather [hbm4b:s0+s21], $0x50, $0x38;
	[tilespmem:$0x1D300] =	vst v63  }
0x5dd: {  	s0 =	simm.s32 $0x1  }
0x5de: {  	_ =	swait.ge [sflag:s0], $0x50  }
0x5df: {  	[sflag:s0] =	ssyncset.done $0x0  }
0x5e0: {  	[sflag:s0] =	ssyncadd.s32 $0xFFFFFFB0  }
0x5e1: {  	_ =	swait.ge [sflag:s0], $0x50  }
0x5e2: {  	[sflag:s0] =	ssyncset.done $0x0  }
0x5e3: {  	[sflag:s0] =	ssyncadd.s32 $0xFFFFFFB0  }
0x5e4: {  	_ =	swait.ge [sflag:s0], $0x50  }
0x5e5: {  	[sflag:s0] =	ssyncset.done $0x0  }
0x5e6: {  	s5 =	simm.s32 $0x3;
	[sflag:s0] =	ssyncadd.s32 $0xFFFFFFB0  }
0x5e7: {  	_ =	swait.ge [sflag:s5], $0x2800  }
0x5e8: {  	[sflag:s5] =	ssyncset.done $0x0  }
0x5e9: {  	s6 =	simm.s32 $0x1D100;
	[sflag:s5] =	ssyncadd.s32 $0xFFFFD800  }
0x5ea: {  	s1 =	simm.s32 $0x1D000;
	v0 =	vld [tilespmem:s6+$0x0]  }
0x5eb: {  	s7 =	simm.s32 $0x1D080;
	v1 =	vld [tilespmem:s1+$0x0]  }
0x5ec: {  	v2 =	vld [tilespmem:s7+$0x0];
	_ =	sdelay $0x3  }
0x5ed: {  	v10 =	vshll.u32 v1, $0x5;
	v0 =	vshll.u32 v0, $0x5  }
0x5ee: {  	(v2sf) =	vpush v10, $0x0;
	v9 =	vadd.s32 $0x10000, v0;
	v0 =	vshll.u32 v2, $0x5  }
0x5ef: {  	(v2sf) =	vpush v9, $0x0;
	v11 =	vadd.s32 $0x8000, v0  }
0x5f0: {  	(v2sf) =	vpush v11, $0x0;
	_ =	sdelay $0xc  }
0x5f1: {  	s8 =	spop (v2sf)  }
0x5f2: {  	s9 =	spop (v2sf)  }
0x5f3: {  	v0 =	vld [tilespmem:s8+$0x0];
	s2 =	spop (v2sf)  }
0x5f4: {  	v1 =	vld [tilespmem:s2+$0x0];
	_ =	sdelay $0x1  }
0x5f5: {  	v2 =	vld [tilespmem:s9+$0x0];
	_ =	sdelay $0x1  }
0x5f6: {  	(v2sf) =	vpush v9, $0x1  }
0x5f7: {  	(v2sf) =	vpush v10, $0x1;
	v0 =	vadd.f32 v1, v0  }
0x5f8: {  	(v2sf) =	vpush v11, $0x1  }
0x5f9: {  	v0 =	vadd.f32 v2, v0  }
0x5fa: {  	s10 =	simm.s32 $0x18400  }
0x5fb: {  	[tilespmem:s10+$0xFFFFFC00] =	vst v0  }
0x5fc: {  	v0 =	vld [tilespmem:s8+$0x10]  }
0x5fd: {  	v1 =	vld [tilespmem:s2+$0x10];
	_ =	sdelay $0x1  }
0x5fe: {  	v2 =	vld [tilespmem:s9+$0x10];
	_ =	sdelay $0x2  }
0x5ff: {  	v0 =	vadd.f32 v1, v0;
	_ =	sdelay $0x1  }
0x600: {  	v0 =	vadd.f32 v2, v0  }
0x601: {  	s11 =	spop (v2sf)  }
0x602: {  	s12 =	spop (v2sf);
	[tilespmem:s10+$0xFFFFFC10] =	vst v0  }
0x603: {  	s13 =	spop (v2sf);
	v0 =	vld [tilespmem:s12+$0x0]  }
0x604: {  	v1 =	vld [tilespmem:s13+$0x0];
	_ =	sdelay $0x1  }
0x605: {  	v2 =	vld [tilespmem:s11+$0x0];
	_ =	sdelay $0x2  }
0x606: {  	(v2sf) =	vpush v9, $0x2;
	v0 =	vadd.f32 v1, v0  }
0x607: {  	(v2sf) =	vpush v10, $0x2  }
0x608: {  	(v2sf) =	vpush v11, $0x2;
	v0 =	vadd.f32 v2, v0;
	_ =	sdelay $0x1  }
0x609: {  	[tilespmem:s10+$0xFFFFFC80] =	vst v0  }
0x60a: {  	v0 =	vld [tilespmem:s12+$0x10]  }
0x60b: {  	v1 =	vld [tilespmem:s13+$0x10];
	_ =	sdelay $0x1  }
0x60c: {  	v2 =	vld [tilespmem:s11+$0x10];
	_ =	sdelay $0x2  }
0x60d: {  	v0 =	vadd.f32 v1, v0;
	_ =	sdelay $0x1  }
0x60e: {  	v0 =	vadd.f32 v2, v0;
	_ =	sdelay $0x1  }
0x60f: {  	s14 =	spop (v2sf);
	[tilespmem:s10+$0xFFFFFC90] =	vst v0  }
0x610: {  	v0 =	vld [tilespmem:s14+$0x0];
	s1 =	spop (v2sf)  }
0x611: {  	v1 =	vld [tilespmem:s1+$0x0];
	s15 =	spop (v2sf)  }
0x612: {  	v2 =	vld [tilespmem:s15+$0x0];
	_ =	sdelay $0x3  }
0x613: {  	(v2sf) =	vpush v10, $0x3  }
0x614: {  	(v2sf) =	vpush v9, $0x3;
	v1 =	vadd.f32 v2, v1  }
0x615: {  	(v2sf) =	vpush v11, $0x3  }
0x616: {  	v0 =	vadd.f32 v0, v1;
	_ =	sdelay $0x1  }
0x617: {  	[tilespmem:s10+$0xFFFFFD00] =	vst v0  }
0x618: {  	v0 =	vld [tilespmem:s1+$0x10]  }
0x619: {  	v1 =	vld [tilespmem:s15+$0x10];
	_ =	sdelay $0x1  }
0x61a: {  	v2 =	vld [tilespmem:s14+$0x10];
	_ =	sdelay $0x2  }
0x61b: {  	s17 =	simm.s32 $0x1D010;
	v0 =	vadd.f32 v1, v0  }
0x61c: {  	s16 =	simm.s32 $0x1D110;
	v3 =	vld [tilespmem:s17+$0x0]  }
0x61d: {  	s18 =	simm.s32 $0x1D090;
	v1 =	vld [tilespmem:s16+$0x0];
	v0 =	vadd.f32 v2, v0  }
0x61e: {  	v4 =	vld [tilespmem:s18+$0x0];
	s19 =	spop (v2sf)  }
0x61f: {  	s20 =	spop (v2sf);
	[tilespmem:s10+$0xFFFFFD10] =	vst v0  }
0x620: {  	s21 =	spop (v2sf);
	v0 =	vld [tilespmem:s19+$0x0]  }
0x621: {  	v5 =	vld [tilespmem:s21+$0x0]  }
0x622: {  	v2 =	vshll.u32 v3, $0x5;
	v1 =	vshll.u32 v1, $0x5  }
0x623: {  	v4 =	vshll.u32 v4, $0x5;
	(v2sf) =	vpush v2, $0x0;
	v3 =	vld [tilespmem:s20+$0x0];
	v1 =	vadd.s32 $0x10000, v1  }
0x624: {  	v4 =	vadd.s32 $0x8000, v4;
	(v2sf) =	vpush v1, $0x0  }
0x625: {  	(v2sf) =	vpush v4, $0x0  }
0x626: {  	(v2sf) =	vpush v10, $0x4;
	v0 =	vadd.f32 v5, v0  }
0x627: {  	(v2sf) =	vpush v11, $0x4  }
0x628: {  	v0 =	vadd.f32 v3, v0  }
0x629: {  	(v2sf) =	vpush v9, $0x4  }
0x62a: {  	[tilespmem:s10+$0xFFFFFD80] =	vst v0  }
0x62b: {  	v0 =	vld [tilespmem:s19+$0x10]  }
0x62c: {  	v3 =	vld [tilespmem:s21+$0x10];
	_ =	sdelay $0x1  }
0x62d: {  	v5 =	vld [tilespmem:s20+$0x10];
	_ =	sdelay $0x2  }
0x62e: {  	v0 =	vadd.f32 v3, v0  }
0x62f: {  	s22 =	spop (v2sf)  }
0x630: {  	s23 =	spop (v2sf);
	v0 =	vadd.f32 v5, v0  }
0x631: {  	s24 =	spop (v2sf)  }
0x632: {  	[tilespmem:s10+$0xFFFFFD90] =	vst v0;
	s3 =	spop (v2sf)  }
0x633: {  	v0 =	vld [tilespmem:s3+$0x0];
	s4 =	spop (v2sf)  }
0x634: {  	v3 =	vld [tilespmem:s4+$0x0]  }
0x635: {  	s5 =	spop (v2sf)  }
0x636: {  	v5 =	vld [tilespmem:s5+$0x0];
	_ =	sdelay $0x1  }
0x637: {  	(v2sf) =	vpush v9, $0x5  }
0x638: {  	(v2sf) =	vpush v10, $0x5;
	v0 =	vadd.f32 v3, v0  }
0x639: {  	(v2sf) =	vpush v11, $0x5  }
0x63a: {  	v3 =	vld [tilespmem:s22+$0x0];
	v0 =	vadd.f32 v5, v0  }
0x63b: {  	v5 =	vld [tilespmem:s24+$0x0]  }
0x63c: {  	v6 =	vld [tilespmem:s23+$0x0];
	[tilespmem:s10+$0xFFFFFE00] =	vst v0  }
0x63d: {  	v0 =	vld [tilespmem:s3+$0x10]  }
0x63e: {  	v7 =	vld [tilespmem:s4+$0x10]  }
0x63f: {  	(v2sf) =	vpush v1, $0x1  }
0x640: {  	(v2sf) =	vpush v2, $0x1;
	v3 =	vadd.f32 v5, v3;
	v5 =	vld [tilespmem:s5+$0x10]  }
0x641: {  	(v2sf) =	vpush v4, $0x1  }
0x642: {  	v3 =	vadd.f32 v6, v3  }
0x643: {  	s11 =	simm.s32 $0x18C00;
	v0 =	vadd.f32 v7, v0  }
0x644: {  	[tilespmem:s11+$0xFFFFFC00] =	vst v3  }
0x645: {  	v3 =	vld [tilespmem:s22+$0x10];
	v0 =	vadd.f32 v5, v0  }
0x646: {  	s25 =	spop (v2sf);
	v5 =	vld [tilespmem:s24+$0x10]  }
0x647: {  	s26 =	spop (v2sf);
	v6 =	vld [tilespmem:s23+$0x10];
	[tilespmem:s10+$0xFFFFFE10] =	vst v0  }
0x648: {  	s28 =	spop (v2sf);
	v0 =	vld [tilespmem:s26+$0x0]  }
0x649: {  	v7 =	vld [tilespmem:s28+$0x0];
	_ =	sdelay $0x1  }
0x64a: {  	v8 =	vld [tilespmem:s25+$0x0];
	v3 =	vadd.f32 v5, v3;
	_ =	sdelay $0x1  }
0x64b: {  	(v2sf) =	vpush v9, $0x6;
	v3 =	vadd.f32 v6, v3  }
0x64c: {  	(v2sf) =	vpush v10, $0x6;
	s29 =	spop (v2sf);
	v0 =	vadd.f32 v7, v0  }
0x64d: {  	(v2sf) =	vpush v11, $0x6;
	s30 =	spop (v2sf);
	[tilespmem:s11+$0xFFFFFC10] =	vst v3  }
0x64e: {  	s31 =	spop (v2sf);
	v0 =	vadd.f32 v8, v0;
	v3 =	vld [tilespmem:s30+$0x0]  }
0x64f: {  	v5 =	vld [tilespmem:s31+$0x0]  }
0x650: {  	v6 =	vld [tilespmem:s29+$0x0];
	[tilespmem:s10+$0xFFFFFE80] =	vst v0  }
0x651: {  	v0 =	vld [tilespmem:s26+$0x10]  }
0x652: {  	v7 =	vld [tilespmem:s28+$0x10]  }
0x653: {  	(v2sf) =	vpush v1, $0x2  }
0x654: {  	(v2sf) =	vpush v2, $0x2;
	v8 =	vld [tilespmem:s25+$0x10];
	v3 =	vadd.f32 v5, v3  }
0x655: {  	(v2sf) =	vpush v4, $0x2  }
0x656: {  	v3 =	vadd.f32 v6, v3  }
0x657: {  	v0 =	vadd.f32 v7, v0  }
0x658: {  	[tilespmem:s11+$0xFFFFFC80] =	vst v3  }
0x659: {  	v3 =	vld [tilespmem:s30+$0x10];
	v0 =	vadd.f32 v8, v0  }
0x65a: {  	s4 =	spop (v2sf);
	v5 =	vld [tilespmem:s31+$0x10]  }
0x65b: {  	s5 =	spop (v2sf);
	v6 =	vld [tilespmem:s29+$0x10];
	[tilespmem:s10+$0xFFFFFE90] =	vst v0  }
0x65c: {  	s6 =	spop (v2sf);
	v0 =	vld [tilespmem:s5+$0x0]  }
0x65d: {  	v7 =	vld [tilespmem:s6+$0x0];
	_ =	sdelay $0x1  }
0x65e: {  	v8 =	vld [tilespmem:s4+$0x0];
	v3 =	vadd.f32 v5, v3;
	_ =	sdelay $0x1  }
0x65f: {  	(v2sf) =	vpush v10, $0x7;
	v3 =	vadd.f32 v6, v3  }
0x660: {  	(v2sf) =	vpush v9, $0x7;
	s7 =	spop (v2sf);
	v0 =	vadd.f32 v7, v0  }
0x661: {  	(v2sf) =	vpush v11, $0x7;
	s8 =	spop (v2sf);
	[tilespmem:s11+$0xFFFFFC90] =	vst v3  }
0x662: {  	s9 =	spop (v2sf);
	v0 =	vadd.f32 v8, v0;
	v3 =	vld [tilespmem:s8+$0x0]  }
0x663: {  	v5 =	vld [tilespmem:s9+$0x0]  }
0x664: {  	v6 =	vld [tilespmem:s7+$0x0];
	[tilespmem:s10+$0xFFFFFF00] =	vst v0  }
0x665: {  	v0 =	vld [tilespmem:s5+$0x10]  }
0x666: {  	v7 =	vld [tilespmem:s6+$0x10]  }
0x667: {  	(v2sf) =	vpush v2, $0x3  }
0x668: {  	(v2sf) =	vpush v1, $0x3;
	v8 =	vld [tilespmem:s4+$0x10];
	v3 =	vadd.f32 v5, v3  }
0x669: {  	(v2sf) =	vpush v4, $0x3  }
0x66a: {  	v3 =	vadd.f32 v6, v3  }
0x66b: {  	s12 =	simm.s32 $0x1D020;
	v0 =	vadd.f32 v7, v0  }
0x66c: {  	v5 =	vld [tilespmem:s12+$0x0];
	[tilespmem:s11+$0xFFFFFD00] =	vst v3  }
0x66d: {  	v0 =	vadd.f32 v8, v0;
	v3 =	vld [tilespmem:s8+$0x10]  }
0x66e: {  	s13 =	spop (v2sf);
	v6 =	vld [tilespmem:s9+$0x10]  }
0x66f: {  	s14 =	spop (v2sf);
	v7 =	vld [tilespmem:s7+$0x10];
	[tilespmem:s10+$0xFFFFFF10] =	vst v0  }
0x670: {  	s15 =	spop (v2sf);
	v8 =	vld [tilespmem:s13+$0x0]  }
0x671: {  	v12 =	vld [tilespmem:s15+$0x0];
	_ =	sdelay $0x1  }
0x672: {  	v13 =	vld [tilespmem:s14+$0x0];
	v3 =	vadd.f32 v6, v3  }
0x673: {  	s16 =	simm.s32 $0x1D120;
	v0 =	vshll.u32 v5, $0x5  }
0x674: {  	s17 =	simm.s32 $0x1D0A0;
	v5 =	vld [tilespmem:s16+$0x0];
	(v2sf) =	vpush v0, $0x0;
	v3 =	vadd.f32 v7, v3  }
0x675: {  	s18 =	spop (v2sf);
	(v2sf) =	vpush v10, $0x8;
	v6 =	vld [tilespmem:s17+$0x0];
	v7 =	vadd.f32 v12, v8  }
0x676: {  	s19 =	spop (v2sf);
	(v2sf) =	vpush v11, $0x8;
	[tilespmem:s11+$0xFFFFFD10] =	vst v3  }
0x677: {  	s20 =	spop (v2sf);
	v8 =	vld [tilespmem:s18+$0x0];
	v3 =	vadd.f32 v13, v7  }
0x678: {  	(v2sf) =	vpush v9, $0x8;
	v7 =	vld [tilespmem:s20+$0x0]  }
0x679: {  	v5 =	vshll.u32 v5, $0x5;
	v12 =	vld [tilespmem:s19+$0x0];
	[tilespmem:s10+$0xFFFFFF80] =	vst v3  }
0x67a: {  	v3 =	vadd.s32 $0x10000, v5;
	v5 =	vshll.u32 v6, $0x5;
	v6 =	vld [tilespmem:s13+$0x10]  }
0x67b: {  	(v2sf) =	vpush v3, $0x0;
	v5 =	vadd.s32 $0x8000, v5;
	v13 =	vld [tilespmem:s15+$0x10]  }
0x67c: {  	(v2sf) =	vpush v5, $0x0  }
0x67d: {  	v14 =	vld [tilespmem:s14+$0x10];
	v7 =	vadd.f32 v7, v8;
	(v2sf) =	vpush v2, $0x4  }
0x67e: {  	(v2sf) =	vpush v4, $0x4  }
0x67f: {  	v7 =	vadd.f32 v12, v7;
	(v2sf) =	vpush v1, $0x4  }
0x680: {  	v6 =	vadd.f32 v13, v6  }
0x681: {  	[tilespmem:s11+$0xFFFFFD80] =	vst v7  }
0x682: {  	v7 =	vld [tilespmem:s18+$0x10];
	v6 =	vadd.f32 v14, v6  }
0x683: {  	s21 =	spop (v2sf);
	v8 =	vld [tilespmem:s20+$0x10]  }
0x684: {  	s22 =	spop (v2sf);
	v12 =	vld [tilespmem:s19+$0x10];
	[tilespmem:s10+$0xFFFFFF90] =	vst v6  }
0x685: {  	s23 =	spop (v2sf);
	v6 =	vld [tilespmem:s22+$0x0]  }
0x686: {  	v13 =	vld [tilespmem:s23+$0x0]  }
0x687: {  	s24 =	spop (v2sf)  }
0x688: {  	v14 =	vld [tilespmem:s24+$0x0];
	v7 =	vadd.f32 v8, v7;
	_ =	sdelay $0x1  }
0x689: {  	v7 =	vadd.f32 v12, v7;
	s25 =	spop (v2sf)  }
0x68a: {  	(v2sf) =	vpush v10, $0x9;
	v6 =	vadd.f32 v13, v6;
	s26 =	spop (v2sf)  }
0x68b: {  	(v2sf) =	vpush v11, $0x9;
	[tilespmem:s11+$0xFFFFFD90] =	vst v7;
	s6 =	spop (v2sf)  }
0x68c: {  	v6 =	vadd.f32 v14, v6;
	v7 =	vld [tilespmem:s6+$0x0];
	s7 =	spop (v2sf)  }
0x68d: {  	(v2sf) =	vpush v9, $0x9;
	v8 =	vld [tilespmem:s7+$0x0];
	s8 =	spop (v2sf)  }
0x68e: {  	[tilespmem:s10+$0x0] =	vst v6;
	v12 =	vld [tilespmem:s8+$0x0]  }
0x68f: {  	v6 =	vld [tilespmem:s22+$0x10]  }
0x690: {  	v13 =	vld [tilespmem:s23+$0x10]  }
0x691: {  	(v2sf) =	vpush v1, $0x5  }
0x692: {  	(v2sf) =	vpush v2, $0x5;
	v14 =	vld [tilespmem:s24+$0x10];
	v7 =	vadd.f32 v8, v7  }
0x693: {  	(v2sf) =	vpush v4, $0x5  }
0x694: {  	v8 =	vld [tilespmem:s21+$0x0];
	v7 =	vadd.f32 v12, v7  }
0x695: {  	v6 =	vadd.f32 v13, v6;
	v12 =	vld [tilespmem:s26+$0x0]  }
0x696: {  	v13 =	vld [tilespmem:s25+$0x0];
	[tilespmem:s11+$0xFFFFFE00] =	vst v7  }
0x697: {  	v6 =	vadd.f32 v14, v6;
	v7 =	vld [tilespmem:s6+$0x10]  }
0x698: {  	v14 =	vld [tilespmem:s7+$0x10]  }
0x699: {  	(v2sf) =	vpush v3, $0x1;
	s28 =	spop (v2sf);
	v15 =	vld [tilespmem:s8+$0x10];
	[tilespmem:s10+$0x10] =	vst v6  }
0x69a: {  	(v2sf) =	vpush v0, $0x1;
	s29 =	spop (v2sf);
	v6 =	vadd.f32 v12, v8;
	v8 =	vld [tilespmem:s28+$0x0]  }
0x69b: {  	(v2sf) =	vpush v5, $0x1;
	v12 =	vld [tilespmem:s29+$0x0]  }
0x69c: {  	s30 =	spop (v2sf);
	v6 =	vadd.f32 v13, v6  }
0x69d: {  	s12 =	simm.s32 $0x19400;
	v13 =	vld [tilespmem:s30+$0x0];
	v7 =	vadd.f32 v14, v7  }
0x69e: {  	[tilespmem:s12+$0xFFFFFC00] =	vst v6  }
0x69f: {  	v6 =	vld [tilespmem:s21+$0x10];
	v7 =	vadd.f32 v15, v7  }
0x6a0: {  	(v2sf) =	vpush v10, $0xA;
	s31 =	spop (v2sf);
	v14 =	vld [tilespmem:s26+$0x10];
	v8 =	vadd.f32 v12, v8  }
0x6a1: {  	(v2sf) =	vpush v11, $0xA;
	s6 =	spop (v2sf);
	v12 =	vld [tilespmem:s25+$0x10];
	[tilespmem:s11+$0xFFFFFE10] =	vst v7  }
0x6a2: {  	s7 =	spop (v2sf);
	v7 =	vadd.f32 v13, v8;
	v8 =	vld [tilespmem:s6+$0x0]  }
0x6a3: {  	(v2sf) =	vpush v9, $0xA;
	v13 =	vld [tilespmem:s7+$0x0]  }
0x6a4: {  	v15 =	vld [tilespmem:s31+$0x0];
	[tilespmem:s10+$0x80] =	vst v7  }
0x6a5: {  	v6 =	vadd.f32 v14, v6;
	v7 =	vld [tilespmem:s28+$0x10]  }
0x6a6: {  	v14 =	vld [tilespmem:s29+$0x10]  }
0x6a7: {  	(v2sf) =	vpush v1, $0x6;
	v6 =	vadd.f32 v12, v6  }
0x6a8: {  	s8 =	spop (v2sf);
	(v2sf) =	vpush v2, $0x6;
	v12 =	vld [tilespmem:s30+$0x10];
	v8 =	vadd.f32 v13, v8  }
0x6a9: {  	s9 =	spop (v2sf);
	(v2sf) =	vpush v4, $0x6;
	[tilespmem:s12+$0xFFFFFC10] =	vst v6  }
0x6aa: {  	s13 =	spop (v2sf);
	v6 =	vadd.f32 v15, v8;
	v8 =	vld [tilespmem:s9+$0x0]  }
0x6ab: {  	v7 =	vadd.f32 v14, v7;
	v13 =	vld [tilespmem:s13+$0x0]  }
0x6ac: {  	v14 =	vld [tilespmem:s8+$0x0];
	[tilespmem:s11+$0xFFFFFE80] =	vst v6  }
0x6ad: {  	v6 =	vadd.f32 v12, v7;
	v7 =	vld [tilespmem:s6+$0x10]  }
0x6ae: {  	v12 =	vld [tilespmem:s7+$0x10]  }
0x6af: {  	(v2sf) =	vpush v3, $0x2;
	s14 =	spop (v2sf);
	v15 =	vld [tilespmem:s31+$0x10];
	[tilespmem:s10+$0x90] =	vst v6  }
0x6b0: {  	(v2sf) =	vpush v0, $0x2;
	s15 =	spop (v2sf);
	v6 =	vld [tilespmem:s14+$0x0];
	v8 =	vadd.f32 v13, v8  }
0x6b1: {  	(v2sf) =	vpush v5, $0x2;
	v13 =	vld [tilespmem:s15+$0x0]  }
0x6b2: {  	s16 =	spop (v2sf);
	v8 =	vadd.f32 v14, v8  }
0x6b3: {  	v7 =	vadd.f32 v12, v7;
	v12 =	vld [tilespmem:s16+$0x0]  }
0x6b4: {  	[tilespmem:s12+$0xFFFFFC80] =	vst v8  }
0x6b5: {  	v8 =	vld [tilespmem:s9+$0x10];
	v7 =	vadd.f32 v15, v7  }
0x6b6: {  	s17 =	spop (v2sf);
	(v2sf) =	vpush v10, $0xB;
	v14 =	vld [tilespmem:s13+$0x10];
	v6 =	vadd.f32 v13, v6  }
0x6b7: {  	s18 =	spop (v2sf);
	(v2sf) =	vpush v11, $0xB;
	v13 =	vld [tilespmem:s8+$0x10];
	[tilespmem:s11+$0xFFFFFE90] =	vst v7  }
0x6b8: {  	s19 =	spop (v2sf);
	v6 =	vadd.f32 v12, v6;
	v7 =	vld [tilespmem:s18+$0x0]  }
0x6b9: {  	(v2sf) =	vpush v9, $0xB;
	v12 =	vld [tilespmem:s19+$0x0]  }
0x6ba: {  	v15 =	vld [tilespmem:s17+$0x0];
	[tilespmem:s10+$0x100] =	vst v6  }
0x6bb: {  	v6 =	vadd.f32 v14, v8;
	v8 =	vld [tilespmem:s14+$0x10]  }
0x6bc: {  	v14 =	vld [tilespmem:s15+$0x10]  }
0x6bd: {  	(v2sf) =	vpush v2, $0x7;
	v6 =	vadd.f32 v13, v6  }
0x6be: {  	s20 =	spop (v2sf);
	(v2sf) =	vpush v1, $0x7;
	v7 =	vadd.f32 v12, v7;
	v12 =	vld [tilespmem:s16+$0x10]  }
0x6bf: {  	s21 =	spop (v2sf);
	(v2sf) =	vpush v4, $0x7;
	[tilespmem:s12+$0xFFFFFC90] =	vst v6  }
0x6c0: {  	s22 =	spop (v2sf);
	v6 =	vadd.f32 v15, v7;
	v7 =	vld [tilespmem:s21+$0x0]  }
0x6c1: {  	v13 =	vld [tilespmem:s22+$0x0];
	v8 =	vadd.f32 v14, v8  }
0x6c2: {  	v14 =	vld [tilespmem:s20+$0x0];
	[tilespmem:s11+$0xFFFFFF00] =	vst v6  }
0x6c3: {  	v6 =	vld [tilespmem:s18+$0x10];
	v8 =	vadd.f32 v12, v8  }
0x6c4: {  	v12 =	vld [tilespmem:s19+$0x10]  }
0x6c5: {  	(v2sf) =	vpush v0, $0x3;
	s23 =	spop (v2sf);
	v15 =	vld [tilespmem:s17+$0x10];
	[tilespmem:s10+$0x110] =	vst v8  }
0x6c6: {  	(v2sf) =	vpush v3, $0x3;
	s24 =	spop (v2sf);
	v7 =	vadd.f32 v13, v7;
	v8 =	vld [tilespmem:s23+$0x0]  }
0x6c7: {  	s25 =	simm.s32 $0x1D130;
	(v2sf) =	vpush v5, $0x3;
	v13 =	vld [tilespmem:s24+$0x0]  }
0x6c8: {  	v16 =	vld [tilespmem:s25+$0x0];
	s26 =	spop (v2sf);
	v7 =	vadd.f32 v14, v7  }
0x6c9: {  	s14 =	simm.s32 $0x1D030;
	v6 =	vadd.f32 v12, v6;
	v12 =	vld [tilespmem:s26+$0x0]  }
0x6ca: {  	v14 =	vld [tilespmem:s14+$0x0];
	[tilespmem:s12+$0xFFFFFD00] =	vst v7  }
0x6cb: {  	v6 =	vadd.f32 v15, v6;
	v7 =	vld [tilespmem:s21+$0x10]  }
0x6cc: {  	(v2sf) =	vpush v10, $0xC;
	s28 =	spop (v2sf);
	v15 =	vld [tilespmem:s22+$0x10];
	v8 =	vadd.f32 v13, v8  }
0x6cd: {  	s29 =	spop (v2sf);
	(v2sf) =	vpush v11, $0xC;
	v13 =	vld [tilespmem:s20+$0x10];
	[tilespmem:s11+$0xFFFFFF10] =	vst v6  }
0x6ce: {  	s30 =	spop (v2sf);
	v17 =	vld [tilespmem:s28+$0x0];
	v8 =	vadd.f32 v12, v8  }
0x6cf: {  	(v2sf) =	vpush v9, $0xC;
	v6 =	vshll.u32 v14, $0x5;
	v12 =	vld [tilespmem:s30+$0x0]  }
0x6d0: {  	(v2sf) =	vpush v6, $0x0;
	v14 =	vld [tilespmem:s29+$0x0];
	[tilespmem:s10+$0x180] =	vst v8  }
0x6d1: {  	v7 =	vadd.f32 v15, v7;
	v8 =	vld [tilespmem:s23+$0x10]  }
0x6d2: {  	s15 =	simm.s32 $0x1D0B0;
	v15 =	vld [tilespmem:s24+$0x10]  }
0x6d3: {  	v18 =	vld [tilespmem:s15+$0x0];
	v7 =	vadd.f32 v13, v7  }
0x6d4: {  	s31 =	spop (v2sf);
	(v2sf) =	vpush v2, $0x8;
	v13 =	vld [tilespmem:s26+$0x10];
	v12 =	vadd.f32 v12, v17  }
0x6d5: {  	s1 =	spop (v2sf);
	(v2sf) =	vpush v4, $0x8;
	[tilespmem:s12+$0xFFFFFD10] =	vst v7  }
0x6d6: {  	s7 =	spop (v2sf);
	(v2sf) =	vpush v1, $0x8;
	v17 =	vld [tilespmem:s31+$0x0];
	v12 =	vadd.f32 v14, v12  }
0x6d7: {  	v7 =	vshll.u32 v16, $0x5;
	v14 =	vld [tilespmem:s7+$0x0];
	v8 =	vadd.f32 v15, v8  }
0x6d8: {  	v7 =	vadd.s32 $0x10000, v7;
	v15 =	vld [tilespmem:s1+$0x0];
	[tilespmem:s11+$0xFFFFFF80] =	vst v12  }
0x6d9: {  	(v2sf) =	vpush v7, $0x0;
	v12 =	vshll.u32 v18, $0x5;
	v16 =	vld [tilespmem:s28+$0x10];
	v13 =	vadd.f32 v13, v8  }
0x6da: {  	v8 =	vadd.s32 $0x8000, v12;
	v12 =	vld [tilespmem:s30+$0x10]  }
0x6db: {  	s8 =	spop (v2sf);
	v18 =	vld [tilespmem:s29+$0x10];
	(v2sf) =	vpush v8, $0x0;
	[tilespmem:s10+$0x190] =	vst v13  }
0x6dc: {  	s9 =	spop (v2sf);
	v13 =	vadd.f32 v14, v17;
	(v2sf) =	vpush v0, $0x4;
	v14 =	vld [tilespmem:s8+$0x0]  }
0x6dd: {  	(v2sf) =	vpush v5, $0x4;
	v17 =	vld [tilespmem:s9+$0x0]  }
0x6de: {  	s13 =	spop (v2sf);
	v13 =	vadd.f32 v15, v13;
	(v2sf) =	vpush v3, $0x4  }
0x6df: {  	v15 =	vld [tilespmem:s13+$0x0];
	s16 =	spop (v2sf);
	v12 =	vadd.f32 v12, v16  }
0x6e0: {  	v16 =	vld [tilespmem:s16+$0x0];
	[tilespmem:s12+$0xFFFFFD80] =	vst v13  }
0x6e1: {  	v13 =	vld [tilespmem:s31+$0x10];
	v12 =	vadd.f32 v18, v12  }
0x6e2: {  	(v2sf) =	vpush v10, $0xD;
	v18 =	vld [tilespmem:s7+$0x10];
	v14 =	vadd.f32 v17, v14  }
0x6e3: {  	s17 =	spop (v2sf);
	(v2sf) =	vpush v11, $0xD;
	v17 =	vld [tilespmem:s1+$0x10];
	[tilespmem:s11+$0xFFFFFF90] =	vst v12  }
0x6e4: {  	s18 =	spop (v2sf);
	v12 =	vld [tilespmem:s17+$0x0];
	v14 =	vadd.f32 v15, v14  }
0x6e5: {  	(v2sf) =	vpush v9, $0xD;
	s19 =	spop (v2sf);
	v15 =	vld [tilespmem:s18+$0x0]  }
0x6e6: {  	v19 =	vld [tilespmem:s19+$0x0];
	[tilespmem:s10+$0x200] =	vst v14  }
0x6e7: {  	v13 =	vadd.f32 v18, v13;
	v14 =	vld [tilespmem:s8+$0x10]  }
0x6e8: {  	s20 =	spop (v2sf);
	v18 =	vld [tilespmem:s9+$0x10]  }
0x6e9: {  	v20 =	vld [tilespmem:s20+$0x0];
	v13 =	vadd.f32 v17, v13  }
0x6ea: {  	(v2sf) =	vpush v2, $0x9;
	v12 =	vadd.f32 v15, v12;
	v15 =	vld [tilespmem:s13+$0x10];
	s21 =	spop (v2sf)  }
0x6eb: {  	[tilespmem:s12+$0xFFFFFD90] =	vst v13;
	v17 =	vld [tilespmem:s21+$0x0];
	s22 =	spop (v2sf);
	(v2sf) =	vpush v4, $0x9  }
0x6ec: {  	v12 =	vadd.f32 v19, v12;
	v13 =	vld [tilespmem:s22+$0x0];
	s23 =	spop (v2sf);
	(v2sf) =	vpush v1, $0x9  }
0x6ed: {  	v14 =	vadd.f32 v18, v14;
	v19 =	vld [tilespmem:s23+$0x0];
	s24 =	spop (v2sf)  }
0x6ee: {  	[tilespmem:s11+$0x0] =	vst v12;
	v18 =	vld [tilespmem:s24+$0x0]  }
0x6ef: {  	v12 =	vld [tilespmem:s17+$0x10];
	v14 =	vadd.f32 v15, v14  }
0x6f0: {  	v15 =	vld [tilespmem:s18+$0x10]  }
0x6f1: {  	s25 =	spop (v2sf);
	(v2sf) =	vpush v3, $0x5;
	v16 =	vadd.f32 v17, v16;
	v17 =	vld [tilespmem:s19+$0x10];
	[tilespmem:s10+$0x210] =	vst v14  }
0x6f2: {  	s26 =	spop (v2sf);
	(v2sf) =	vpush v0, $0x5;
	v14 =	vld [tilespmem:s25+$0x0];
	v13 =	vadd.f32 v19, v13  }
0x6f3: {  	(v2sf) =	vpush v5, $0x5;
	v16 =	vadd.f32 v20, v16;
	v19 =	vld [tilespmem:s26+$0x0]  }
0x6f4: {  	s13 =	simm.s32 $0x19C00;
	s28 =	spop (v2sf);
	v13 =	vadd.f32 v18, v13  }
0x6f5: {  	v12 =	vadd.f32 v15, v12;
	v15 =	vld [tilespmem:s28+$0x0];
	[tilespmem:s13+$0xFFFFFC00] =	vst v16  }
0x6f6: {  	v16 =	vld [tilespmem:s16+$0x10];
	[tilespmem:s12+$0xFFFFFE00] =	vst v13  }
0x6f7: {  	v12 =	vadd.f32 v17, v12;
	v13 =	vld [tilespmem:s22+$0x10]  }
0x6f8: {  	(v2sf) =	vpush v10, $0xE;
	v17 =	vld [tilespmem:s23+$0x10];
	v14 =	vadd.f32 v19, v14  }
0x6f9: {  	(v2sf) =	vpush v11, $0xE;
	s29 =	spop (v2sf);
	v18 =	vld [tilespmem:s24+$0x10];
	[tilespmem:s11+$0x10] =	vst v12  }
0x6fa: {  	(v2sf) =	vpush v7, $0x1;
	v12 =	vld [tilespmem:s29+$0x0];
	v14 =	vadd.f32 v15, v14;
	s30 =	spop (v2sf)  }
0x6fb: {  	(v2sf) =	vpush v9, $0xE;
	v15 =	vld [tilespmem:s30+$0x0];
	s31 =	spop (v2sf)  }
0x6fc: {  	(v2sf) =	vpush v6, $0x1;
	[tilespmem:s10+$0x280] =	vst v14;
	v19 =	vld [tilespmem:s31+$0x0]  }
0x6fd: {  	(v2sf) =	vpush v8, $0x1;
	v13 =	vadd.f32 v17, v13;
	v14 =	vld [tilespmem:s25+$0x10]  }
0x6fe: {  	v17 =	vld [tilespmem:s26+$0x10]  }
0x6ff: {  	v20 =	vld [tilespmem:s21+$0x10];
	v13 =	vadd.f32 v18, v13  }
0x700: {  	s8 =	spop (v2sf);
	v12 =	vadd.f32 v15, v12;
	v15 =	vld [tilespmem:s28+$0x10]  }
0x701: {  	(v2sf) =	vpush v2, $0xA;
	v18 =	vld [tilespmem:s20+$0x10];
	s9 =	spop (v2sf);
	[tilespmem:s12+$0xFFFFFE10] =	vst v13  }
0x702: {  	(v2sf) =	vpush v4, $0xA;
	s16 =	spop (v2sf);
	v13 =	vld [tilespmem:s8+$0x0];
	v12 =	vadd.f32 v19, v12  }
0x703: {  	v14 =	vadd.f32 v17, v14;
	v17 =	vld [tilespmem:s16+$0x0]  }
0x704: {  	(v2sf) =	vpush v1, $0xA;
	v19 =	vld [tilespmem:s9+$0x0];
	[tilespmem:s11+$0x80] =	vst v12  }
0x705: {  	v12 =	vadd.f32 v20, v16;
	v16 =	vld [tilespmem:s31+$0x10];
	v14 =	vadd.f32 v15, v14  }
0x706: {  	v15 =	vld [tilespmem:s29+$0x10]  }
0x707: {  	s17 =	spop (v2sf);
	v12 =	vadd.f32 v18, v12;
	v18 =	vld [tilespmem:s30+$0x10];
	[tilespmem:s10+$0x290] =	vst v14  }
0x708: {  	s18 =	spop (v2sf);
	v14 =	vld [tilespmem:s17+$0x0]  }
0x709: {  	s19 =	spop (v2sf);
	[tilespmem:s13+$0xFFFFFC10] =	vst v12;
	v12 =	vadd.f32 v17, v19;
	v17 =	vld [tilespmem:s18+$0x0]  }
0x70a: {  	(v2sf) =	vpush v3, $0x6;
	s20 =	spop (v2sf);
	v19 =	vld [tilespmem:s19+$0x0]  }
0x70b: {  	(v2sf) =	vpush v0, $0x6;
	s21 =	spop (v2sf);
	v12 =	vadd.f32 v13, v12;
	v13 =	vld [tilespmem:s20+$0x0]  }
0x70c: {  	(v2sf) =	vpush v5, $0x6;
	v20 =	vld [tilespmem:s21+$0x0];
	s22 =	spop (v2sf);
	v15 =	vadd.f32 v18, v15  }
0x70d: {  	(v2sf) =	vpush v10, $0xF;
	v18 =	vld [tilespmem:s22+$0x0];
	[tilespmem:s12+$0xFFFFFE80] =	vst v12  }
0x70e: {  	v10 =	vld [tilespmem:s8+$0x10];
	v12 =	vadd.f32 v16, v15;
	v14 =	vadd.f32 v17, v14  }
0x70f: {  	(v2sf) =	vpush v11, $0xF;
	v15 =	vld [tilespmem:s9+$0x10]  }
0x710: {  	s23 =	spop (v2sf);
	v11 =	vld [tilespmem:s16+$0x10];
	[tilespmem:s11+$0x90] =	vst v12;
	v12 =	vadd.f32 v13, v14  }
0x711: {  	s24 =	spop (v2sf);
	(v2sf) =	vpush v9, $0xF;
	v13 =	vld [tilespmem:s23+$0x0]  }
0x712: {  	(v2sf) =	vpush v7, $0x2;
	v14 =	vld [tilespmem:s24+$0x0];
	v9 =	vadd.f32 v18, v20;
	[tilespmem:s10+$0x300] =	vst v12  }
0x713: {  	v12 =	vld [tilespmem:s17+$0x10]  }
0x714: {  	s25 =	spop (v2sf);
	(v2sf) =	vpush v6, $0x2;
	v16 =	vld [tilespmem:s18+$0x10];
	v9 =	vadd.f32 v19, v9  }
0x715: {  	(v2sf) =	vpush v8, $0x2;
	v11 =	vadd.f32 v11, v15;
	v15 =	vld [tilespmem:s25+$0x0]  }
0x716: {  	[tilespmem:s13+$0xFFFFFC80] =	vst v9;
	v9 =	vld [tilespmem:s20+$0x10]  }
0x717: {  	v10 =	vadd.f32 v10, v11;
	v17 =	vld [tilespmem:s21+$0x10]  }
0x718: {  	v13 =	vadd.f32 v14, v13;
	v11 =	vld [tilespmem:s22+$0x10]  }
0x719: {  	s26 =	spop (v2sf);
	v14 =	vld [tilespmem:s19+$0x10];
	[tilespmem:s12+$0xFFFFFE90] =	vst v10;
	v10 =	vadd.f32 v16, v12  }
0x71a: {  	s28 =	spop (v2sf);
	v12 =	vld [tilespmem:s26+$0x0];
	v13 =	vadd.f32 v15, v13  }
0x71b: {  	s29 =	spop (v2sf);
	v15 =	vld [tilespmem:s28+$0x0];
	v9 =	vadd.f32 v9, v10  }
0x71c: {  	(v2sf) =	vpush v2, $0xB;
	[tilespmem:s11+$0x100] =	vst v13;
	v10 =	vld [tilespmem:s29+$0x0]  }
0x71d: {  	s9 =	spop (v2sf);
	v13 =	vld [tilespmem:s23+$0x10];
	(v2sf) =	vpush v4, $0xB;
	v11 =	vadd.f32 v11, v17;
	[tilespmem:s10+$0x310] =	vst v9  }
0x71e: {  	s30 =	spop (v2sf);
	v9 =	vld [tilespmem:s9+$0x0]  }
0x71f: {  	(v2sf) =	vpush v1, $0xB;
	v11 =	vadd.f32 v14, v11;
	v14 =	vld [tilespmem:s30+$0x0]  }
0x720: {  	v16 =	vld [tilespmem:s24+$0x10];
	s31 =	spop (v2sf)  }
0x721: {  	s3 =	spop (v2sf);
	[tilespmem:s13+$0xFFFFFC90] =	vst v11;
	v10 =	vadd.f32 v10, v15;
	v11 =	vld [tilespmem:s31+$0x0]  }
0x722: {  	v17 =	vld [tilespmem:s3+$0x0]  }
0x723: {  	(v2sf) =	vpush v0, $0x7;
	s4 =	spop (v2sf);
	v10 =	vadd.f32 v12, v10;
	v12 =	vld [tilespmem:s25+$0x10]  }
0x724: {  	(v2sf) =	vpush v3, $0x7;
	s5 =	spop (v2sf);
	v18 =	vld [tilespmem:s4+$0x0];
	v9 =	vadd.f32 v14, v9  }
0x725: {  	(v2sf) =	vpush v5, $0x7;
	v19 =	vld [tilespmem:s5+$0x0];
	[tilespmem:s12+$0xFFFFFF00] =	vst v10  }
0x726: {  	v10 =	vadd.f32 v16, v13;
	v14 =	vld [tilespmem:s26+$0x10];
	v9 =	vadd.f32 v11, v9  }
0x727: {  	v15 =	vld [tilespmem:s28+$0x10]  }
0x728: {  	v16 =	vld [tilespmem:s29+$0x10];
	v10 =	vadd.f32 v12, v10;
	[tilespmem:s10+$0x380] =	vst v9  }
0x729: {  	v9 =	vld [tilespmem:s9+$0x10]  }
0x72a: {  	[tilespmem:s11+$0x110] =	vst v10;
	v10 =	vld [tilespmem:s30+$0x10]  }
0x72b: {  	(v2sf) =	vpush v6, $0x3;
	s1 =	spop (v2sf);
	v11 =	vld [tilespmem:s31+$0x10]  }
0x72c: {  	(v2sf) =	vpush v7, $0x3;
	v18 =	vadd.f32 v19, v18;
	v12 =	vld [tilespmem:s1+$0x0];
	s18 =	spop (v2sf)  }
0x72d: {  	s0 =	simm.s32 $0x1D140;
	s2 =	simm.s32 $0x30;
	(v2sf) =	vpush v8, $0x3;
	v13 =	vld [tilespmem:s18+$0x0]  }
.LBB2_8:
0x72e: {  	v19 =	vld [tilespmem:s0+$0x0];
	v17 =	vadd.f32 v17, v18;
	v15 =	vadd.f32 v16, v15;
	s6 =	spop (v2sf)  }
0x72f: {  	s14 =	sadd.s32 $0x10, s14;
	v16 =	vld [tilespmem:s6+$0x0];
	v9 =	vadd.f32 v10, v9  }
0x730: {  	v10 =	vld [tilespmem:s14+$0x0];
	[tilespmem:s13+$0xFFFFFD00] =	vst v17;
	v14 =	vadd.f32 v14, v15  }
0x731: {  	v15 =	vld [tilespmem:s4+$0x10];
	v9 =	vadd.f32 v11, v9  }
0x732: {  	v11 =	vld [tilespmem:s5+$0x10];
	[tilespmem:s12+$0xFFFFFF10] =	vst v14;
	s4 =	spop (v2sf);
	v12 =	vadd.f32 v13, v12;
	(v2sf) =	vpush v2, $0xC  }
0x733: {  	v13 =	vld [tilespmem:s3+$0x10];
	s3 =	spop (v2sf);
	(v2sf) =	vpush v4, $0xC;
	[tilespmem:s10+$0x390] =	vst v9;
	s10 =	smov.u32 s11;
	s11 =	smov.u32 s12  }
0x734: {  	s12 =	smov.u32 s13;
	v14 =	vld [tilespmem:s4+$0x0];
	s5 =	spop (v2sf);
	v12 =	vadd.f32 v16, v12  }
0x735: {  	v9 =	vshll.u32 v10, $0x5;
	v10 =	vld [tilespmem:s5+$0x0];
	(v2sf) =	vpush v1, $0xC  }
0x736: {  	(v2sf) =	vpush v9, $0x0;
	v16 =	vld [tilespmem:s3+$0x0];
	[tilespmem:s10+$0x180] =	vst v12  }
0x737: {  	v11 =	vadd.f32 v11, v15;
	v12 =	vld [tilespmem:s1+$0x10]  }
0x738: {  	s15 =	sadd.s32 $0x10, s15;
	v15 =	vld [tilespmem:s18+$0x10]  }
0x739: {  	v17 =	vld [tilespmem:s15+$0x0];
	v11 =	vadd.f32 v13, v11  }
0x73a: {  	s1 =	spop (v2sf);
	v10 =	vadd.f32 v10, v14;
	(v2sf) =	vpush v0, $0x8;
	v13 =	vld [tilespmem:s6+$0x10]  }
0x73b: {  	[tilespmem:s13+$0xFFFFFD10] =	vst v11;
	s6 =	spop (v2sf);
	(v2sf) =	vpush v5, $0x8  }
0x73c: {  	v14 =	vld [tilespmem:s1+$0x0];
	s7 =	spop (v2sf);
	v11 =	vadd.f32 v16, v10;
	(v2sf) =	vpush v3, $0x8  }
0x73d: {  	v10 =	vshll.u32 v19, $0x5;
	v16 =	vld [tilespmem:s7+$0x0];
	v12 =	vadd.f32 v15, v12  }
0x73e: {  	v10 =	vadd.s32 $0x10000, v10;
	v15 =	vld [tilespmem:s6+$0x0];
	[tilespmem:s11+$0xFFFFFF80] =	vst v11  }
0x73f: {  	v11 =	vshll.u32 v17, $0x5;
	(v2sf) =	vpush v10, $0x0;
	v17 =	vld [tilespmem:s4+$0x10];
	v12 =	vadd.f32 v13, v12  }
0x740: {  	v11 =	vadd.s32 $0x8000, v11;
	v13 =	vld [tilespmem:s5+$0x10]  }
0x741: {  	(v2sf) =	vpush v11, $0x0;
	v18 =	vld [tilespmem:s3+$0x10];
	[tilespmem:s10+$0x190] =	vst v12;
	s4 =	spop (v2sf)  }
0x742: {  	v12 =	vadd.f32 v16, v14;
	(v2sf) =	vpush v6, $0x4;
	v14 =	vld [tilespmem:s4+$0x0];
	s5 =	spop (v2sf)  }
0x743: {  	(v2sf) =	vpush v8, $0x4;
	v16 =	vld [tilespmem:s5+$0x0]  }
0x744: {  	v12 =	vadd.f32 v15, v12;
	(v2sf) =	vpush v7, $0x4;
	s8 =	spop (v2sf)  }
0x745: {  	s3 =	spop (v2sf);
	v13 =	vadd.f32 v13, v17;
	v15 =	vld [tilespmem:s8+$0x0]  }
0x746: {  	v17 =	vld [tilespmem:s3+$0x0];
	[tilespmem:s13+$0xFFFFFD80] =	vst v12  }
0x747: {  	v12 =	vld [tilespmem:s1+$0x10];
	v13 =	vadd.f32 v18, v13  }
0x748: {  	v18 =	vld [tilespmem:s7+$0x10];
	v14 =	vadd.f32 v16, v14;
	(v2sf) =	vpush v2, $0xD  }
0x749: {  	v16 =	vld [tilespmem:s6+$0x10];
	[tilespmem:s11+$0xFFFFFF90] =	vst v13;
	s6 =	spop (v2sf);
	(v2sf) =	vpush v4, $0xD  }
0x74a: {  	v13 =	vld [tilespmem:s6+$0x0];
	s7 =	spop (v2sf);
	v14 =	vadd.f32 v15, v14  }
0x74b: {  	v15 =	vld [tilespmem:s7+$0x0];
	s9 =	spop (v2sf);
	(v2sf) =	vpush v1, $0xD  }
0x74c: {  	v19 =	vld [tilespmem:s9+$0x0];
	[tilespmem:s10+$0x200] =	vst v14  }
0x74d: {  	v12 =	vadd.f32 v18, v12;
	v14 =	vld [tilespmem:s4+$0x10]  }
0x74e: {  	s1 =	spop (v2sf);
	v18 =	vld [tilespmem:s5+$0x10]  }
0x74f: {  	v20 =	vld [tilespmem:s1+$0x0];
	v12 =	vadd.f32 v16, v12  }
0x750: {  	s4 =	spop (v2sf);
	v13 =	vadd.f32 v15, v13;
	(v2sf) =	vpush v0, $0x9;
	v15 =	vld [tilespmem:s8+$0x10]  }
0x751: {  	v16 =	vld [tilespmem:s4+$0x0];
	[tilespmem:s13+$0xFFFFFD90] =	vst v12;
	s5 =	spop (v2sf);
	(v2sf) =	vpush v5, $0x9  }
0x752: {  	v12 =	vld [tilespmem:s5+$0x0];
	s8 =	spop (v2sf);
	v13 =	vadd.f32 v19, v13;
	(v2sf) =	vpush v3, $0x9  }
0x753: {  	v19 =	vld [tilespmem:s8+$0x0];
	s16 =	spop (v2sf);
	v14 =	vadd.f32 v18, v14  }
0x754: {  	v18 =	vld [tilespmem:s16+$0x0];
	[tilespmem:s11+$0x0] =	vst v13  }
0x755: {  	v13 =	vld [tilespmem:s6+$0x10];
	v14 =	vadd.f32 v15, v14  }
0x756: {  	v15 =	vld [tilespmem:s7+$0x10]  }
0x757: {  	v16 =	vadd.f32 v16, v17;
	v17 =	vld [tilespmem:s9+$0x10];
	[tilespmem:s10+$0x210] =	vst v14;
	s6 =	spop (v2sf)  }
0x758: {  	v12 =	vadd.f32 v19, v12;
	(v2sf) =	vpush v7, $0x5;
	v14 =	vld [tilespmem:s6+$0x0];
	s7 =	spop (v2sf)  }
0x759: {  	v16 =	vadd.f32 v20, v16;
	(v2sf) =	vpush v6, $0x5;
	v19 =	vld [tilespmem:s7+$0x0]  }
0x75a: {  	s13 =	sadd.s32 $0x800, s13;
	v12 =	vadd.f32 v18, v12;
	(v2sf) =	vpush v8, $0x5;
	s9 =	spop (v2sf)  }
0x75b: {  	[tilespmem:s13+$0xFFFFFC00] =	vst v16;
	v13 =	vadd.f32 v15, v13;
	v15 =	vld [tilespmem:s9+$0x0]  }
0x75c: {  	v16 =	vld [tilespmem:s3+$0x10];
	[tilespmem:s12+$0xFFFFFE00] =	vst v12  }
0x75d: {  	v12 =	vld [tilespmem:s5+$0x10];
	v13 =	vadd.f32 v17, v13  }
0x75e: {  	v17 =	vld [tilespmem:s8+$0x10];
	v14 =	vadd.f32 v19, v14;
	(v2sf) =	vpush v2, $0xE  }
0x75f: {  	v18 =	vld [tilespmem:s16+$0x10];
	[tilespmem:s11+$0x10] =	vst v13;
	s3 =	spop (v2sf);
	(v2sf) =	vpush v4, $0xE  }
0x760: {  	(v2sf) =	vpush v10, $0x1;
	v13 =	vld [tilespmem:s3+$0x0];
	s5 =	spop (v2sf);
	v14 =	vadd.f32 v15, v14  }
0x761: {  	v15 =	vld [tilespmem:s5+$0x0];
	s8 =	spop (v2sf);
	(v2sf) =	vpush v1, $0xE  }
0x762: {  	(v2sf) =	vpush v9, $0x1;
	v19 =	vld [tilespmem:s8+$0x0];
	[tilespmem:s10+$0x280] =	vst v14  }
0x763: {  	(v2sf) =	vpush v11, $0x1;
	v12 =	vadd.f32 v17, v12;
	v14 =	vld [tilespmem:s6+$0x10]  }
0x764: {  	v17 =	vld [tilespmem:s7+$0x10]  }
0x765: {  	v20 =	vld [tilespmem:s4+$0x10];
	v12 =	vadd.f32 v18, v12  }
0x766: {  	v13 =	vadd.f32 v15, v13;
	v15 =	vld [tilespmem:s9+$0x10]  }
0x767: {  	v18 =	vld [tilespmem:s1+$0x10];
	[tilespmem:s12+$0xFFFFFE10] =	vst v12;
	s4 =	spop (v2sf);
	(v2sf) =	vpush v0, $0xA  }
0x768: {  	v12 =	vld [tilespmem:s4+$0x0];
	s6 =	spop (v2sf);
	v13 =	vadd.f32 v19, v13;
	(v2sf) =	vpush v5, $0xA  }
0x769: {  	v19 =	vld [tilespmem:s6+$0x0];
	s7 =	spop (v2sf);
	v14 =	vadd.f32 v17, v14  }
0x76a: {  	v17 =	vld [tilespmem:s7+$0x0];
	[tilespmem:s11+$0x80] =	vst v13;
	(v2sf) =	vpush v3, $0xA  }
0x76b: {  	v13 =	vadd.f32 v20, v16;
	v16 =	vld [tilespmem:s8+$0x10];
	v14 =	vadd.f32 v15, v14  }
0x76c: {  	v15 =	vld [tilespmem:s3+$0x10]  }
0x76d: {  	v13 =	vadd.f32 v18, v13;
	v18 =	vld [tilespmem:s5+$0x10];
	[tilespmem:s10+$0x290] =	vst v14;
	s3 =	spop (v2sf)  }
0x76e: {  	v14 =	vld [tilespmem:s3+$0x0];
	s8 =	spop (v2sf)  }
0x76f: {  	[tilespmem:s13+$0xFFFFFC10] =	vst v13;
	s1 =	spop (v2sf);
	v13 =	vadd.f32 v17, v19;
	v17 =	vld [tilespmem:s8+$0x0]  }
0x770: {  	v19 =	vld [tilespmem:s1+$0x0];
	(v2sf) =	vpush v7, $0x6;
	s9 =	spop (v2sf)  }
0x771: {  	s16 =	spop (v2sf);
	v12 =	vadd.f32 v12, v13;
	(v2sf) =	vpush v6, $0x6;
	v13 =	vld [tilespmem:s9+$0x0]  }
0x772: {  	v20 =	vld [tilespmem:s16+$0x0];
	s17 =	spop (v2sf);
	(v2sf) =	vpush v8, $0x6;
	v15 =	vadd.f32 v18, v15  }
0x773: {  	v18 =	vld [tilespmem:s17+$0x0];
	[tilespmem:s12+$0xFFFFFE80] =	vst v12;
	(v2sf) =	vpush v2, $0xF;
	v2 =	vmovc v0;
	v0 =	vmov v6;
	v6 =	vmov v9  }
0x774: {  	v9 =	vld [tilespmem:s4+$0x10];
	v12 =	vadd.f32 v16, v15;
	v14 =	vadd.f32 v17, v14  }
0x775: {  	s2 =	sadd.s32 $0x10, s2;
	v15 =	vld [tilespmem:s6+$0x10];
	(v2sf) =	vpush v4, $0xF;
	v4 =	vmovc v5;
	v5 =	vmov v8;
	v8 =	vmov v11  }
0x776: {  	p0 =	slt.u32 s2, $0x40;
	v11 =	vld [tilespmem:s7+$0x10];
	[tilespmem:s11+$0x90] =	vst v12;
	s4 =	spop (v2sf);
	v12 =	vadd.f32 v13, v14  }
0x777: {  	v13 =	vld [tilespmem:s4+$0x0];
	s6 =	spop (v2sf);
	(v2sf) =	vpush v1, $0xF;
	v1 =	vmovc v3;
	v3 =	vmov v7;
	v7 =	vmov v10  }
0x778: {  	v10 =	vadd.f32 v18, v20;
	(v2sf) =	vpush v7, $0x2;
	v14 =	vld [tilespmem:s6+$0x0];
	[tilespmem:s10+$0x300] =	vst v12  }
0x779: {  	s5 =	spop (v2sf);
	v12 =	vld [tilespmem:s3+$0x10]  }
0x77a: {  	v10 =	vadd.f32 v19, v10;
	(v2sf) =	vpush v6, $0x2;
	v16 =	vld [tilespmem:s8+$0x10]  }
0x77b: {  	(v2sf) =	vpush v8, $0x2;
	v11 =	vadd.f32 v11, v15;
	v15 =	vld [tilespmem:s5+$0x0]  }
0x77c: {  	[tilespmem:s13+$0xFFFFFC80] =	vst v10;
	v10 =	vld [tilespmem:s9+$0x10]  }
0x77d: {  	v17 =	vld [tilespmem:s16+$0x10];
	v9 =	vadd.f32 v9, v11  }
0x77e: {  	v13 =	vadd.f32 v14, v13;
	v11 =	vld [tilespmem:s17+$0x10]  }
0x77f: {  	v14 =	vld [tilespmem:s1+$0x10];
	[tilespmem:s12+$0xFFFFFE90] =	vst v9;
	s1 =	spop (v2sf);
	v9 =	vadd.f32 v16, v12  }
0x780: {  	v12 =	vld [tilespmem:s1+$0x0];
	s7 =	spop (v2sf);
	v13 =	vadd.f32 v15, v13  }
0x781: {  	v15 =	vld [tilespmem:s7+$0x0];
	s8 =	spop (v2sf);
	(v2sf) =	vpush v2, $0xB;
	v9 =	vadd.f32 v10, v9  }
0x782: {  	v10 =	vld [tilespmem:s8+$0x0];
	[tilespmem:s11+$0x100] =	vst v13;
	s9 =	spop (v2sf)  }
0x783: {  	v11 =	vadd.f32 v11, v17;
	v13 =	vld [tilespmem:s4+$0x10];
	(v2sf) =	vpush v4, $0xB;
	[tilespmem:s10+$0x310] =	vst v9  }
0x784: {  	v9 =	vld [tilespmem:s9+$0x0];
	s16 =	spop (v2sf)  }
0x785: {  	v11 =	vadd.f32 v14, v11;
	(v2sf) =	vpush v1, $0xB;
	v14 =	vld [tilespmem:s16+$0x0]  }
0x786: {  	v16 =	vld [tilespmem:s6+$0x10];
	s6 =	spop (v2sf)  }
0x787: {  	[tilespmem:s13+$0xFFFFFC90] =	vst v11;
	s3 =	spop (v2sf);
	v10 =	vadd.f32 v10, v15;
	v11 =	vld [tilespmem:s6+$0x0]  }
0x788: {  	v17 =	vld [tilespmem:s3+$0x0]  }
0x789: {  	s4 =	spop (v2sf);
	v10 =	vadd.f32 v12, v10;
	(v2sf) =	vpush v0, $0x7;
	v12 =	vld [tilespmem:s5+$0x10]  }
0x78a: {  	v18 =	vld [tilespmem:s4+$0x0];
	s5 =	spop (v2sf);
	(v2sf) =	vpush v3, $0x7;
	v9 =	vadd.f32 v14, v9  }
0x78b: {  	v19 =	vld [tilespmem:s5+$0x0];
	[tilespmem:s12+$0xFFFFFF00] =	vst v10;
	(v2sf) =	vpush v5, $0x7  }
0x78c: {  	v10 =	vadd.f32 v16, v13;
	v14 =	vld [tilespmem:s1+$0x10];
	v9 =	vadd.f32 v11, v9  }
0x78d: {  	v15 =	vld [tilespmem:s7+$0x10]  }
0x78e: {  	v16 =	vld [tilespmem:s8+$0x10];
	v10 =	vadd.f32 v12, v10;
	[tilespmem:s10+$0x380] =	vst v9  }
.Ltmp3:
0x78f: {  	v9 =	vld [tilespmem:s9+$0x10];
	(pc) =	sbr.rel @p0 .LBB2_8-.Ltmp3, $4  }
0x790: {  	[tilespmem:s11+$0x110] =	vst v10;
	s1 =	spop (v2sf);
	v10 =	vld [tilespmem:s16+$0x10]  }
0x791: {  	(v2sf) =	vpush v6, $0x3;
	v12 =	vld [tilespmem:s1+$0x0]  }
0x792: {  	v18 =	vadd.f32 v19, v18;
	(v2sf) =	vpush v7, $0x3;
	s18 =	spop (v2sf);
	v11 =	vld [tilespmem:s6+$0x10]  }
0x793: {  	s0 =	sadd.s32 $0x10, s0;
	(v2sf) =	vpush v8, $0x3;
	v13 =	vld [tilespmem:s18+$0x0]  }
0x794: {  	v17 =	vadd.f32 v17, v18;
	_ =	sdelay $0x1  }
0x795: {  	[tilespmem:s13+$0xFFFFFD00] =	vst v17  }
0x796: {  	v17 =	vld [tilespmem:s4+$0x10]  }
0x797: {  	v40 =	vld [tilespmem:s5+$0x10];
	_ =	sdelay $0x1  }
0x798: {  	v19 =	vld [tilespmem:s3+$0x10];
	_ =	sdelay $0x1  }
0x799: {  	s19 =	spop (v2sf)  }
0x79a: {  	s30 =	spop (v2sf);
	v17 =	vadd.f32 v40, v17  }
0x79b: {  	s29 =	spop (v2sf)  }
0x79c: {  	s31 =	spop (v2sf);
	v17 =	vadd.f32 v19, v17  }
0x79d: {  	s0 =	spop (v2sf)  }
0x79e: {  	[tilespmem:s13+$0xFFFFFD10] =	vst v17;
	s2 =	spop (v2sf)  }
0x79f: {  	(v2sf) =	vpush v2, $0xC;
	v17 =	vld [tilespmem:s0+$0x0];
	s6 =	spop (v2sf)  }
0x7a0: {  	(v2sf) =	vpush v4, $0xC;
	v41 =	vld [tilespmem:s6+$0x0]  }
0x7a1: {  	(v2sf) =	vpush v1, $0xC  }
0x7a2: {  	v42 =	vld [tilespmem:s2+$0x0];
	(v2sf) =	vpush v0, $0x8  }
0x7a3: {  	(v2sf) =	vpush v5, $0x8  }
0x7a4: {  	(v2sf) =	vpush v3, $0x8  }
0x7a5: {  	(v2sf) =	vpush v6, $0x4;
	v17 =	vadd.f32 v41, v17  }
0x7a6: {  	(v2sf) =	vpush v8, $0x4  }
0x7a7: {  	v17 =	vadd.f32 v42, v17  }
0x7a8: {  	(v2sf) =	vpush v7, $0x4  }
0x7a9: {  	[tilespmem:s13+$0xFFFFFD80] =	vst v17  }
0x7aa: {  	v17 =	vld [tilespmem:s0+$0x10]  }
0x7ab: {  	v43 =	vld [tilespmem:s6+$0x10];
	_ =	sdelay $0x1  }
0x7ac: {  	v44 =	vld [tilespmem:s2+$0x10]  }
0x7ad: {  	s20 =	spop (v2sf)  }
0x7ae: {  	s25 =	spop (v2sf)  }
0x7af: {  	s24 =	spop (v2sf);
	v17 =	vadd.f32 v43, v17  }
0x7b0: {  	s28 =	spop (v2sf)  }
0x7b1: {  	s4 =	spop (v2sf);
	v17 =	vadd.f32 v44, v17  }
0x7b2: {  	s26 =	spop (v2sf)  }
0x7b3: {  	(v2sf) =	vpush v2, $0xD;
	[tilespmem:s13+$0xFFFFFD90] =	vst v17;
	s7 =	spop (v2sf)  }
0x7b4: {  	(v2sf) =	vpush v4, $0xD;
	v17 =	vld [tilespmem:s7+$0x0];
	s8 =	spop (v2sf)  }
0x7b5: {  	(v2sf) =	vpush v1, $0xD;
	v45 =	vld [tilespmem:s8+$0x0]  }
0x7b6: {  	(v2sf) =	vpush v0, $0x9;
	s9 =	spop (v2sf)  }
0x7b7: {  	(v2sf) =	vpush v5, $0x9;
	v46 =	vld [tilespmem:s9+$0x0]  }
0x7b8: {  	(v2sf) =	vpush v3, $0x9  }
0x7b9: {  	(v2sf) =	vpush v7, $0x5  }
0x7ba: {  	(v2sf) =	vpush v6, $0x5;
	v17 =	vadd.f32 v45, v17  }
0x7bb: {  	(v2sf) =	vpush v8, $0x5  }
0x7bc: {  	v17 =	vadd.f32 v46, v17;
	_ =	sdelay $0x1  }
0x7bd: {  	[tilespmem:s13+$0xFFFFFE00] =	vst v17  }
0x7be: {  	v17 =	vld [tilespmem:s7+$0x10]  }
0x7bf: {  	v47 =	vld [tilespmem:s8+$0x10];
	_ =	sdelay $0x1  }
0x7c0: {  	s22 =	spop (v2sf);
	v48 =	vld [tilespmem:s9+$0x10]  }
0x7c1: {  	s23 =	spop (v2sf)  }
0x7c2: {  	s21 =	spop (v2sf)  }
0x7c3: {  	s7 =	spop (v2sf);
	v17 =	vadd.f32 v47, v17  }
0x7c4: {  	s8 =	spop (v2sf)  }
0x7c5: {  	(v2sf) =	vpush v2, $0xE;
	s5 =	spop (v2sf);
	v17 =	vadd.f32 v48, v17  }
0x7c6: {  	s14 =	spop (v2sf)  }
0x7c7: {  	s15 =	spop (v2sf);
	[tilespmem:s13+$0xFFFFFE10] =	vst v17  }
0x7c8: {  	(v2sf) =	vpush v4, $0xE;
	s16 =	spop (v2sf);
	v17 =	vld [tilespmem:s15+$0x0]  }
0x7c9: {  	(v2sf) =	vpush v1, $0xE;
	v49 =	vld [tilespmem:s16+$0x0]  }
0x7ca: {  	(v2sf) =	vpush v0, $0xA  }
0x7cb: {  	(v2sf) =	vpush v5, $0xA;
	v50 =	vld [tilespmem:s14+$0x0]  }
0x7cc: {  	(v2sf) =	vpush v3, $0xA  }
0x7cd: {  	(v2sf) =	vpush v7, $0x6  }
0x7ce: {  	(v2sf) =	vpush v6, $0x6;
	v17 =	vadd.f32 v49, v17  }
0x7cf: {  	(v2sf) =	vpush v8, $0x6  }
0x7d0: {  	v17 =	vadd.f32 v50, v17;
	_ =	sdelay $0x1  }
0x7d1: {  	[tilespmem:s13+$0xFFFFFE80] =	vst v17  }
0x7d2: {  	v17 =	vld [tilespmem:s15+$0x10]  }
0x7d3: {  	s17 =	spop (v2sf);
	v51 =	vld [tilespmem:s16+$0x10]  }
0x7d4: {  	[smem:$0x7F6] =	sst s17  }
0x7d5: {  	v52 =	vld [tilespmem:s14+$0x10]  }
0x7d6: {  	s3 =	spop (v2sf)  }
0x7d7: {  	s6 =	spop (v2sf)  }
0x7d8: {  	s17 =	spop (v2sf);
	v17 =	vadd.f32 v51, v17  }
0x7d9: {  	[smem:$0x7F8] =	sst s6;
	s6 =	spop (v2sf)  }
0x7da: {  	s16 =	spop (v2sf);
	v17 =	vadd.f32 v52, v17  }
0x7db: {  	[smem:$0x7F7] =	sst s3;
	s9 =	spop (v2sf)  }
0x7dc: {  	(v2sf) =	vpush v2, $0xF;
	s14 =	spop (v2sf);
	[tilespmem:s13+$0xFFFFFE90] =	vst v17  }
0x7dd: {  	(v2sf) =	vpush v4, $0xF;
	s15 =	spop (v2sf);
	v53 =	vld [tilespmem:s14+$0x0]  }
0x7de: {  	(v2sf) =	vpush v1, $0xF;
	v54 =	vld [tilespmem:s15+$0x0]  }
0x7df: {  	(v2sf) =	vpush v0, $0xB  }
0x7e0: {  	(v2sf) =	vpush v5, $0xB;
	v55 =	vld [tilespmem:s9+$0x0]  }
0x7e1: {  	(v2sf) =	vpush v3, $0xB  }
0x7e2: {  	(v2sf) =	vpush v6, $0x7  }
0x7e3: {  	(v2sf) =	vpush v7, $0x7;
	v1 =	vadd.f32 v54, v53  }
0x7e4: {  	(v2sf) =	vpush v8, $0x7  }
0x7e5: {  	v1 =	vadd.f32 v55, v1;
	_ =	sdelay $0x1  }
0x7e6: {  	[tilespmem:s13+$0xFFFFFF00] =	vst v1  }
0x7e7: {  	v1 =	vld [tilespmem:s14+$0x10]  }
0x7e8: {  	v56 =	vld [tilespmem:s15+$0x10];
	_ =	sdelay $0x1  }
0x7e9: {  	v15 =	vadd.f32 v16, v15;
	s3 =	spop (v2sf);
	v57 =	vld [tilespmem:s9+$0x10]  }
0x7ea: {  	[dreg:$0x1e] =	wrdreg s3;
	s9 =	spop (v2sf)  }
0x7eb: {  	v14 =	vadd.f32 v14, v15;
	[dreg:$0x18] =	wrdreg s9;
	s14 =	spop (v2sf)  }
0x7ec: {  	[dreg:$0x1b] =	wrdreg s14;
	s14 =	spop (v2sf);
	v1 =	vadd.f32 v56, v1  }
0x7ed: {  	[tilespmem:s12+$0xFFFFFF10] =	vst v14;
	s15 =	spop (v2sf)  }
0x7ee: {  	v58 =	vld [tilespmem:s30+$0x0];
	s9 =	spop (v2sf);
	v1 =	vadd.f32 v57, v1  }
0x7ef: {  	v59 =	vld [tilespmem:s31+$0x0];
	s3 =	spop (v2sf)  }
0x7f0: {  	v14 =	vld [tilespmem:s29+$0x0];
	s2 =	spop (v2sf);
	[tilespmem:s13+$0xFFFFFF10] =	vst v1  }
0x7f1: {  	s0 =	spop (v2sf);
	v1 =	vld [tilespmem:s3+$0x0]  }
0x7f2: {  	v60 =	vld [tilespmem:s0+$0x0];
	_ =	sdelay $0x1  }
0x7f3: {  	(v2sf) =	vpush v0, $0xC;
	v2 =	vadd.f32 v59, v58;
	v61 =	vld [tilespmem:s2+$0x0]  }
0x7f4: {  	(v2sf) =	vpush v5, $0xC  }
0x7f5: {  	(v2sf) =	vpush v3, $0xC;
	v2 =	vadd.f32 v14, v2  }
0x7f6: {  	(v2sf) =	vpush v6, $0x8;
	v1 =	vadd.f32 v60, v1  }
0x7f7: {  	(v2sf) =	vpush v8, $0x8;
	[tilespmem:s12+$0xFFFFFF80] =	vst v2  }
0x7f8: {  	v2 =	vld [tilespmem:s30+$0x10];
	v1 =	vadd.f32 v61, v1  }
0x7f9: {  	(v2sf) =	vpush v7, $0x8;
	v62 =	vld [tilespmem:s31+$0x10]  }
0x7fa: {  	v63 =	vld [tilespmem:s29+$0x10];
	[tilespmem:s13+$0xFFFFFF80] =	vst v1  }
0x7fb: {  	v1 =	vld [tilespmem:s3+$0x10]  }
0x7fc: {  	v20 =	vld [tilespmem:s0+$0x10];
	_ =	sdelay $0x1  }
0x7fd: {  	v2 =	vadd.f32 v62, v2;
	v21 =	vld [tilespmem:s2+$0x10];
	_ =	sdelay $0x1  }
0x7fe: {  	v2 =	vadd.f32 v63, v2  }
0x7ff: {  	v1 =	vadd.f32 v20, v1  }
0x800: {  	s29 =	spop (v2sf);
	[tilespmem:s12+$0xFFFFFF90] =	vst v2  }
0x801: {  	s30 =	spop (v2sf);
	v2 =	vld [tilespmem:s28+$0x0];
	v1 =	vadd.f32 v21, v1  }
0x802: {  	s31 =	spop (v2sf);
	v22 =	vld [tilespmem:s4+$0x0]  }
0x803: {  	s0 =	spop (v2sf);
	v23 =	vld [tilespmem:s26+$0x0];
	[tilespmem:s13+$0xFFFFFF90] =	vst v1  }
0x804: {  	s2 =	spop (v2sf);
	v1 =	vld [tilespmem:s0+$0x0]  }
0x805: {  	v24 =	vld [tilespmem:s2+$0x0]  }
0x806: {  	s3 =	spop (v2sf)  }
0x807: {  	(v2sf) =	vpush v0, $0xD;
	v2 =	vadd.f32 v22, v2;
	v25 =	vld [tilespmem:s3+$0x0]  }
0x808: {  	(v2sf) =	vpush v5, $0xD  }
0x809: {  	(v2sf) =	vpush v3, $0xD;
	v2 =	vadd.f32 v23, v2  }
0x80a: {  	(v2sf) =	vpush v6, $0x9;
	v1 =	vadd.f32 v24, v1  }
0x80b: {  	(v2sf) =	vpush v8, $0x9;
	[tilespmem:s12+$0x0] =	vst v2  }
0x80c: {  	v2 =	vld [tilespmem:s28+$0x10];
	v1 =	vadd.f32 v25, v1  }
0x80d: {  	(v2sf) =	vpush v7, $0x9;
	v26 =	vld [tilespmem:s4+$0x10]  }
0x80e: {  	v27 =	vld [tilespmem:s26+$0x10];
	[tilespmem:s13+$0x0] =	vst v1  }
0x80f: {  	v1 =	vld [tilespmem:s0+$0x10]  }
0x810: {  	v28 =	vld [tilespmem:s2+$0x10];
	_ =	sdelay $0x1  }
0x811: {  	v2 =	vadd.f32 v26, v2;
	v29 =	vld [tilespmem:s3+$0x10];
	_ =	sdelay $0x1  }
0x812: {  	v2 =	vadd.f32 v27, v2  }
0x813: {  	v1 =	vadd.f32 v28, v1  }
0x814: {  	s26 =	spop (v2sf);
	[tilespmem:s12+$0x10] =	vst v2  }
0x815: {  	s4 =	spop (v2sf);
	v2 =	vld [tilespmem:s7+$0x0];
	v1 =	vadd.f32 v29, v1  }
0x816: {  	s28 =	spop (v2sf);
	v30 =	vld [tilespmem:s8+$0x0]  }
0x817: {  	s0 =	spop (v2sf);
	v31 =	vld [tilespmem:s5+$0x0];
	[tilespmem:s13+$0x10] =	vst v1  }
0x818: {  	s2 =	spop (v2sf);
	v1 =	vld [tilespmem:s0+$0x0]  }
0x819: {  	v32 =	vld [tilespmem:s2+$0x0]  }
0x81a: {  	s3 =	spop (v2sf)  }
0x81b: {  	(v2sf) =	vpush v0, $0xE;
	v2 =	vadd.f32 v30, v2;
	v33 =	vld [tilespmem:s3+$0x0]  }
0x81c: {  	(v2sf) =	vpush v5, $0xE  }
0x81d: {  	(v2sf) =	vpush v3, $0xE;
	v2 =	vadd.f32 v31, v2  }
0x81e: {  	(v2sf) =	vpush v6, $0xA;
	v1 =	vadd.f32 v32, v1  }
0x81f: {  	(v2sf) =	vpush v8, $0xA;
	[tilespmem:s12+$0x80] =	vst v2  }
0x820: {  	v2 =	vld [tilespmem:s7+$0x10];
	v1 =	vadd.f32 v33, v1  }
0x821: {  	(v2sf) =	vpush v7, $0xA;
	v34 =	vld [tilespmem:s8+$0x10]  }
0x822: {  	v35 =	vld [tilespmem:s5+$0x10];
	[tilespmem:s13+$0x80] =	vst v1  }
0x823: {  	v1 =	vld [tilespmem:s0+$0x10]  }
0x824: {  	v36 =	vld [tilespmem:s2+$0x10];
	_ =	sdelay $0x1  }
0x825: {  	v2 =	vadd.f32 v34, v2;
	v37 =	vld [tilespmem:s3+$0x10];
	_ =	sdelay $0x1  }
0x826: {  	v2 =	vadd.f32 v35, v2  }
0x827: {  	v1 =	vadd.f32 v36, v1  }
0x828: {  	s5 =	spop (v2sf);
	[tilespmem:s12+$0x90] =	vst v2  }
0x829: {  	s7 =	spop (v2sf);
	v2 =	vld [tilespmem:s17+$0x0];
	v1 =	vadd.f32 v37, v1  }
0x82a: {  	s8 =	spop (v2sf);
	v38 =	vld [tilespmem:s6+$0x0]  }
0x82b: {  	s0 =	spop (v2sf);
	v39 =	vld [tilespmem:s16+$0x0];
	[tilespmem:s13+$0x90] =	vst v1  }
0x82c: {  	s2 =	spop (v2sf);
	v1 =	vld [tilespmem:s0+$0x0]  }
0x82d: {  	v40 =	vld [tilespmem:s2+$0x0]  }
0x82e: {  	s3 =	spop (v2sf)  }
0x82f: {  	(v2sf) =	vpush v0, $0xF;
	v2 =	vadd.f32 v38, v2;
	v41 =	vld [tilespmem:s3+$0x0]  }
0x830: {  	(v2sf) =	vpush v5, $0xF  }
0x831: {  	(v2sf) =	vpush v3, $0xF;
	v2 =	vadd.f32 v39, v2  }
0x832: {  	(v2sf) =	vpush v6, $0xB;
	v1 =	vadd.f32 v40, v1  }
0x833: {  	(v2sf) =	vpush v8, $0xB;
	[tilespmem:s12+$0x100] =	vst v2  }
0x834: {  	(v2sf) =	vpush v7, $0xB;
	v2 =	vld [tilespmem:s17+$0x10];
	v0 =	vadd.f32 v41, v1  }
0x835: {  	v42 =	vld [tilespmem:s6+$0x10]  }
0x836: {  	v43 =	vld [tilespmem:s16+$0x10];
	[tilespmem:s13+$0x100] =	vst v0  }
0x837: {  	v0 =	vld [tilespmem:s0+$0x10]  }
0x838: {  	v44 =	vld [tilespmem:s2+$0x10];
	_ =	sdelay $0x1  }
0x839: {  	v1 =	vadd.f32 v42, v2;
	v45 =	vld [tilespmem:s3+$0x10];
	_ =	sdelay $0x1  }
0x83a: {  	v1 =	vadd.f32 v43, v1  }
0x83b: {  	v46 =	vld [tilespmem:s19+$0x0];
	v0 =	vadd.f32 v44, v0  }
0x83c: {  	s16 =	spop (v2sf);
	[tilespmem:s12+$0x110] =	vst v1  }
0x83d: {  	s6 =	spop (v2sf);
	v1 =	vld [tilespmem:s14+$0x0];
	v0 =	vadd.f32 v45, v0  }
0x83e: {  	v49 =	vadd.f32 v13, v12;
	s17 =	spop (v2sf);
	v47 =	vld [tilespmem:s15+$0x0]  }
0x83f: {  	s0 =	spop (v2sf);
	v48 =	vld [tilespmem:s9+$0x0];
	[tilespmem:s13+$0x110] =	vst v0  }
0x840: {  	s2 =	spop (v2sf);
	v0 =	vadd.f32 v46, v49;
	v50 =	vld [tilespmem:s0+$0x0]  }
0x841: {  	s3 =	spop (v2sf);
	v51 =	vld [tilespmem:s2+$0x0]  }
0x842: {  	v52 =	vld [tilespmem:s3+$0x0];
	[tilespmem:s11+$0x180] =	vst v0  }
0x843: {  	v1 =	vadd.f32 v47, v1;
	v0 =	vld [tilespmem:s1+$0x10]  }
0x844: {  	v53 =	vld [tilespmem:s18+$0x10]  }
0x845: {  	v1 =	vadd.f32 v48, v1  }
0x846: {  	(v2sf) =	vpush v6, $0xC;
	v55 =	vld [tilespmem:s19+$0x10];
	v54 =	vadd.f32 v51, v50  }
0x847: {  	(v2sf) =	vpush v8, $0xC;
	[tilespmem:s12+$0x180] =	vst v1  }
0x848: {  	(v2sf) =	vpush v7, $0xC;
	v1 =	vld [tilespmem:s14+$0x10];
	v2 =	vadd.f32 v52, v54  }
0x849: {  	v56 =	vld [tilespmem:s15+$0x10];
	v0 =	vadd.f32 v53, v0  }
0x84a: {  	v57 =	vld [tilespmem:s9+$0x10];
	[tilespmem:s13+$0x180] =	vst v2  }
0x84b: {  	v0 =	vadd.f32 v55, v0;
	v2 =	vld [tilespmem:s0+$0x10]  }
0x84c: {  	v58 =	vld [tilespmem:s2+$0x10]  }
0x84d: {  	v59 =	vld [tilespmem:s3+$0x10];
	[tilespmem:s11+$0x190] =	vst v0  }
0x84e: {  	v1 =	vadd.f32 v56, v1;
	v0 =	vld [tilespmem:s20+$0x0]  }
0x84f: {  	v60 =	vld [tilespmem:s25+$0x0]  }
0x850: {  	v1 =	vadd.f32 v57, v1  }
0x851: {  	v61 =	vld [tilespmem:s24+$0x0];
	v2 =	vadd.f32 v58, v2  }
0x852: {  	[tilespmem:s12+$0x190] =	vst v1  }
0x853: {  	v1 =	vld [tilespmem:s29+$0x0];
	v2 =	vadd.f32 v59, v2  }
0x854: {  	v62 =	vld [tilespmem:s30+$0x0];
	v0 =	vadd.f32 v60, v0  }
0x855: {  	s15 =	spop (v2sf);
	v63 =	vld [tilespmem:s31+$0x0];
	[tilespmem:s13+$0x190] =	vst v2  }
0x856: {  	s18 =	spop (v2sf);
	v0 =	vadd.f32 v61, v0;
	v2 =	vld [tilespmem:s15+$0x0]  }
0x857: {  	s19 =	spop (v2sf);
	v15 =	vld [tilespmem:s18+$0x0]  }
0x858: {  	v16 =	vld [tilespmem:s19+$0x0];
	[tilespmem:s11+$0x200] =	vst v0  }
0x859: {  	v1 =	vadd.f32 v62, v1;
	v0 =	vld [tilespmem:s20+$0x10]  }
0x85a: {  	v17 =	vld [tilespmem:s25+$0x10]  }
0x85b: {  	v1 =	vadd.f32 v63, v1  }
0x85c: {  	v18 =	vld [tilespmem:s24+$0x10];
	v2 =	vadd.f32 v15, v2  }
0x85d: {  	(v2sf) =	vpush v6, $0xD;
	[tilespmem:s12+$0x200] =	vst v1  }
0x85e: {  	(v2sf) =	vpush v8, $0xD;
	v1 =	vld [tilespmem:s29+$0x10];
	v2 =	vadd.f32 v16, v2  }
0x85f: {  	v19 =	vld [tilespmem:s30+$0x10];
	v0 =	vadd.f32 v17, v0  }
0x860: {  	v20 =	vld [tilespmem:s31+$0x10];
	[tilespmem:s13+$0x200] =	vst v2  }
0x861: {  	(v2sf) =	vpush v7, $0xD;
	v0 =	vadd.f32 v18, v0;
	v2 =	vld [tilespmem:s15+$0x10]  }
0x862: {  	v21 =	vld [tilespmem:s18+$0x10]  }
0x863: {  	v22 =	vld [tilespmem:s19+$0x10];
	[tilespmem:s11+$0x210] =	vst v0  }
0x864: {  	v0 =	vld [tilespmem:s22+$0x0]  }
0x865: {  	v1 =	vadd.f32 v19, v1;
	v23 =	vld [tilespmem:s23+$0x0];
	_ =	sdelay $0x1  }
0x866: {  	v1 =	vadd.f32 v20, v1;
	v24 =	vld [tilespmem:s21+$0x0]  }
0x867: {  	v2 =	vadd.f32 v21, v2  }
0x868: {  	[tilespmem:s12+$0x210] =	vst v1  }
0x869: {  	v1 =	vld [tilespmem:s26+$0x0];
	v2 =	vadd.f32 v22, v2;
	v0 =	vadd.f32 v23, v0  }
0x86a: {  	v25 =	vld [tilespmem:s4+$0x0]  }
0x86b: {  	s25 =	spop (v2sf);
	v26 =	vld [tilespmem:s28+$0x0];
	[tilespmem:s13+$0x210] =	vst v2;
	v0 =	vadd.f32 v24, v0  }
0x86c: {  	s29 =	spop (v2sf);
	v2 =	vld [tilespmem:s25+$0x0]  }
0x86d: {  	v27 =	vld [tilespmem:s29+$0x0];
	[tilespmem:s11+$0x280] =	vst v0  }
0x86e: {  	v0 =	vld [tilespmem:s22+$0x10]  }
0x86f: {  	s30 =	spop (v2sf);
	v29 =	vld [tilespmem:s23+$0x10]  }
0x870: {  	v1 =	vadd.f32 v25, v1;
	v28 =	vld [tilespmem:s30+$0x0]  }
0x871: {  	v30 =	vld [tilespmem:s21+$0x10]  }
0x872: {  	v1 =	vadd.f32 v26, v1  }
0x873: {  	(v2sf) =	vpush v6, $0xE;
	v2 =	vadd.f32 v27, v2  }
0x874: {  	(v2sf) =	vpush v8, $0xE;
	[tilespmem:s12+$0x280] =	vst v1;
	v0 =	vadd.f32 v29, v0  }
0x875: {  	v1 =	vld [tilespmem:s26+$0x10];
	v2 =	vadd.f32 v28, v2  }
0x876: {  	(v2sf) =	vpush v7, $0xE;
	v31 =	vld [tilespmem:s4+$0x10];
	v0 =	vadd.f32 v30, v0  }
0x877: {  	v32 =	vld [tilespmem:s28+$0x10];
	[tilespmem:s13+$0x280] =	vst v2  }
0x878: {  	v2 =	vld [tilespmem:s25+$0x10];
	[tilespmem:s11+$0x290] =	vst v0  }
0x879: {  	v33 =	vld [tilespmem:s29+$0x10];
	s31 =	sld [smem:$0x7F6]  }
0x87a: {  	s0 =	sld [smem:$0x7F7]  }
0x87b: {  	v1 =	vadd.f32 v31, v1;
	v34 =	vld [tilespmem:s30+$0x10]  }
0x87c: {  	s1 =	sld [smem:$0x7F8];
	v0 =	vld [tilespmem:s31+$0x0]  }
0x87d: {  	v1 =	vadd.f32 v32, v1;
	v35 =	vld [tilespmem:s0+$0x0]  }
0x87e: {  	v2 =	vadd.f32 v33, v2  }
0x87f: {  	[tilespmem:s12+$0x290] =	vst v1;
	v36 =	vld [tilespmem:s1+$0x0]  }
0x880: {  	v1 =	vld [tilespmem:s5+$0x0];
	v2 =	vadd.f32 v34, v2  }
0x881: {  	v37 =	vld [tilespmem:s7+$0x0]  }
0x882: {  	s2 =	spop (v2sf);
	v38 =	vld [tilespmem:s8+$0x0];
	[tilespmem:s13+$0x290] =	vst v2;
	v0 =	vadd.f32 v35, v0  }
0x883: {  	s14 =	spop (v2sf);
	v2 =	vld [tilespmem:s2+$0x0]  }
0x884: {  	v39 =	vld [tilespmem:s14+$0x0];
	v0 =	vadd.f32 v36, v0  }
0x885: {  	s15 =	spop (v2sf)  }
0x886: {  	v1 =	vadd.f32 v37, v1;
	v40 =	vld [tilespmem:s15+$0x0];
	[tilespmem:s11+$0x300] =	vst v0  }
0x887: {  	v0 =	vld [tilespmem:s31+$0x10]  }
0x888: {  	v1 =	vadd.f32 v38, v1;
	v41 =	vld [tilespmem:s0+$0x10]  }
0x889: {  	(v2sf) =	vpush v6, $0xF;
	v2 =	vadd.f32 v39, v2  }
0x88a: {  	(v2sf) =	vpush v8, $0xF;
	[tilespmem:s12+$0x300] =	vst v1;
	v42 =	vld [tilespmem:s1+$0x10]  }
0x88b: {  	v1 =	vld [tilespmem:s5+$0x10];
	v2 =	vadd.f32 v40, v2  }
0x88c: {  	(v2sf) =	vpush v7, $0xF;
	v43 =	vld [tilespmem:s7+$0x10]  }
0x88d: {  	v44 =	vld [tilespmem:s8+$0x10];
	[tilespmem:s13+$0x300] =	vst v2;
	v0 =	vadd.f32 v41, v0  }
0x88e: {  	v2 =	vld [tilespmem:s2+$0x10]  }
0x88f: {  	v45 =	vld [tilespmem:s14+$0x10];
	v0 =	vadd.f32 v42, v0;
	_ =	sdelay $0x1  }
0x890: {  	v1 =	vadd.f32 v43, v1;
	v46 =	vld [tilespmem:s15+$0x10];
	[tilespmem:s11+$0x310] =	vst v0  }
0x891: {  	s18 =	rddreg [dreg:$0x1e]  }
0x892: {  	v1 =	vadd.f32 v44, v1;
	s19 =	rddreg [dreg:$0x18];
	v0 =	vld [tilespmem:s18+$0x0]  }
0x893: {  	v2 =	vadd.f32 v45, v2;
	s20 =	rddreg [dreg:$0x1b];
	v47 =	vld [tilespmem:s19+$0x0]  }
0x894: {  	[tilespmem:s12+$0x310] =	vst v1;
	v48 =	vld [tilespmem:s20+$0x0]  }
0x895: {  	v1 =	vld [tilespmem:s16+$0x0];
	v2 =	vadd.f32 v46, v2  }
0x896: {  	v49 =	vld [tilespmem:s6+$0x0]  }
0x897: {  	s21 =	spop (v2sf);
	v50 =	vld [tilespmem:s17+$0x0];
	[tilespmem:s13+$0x310] =	vst v2  }
0x898: {  	s22 =	spop (v2sf);
	v2 =	vld [tilespmem:s21+$0x0]  }
0x899: {  	v51 =	vld [tilespmem:s22+$0x0];
	v0 =	vadd.f32 v47, v0  }
0x89a: {  	s23 =	spop (v2sf)  }
0x89b: {  	v52 =	vld [tilespmem:s23+$0x0];
	v0 =	vadd.f32 v48, v0  }
0x89c: {  	v1 =	vadd.f32 v49, v1  }
0x89d: {  	[tilespmem:s11+$0x380] =	vst v0  }
0x89e: {  	v1 =	vadd.f32 v50, v1;
	v2 =	vadd.f32 v51, v2;
	v0 =	vld [tilespmem:s18+$0x10]  }
0x89f: {  	v53 =	vld [tilespmem:s19+$0x10]  }
0x8a0: {  	[tilespmem:s12+$0x380] =	vst v1;
	v54 =	vld [tilespmem:s20+$0x10];
	v55 =	vadd.f32 v52, v2  }
0x8a1: {  	v56 =	vld [tilespmem:s16+$0x10]  }
0x8a2: {  	v57 =	vld [tilespmem:s6+$0x10];
	[tilespmem:s13+$0x380] =	vst v55  }
0x8a3: {  	v1 =	vld [tilespmem:s21+$0x10]  }
0x8a4: {  	v58 =	vld [tilespmem:s22+$0x10]  }
0x8a5: {  	v59 =	vld [tilespmem:s17+$0x10]  }
0x8a6: {  	v60 =	vadd.f32 v10, v9;
	v61 =	vld [tilespmem:s23+$0x10]  }
0x8a7: {  	v0 =	vadd.f32 v53, v0  }
0x8a8: {  	v62 =	vadd.f32 v11, v60;
	v2 =	vadd.f32 v57, v56  }
0x8a9: {  	v0 =	vadd.f32 v54, v0;
	v1 =	vadd.f32 v58, v1  }
0x8aa: {  	[tilespmem:s10+$0x390] =	vst v62;
	v2 =	vadd.f32 v59, v2  }
0x8ab: {  	[tilespmem:s11+$0x390] =	vst v0;
	v63 =	vadd.f32 v61, v1  }
0x8ac: {  	[tilespmem:s12+$0x390] =	vst v2  }
0x8ad: {  	s26 =	simm.s32 $0x2;
	[tilespmem:s13+$0x390] =	vst v63  }
0x8ae: {  	s25 =	simm.s32 $0x18000;
	s5 =	simm.s32 $0x0;
	s24 =	rddreg [dreg:$0x10]  }
0x8af: {  	[hbm4b:s24+s5] =	stream.linear.scatter [tilespmem:s25], [sflag:$0x3], $0x2800, $0x38;
	[tilespmem:$0x1D300] =	vst v63  }
0x8b0: {  	_ =	swait.ge [sflag:s26], $0x50  }
0x8b1: {  	[sflag:s26] =	ssyncset.done $0x0  }
0x8b2: {  	[sflag:s26] =	ssyncadd.s32 $0xFFFFFFB0  }
0x8b3: {  	_ =	swait.ge [sflag:s26], $0x50  }
0x8b4: {  	[sflag:s26] =	ssyncset.done $0x0  }
0x8b5: {  	[sflag:s26] =	ssyncadd.s32 $0xFFFFFFB0  }
0x8b6: {  	_ =	swait.ge [sflag:s26], $0x50  }
0x8b7: {  	[sflag:s26] =	ssyncset.done $0x0  }
0x8b8: {  	s28 =	simm.s32 $0x3;
	[sflag:s26] =	ssyncadd.s32 $0xFFFFFFB0  }
0x8b9: {  	_ =	swait.ge [sflag:s28], $0x2800  }
0x8ba: {  	[sflag:s28] =	ssyncset.done $0x0  }
0x8bb: {  	s29 =	simm.s32 $0x4;
	[sflag:s28] =	ssyncadd.s32 $0xFFFFD800  }
0x8bc: {  	_ =	swait.ge [sflag:s29], $0x2800  }
0x8bd: {  	s30 =	rddreg [dreg:$0x12]  }
0x8be: {  	s31 =	rddreg [dreg:$0x11];
	s2 =	sadd.s32 $0x1, s30  }
0x8bf: {  	p0 =	sne.s32 s2, s31  }
.Ltmp4:
0x8c0: {  	_ = 	snop;
	(pc) =	sbr.rel @p0 .LBB2_1-.Ltmp4, $3  }
0x8c1: {  	_ =	sdelay $0x1  }
0x8c2: {  	[sflag:s29] =	ssyncset.done $0x0  }
0x8c3: {  	[sflag:s29] =	ssyncadd.s32 $0xFFFFD800  }
0x8c4: {  	_ =	sfence.sel $0x180000  }
0x8c5: {  	[bflag:$0x0] =	sbarrier.arrive $0xFFFF  }
0x8c6: {  	_ =	strace $0x90000047  }
0x8c7: {  	s0 =	stileid.u32;
	[bflag:$0x2] =	sbarrier.arrive $0xFFFF  }
0x8c8: {  	p0 =	sne.s32 s0, $0x0;
	s0 =	rddreg [dreg:$0x2]  }
0x8c9: {  	s0 =	sadd.s32 @!p0 $0x100000, s0  }
0x8ca: {  	[sflag:s0] =	ssyncadd.tile.s32 @!p0 $0x1;
	_ =	shalt  }
.Lfunc_end2:
_tile_overlayer_lowered:
.L_overlay_start_2:
0x8cb: {  	(tag) =	ssettag $0x2  }
0x8cc: {  	s0 =	rddreg [dreg:$0x0];
	s2 =	stileid.u32  }
0x8cd: {  	s1 =	rddreg [dreg:$0x1];
	p0 =	sne.s32 s2, $0x0  }
0x8ce: {  	s3 =	rddreg [dreg:$0x2];
	[bflag:$0x3] =	sbarrier.arrive $0xFFFF;
	s2 =	simm.s32 @!p0 $0x1C05  }
0x8cf: {  	[timem:s3], [sflag:s2] =	dma.local @!p0 [hbm:s0], s1  }
0x8d0: {  	s0 =	simm.s32 @!p0 $0x5  }
0x8d1: {  	_ =	swait.ge @!p0 [sflag:s0], s1  }
0x8d2: {  	s1 =	ssub.s32 @!p0 $0x0, s1;
	[sflag:s0] =	ssyncset.done @!p0 $0x0  }
0x8d3: {  	[sflag:s0] =	ssyncadd.s32 @!p0 s1  }
0x8d4: {  	[bflag:$0x3] =	sbarrier.arrive $0xFFFF  }
0x8d5: {  	_ =	shalt  }

</sc_bundles>
